<compile_context>
chip_gen: v7x
topology: tpu7x:2x2x1
jax: 0.10.2.dev20260603
libtpu: 0.0.44.dev20260713+nightly
codegen_flags: <defaults>
</compile_context>

<pallas_src>
import jax
import jax.numpy as jnp
from jax import lax
from jax.experimental import pallas as pl
from jax.experimental.pallas import tpu as pltpu
from jax.experimental.pallas import tpu_sc as plsc

N = 10000
E = 320000
D = 128
NC = 2
NS = 16
NW = NC * NS
K = 80
EPW = E // NW
CH = EPW // K
CHP = CH // 2
RPT = N // NS

BN = 1000



def _sc_deg_body(dst_hbm, deg_out, didx_all, deg_v):
    c = lax.axis_index("c")
    s = lax.axis_index("s")
    wid = c * NS + s
    zvec = jnp.zeros((16,), jnp.float32)
    ovec = jnp.ones((16,), jnp.float32)

    def zr(r, _):
        deg_v[pl.ds(r * 16, 16)] = zvec
        return 0
    lax.fori_loop(0, N // 16, zr, 0)
    eoff = pl.multiple_of(wid * EPW, 8)
    pltpu.sync_copy(dst_hbm.at[pl.ds(eoff, EPW)], didx_all)

    def grp(j, _):
        idx = didx_all[pl.ds(j * 16, 16)]
        plsc.addupdate_scatter(deg_v, [idx], ovec)
        return 0
    lax.fori_loop(0, EPW // 16, grp, 0)
    pltpu.sync_copy(deg_v, deg_out.at[wid])


_sc_deg = pl.kernel(
    _sc_deg_body,
    out_type=[jax.ShapeDtypeStruct((NW, N), jnp.float32)],
    mesh=plsc.VectorSubcoreMesh(core_axis_name="c", subcore_axis_name="s"),
    scratch_types=[
        pltpu.VMEM((EPW,), jnp.int32),
        pltpu.VMEM((N,), jnp.float32),
    ],
    compiler_params=pltpu.CompilerParams(needs_layout_passes=False),
)



def _sc_agg_body(y_hbm, src_hbm, dst_hbm, agg_out, sidx_all,
                 didx_all, rows0, rows1, zbuf, agg_sh, gs0, gs1, ss0, ss1):
    c = lax.axis_index("c")
    s = lax.axis_index("s")
    wid = c * NS + s
    base = s * RPT
    zvec = jnp.zeros((16,), jnp.float32)

    def zrow(r, _):
        def zcol(j, _):
            zbuf[r, pl.ds(j * 16, 16)] = zvec
            return 0
        return lax.fori_loop(0, D // 16, zcol, 0)
    lax.fori_loop(0, 25, zrow, 0)

    for t in range(RPT // 25):
        pltpu.sync_copy(zbuf, agg_sh.at[pl.ds(base + t * 25, 25)])
    eoff = pl.multiple_of(wid * EPW, 8)
    pltpu.sync_copy(src_hbm.at[pl.ds(eoff, EPW)], sidx_all)
    pltpu.sync_copy(dst_hbm.at[pl.ds(eoff, EPW)], didx_all)
    plsc.subcore_barrier()

    rows = (rows0, rows1)
    gs = (gs0, gs1)
    ss = (ss0, ss1)
    for b in range(2):
        pltpu.async_copy(y_hbm.at[sidx_all.at[pl.ds(b * K, K)]],
                         rows[b], gs[b])

    def pair(i, _):
        for b in range(2):
            ci = i * 2 + b
            pltpu.make_async_copy(y_hbm.at[sidx_all.at[pl.ds(0, K)]],
                                  rows[b], gs[b]).wait()
            pltpu.async_copy(rows[b],
                             agg_sh.at[didx_all.at[pl.ds(ci * K, K)]],
                             ss[b], add=True)
        for b in range(2):
            ci = i * 2 + b + 2
            pltpu.make_async_copy(
                rows[b], agg_sh.at[didx_all.at[pl.ds(0, K)]], ss[b]).wait()

            @pl.when(ci < CH)
            def _():
                pltpu.async_copy(y_hbm.at[sidx_all.at[pl.ds(ci * K, K)]],
                                 rows[b], gs[b])
        return 0
    lax.fori_loop(0, CHP, pair, 0)
    if CH % 2:
        pltpu.make_async_copy(y_hbm.at[sidx_all.at[pl.ds(0, K)]],
                              rows[0], gs[0]).wait()
        pltpu.sync_copy(rows[0],
                        agg_sh.at[didx_all.at[pl.ds((CH - 1) * K, K)]],
                        add=True)
    plsc.subcore_barrier()

    pltpu.sync_copy(agg_sh.at[pl.ds(base, RPT)], agg_out.at[c, s])


_sc_agg = pl.kernel(
    _sc_agg_body,
    out_type=[jax.ShapeDtypeStruct((NC, NS, RPT, D), jnp.float32)],
    mesh=plsc.VectorSubcoreMesh(core_axis_name="c", subcore_axis_name="s"),
    scratch_types=[
        pltpu.VMEM((EPW,), jnp.int32),
        pltpu.VMEM((EPW,), jnp.int32),
        pltpu.VMEM((K, D), jnp.float32),
        pltpu.VMEM((K, D), jnp.float32),
        pltpu.VMEM((25, D), jnp.float32),
        pltpu.VMEM_SHARED((N, D), jnp.float32),
        pltpu.SemaphoreType.DMA,
        pltpu.SemaphoreType.DMA,
        pltpu.SemaphoreType.DMA,
        pltpu.SemaphoreType.DMA,
    ],
)



def _tc_in_body(x_ref, wn_ref, ws_ref, bs_ref, y_ref, z_ref):
    xb = x_ref[...]
    dn = (((1,), (1,)), ((), ()))
    y_ref[...] = lax.dot_general(xb, wn_ref[...], dn,
                                 preferred_element_type=jnp.float32)
    z_ref[...] = lax.dot_general(xb, ws_ref[...], dn,
                                 preferred_element_type=jnp.float32) + bs_ref[...]


def _tc_in(x, Wn, Ws, bs):
    return pl.pallas_call(
        _tc_in_body,
        grid=(N // BN,),
        in_specs=[
            pl.BlockSpec((BN, D), lambda i: (i, 0)),
            pl.BlockSpec((D, D), lambda i: (0, 0)),
            pl.BlockSpec((D, D), lambda i: (0, 0)),
            pl.BlockSpec((1, D), lambda i: (0, 0)),
        ],
        out_specs=[
            pl.BlockSpec((BN, D), lambda i: (i, 0)),
            pl.BlockSpec((BN, D), lambda i: (i, 0)),
        ],
        out_shape=[
            jax.ShapeDtypeStruct((N, D), jnp.float32),
            jax.ShapeDtypeStruct((N, D), jnp.float32),
        ],
    )(x, Wn, Ws, bs.reshape(1, D))


def _tc_inv_body(degp_ref, o_ref):
    deg = lax.dot_general(degp_ref[...], jnp.ones((NW, 1), jnp.float32),
                          (((0,), (0,)), ((), ())),
                          preferred_element_type=jnp.float32)
    o_ref[...] = jnp.broadcast_to(1.0 / jnp.maximum(deg, 1.0), (N, 8))


def _tc_inv(degp):
    return pl.pallas_call(
        _tc_inv_body,
        in_specs=[pl.BlockSpec((NW, N), lambda: (0, 0))],
        out_specs=pl.BlockSpec((N, 8), lambda: (0, 0)),
        out_shape=jax.ShapeDtypeStruct((N, 8), jnp.float32),
    )(degp)


def _combine(aggp_ref, inv_ref, z_ref):
    agg = aggp_ref[0] + aggp_ref[1]
    return agg * inv_ref[:, 0:1] + z_ref[...]


def _tc_mid_body(aggp_ref, inv_ref, z_ref, g_ref, b_ref, wn_ref, ws_ref,
                 bs_ref, y_ref, z2_ref):
    a = _combine(aggp_ref, inv_ref, z_ref)
    m = jnp.mean(a, axis=1, keepdims=True)
    v = jnp.mean((a - m) * (a - m), axis=1, keepdims=True)
    h = (a - m) * lax.rsqrt(v + 1e-5) * g_ref[...] + b_ref[...]
    h = jnp.maximum(h, 0.0)
    dn = (((1,), (1,)), ((), ()))
    y_ref[...] = lax.dot_general(h, wn_ref[...], dn,
                                 preferred_element_type=jnp.float32)
    z2_ref[...] = lax.dot_general(h, ws_ref[...], dn,
                                  preferred_element_type=jnp.float32) + bs_ref[...]


def _tc_mid(aggp, inv8, z, g, b, Wn, Ws, bs):
    return pl.pallas_call(
        _tc_mid_body,
        grid=(N // BN,),
        in_specs=[
            pl.BlockSpec((NC, BN, D), lambda i: (0, i, 0)),
            pl.BlockSpec((BN, 8), lambda i: (i, 0)),
            pl.BlockSpec((BN, D), lambda i: (i, 0)),
            pl.BlockSpec((1, D), lambda i: (0, 0)),
            pl.BlockSpec((1, D), lambda i: (0, 0)),
            pl.BlockSpec((D, D), lambda i: (0, 0)),
            pl.BlockSpec((D, D), lambda i: (0, 0)),
            pl.BlockSpec((1, D), lambda i: (0, 0)),
        ],
        out_specs=[
            pl.BlockSpec((BN, D), lambda i: (i, 0)),
            pl.BlockSpec((BN, D), lambda i: (i, 0)),
        ],
        out_shape=[
            jax.ShapeDtypeStruct((N, D), jnp.float32),
            jax.ShapeDtypeStruct((N, D), jnp.float32),
        ],
    )(aggp, inv8, z, g.reshape(1, D), b.reshape(1, D), Wn, Ws,
      bs.reshape(1, D))


def _tc_fin_body(aggp_ref, inv_ref, z_ref, o_ref):
    a = _combine(aggp_ref, inv_ref, z_ref)
    nrm = jnp.sqrt(jnp.sum(a * a, axis=1, keepdims=True))
    o_ref[...] = a / jnp.maximum(nrm, 1e-12)


def _tc_fin(aggp, inv8, z):
    return pl.pallas_call(
        _tc_fin_body,
        grid=(N // BN,),
        in_specs=[
            pl.BlockSpec((NC, BN, D), lambda i: (0, i, 0)),
            pl.BlockSpec((BN, 8), lambda i: (i, 0)),
            pl.BlockSpec((BN, D), lambda i: (i, 0)),
        ],
        out_specs=pl.BlockSpec((BN, D), lambda i: (i, 0)),
        out_shape=jax.ShapeDtypeStruct((N, D), jnp.float32),
    )(aggp, inv8, z)



def _agg_part(y, src, dst):
    aggp, = _sc_agg(y, src, dst)
    return aggp.reshape(NC, N, D)


def kernel(x, edge_index, Wn1, Ws1, bs1, g1, b1, Wn2, Ws2, bs2, g2, b2,
           Wn3, Ws3, bs3):
    src = edge_index[0]
    dst = edge_index[1]

    degp, = _sc_deg(dst)
    inv8 = _tc_inv(degp)
    y1, z1 = _tc_in(x, Wn1, Ws1, bs1)
    aggp1 = _agg_part(y1, src, dst)
    y2, z2 = _tc_mid(aggp1, inv8, z1, g1, b1, Wn2, Ws2, bs2)
    aggp2 = _agg_part(y2, src, dst)
    y3, z3 = _tc_mid(aggp2, inv8, z2, g2, b2, Wn3, Ws3, bs3)
    aggp3 = _agg_part(y3, src, dst)
    return _tc_fin(aggp3, inv8, z3)

# --- scband reference (transcript-rebuilt; emitter-appended) ---
"""Pipeline reference for scband-graph-sage-12481174963004 (READ-ONLY COPY).

The authoritative reference and input builder live on the scoring server;
editing this copy changes nothing except your own understanding.
"""

import jax, jax.numpy as jnp
import numpy as np

N = 10000
E = 320000
D = 128


def setup_inputs(seed: int = 0) -> dict:
    key = jax.random.key(seed)
    ks = jax.random.split(key, 20)
    s = 1.0 / np.sqrt(D)
    inp = {}
    inp['x'] = jax.random.normal(ks[0], (N, D), dtype=jnp.float32)
    inp['edge_index'] = jax.random.randint(ks[1], (2, E), 0, N, dtype=jnp.int32)
    # layer 1 (SAGEConv + LayerNorm)
    inp['Wn1'] = jax.random.normal(ks[2], (D, D), dtype=jnp.float32) * s
    inp['Ws1'] = jax.random.normal(ks[3], (D, D), dtype=jnp.float32) * s
    inp['bs1'] = jnp.zeros((D,), dtype=jnp.float32)
    inp['g1'] = jnp.ones((D,), dtype=jnp.float32)
    inp['b1'] = jnp.zeros((D,), dtype=jnp.float32)
    # layer 2
    inp['Wn2'] = jax.random.normal(ks[4], (D, D), dtype=jnp.float32) * s
    inp['Ws2'] = jax.random.normal(ks[5], (D, D), dtype=jnp.float32) * s
    inp['bs2'] = jnp.zeros((D,), dtype=jnp.float32)
    inp['g2'] = jnp.ones((D,), dtype=jnp.float32)
    inp['b2'] = jnp.zeros((D,), dtype=jnp.float32)
    # layer 3 (output SAGEConv)
    inp['Wn3'] = jax.random.normal(ks[6], (D, D), dtype=jnp.float32) * s
    inp['Ws3'] = jax.random.normal(ks[7], (D, D), dtype=jnp.float32) * s
    inp['bs3'] = jnp.zeros((D,), dtype=jnp.float32)
    return inp


def _sage_conv(x, edge_index, Wn, Ws, bs):
    src = edge_index[0]
    dst = edge_index[1]
    n = x.shape[0]
    deg = jnp.zeros((n,), dtype=jnp.float32).at[dst].add(jnp.ones_like(dst, dtype=jnp.float32))
    deg = jnp.clip(deg, 1.0, None)
    agg = jnp.zeros_like(x).at[dst].add(x[src])
    agg = agg / deg[:, None]
    return agg @ Wn.T + x @ Ws.T + bs


def _layer_norm(x, g, b, eps=1e-5):
    m = jnp.mean(x, axis=-1, keepdims=True)
    v = jnp.var(x, axis=-1, keepdims=True)
    return (x - m) / jnp.sqrt(v + eps) * g + b


def reference(x, edge_index, Wn1, Ws1, bs1, g1, b1, Wn2, Ws2, bs2, g2, b2, Wn3, Ws3, bs3):
    h = _sage_conv(x, edge_index, Wn1, Ws1, bs1)
    h = _layer_norm(h, g1, b1)
    h = jax.nn.relu(h)
    # dropout is identity in eval mode
    h = _sage_conv(h, edge_index, Wn2, Ws2, bs2)
    h = _layer_norm(h, g2, b2)
    h = jax.nn.relu(h)
    h = _sage_conv(h, edge_index, Wn3, Ws3, bs3)
    norm = jnp.maximum(jnp.linalg.norm(h, ord=2, axis=1, keepdims=True), 1e-12)
    return h / norm

if __name__ == "__main__":
    import jax
    _d = setup_inputs()
    print(jax.jit(kernel)(*tuple(_d.values())))

</pallas_src>

<mosaic_0001>
#map = affine_map<(d0, d1) -> (0)>
#map1 = affine_map<(d0, d1) -> (0, 0)>
module attributes {stable_mosaic.version = 14 : i64} {
  func.func @_sc_deg_body(%arg0: i32, %arg1: i32, %arg2: memref<320000xi32, #tpu.memory_space<hbm>>, %arg3: memref<32x10000xf32, #tpu.memory_space<hbm>>, %arg4: memref<10000xi32, #tpu.memory_space<vmem>>, %arg5: memref<10000xf32, #tpu.memory_space<vmem>>) attributes {dimension_semantics = [#tpu.dimension_semantics<core_parallel>, #tpu.dimension_semantics<subcore_parallel>], iteration_bounds = array<i64: 2, 16>, scalar_prefetch = 0 : i64, scratch_operands = 2 : i64, tpu.core_type = #tpu.core_type<sc_vector_subcore>, window_params = [{transform_indices = #map}, {transform_indices = #map1}]} {
    %mul3A = arith.constant 16 : i32
    %mul3A_0 = arith.muli %arg0, %mul3A : i32
    %add3A = arith.addi %mul3A_0, %arg1 : i32
    %broadcast_in_dim3A = arith.constant 0.000000e+00 : f32
    %broadcast_in_dim3A_1 = vector.broadcast %broadcast_in_dim3A : f32 to vector<16xf32>
    %broadcast_in_dim3A_2 = arith.constant 1.000000e+00 : f32
    %broadcast_in_dim3A_3 = vector.broadcast %broadcast_in_dim3A_2 : f32 to vector<16xf32>
    %scan3A = arith.constant 0 : i32
    %scan3A_4 = arith.constant 0 : i32
    %scan3A_5 = arith.constant 625 : i32
    %scan3A_6 = arith.addi %scan3A_4, %scan3A_5 : i32
    %scan3A_7 = arith.constant 1 : i32
    %scan3A_8 = scf.for %scan3A_19 = %scan3A_4 to %scan3A_6 step %scan3A_7 iter_args(%scan3A_20 = %scan3A) -> (i32)  : i32 {
      %mul3A_21 = arith.constant 16 : i32
      %mul3A_22 = arith.muli %scan3A_19, %mul3A_21 : i32
      %swap3A = arith.index_cast %mul3A_22 : i32 to index
      %swap3A_23 = tpu.vector_load %arg5[%swap3A] {strides = array<i32>} : memref<10000xf32, #tpu.memory_space<vmem>>, vector<16xf32>,
      tpu.vector_store %arg5[%swap3A], %broadcast_in_dim3A_1 {strides = array<i32>} : memref<10000xf32, #tpu.memory_space<vmem>>, vector<16xf32>,
      %scan3A_24 = arith.constant 0 : i32
      scf.yield %scan3A_24 : i32
    }
    %scan3A_9 = arith.constant 625 : i32
    %mul3A_10 = arith.constant 10000 : i32
    %mul3A_11 = arith.muli %add3A, %mul3A_10 : i32
    %multiple_of3A = tpu.assume_multiple %mul3A_11, 8 : i32
    "tpu.region"() ({
      %run_scoped3A = tpu.sem_alloc : memref<!tpu.dma_semaphore, #tpu.memory_space<semaphore_mem>>
      %dma_start3A = tpu.memref_slice %arg2[%multiple_of3A] : memref<320000xi32, #tpu.memory_space<hbm>> -> memref<10000xi32, #tpu.memory_space<hbm>>
      %dma_start3A_19 = tpu.memref_slice %arg2[%multiple_of3A] : memref<320000xi32, #tpu.memory_space<hbm>> -> memref<10000xi32, #tpu.memory_space<hbm>>
      tpu.enqueue_dma source(%dma_start3A_19 : memref<10000xi32, #tpu.memory_space<hbm>>) target(%arg4 : memref<10000xi32, #tpu.memory_space<vmem>>) target_semaphore(%run_scoped3A : memref<!tpu.dma_semaphore, #tpu.memory_space<semaphore_mem>>)
      %dma_wait3A = tpu.memref_slice %arg2[%multiple_of3A] : memref<320000xi32, #tpu.memory_space<hbm>> -> memref<10000xi32, #tpu.memory_space<hbm>>
      %dma_wait3A_20 = tpu.memref_slice %arg2[%multiple_of3A] : memref<320000xi32, #tpu.memory_space<hbm>> -> memref<10000xi32, #tpu.memory_space<hbm>>
      tpu.wait_dma2 semaphore(%run_scoped3A : memref<!tpu.dma_semaphore, #tpu.memory_space<semaphore_mem>>) src(%dma_wait3A_20 : memref<10000xi32, #tpu.memory_space<hbm>>) dst(%arg4 : memref<10000xi32, #tpu.memory_space<vmem>>)
      tpu.yield
    }) : () -> ()
    %scan3A_12 = arith.constant 0 : i32
    %scan3A_13 = arith.constant 0 : i32
    %scan3A_14 = arith.constant 625 : i32
    %scan3A_15 = arith.addi %scan3A_13, %scan3A_14 : i32
    %scan3A_16 = arith.constant 1 : i32
    %scan3A_17 = scf.for %scan3A_19 = %scan3A_13 to %scan3A_15 step %scan3A_16 iter_args(%scan3A_20 = %scan3A_12) -> (i32)  : i32 {
      %mul3A_21 = arith.constant 16 : i32
      %mul3A_22 = arith.muli %scan3A_19, %mul3A_21 : i32
      %get3A = arith.index_cast %mul3A_22 : i32 to index
      %get3A_23 = tpu.vector_load %arg4[%get3A] {strides = array<i32>} : memref<10000xi32, #tpu.memory_space<vmem>>, vector<16xi32>,
      tpu.vector_store_idx %arg5[%get3A_23], %broadcast_in_dim3A_3 {add = true} : memref<10000xf32, #tpu.memory_space<vmem>>[vector<16xi32>], vector<16xf32>,
      %scan3A_24 = arith.constant 0 : i32
      scf.yield %scan3A_24 : i32
    }
    %scan3A_18 = arith.constant 625 : i32
    "tpu.region"() ({
      %run_scoped3A = tpu.sem_alloc : memref<!tpu.dma_semaphore, #tpu.memory_space<semaphore_mem>>
      %dma_start3A = arith.constant 0 : i32
      %dma_start3A_19 = tpu.memref_slice %arg3[%add3A, %dma_start3A] : memref<32x10000xf32, #tpu.memory_space<hbm>> -> memref<1x10000xf32, #tpu.memory_space<hbm>>
      %dma_start3A_20 = tpu.memref_squeeze %dma_start3A_19 : memref<1x10000xf32, #tpu.memory_space<hbm>> -> memref<10000xf32, #tpu.memory_space<hbm>>
      %dma_start3A_21 = arith.constant 0 : i32
      %dma_start3A_22 = tpu.memref_slice %arg3[%add3A, %dma_start3A_21] : memref<32x10000xf32, #tpu.memory_space<hbm>> -> memref<1x10000xf32, #tpu.memory_space<hbm>>
      %dma_start3A_23 = tpu.memref_squeeze %dma_start3A_22 : memref<1x10000xf32, #tpu.memory_space<hbm>> -> memref<10000xf32, #tpu.memory_space<hbm>>
      tpu.enqueue_dma source(%arg5 : memref<10000xf32, #tpu.memory_space<vmem>>) target(%dma_start3A_23 : memref<10000xf32, #tpu.memory_space<hbm>>) target_semaphore(%run_scoped3A : memref<!tpu.dma_semaphore, #tpu.memory_space<semaphore_mem>>)
      %dma_wait3A = arith.constant 0 : i32
      %dma_wait3A_24 = tpu.memref_slice %arg3[%add3A, %dma_wait3A] : memref<32x10000xf32, #tpu.memory_space<hbm>> -> memref<1x10000xf32, #tpu.memory_space<hbm>>
      %dma_wait3A_25 = tpu.memref_squeeze %dma_wait3A_24 : memref<1x10000xf32, #tpu.memory_space<hbm>> -> memref<10000xf32, #tpu.memory_space<hbm>>
      %dma_wait3A_26 = arith.constant 0 : i32
      %dma_wait3A_27 = tpu.memref_slice %arg3[%add3A, %dma_wait3A_26] : memref<32x10000xf32, #tpu.memory_space<hbm>> -> memref<1x10000xf32, #tpu.memory_space<hbm>>
      %dma_wait3A_28 = tpu.memref_squeeze %dma_wait3A_27 : memref<1x10000xf32, #tpu.memory_space<hbm>> -> memref<10000xf32, #tpu.memory_space<hbm>>
      tpu.wait_dma2 semaphore(%run_scoped3A : memref<!tpu.dma_semaphore, #tpu.memory_space<semaphore_mem>>) src(%arg5 : memref<10000xf32, #tpu.memory_space<vmem>>) dst(%dma_wait3A_28 : memref<10000xf32, #tpu.memory_space<hbm>>)
      tpu.yield
    }) : () -> ()
    return
  }
}

#map = affine_map<(d0, d1) -> (0, 0)>
#map1 = affine_map<(d0, d1) -> (0)>
#map2 = affine_map<(d0, d1) -> (0, 0, 0, 0)>
module attributes {stable_mosaic.version = 14 : i64} {
  func.func @_sc_agg_body(%arg0: i32, %arg1: i32, %arg2: memref<10000x128xf32, #tpu.memory_space<hbm>>, %arg3: memref<320000xi32, #tpu.memory_space<hbm>>, %arg4: memref<320000xi32, #tpu.memory_space<hbm>>, %arg5: memref<2x16x625x128xf32, #tpu.memory_space<hbm>>, %arg6: memref<10000xi32, #tpu.memory_space<vmem>>, %arg7: memref<10000xi32, #tpu.memory_space<vmem>>, %arg8: memref<80x128xf32, #tpu.memory_space<vmem>>, %arg9: memref<80x128xf32, #tpu.memory_space<vmem>>, %arg10: memref<25x128xf32, #tpu.memory_space<vmem>>, %arg11: memref<10000x128xf32, #tpu.memory_space<vmem_shared>>, %arg12: memref<!tpu.dma_semaphore, #tpu.memory_space<semaphore_mem>>, %arg13: memref<!tpu.dma_semaphore, #tpu.memory_space<semaphore_mem>>, %arg14: memref<!tpu.dma_semaphore, #tpu.memory_space<semaphore_mem>>, %arg15: memref<!tpu.dma_semaphore, #tpu.memory_space<semaphore_mem>>) attributes {dimension_semantics = [#tpu.dimension_semantics<core_parallel>, #tpu.dimension_semantics<subcore_parallel>], iteration_bounds = array<i64: 2, 16>, scalar_prefetch = 0 : i64, scratch_operands = 10 : i64, tpu.core_type = #tpu.core_type<sc_vector_subcore>, window_params = [{transform_indices = #map}, {transform_indices = #map1}, {transform_indices = #map1}, {transform_indices = #map2}]} {
    %mul3A = arith.constant 16 : i32
    %mul3A_0 = arith.muli %arg0, %mul3A : i32
    %add3A = arith.addi %mul3A_0, %arg1 : i32
    %mul3A_1 = arith.constant 625 : i32
    %mul3A_2 = arith.muli %arg1, %mul3A_1 : i32
    %broadcast_in_dim3A = arith.constant 0.000000e+00 : f32
    %broadcast_in_dim3A_3 = vector.broadcast %broadcast_in_dim3A : f32 to vector<16xf32>
    %scan3A = arith.constant 0 : i32
    %scan3A_4 = arith.constant 0 : i32
    %scan3A_5 = arith.constant 25 : i32
    %scan3A_6 = arith.addi %scan3A_4, %scan3A_5 : i32
    %scan3A_7 = arith.constant 1 : i32
    %scan3A_8 = scf.for %scan3A_83 = %scan3A_4 to %scan3A_6 step %scan3A_7 iter_args(%scan3A_84 = %scan3A) -> (i32)  : i32 {
      %scan3A_85 = arith.constant 0 : i32
      %scan3A_86 = arith.constant 0 : i32
      %scan3A_87 = arith.constant 8 : i32
      %scan3A_88 = arith.addi %scan3A_86, %scan3A_87 : i32
      %scan3A_89 = arith.constant 1 : i32
      %scan3A_90 = scf.for %scan3A_92 = %scan3A_86 to %scan3A_88 step %scan3A_89 iter_args(%scan3A_93 = %scan3A_85) -> (i32)  : i32 {
        %mul3A_94 = arith.constant 16 : i32
        %mul3A_95 = arith.muli %scan3A_92, %mul3A_94 : i32
        %swap3A = arith.index_cast %scan3A_83 : i32 to index
        %swap3A_96 = arith.index_cast %mul3A_95 : i32 to index
        %swap3A_97 = tpu.vector_load %arg10[%swap3A, %swap3A_96] {strides = array<i32>} : memref<25x128xf32, #tpu.memory_space<vmem>>, vector<1x16xf32>,
        %swap3A_98 = vector.shape_cast %swap3A_97 : vector<1x16xf32> to vector<16xf32>
        %swap3A_99 = vector.shape_cast %broadcast_in_dim3A_3 : vector<16xf32> to vector<1x16xf32>
        tpu.vector_store %arg10[%swap3A, %swap3A_96], %swap3A_99 {strides = array<i32>} : memref<25x128xf32, #tpu.memory_space<vmem>>, vector<1x16xf32>,
        %scan3A_100 = arith.constant 0 : i32
        scf.yield %scan3A_100 : i32
      }
      %scan3A_91 = arith.constant 8 : i32
      scf.yield %scan3A_90 : i32
    }
    %scan3A_9 = arith.constant 25 : i32
    %add3A_10 = arith.constant 0 : i32
    %add3A_11 = arith.addi %mul3A_2, %add3A_10 : i32
    "tpu.region"() ({
      %run_scoped3A = tpu.sem_alloc : memref<!tpu.dma_semaphore, #tpu.memory_space<semaphore_mem>>
      %dma_start3A_83 = arith.constant 0 : i32
      %dma_start3A_84 = tpu.memref_slice %arg11[%add3A_11, %dma_start3A_83] : memref<10000x128xf32, #tpu.memory_space<vmem_shared>> -> memref<25x128xf32, #tpu.memory_space<vmem_shared>>
      %dma_start3A_85 = arith.constant 0 : i32
      %dma_start3A_86 = tpu.memref_slice %arg11[%add3A_11, %dma_start3A_85] : memref<10000x128xf32, #tpu.memory_space<vmem_shared>> -> memref<25x128xf32, #tpu.memory_space<vmem_shared>>
      tpu.enqueue_dma source(%arg10 : memref<25x128xf32, #tpu.memory_space<vmem>>) target(%dma_start3A_86 : memref<25x128xf32, #tpu.memory_space<vmem_shared>>) target_semaphore(%run_scoped3A : memref<!tpu.dma_semaphore, #tpu.memory_space<semaphore_mem>>)
      %dma_wait3A_87 = arith.constant 0 : i32
      %dma_wait3A_88 = tpu.memref_slice %arg11[%add3A_11, %dma_wait3A_87] : memref<10000x128xf32, #tpu.memory_space<vmem_shared>> -> memref<25x128xf32, #tpu.memory_space<vmem_shared>>
      %dma_wait3A_89 = arith.constant 0 : i32
      %dma_wait3A_90 = tpu.memref_slice %arg11[%add3A_11, %dma_wait3A_89] : memref<10000x128xf32, #tpu.memory_space<vmem_shared>> -> memref<25x128xf32, #tpu.memory_space<vmem_shared>>
      tpu.wait_dma2 semaphore(%run_scoped3A : memref<!tpu.dma_semaphore, #tpu.memory_space<semaphore_mem>>) src(%arg10 : memref<25x128xf32, #tpu.memory_space<vmem>>) dst(%dma_wait3A_90 : memref<25x128xf32, #tpu.memory_space<vmem_shared>>)
      tpu.yield
    }) : () -> ()
    %add3A_12 = arith.constant 25 : i32
    %add3A_13 = arith.addi %mul3A_2, %add3A_12 : i32
    "tpu.region"() ({
      %run_scoped3A = tpu.sem_alloc : memref<!tpu.dma_semaphore, #tpu.memory_space<semaphore_mem>>
      %dma_start3A_83 = arith.constant 0 : i32
      %dma_start3A_84 = tpu.memref_slice %arg11[%add3A_13, %dma_start3A_83] : memref<10000x128xf32, #tpu.memory_space<vmem_shared>> -> memref<25x128xf32, #tpu.memory_space<vmem_shared>>
      %dma_start3A_85 = arith.constant 0 : i32
      %dma_start3A_86 = tpu.memref_slice %arg11[%add3A_13, %dma_start3A_85] : memref<10000x128xf32, #tpu.memory_space<vmem_shared>> -> memref<25x128xf32, #tpu.memory_space<vmem_shared>>
      tpu.enqueue_dma source(%arg10 : memref<25x128xf32, #tpu.memory_space<vmem>>) target(%dma_start3A_86 : memref<25x128xf32, #tpu.memory_space<vmem_shared>>) target_semaphore(%run_scoped3A : memref<!tpu.dma_semaphore, #tpu.memory_space<semaphore_mem>>)
      %dma_wait3A_87 = arith.constant 0 : i32
      %dma_wait3A_88 = tpu.memref_slice %arg11[%add3A_13, %dma_wait3A_87] : memref<10000x128xf32, #tpu.memory_space<vmem_shared>> -> memref<25x128xf32, #tpu.memory_space<vmem_shared>>
      %dma_wait3A_89 = arith.constant 0 : i32
      %dma_wait3A_90 = tpu.memref_slice %arg11[%add3A_13, %dma_wait3A_89] : memref<10000x128xf32, #tpu.memory_space<vmem_shared>> -> memref<25x128xf32, #tpu.memory_space<vmem_shared>>
      tpu.wait_dma2 semaphore(%run_scoped3A : memref<!tpu.dma_semaphore, #tpu.memory_space<semaphore_mem>>) src(%arg10 : memref<25x128xf32, #tpu.memory_space<vmem>>) dst(%dma_wait3A_90 : memref<25x128xf32, #tpu.memory_space<vmem_shared>>)
      tpu.yield
    }) : () -> ()
    %add3A_14 = arith.constant 50 : i32
    %add3A_15 = arith.addi %mul3A_2, %add3A_14 : i32
    "tpu.region"() ({
      %run_scoped3A = tpu.sem_alloc : memref<!tpu.dma_semaphore, #tpu.memory_space<semaphore_mem>>
      %dma_start3A_83 = arith.constant 0 : i32
      %dma_start3A_84 = tpu.memref_slice %arg11[%add3A_15, %dma_start3A_83] : memref<10000x128xf32, #tpu.memory_space<vmem_shared>> -> memref<25x128xf32, #tpu.memory_space<vmem_shared>>
      %dma_start3A_85 = arith.constant 0 : i32
      %dma_start3A_86 = tpu.memref_slice %arg11[%add3A_15, %dma_start3A_85] : memref<10000x128xf32, #tpu.memory_space<vmem_shared>> -> memref<25x128xf32, #tpu.memory_space<vmem_shared>>
      tpu.enqueue_dma source(%arg10 : memref<25x128xf32, #tpu.memory_space<vmem>>) target(%dma_start3A_86 : memref<25x128xf32, #tpu.memory_space<vmem_shared>>) target_semaphore(%run_scoped3A : memref<!tpu.dma_semaphore, #tpu.memory_space<semaphore_mem>>)
      %dma_wait3A_87 = arith.constant 0 : i32
      %dma_wait3A_88 = tpu.memref_slice %arg11[%add3A_15, %dma_wait3A_87] : memref<10000x128xf32, #tpu.memory_space<vmem_shared>> -> memref<25x128xf32, #tpu.memory_space<vmem_shared>>
      %dma_wait3A_89 = arith.constant 0 : i32
      %dma_wait3A_90 = tpu.memref_slice %arg11[%add3A_15, %dma_wait3A_89] : memref<10000x128xf32, #tpu.memory_space<vmem_shared>> -> memref<25x128xf32, #tpu.memory_space<vmem_shared>>
      tpu.wait_dma2 semaphore(%run_scoped3A : memref<!tpu.dma_semaphore, #tpu.memory_space<semaphore_mem>>) src(%arg10 : memref<25x128xf32, #tpu.memory_space<vmem>>) dst(%dma_wait3A_90 : memref<25x128xf32, #tpu.memory_space<vmem_shared>>)
      tpu.yield
    }) : () -> ()
    %add3A_16 = arith.constant 75 : i32
    %add3A_17 = arith.addi %mul3A_2, %add3A_16 : i32
    "tpu.region"() ({
      %run_scoped3A = tpu.sem_alloc : memref<!tpu.dma_semaphore, #tpu.memory_space<semaphore_mem>>
      %dma_start3A_83 = arith.constant 0 : i32
      %dma_start3A_84 = tpu.memref_slice %arg11[%add3A_17, %dma_start3A_83] : memref<10000x128xf32, #tpu.memory_space<vmem_shared>> -> memref<25x128xf32, #tpu.memory_space<vmem_shared>>
      %dma_start3A_85 = arith.constant 0 : i32
      %dma_start3A_86 = tpu.memref_slice %arg11[%add3A_17, %dma_start3A_85] : memref<10000x128xf32, #tpu.memory_space<vmem_shared>> -> memref<25x128xf32, #tpu.memory_space<vmem_shared>>
      tpu.enqueue_dma source(%arg10 : memref<25x128xf32, #tpu.memory_space<vmem>>) target(%dma_start3A_86 : memref<25x128xf32, #tpu.memory_space<vmem_shared>>) target_semaphore(%run_scoped3A : memref<!tpu.dma_semaphore, #tpu.memory_space<semaphore_mem>>)
      %dma_wait3A_87 = arith.constant 0 : i32
      %dma_wait3A_88 = tpu.memref_slice %arg11[%add3A_17, %dma_wait3A_87] : memref<10000x128xf32, #tpu.memory_space<vmem_shared>> -> memref<25x128xf32, #tpu.memory_space<vmem_shared>>
      %dma_wait3A_89 = arith.constant 0 : i32
      %dma_wait3A_90 = tpu.memref_slice %arg11[%add3A_17, %dma_wait3A_89] : memref<10000x128xf32, #tpu.memory_space<vmem_shared>> -> memref<25x128xf32, #tpu.memory_space<vmem_shared>>
      tpu.wait_dma2 semaphore(%run_scoped3A : memref<!tpu.dma_semaphore, #tpu.memory_space<semaphore_mem>>) src(%arg10 : memref<25x128xf32, #tpu.memory_space<vmem>>) dst(%dma_wait3A_90 : memref<25x128xf32, #tpu.memory_space<vmem_shared>>)
      tpu.yield
    }) : () -> ()
    %add3A_18 = arith.constant 100 : i32
    %add3A_19 = arith.addi %mul3A_2, %add3A_18 : i32
    "tpu.region"() ({
      %run_scoped3A = tpu.sem_alloc : memref<!tpu.dma_semaphore, #tpu.memory_space<semaphore_mem>>
      %dma_start3A_83 = arith.constant 0 : i32
      %dma_start3A_84 = tpu.memref_slice %arg11[%add3A_19, %dma_start3A_83] : memref<10000x128xf32, #tpu.memory_space<vmem_shared>> -> memref<25x128xf32, #tpu.memory_space<vmem_shared>>
      %dma_start3A_85 = arith.constant 0 : i32
      %dma_start3A_86 = tpu.memref_slice %arg11[%add3A_19, %dma_start3A_85] : memref<10000x128xf32, #tpu.memory_space<vmem_shared>> -> memref<25x128xf32, #tpu.memory_space<vmem_shared>>
      tpu.enqueue_dma source(%arg10 : memref<25x128xf32, #tpu.memory_space<vmem>>) target(%dma_start3A_86 : memref<25x128xf32, #tpu.memory_space<vmem_shared>>) target_semaphore(%run_scoped3A : memref<!tpu.dma_semaphore, #tpu.memory_space<semaphore_mem>>)
      %dma_wait3A_87 = arith.constant 0 : i32
      %dma_wait3A_88 = tpu.memref_slice %arg11[%add3A_19, %dma_wait3A_87] : memref<10000x128xf32, #tpu.memory_space<vmem_shared>> -> memref<25x128xf32, #tpu.memory_space<vmem_shared>>
      %dma_wait3A_89 = arith.constant 0 : i32
      %dma_wait3A_90 = tpu.memref_slice %arg11[%add3A_19, %dma_wait3A_89] : memref<10000x128xf32, #tpu.memory_space<vmem_shared>> -> memref<25x128xf32, #tpu.memory_space<vmem_shared>>
      tpu.wait_dma2 semaphore(%run_scoped3A : memref<!tpu.dma_semaphore, #tpu.memory_space<semaphore_mem>>) src(%arg10 : memref<25x128xf32, #tpu.memory_space<vmem>>) dst(%dma_wait3A_90 : memref<25x128xf32, #tpu.memory_space<vmem_shared>>)
      tpu.yield
    }) : () -> ()
    %add3A_20 = arith.constant 125 : i32
    %add3A_21 = arith.addi %mul3A_2, %add3A_20 : i32
    "tpu.region"() ({
      %run_scoped3A = tpu.sem_alloc : memref<!tpu.dma_semaphore, #tpu.memory_space<semaphore_mem>>
      %dma_start3A_83 = arith.constant 0 : i32
      %dma_start3A_84 = tpu.memref_slice %arg11[%add3A_21, %dma_start3A_83] : memref<10000x128xf32, #tpu.memory_space<vmem_shared>> -> memref<25x128xf32, #tpu.memory_space<vmem_shared>>
      %dma_start3A_85 = arith.constant 0 : i32
      %dma_start3A_86 = tpu.memref_slice %arg11[%add3A_21, %dma_start3A_85] : memref<10000x128xf32, #tpu.memory_space<vmem_shared>> -> memref<25x128xf32, #tpu.memory_space<vmem_shared>>
      tpu.enqueue_dma source(%arg10 : memref<25x128xf32, #tpu.memory_space<vmem>>) target(%dma_start3A_86 : memref<25x128xf32, #tpu.memory_space<vmem_shared>>) target_semaphore(%run_scoped3A : memref<!tpu.dma_semaphore, #tpu.memory_space<semaphore_mem>>)
      %dma_wait3A_87 = arith.constant 0 : i32
      %dma_wait3A_88 = tpu.memref_slice %arg11[%add3A_21, %dma_wait3A_87] : memref<10000x128xf32, #tpu.memory_space<vmem_shared>> -> memref<25x128xf32, #tpu.memory_space<vmem_shared>>
      %dma_wait3A_89 = arith.constant 0 : i32
      %dma_wait3A_90 = tpu.memref_slice %arg11[%add3A_21, %dma_wait3A_89] : memref<10000x128xf32, #tpu.memory_space<vmem_shared>> -> memref<25x128xf32, #tpu.memory_space<vmem_shared>>
      tpu.wait_dma2 semaphore(%run_scoped3A : memref<!tpu.dma_semaphore, #tpu.memory_space<semaphore_mem>>) src(%arg10 : memref<25x128xf32, #tpu.memory_space<vmem>>) dst(%dma_wait3A_90 : memref<25x128xf32, #tpu.memory_space<vmem_shared>>)
      tpu.yield
    }) : () -> ()
    %add3A_22 = arith.constant 150 : i32
    %add3A_23 = arith.addi %mul3A_2, %add3A_22 : i32
    "tpu.region"() ({
      %run_scoped3A = tpu.sem_alloc : memref<!tpu.dma_semaphore, #tpu.memory_space<semaphore_mem>>
      %dma_start3A_83 = arith.constant 0 : i32
      %dma_start3A_84 = tpu.memref_slice %arg11[%add3A_23, %dma_start3A_83] : memref<10000x128xf32, #tpu.memory_space<vmem_shared>> -> memref<25x128xf32, #tpu.memory_space<vmem_shared>>
      %dma_start3A_85 = arith.constant 0 : i32
      %dma_start3A_86 = tpu.memref_slice %arg11[%add3A_23, %dma_start3A_85] : memref<10000x128xf32, #tpu.memory_space<vmem_shared>> -> memref<25x128xf32, #tpu.memory_space<vmem_shared>>
      tpu.enqueue_dma source(%arg10 : memref<25x128xf32, #tpu.memory_space<vmem>>) target(%dma_start3A_86 : memref<25x128xf32, #tpu.memory_space<vmem_shared>>) target_semaphore(%run_scoped3A : memref<!tpu.dma_semaphore, #tpu.memory_space<semaphore_mem>>)
      %dma_wait3A_87 = arith.constant 0 : i32
      %dma_wait3A_88 = tpu.memref_slice %arg11[%add3A_23, %dma_wait3A_87] : memref<10000x128xf32, #tpu.memory_space<vmem_shared>> -> memref<25x128xf32, #tpu.memory_space<vmem_shared>>
      %dma_wait3A_89 = arith.constant 0 : i32
      %dma_wait3A_90 = tpu.memref_slice %arg11[%add3A_23, %dma_wait3A_89] : memref<10000x128xf32, #tpu.memory_space<vmem_shared>> -> memref<25x128xf32, #tpu.memory_space<vmem_shared>>
      tpu.wait_dma2 semaphore(%run_scoped3A : memref<!tpu.dma_semaphore, #tpu.memory_space<semaphore_mem>>) src(%arg10 : memref<25x128xf32, #tpu.memory_space<vmem>>) dst(%dma_wait3A_90 : memref<25x128xf32, #tpu.memory_space<vmem_shared>>)
      tpu.yield
    }) : () -> ()
    %add3A_24 = arith.constant 175 : i32
    %add3A_25 = arith.addi %mul3A_2, %add3A_24 : i32
    "tpu.region"() ({
      %run_scoped3A = tpu.sem_alloc : memref<!tpu.dma_semaphore, #tpu.memory_space<semaphore_mem>>
      %dma_start3A_83 = arith.constant 0 : i32
      %dma_start3A_84 = tpu.memref_slice %arg11[%add3A_25, %dma_start3A_83] : memref<10000x128xf32, #tpu.memory_space<vmem_shared>> -> memref<25x128xf32, #tpu.memory_space<vmem_shared>>
      %dma_start3A_85 = arith.constant 0 : i32
      %dma_start3A_86 = tpu.memref_slice %arg11[%add3A_25, %dma_start3A_85] : memref<10000x128xf32, #tpu.memory_space<vmem_shared>> -> memref<25x128xf32, #tpu.memory_space<vmem_shared>>
      tpu.enqueue_dma source(%arg10 : memref<25x128xf32, #tpu.memory_space<vmem>>) target(%dma_start3A_86 : memref<25x128xf32, #tpu.memory_space<vmem_shared>>) target_semaphore(%run_scoped3A : memref<!tpu.dma_semaphore, #tpu.memory_space<semaphore_mem>>)
      %dma_wait3A_87 = arith.constant 0 : i32
      %dma_wait3A_88 = tpu.memref_slice %arg11[%add3A_25, %dma_wait3A_87] : memref<10000x128xf32, #tpu.memory_space<vmem_shared>> -> memref<25x128xf32, #tpu.memory_space<vmem_shared>>
      %dma_wait3A_89 = arith.constant 0 : i32
      %dma_wait3A_90 = tpu.memref_slice %arg11[%add3A_25, %dma_wait3A_89] : memref<10000x128xf32, #tpu.memory_space<vmem_shared>> -> memref<25x128xf32, #tpu.memory_space<vmem_shared>>
      tpu.wait_dma2 semaphore(%run_scoped3A : memref<!tpu.dma_semaphore, #tpu.memory_space<semaphore_mem>>) src(%arg10 : memref<25x128xf32, #tpu.memory_space<vmem>>) dst(%dma_wait3A_90 : memref<25x128xf32, #tpu.memory_space<vmem_shared>>)
      tpu.yield
    }) : () -> ()
    %add3A_26 = arith.constant 200 : i32
    %add3A_27 = arith.addi %mul3A_2, %add3A_26 : i32
    "tpu.region"() ({
      %run_scoped3A = tpu.sem_alloc : memref<!tpu.dma_semaphore, #tpu.memory_space<semaphore_mem>>
      %dma_start3A_83 = arith.constant 0 : i32
      %dma_start3A_84 = tpu.memref_slice %arg11[%add3A_27, %dma_start3A_83] : memref<10000x128xf32, #tpu.memory_space<vmem_shared>> -> memref<25x128xf32, #tpu.memory_space<vmem_shared>>
      %dma_start3A_85 = arith.constant 0 : i32
      %dma_start3A_86 = tpu.memref_slice %arg11[%add3A_27, %dma_start3A_85] : memref<10000x128xf32, #tpu.memory_space<vmem_shared>> -> memref<25x128xf32, #tpu.memory_space<vmem_shared>>
      tpu.enqueue_dma source(%arg10 : memref<25x128xf32, #tpu.memory_space<vmem>>) target(%dma_start3A_86 : memref<25x128xf32, #tpu.memory_space<vmem_shared>>) target_semaphore(%run_scoped3A : memref<!tpu.dma_semaphore, #tpu.memory_space<semaphore_mem>>)
      %dma_wait3A_87 = arith.constant 0 : i32
      %dma_wait3A_88 = tpu.memref_slice %arg11[%add3A_27, %dma_wait3A_87] : memref<10000x128xf32, #tpu.memory_space<vmem_shared>> -> memref<25x128xf32, #tpu.memory_space<vmem_shared>>
      %dma_wait3A_89 = arith.constant 0 : i32
      %dma_wait3A_90 = tpu.memref_slice %arg11[%add3A_27, %dma_wait3A_89] : memref<10000x128xf32, #tpu.memory_space<vmem_shared>> -> memref<25x128xf32, #tpu.memory_space<vmem_shared>>
      tpu.wait_dma2 semaphore(%run_scoped3A : memref<!tpu.dma_semaphore, #tpu.memory_space<semaphore_mem>>) src(%arg10 : memref<25x128xf32, #tpu.memory_space<vmem>>) dst(%dma_wait3A_90 : memref<25x128xf32, #tpu.memory_space<vmem_shared>>)
      tpu.yield
    }) : () -> ()
    %add3A_28 = arith.constant 225 : i32
    %add3A_29 = arith.addi %mul3A_2, %add3A_28 : i32
    "tpu.region"() ({
      %run_scoped3A = tpu.sem_alloc : memref<!tpu.dma_semaphore, #tpu.memory_space<semaphore_mem>>
      %dma_start3A_83 = arith.constant 0 : i32
      %dma_start3A_84 = tpu.memref_slice %arg11[%add3A_29, %dma_start3A_83] : memref<10000x128xf32, #tpu.memory_space<vmem_shared>> -> memref<25x128xf32, #tpu.memory_space<vmem_shared>>
      %dma_start3A_85 = arith.constant 0 : i32
      %dma_start3A_86 = tpu.memref_slice %arg11[%add3A_29, %dma_start3A_85] : memref<10000x128xf32, #tpu.memory_space<vmem_shared>> -> memref<25x128xf32, #tpu.memory_space<vmem_shared>>
      tpu.enqueue_dma source(%arg10 : memref<25x128xf32, #tpu.memory_space<vmem>>) target(%dma_start3A_86 : memref<25x128xf32, #tpu.memory_space<vmem_shared>>) target_semaphore(%run_scoped3A : memref<!tpu.dma_semaphore, #tpu.memory_space<semaphore_mem>>)
      %dma_wait3A_87 = arith.constant 0 : i32
      %dma_wait3A_88 = tpu.memref_slice %arg11[%add3A_29, %dma_wait3A_87] : memref<10000x128xf32, #tpu.memory_space<vmem_shared>> -> memref<25x128xf32, #tpu.memory_space<vmem_shared>>
      %dma_wait3A_89 = arith.constant 0 : i32
      %dma_wait3A_90 = tpu.memref_slice %arg11[%add3A_29, %dma_wait3A_89] : memref<10000x128xf32, #tpu.memory_space<vmem_shared>> -> memref<25x128xf32, #tpu.memory_space<vmem_shared>>
      tpu.wait_dma2 semaphore(%run_scoped3A : memref<!tpu.dma_semaphore, #tpu.memory_space<semaphore_mem>>) src(%arg10 : memref<25x128xf32, #tpu.memory_space<vmem>>) dst(%dma_wait3A_90 : memref<25x128xf32, #tpu.memory_space<vmem_shared>>)
      tpu.yield
    }) : () -> ()
    %add3A_30 = arith.constant 250 : i32
    %add3A_31 = arith.addi %mul3A_2, %add3A_30 : i32
    "tpu.region"() ({
      %run_scoped3A = tpu.sem_alloc : memref<!tpu.dma_semaphore, #tpu.memory_space<semaphore_mem>>
      %dma_start3A_83 = arith.constant 0 : i32
      %dma_start3A_84 = tpu.memref_slice %arg11[%add3A_31, %dma_start3A_83] : memref<10000x128xf32, #tpu.memory_space<vmem_shared>> -> memref<25x128xf32, #tpu.memory_space<vmem_shared>>
      %dma_start3A_85 = arith.constant 0 : i32
      %dma_start3A_86 = tpu.memref_slice %arg11[%add3A_31, %dma_start3A_85] : memref<10000x128xf32, #tpu.memory_space<vmem_shared>> -> memref<25x128xf32, #tpu.memory_space<vmem_shared>>
      tpu.enqueue_dma source(%arg10 : memref<25x128xf32, #tpu.memory_space<vmem>>) target(%dma_start3A_86 : memref<25x128xf32, #tpu.memory_space<vmem_shared>>) target_semaphore(%run_scoped3A : memref<!tpu.dma_semaphore, #tpu.memory_space<semaphore_mem>>)
      %dma_wait3A_87 = arith.constant 0 : i32
      %dma_wait3A_88 = tpu.memref_slice %arg11[%add3A_31, %dma_wait3A_87] : memref<10000x128xf32, #tpu.memory_space<vmem_shared>> -> memref<25x128xf32, #tpu.memory_space<vmem_shared>>
      %dma_wait3A_89 = arith.constant 0 : i32
      %dma_wait3A_90 = tpu.memref_slice %arg11[%add3A_31, %dma_wait3A_89] : memref<10000x128xf32, #tpu.memory_space<vmem_shared>> -> memref<25x128xf32, #tpu.memory_space<vmem_shared>>
      tpu.wait_dma2 semaphore(%run_scoped3A : memref<!tpu.dma_semaphore, #tpu.memory_space<semaphore_mem>>) src(%arg10 : memref<25x128xf32, #tpu.memory_space<vmem>>) dst(%dma_wait3A_90 : memref<25x128xf32, #tpu.memory_space<vmem_shared>>)
      tpu.yield
    }) : () -> ()
    %add3A_32 = arith.constant 275 : i32
    %add3A_33 = arith.addi %mul3A_2, %add3A_32 : i32
    "tpu.region"() ({
      %run_scoped3A = tpu.sem_alloc : memref<!tpu.dma_semaphore, #tpu.memory_space<semaphore_mem>>
      %dma_start3A_83 = arith.constant 0 : i32
      %dma_start3A_84 = tpu.memref_slice %arg11[%add3A_33, %dma_start3A_83] : memref<10000x128xf32, #tpu.memory_space<vmem_shared>> -> memref<25x128xf32, #tpu.memory_space<vmem_shared>>
      %dma_start3A_85 = arith.constant 0 : i32
      %dma_start3A_86 = tpu.memref_slice %arg11[%add3A_33, %dma_start3A_85] : memref<10000x128xf32, #tpu.memory_space<vmem_shared>> -> memref<25x128xf32, #tpu.memory_space<vmem_shared>>
      tpu.enqueue_dma source(%arg10 : memref<25x128xf32, #tpu.memory_space<vmem>>) target(%dma_start3A_86 : memref<25x128xf32, #tpu.memory_space<vmem_shared>>) target_semaphore(%run_scoped3A : memref<!tpu.dma_semaphore, #tpu.memory_space<semaphore_mem>>)
      %dma_wait3A_87 = arith.constant 0 : i32
      %dma_wait3A_88 = tpu.memref_slice %arg11[%add3A_33, %dma_wait3A_87] : memref<10000x128xf32, #tpu.memory_space<vmem_shared>> -> memref<25x128xf32, #tpu.memory_space<vmem_shared>>
      %dma_wait3A_89 = arith.constant 0 : i32
      %dma_wait3A_90 = tpu.memref_slice %arg11[%add3A_33, %dma_wait3A_89] : memref<10000x128xf32, #tpu.memory_space<vmem_shared>> -> memref<25x128xf32, #tpu.memory_space<vmem_shared>>
      tpu.wait_dma2 semaphore(%run_scoped3A : memref<!tpu.dma_semaphore, #tpu.memory_space<semaphore_mem>>) src(%arg10 : memref<25x128xf32, #tpu.memory_space<vmem>>) dst(%dma_wait3A_90 : memref<25x128xf32, #tpu.memory_space<vmem_shared>>)
      tpu.yield
    }) : () -> ()
    %add3A_34 = arith.constant 300 : i32
    %add3A_35 = arith.addi %mul3A_2, %add3A_34 : i32
    "tpu.region"() ({
      %run_scoped3A = tpu.sem_alloc : memref<!tpu.dma_semaphore, #tpu.memory_space<semaphore_mem>>
      %dma_start3A_83 = arith.constant 0 : i32
      %dma_start3A_84 = tpu.memref_slice %arg11[%add3A_35, %dma_start3A_83] : memref<10000x128xf32, #tpu.memory_space<vmem_shared>> -> memref<25x128xf32, #tpu.memory_space<vmem_shared>>
      %dma_start3A_85 = arith.constant 0 : i32
      %dma_start3A_86 = tpu.memref_slice %arg11[%add3A_35, %dma_start3A_85] : memref<10000x128xf32, #tpu.memory_space<vmem_shared>> -> memref<25x128xf32, #tpu.memory_space<vmem_shared>>
      tpu.enqueue_dma source(%arg10 : memref<25x128xf32, #tpu.memory_space<vmem>>) target(%dma_start3A_86 : memref<25x128xf32, #tpu.memory_space<vmem_shared>>) target_semaphore(%run_scoped3A : memref<!tpu.dma_semaphore, #tpu.memory_space<semaphore_mem>>)
      %dma_wait3A_87 = arith.constant 0 : i32
      %dma_wait3A_88 = tpu.memref_slice %arg11[%add3A_35, %dma_wait3A_87] : memref<10000x128xf32, #tpu.memory_space<vmem_shared>> -> memref<25x128xf32, #tpu.memory_space<vmem_shared>>
      %dma_wait3A_89 = arith.constant 0 : i32
      %dma_wait3A_90 = tpu.memref_slice %arg11[%add3A_35, %dma_wait3A_89] : memref<10000x128xf32, #tpu.memory_space<vmem_shared>> -> memref<25x128xf32, #tpu.memory_space<vmem_shared>>
      tpu.wait_dma2 semaphore(%run_scoped3A : memref<!tpu.dma_semaphore, #tpu.memory_space<semaphore_mem>>) src(%arg10 : memref<25x128xf32, #tpu.memory_space<vmem>>) dst(%dma_wait3A_90 : memref<25x128xf32, #tpu.memory_space<vmem_shared>>)
      tpu.yield
    }) : () -> ()
    %add3A_36 = arith.constant 325 : i32
    %add3A_37 = arith.addi %mul3A_2, %add3A_36 : i32
    "tpu.region"() ({
      %run_scoped3A = tpu.sem_alloc : memref<!tpu.dma_semaphore, #tpu.memory_space<semaphore_mem>>
      %dma_start3A_83 = arith.constant 0 : i32
      %dma_start3A_84 = tpu.memref_slice %arg11[%add3A_37, %dma_start3A_83] : memref<10000x128xf32, #tpu.memory_space<vmem_shared>> -> memref<25x128xf32, #tpu.memory_space<vmem_shared>>
      %dma_start3A_85 = arith.constant 0 : i32
      %dma_start3A_86 = tpu.memref_slice %arg11[%add3A_37, %dma_start3A_85] : memref<10000x128xf32, #tpu.memory_space<vmem_shared>> -> memref<25x128xf32, #tpu.memory_space<vmem_shared>>
      tpu.enqueue_dma source(%arg10 : memref<25x128xf32, #tpu.memory_space<vmem>>) target(%dma_start3A_86 : memref<25x128xf32, #tpu.memory_space<vmem_shared>>) target_semaphore(%run_scoped3A : memref<!tpu.dma_semaphore, #tpu.memory_space<semaphore_mem>>)
      %dma_wait3A_87 = arith.constant 0 : i32
      %dma_wait3A_88 = tpu.memref_slice %arg11[%add3A_37, %dma_wait3A_87] : memref<10000x128xf32, #tpu.memory_space<vmem_shared>> -> memref<25x128xf32, #tpu.memory_space<vmem_shared>>
      %dma_wait3A_89 = arith.constant 0 : i32
      %dma_wait3A_90 = tpu.memref_slice %arg11[%add3A_37, %dma_wait3A_89] : memref<10000x128xf32, #tpu.memory_space<vmem_shared>> -> memref<25x128xf32, #tpu.memory_space<vmem_shared>>
      tpu.wait_dma2 semaphore(%run_scoped3A : memref<!tpu.dma_semaphore, #tpu.memory_space<semaphore_mem>>) src(%arg10 : memref<25x128xf32, #tpu.memory_space<vmem>>) dst(%dma_wait3A_90 : memref<25x128xf32, #tpu.memory_space<vmem_shared>>)
      tpu.yield
    }) : () -> ()
    %add3A_38 = arith.constant 350 : i32
    %add3A_39 = arith.addi %mul3A_2, %add3A_38 : i32
    "tpu.region"() ({
      %run_scoped3A = tpu.sem_alloc : memref<!tpu.dma_semaphore, #tpu.memory_space<semaphore_mem>>
      %dma_start3A_83 = arith.constant 0 : i32
      %dma_start3A_84 = tpu.memref_slice %arg11[%add3A_39, %dma_start3A_83] : memref<10000x128xf32, #tpu.memory_space<vmem_shared>> -> memref<25x128xf32, #tpu.memory_space<vmem_shared>>
      %dma_start3A_85 = arith.constant 0 : i32
      %dma_start3A_86 = tpu.memref_slice %arg11[%add3A_39, %dma_start3A_85] : memref<10000x128xf32, #tpu.memory_space<vmem_shared>> -> memref<25x128xf32, #tpu.memory_space<vmem_shared>>
      tpu.enqueue_dma source(%arg10 : memref<25x128xf32, #tpu.memory_space<vmem>>) target(%dma_start3A_86 : memref<25x128xf32, #tpu.memory_space<vmem_shared>>) target_semaphore(%run_scoped3A : memref<!tpu.dma_semaphore, #tpu.memory_space<semaphore_mem>>)
      %dma_wait3A_87 = arith.constant 0 : i32
      %dma_wait3A_88 = tpu.memref_slice %arg11[%add3A_39, %dma_wait3A_87] : memref<10000x128xf32, #tpu.memory_space<vmem_shared>> -> memref<25x128xf32, #tpu.memory_space<vmem_shared>>
      %dma_wait3A_89 = arith.constant 0 : i32
      %dma_wait3A_90 = tpu.memref_slice %arg11[%add3A_39, %dma_wait3A_89] : memref<10000x128xf32, #tpu.memory_space<vmem_shared>> -> memref<25x128xf32, #tpu.memory_space<vmem_shared>>
      tpu.wait_dma2 semaphore(%run_scoped3A : memref<!tpu.dma_semaphore, #tpu.memory_space<semaphore_mem>>) src(%arg10 : memref<25x128xf32, #tpu.memory_space<vmem>>) dst(%dma_wait3A_90 : memref<25x128xf32, #tpu.memory_space<vmem_shared>>)
      tpu.yield
    }) : () -> ()
    %add3A_40 = arith.constant 375 : i32
    %add3A_41 = arith.addi %mul3A_2, %add3A_40 : i32
    "tpu.region"() ({
      %run_scoped3A = tpu.sem_alloc : memref<!tpu.dma_semaphore, #tpu.memory_space<semaphore_mem>>
      %dma_start3A_83 = arith.constant 0 : i32
      %dma_start3A_84 = tpu.memref_slice %arg11[%add3A_41, %dma_start3A_83] : memref<10000x128xf32, #tpu.memory_space<vmem_shared>> -> memref<25x128xf32, #tpu.memory_space<vmem_shared>>
      %dma_start3A_85 = arith.constant 0 : i32
      %dma_start3A_86 = tpu.memref_slice %arg11[%add3A_41, %dma_start3A_85] : memref<10000x128xf32, #tpu.memory_space<vmem_shared>> -> memref<25x128xf32, #tpu.memory_space<vmem_shared>>
      tpu.enqueue_dma source(%arg10 : memref<25x128xf32, #tpu.memory_space<vmem>>) target(%dma_start3A_86 : memref<25x128xf32, #tpu.memory_space<vmem_shared>>) target_semaphore(%run_scoped3A : memref<!tpu.dma_semaphore, #tpu.memory_space<semaphore_mem>>)
      %dma_wait3A_87 = arith.constant 0 : i32
      %dma_wait3A_88 = tpu.memref_slice %arg11[%add3A_41, %dma_wait3A_87] : memref<10000x128xf32, #tpu.memory_space<vmem_shared>> -> memref<25x128xf32, #tpu.memory_space<vmem_shared>>
      %dma_wait3A_89 = arith.constant 0 : i32
      %dma_wait3A_90 = tpu.memref_slice %arg11[%add3A_41, %dma_wait3A_89] : memref<10000x128xf32, #tpu.memory_space<vmem_shared>> -> memref<25x128xf32, #tpu.memory_space<vmem_shared>>
      tpu.wait_dma2 semaphore(%run_scoped3A : memref<!tpu.dma_semaphore, #tpu.memory_space<semaphore_mem>>) src(%arg10 : memref<25x128xf32, #tpu.memory_space<vmem>>) dst(%dma_wait3A_90 : memref<25x128xf32, #tpu.memory_space<vmem_shared>>)
      tpu.yield
    }) : () -> ()
    %add3A_42 = arith.constant 400 : i32
    %add3A_43 = arith.addi %mul3A_2, %add3A_42 : i32
    "tpu.region"() ({
      %run_scoped3A = tpu.sem_alloc : memref<!tpu.dma_semaphore, #tpu.memory_space<semaphore_mem>>
      %dma_start3A_83 = arith.constant 0 : i32
      %dma_start3A_84 = tpu.memref_slice %arg11[%add3A_43, %dma_start3A_83] : memref<10000x128xf32, #tpu.memory_space<vmem_shared>> -> memref<25x128xf32, #tpu.memory_space<vmem_shared>>
      %dma_start3A_85 = arith.constant 0 : i32
      %dma_start3A_86 = tpu.memref_slice %arg11[%add3A_43, %dma_start3A_85] : memref<10000x128xf32, #tpu.memory_space<vmem_shared>> -> memref<25x128xf32, #tpu.memory_space<vmem_shared>>
      tpu.enqueue_dma source(%arg10 : memref<25x128xf32, #tpu.memory_space<vmem>>) target(%dma_start3A_86 : memref<25x128xf32, #tpu.memory_space<vmem_shared>>) target_semaphore(%run_scoped3A : memref<!tpu.dma_semaphore, #tpu.memory_space<semaphore_mem>>)
      %dma_wait3A_87 = arith.constant 0 : i32
      %dma_wait3A_88 = tpu.memref_slice %arg11[%add3A_43, %dma_wait3A_87] : memref<10000x128xf32, #tpu.memory_space<vmem_shared>> -> memref<25x128xf32, #tpu.memory_space<vmem_shared>>
      %dma_wait3A_89 = arith.constant 0 : i32
      %dma_wait3A_90 = tpu.memref_slice %arg11[%add3A_43, %dma_wait3A_89] : memref<10000x128xf32, #tpu.memory_space<vmem_shared>> -> memref<25x128xf32, #tpu.memory_space<vmem_shared>>
      tpu.wait_dma2 semaphore(%run_scoped3A : memref<!tpu.dma_semaphore, #tpu.memory_space<semaphore_mem>>) src(%arg10 : memref<25x128xf32, #tpu.memory_space<vmem>>) dst(%dma_wait3A_90 : memref<25x128xf32, #tpu.memory_space<vmem_shared>>)
      tpu.yield
    }) : () -> ()
    %add3A_44 = arith.constant 425 : i32
    %add3A_45 = arith.addi %mul3A_2, %add3A_44 : i32
    "tpu.region"() ({
      %run_scoped3A = tpu.sem_alloc : memref<!tpu.dma_semaphore, #tpu.memory_space<semaphore_mem>>
      %dma_start3A_83 = arith.constant 0 : i32
      %dma_start3A_84 = tpu.memref_slice %arg11[%add3A_45, %dma_start3A_83] : memref<10000x128xf32, #tpu.memory_space<vmem_shared>> -> memref<25x128xf32, #tpu.memory_space<vmem_shared>>
      %dma_start3A_85 = arith.constant 0 : i32
      %dma_start3A_86 = tpu.memref_slice %arg11[%add3A_45, %dma_start3A_85] : memref<10000x128xf32, #tpu.memory_space<vmem_shared>> -> memref<25x128xf32, #tpu.memory_space<vmem_shared>>
      tpu.enqueue_dma source(%arg10 : memref<25x128xf32, #tpu.memory_space<vmem>>) target(%dma_start3A_86 : memref<25x128xf32, #tpu.memory_space<vmem_shared>>) target_semaphore(%run_scoped3A : memref<!tpu.dma_semaphore, #tpu.memory_space<semaphore_mem>>)
      %dma_wait3A_87 = arith.constant 0 : i32
      %dma_wait3A_88 = tpu.memref_slice %arg11[%add3A_45, %dma_wait3A_87] : memref<10000x128xf32, #tpu.memory_space<vmem_shared>> -> memref<25x128xf32, #tpu.memory_space<vmem_shared>>
      %dma_wait3A_89 = arith.constant 0 : i32
      %dma_wait3A_90 = tpu.memref_slice %arg11[%add3A_45, %dma_wait3A_89] : memref<10000x128xf32, #tpu.memory_space<vmem_shared>> -> memref<25x128xf32, #tpu.memory_space<vmem_shared>>
      tpu.wait_dma2 semaphore(%run_scoped3A : memref<!tpu.dma_semaphore, #tpu.memory_space<semaphore_mem>>) src(%arg10 : memref<25x128xf32, #tpu.memory_space<vmem>>) dst(%dma_wait3A_90 : memref<25x128xf32, #tpu.memory_space<vmem_shared>>)
      tpu.yield
    }) : () -> ()
    %add3A_46 = arith.constant 450 : i32
    %add3A_47 = arith.addi %mul3A_2, %add3A_46 : i32
    "tpu.region"() ({
      %run_scoped3A = tpu.sem_alloc : memref<!tpu.dma_semaphore, #tpu.memory_space<semaphore_mem>>
      %dma_start3A_83 = arith.constant 0 : i32
      %dma_start3A_84 = tpu.memref_slice %arg11[%add3A_47, %dma_start3A_83] : memref<10000x128xf32, #tpu.memory_space<vmem_shared>> -> memref<25x128xf32, #tpu.memory_space<vmem_shared>>
      %dma_start3A_85 = arith.constant 0 : i32
      %dma_start3A_86 = tpu.memref_slice %arg11[%add3A_47, %dma_start3A_85] : memref<10000x128xf32, #tpu.memory_space<vmem_shared>> -> memref<25x128xf32, #tpu.memory_space<vmem_shared>>
      tpu.enqueue_dma source(%arg10 : memref<25x128xf32, #tpu.memory_space<vmem>>) target(%dma_start3A_86 : memref<25x128xf32, #tpu.memory_space<vmem_shared>>) target_semaphore(%run_scoped3A : memref<!tpu.dma_semaphore, #tpu.memory_space<semaphore_mem>>)
      %dma_wait3A_87 = arith.constant 0 : i32
      %dma_wait3A_88 = tpu.memref_slice %arg11[%add3A_47, %dma_wait3A_87] : memref<10000x128xf32, #tpu.memory_space<vmem_shared>> -> memref<25x128xf32, #tpu.memory_space<vmem_shared>>
      %dma_wait3A_89 = arith.constant 0 : i32
      %dma_wait3A_90 = tpu.memref_slice %arg11[%add3A_47, %dma_wait3A_89] : memref<10000x128xf32, #tpu.memory_space<vmem_shared>> -> memref<25x128xf32, #tpu.memory_space<vmem_shared>>
      tpu.wait_dma2 semaphore(%run_scoped3A : memref<!tpu.dma_semaphore, #tpu.memory_space<semaphore_mem>>) src(%arg10 : memref<25x128xf32, #tpu.memory_space<vmem>>) dst(%dma_wait3A_90 : memref<25x128xf32, #tpu.memory_space<vmem_shared>>)
      tpu.yield
    }) : () -> ()
    %add3A_48 = arith.constant 475 : i32
    %add3A_49 = arith.addi %mul3A_2, %add3A_48 : i32
    "tpu.region"() ({
      %run_scoped3A = tpu.sem_alloc : memref<!tpu.dma_semaphore, #tpu.memory_space<semaphore_mem>>
      %dma_start3A_83 = arith.constant 0 : i32
      %dma_start3A_84 = tpu.memref_slice %arg11[%add3A_49, %dma_start3A_83] : memref<10000x128xf32, #tpu.memory_space<vmem_shared>> -> memref<25x128xf32, #tpu.memory_space<vmem_shared>>
      %dma_start3A_85 = arith.constant 0 : i32
      %dma_start3A_86 = tpu.memref_slice %arg11[%add3A_49, %dma_start3A_85] : memref<10000x128xf32, #tpu.memory_space<vmem_shared>> -> memref<25x128xf32, #tpu.memory_space<vmem_shared>>
      tpu.enqueue_dma source(%arg10 : memref<25x128xf32, #tpu.memory_space<vmem>>) target(%dma_start3A_86 : memref<25x128xf32, #tpu.memory_space<vmem_shared>>) target_semaphore(%run_scoped3A : memref<!tpu.dma_semaphore, #tpu.memory_space<semaphore_mem>>)
      %dma_wait3A_87 = arith.constant 0 : i32
      %dma_wait3A_88 = tpu.memref_slice %arg11[%add3A_49, %dma_wait3A_87] : memref<10000x128xf32, #tpu.memory_space<vmem_shared>> -> memref<25x128xf32, #tpu.memory_space<vmem_shared>>
      %dma_wait3A_89 = arith.constant 0 : i32
      %dma_wait3A_90 = tpu.memref_slice %arg11[%add3A_49, %dma_wait3A_89] : memref<10000x128xf32, #tpu.memory_space<vmem_shared>> -> memref<25x128xf32, #tpu.memory_space<vmem_shared>>
      tpu.wait_dma2 semaphore(%run_scoped3A : memref<!tpu.dma_semaphore, #tpu.memory_space<semaphore_mem>>) src(%arg10 : memref<25x128xf32, #tpu.memory_space<vmem>>) dst(%dma_wait3A_90 : memref<25x128xf32, #tpu.memory_space<vmem_shared>>)
      tpu.yield
    }) : () -> ()
    %add3A_50 = arith.constant 500 : i32
    %add3A_51 = arith.addi %mul3A_2, %add3A_50 : i32
    "tpu.region"() ({
      %run_scoped3A = tpu.sem_alloc : memref<!tpu.dma_semaphore, #tpu.memory_space<semaphore_mem>>
      %dma_start3A_83 = arith.constant 0 : i32
      %dma_start3A_84 = tpu.memref_slice %arg11[%add3A_51, %dma_start3A_83] : memref<10000x128xf32, #tpu.memory_space<vmem_shared>> -> memref<25x128xf32, #tpu.memory_space<vmem_shared>>
      %dma_start3A_85 = arith.constant 0 : i32
      %dma_start3A_86 = tpu.memref_slice %arg11[%add3A_51, %dma_start3A_85] : memref<10000x128xf32, #tpu.memory_space<vmem_shared>> -> memref<25x128xf32, #tpu.memory_space<vmem_shared>>
      tpu.enqueue_dma source(%arg10 : memref<25x128xf32, #tpu.memory_space<vmem>>) target(%dma_start3A_86 : memref<25x128xf32, #tpu.memory_space<vmem_shared>>) target_semaphore(%run_scoped3A : memref<!tpu.dma_semaphore, #tpu.memory_space<semaphore_mem>>)
      %dma_wait3A_87 = arith.constant 0 : i32
      %dma_wait3A_88 = tpu.memref_slice %arg11[%add3A_51, %dma_wait3A_87] : memref<10000x128xf32, #tpu.memory_space<vmem_shared>> -> memref<25x128xf32, #tpu.memory_space<vmem_shared>>
      %dma_wait3A_89 = arith.constant 0 : i32
      %dma_wait3A_90 = tpu.memref_slice %arg11[%add3A_51, %dma_wait3A_89] : memref<10000x128xf32, #tpu.memory_space<vmem_shared>> -> memref<25x128xf32, #tpu.memory_space<vmem_shared>>
      tpu.wait_dma2 semaphore(%run_scoped3A : memref<!tpu.dma_semaphore, #tpu.memory_space<semaphore_mem>>) src(%arg10 : memref<25x128xf32, #tpu.memory_space<vmem>>) dst(%dma_wait3A_90 : memref<25x128xf32, #tpu.memory_space<vmem_shared>>)
      tpu.yield
    }) : () -> ()
    %add3A_52 = arith.constant 525 : i32
    %add3A_53 = arith.addi %mul3A_2, %add3A_52 : i32
    "tpu.region"() ({
      %run_scoped3A = tpu.sem_alloc : memref<!tpu.dma_semaphore, #tpu.memory_space<semaphore_mem>>
      %dma_start3A_83 = arith.constant 0 : i32
      %dma_start3A_84 = tpu.memref_slice %arg11[%add3A_53, %dma_start3A_83] : memref<10000x128xf32, #tpu.memory_space<vmem_shared>> -> memref<25x128xf32, #tpu.memory_space<vmem_shared>>
      %dma_start3A_85 = arith.constant 0 : i32
      %dma_start3A_86 = tpu.memref_slice %arg11[%add3A_53, %dma_start3A_85] : memref<10000x128xf32, #tpu.memory_space<vmem_shared>> -> memref<25x128xf32, #tpu.memory_space<vmem_shared>>
      tpu.enqueue_dma source(%arg10 : memref<25x128xf32, #tpu.memory_space<vmem>>) target(%dma_start3A_86 : memref<25x128xf32, #tpu.memory_space<vmem_shared>>) target_semaphore(%run_scoped3A : memref<!tpu.dma_semaphore, #tpu.memory_space<semaphore_mem>>)
      %dma_wait3A_87 = arith.constant 0 : i32
      %dma_wait3A_88 = tpu.memref_slice %arg11[%add3A_53, %dma_wait3A_87] : memref<10000x128xf32, #tpu.memory_space<vmem_shared>> -> memref<25x128xf32, #tpu.memory_space<vmem_shared>>
      %dma_wait3A_89 = arith.constant 0 : i32
      %dma_wait3A_90 = tpu.memref_slice %arg11[%add3A_53, %dma_wait3A_89] : memref<10000x128xf32, #tpu.memory_space<vmem_shared>> -> memref<25x128xf32, #tpu.memory_space<vmem_shared>>
      tpu.wait_dma2 semaphore(%run_scoped3A : memref<!tpu.dma_semaphore, #tpu.memory_space<semaphore_mem>>) src(%arg10 : memref<25x128xf32, #tpu.memory_space<vmem>>) dst(%dma_wait3A_90 : memref<25x128xf32, #tpu.memory_space<vmem_shared>>)
      tpu.yield
    }) : () -> ()
    %add3A_54 = arith.constant 550 : i32
    %add3A_55 = arith.addi %mul3A_2, %add3A_54 : i32
    "tpu.region"() ({
      %run_scoped3A = tpu.sem_alloc : memref<!tpu.dma_semaphore, #tpu.memory_space<semaphore_mem>>
      %dma_start3A_83 = arith.constant 0 : i32
      %dma_start3A_84 = tpu.memref_slice %arg11[%add3A_55, %dma_start3A_83] : memref<10000x128xf32, #tpu.memory_space<vmem_shared>> -> memref<25x128xf32, #tpu.memory_space<vmem_shared>>
      %dma_start3A_85 = arith.constant 0 : i32
      %dma_start3A_86 = tpu.memref_slice %arg11[%add3A_55, %dma_start3A_85] : memref<10000x128xf32, #tpu.memory_space<vmem_shared>> -> memref<25x128xf32, #tpu.memory_space<vmem_shared>>
      tpu.enqueue_dma source(%arg10 : memref<25x128xf32, #tpu.memory_space<vmem>>) target(%dma_start3A_86 : memref<25x128xf32, #tpu.memory_space<vmem_shared>>) target_semaphore(%run_scoped3A : memref<!tpu.dma_semaphore, #tpu.memory_space<semaphore_mem>>)
      %dma_wait3A_87 = arith.constant 0 : i32
      %dma_wait3A_88 = tpu.memref_slice %arg11[%add3A_55, %dma_wait3A_87] : memref<10000x128xf32, #tpu.memory_space<vmem_shared>> -> memref<25x128xf32, #tpu.memory_space<vmem_shared>>
      %dma_wait3A_89 = arith.constant 0 : i32
      %dma_wait3A_90 = tpu.memref_slice %arg11[%add3A_55, %dma_wait3A_89] : memref<10000x128xf32, #tpu.memory_space<vmem_shared>> -> memref<25x128xf32, #tpu.memory_space<vmem_shared>>
      tpu.wait_dma2 semaphore(%run_scoped3A : memref<!tpu.dma_semaphore, #tpu.memory_space<semaphore_mem>>) src(%arg10 : memref<25x128xf32, #tpu.memory_space<vmem>>) dst(%dma_wait3A_90 : memref<25x128xf32, #tpu.memory_space<vmem_shared>>)
      tpu.yield
    }) : () -> ()
    %add3A_56 = arith.constant 575 : i32
    %add3A_57 = arith.addi %mul3A_2, %add3A_56 : i32
    "tpu.region"() ({
      %run_scoped3A = tpu.sem_alloc : memref<!tpu.dma_semaphore, #tpu.memory_space<semaphore_mem>>
      %dma_start3A_83 = arith.constant 0 : i32
      %dma_start3A_84 = tpu.memref_slice %arg11[%add3A_57, %dma_start3A_83] : memref<10000x128xf32, #tpu.memory_space<vmem_shared>> -> memref<25x128xf32, #tpu.memory_space<vmem_shared>>
      %dma_start3A_85 = arith.constant 0 : i32
      %dma_start3A_86 = tpu.memref_slice %arg11[%add3A_57, %dma_start3A_85] : memref<10000x128xf32, #tpu.memory_space<vmem_shared>> -> memref<25x128xf32, #tpu.memory_space<vmem_shared>>
      tpu.enqueue_dma source(%arg10 : memref<25x128xf32, #tpu.memory_space<vmem>>) target(%dma_start3A_86 : memref<25x128xf32, #tpu.memory_space<vmem_shared>>) target_semaphore(%run_scoped3A : memref<!tpu.dma_semaphore, #tpu.memory_space<semaphore_mem>>)
      %dma_wait3A_87 = arith.constant 0 : i32
      %dma_wait3A_88 = tpu.memref_slice %arg11[%add3A_57, %dma_wait3A_87] : memref<10000x128xf32, #tpu.memory_space<vmem_shared>> -> memref<25x128xf32, #tpu.memory_space<vmem_shared>>
      %dma_wait3A_89 = arith.constant 0 : i32
      %dma_wait3A_90 = tpu.memref_slice %arg11[%add3A_57, %dma_wait3A_89] : memref<10000x128xf32, #tpu.memory_space<vmem_shared>> -> memref<25x128xf32, #tpu.memory_space<vmem_shared>>
      tpu.wait_dma2 semaphore(%run_scoped3A : memref<!tpu.dma_semaphore, #tpu.memory_space<semaphore_mem>>) src(%arg10 : memref<25x128xf32, #tpu.memory_space<vmem>>) dst(%dma_wait3A_90 : memref<25x128xf32, #tpu.memory_space<vmem_shared>>)
      tpu.yield
    }) : () -> ()
    %add3A_58 = arith.constant 600 : i32
    %add3A_59 = arith.addi %mul3A_2, %add3A_58 : i32
    "tpu.region"() ({
      %run_scoped3A = tpu.sem_alloc : memref<!tpu.dma_semaphore, #tpu.memory_space<semaphore_mem>>
      %dma_start3A_83 = arith.constant 0 : i32
      %dma_start3A_84 = tpu.memref_slice %arg11[%add3A_59, %dma_start3A_83] : memref<10000x128xf32, #tpu.memory_space<vmem_shared>> -> memref<25x128xf32, #tpu.memory_space<vmem_shared>>
      %dma_start3A_85 = arith.constant 0 : i32
      %dma_start3A_86 = tpu.memref_slice %arg11[%add3A_59, %dma_start3A_85] : memref<10000x128xf32, #tpu.memory_space<vmem_shared>> -> memref<25x128xf32, #tpu.memory_space<vmem_shared>>
      tpu.enqueue_dma source(%arg10 : memref<25x128xf32, #tpu.memory_space<vmem>>) target(%dma_start3A_86 : memref<25x128xf32, #tpu.memory_space<vmem_shared>>) target_semaphore(%run_scoped3A : memref<!tpu.dma_semaphore, #tpu.memory_space<semaphore_mem>>)
      %dma_wait3A_87 = arith.constant 0 : i32
      %dma_wait3A_88 = tpu.memref_slice %arg11[%add3A_59, %dma_wait3A_87] : memref<10000x128xf32, #tpu.memory_space<vmem_shared>> -> memref<25x128xf32, #tpu.memory_space<vmem_shared>>
      %dma_wait3A_89 = arith.constant 0 : i32
      %dma_wait3A_90 = tpu.memref_slice %arg11[%add3A_59, %dma_wait3A_89] : memref<10000x128xf32, #tpu.memory_space<vmem_shared>> -> memref<25x128xf32, #tpu.memory_space<vmem_shared>>
      tpu.wait_dma2 semaphore(%run_scoped3A : memref<!tpu.dma_semaphore, #tpu.memory_space<semaphore_mem>>) src(%arg10 : memref<25x128xf32, #tpu.memory_space<vmem>>) dst(%dma_wait3A_90 : memref<25x128xf32, #tpu.memory_space<vmem_shared>>)
      tpu.yield
    }) : () -> ()
    %mul3A_60 = arith.constant 10000 : i32
    %mul3A_61 = arith.muli %add3A, %mul3A_60 : i32
    %multiple_of3A = tpu.assume_multiple %mul3A_61, 8 : i32
    "tpu.region"() ({
      %run_scoped3A = tpu.sem_alloc : memref<!tpu.dma_semaphore, #tpu.memory_space<semaphore_mem>>
      %dma_start3A_83 = tpu.memref_slice %arg3[%multiple_of3A] : memref<320000xi32, #tpu.memory_space<hbm>> -> memref<10000xi32, #tpu.memory_space<hbm>>
      %dma_start3A_84 = tpu.memref_slice %arg3[%multiple_of3A] : memref<320000xi32, #tpu.memory_space<hbm>> -> memref<10000xi32, #tpu.memory_space<hbm>>
      tpu.enqueue_dma source(%dma_start3A_84 : memref<10000xi32, #tpu.memory_space<hbm>>) target(%arg6 : memref<10000xi32, #tpu.memory_space<vmem>>) target_semaphore(%run_scoped3A : memref<!tpu.dma_semaphore, #tpu.memory_space<semaphore_mem>>)
      %dma_wait3A_85 = tpu.memref_slice %arg3[%multiple_of3A] : memref<320000xi32, #tpu.memory_space<hbm>> -> memref<10000xi32, #tpu.memory_space<hbm>>
      %dma_wait3A_86 = tpu.memref_slice %arg3[%multiple_of3A] : memref<320000xi32, #tpu.memory_space<hbm>> -> memref<10000xi32, #tpu.memory_space<hbm>>
      tpu.wait_dma2 semaphore(%run_scoped3A : memref<!tpu.dma_semaphore, #tpu.memory_space<semaphore_mem>>) src(%dma_wait3A_86 : memref<10000xi32, #tpu.memory_space<hbm>>) dst(%arg6 : memref<10000xi32, #tpu.memory_space<vmem>>)
      tpu.yield
    }) : () -> ()
    "tpu.region"() ({
      %run_scoped3A = tpu.sem_alloc : memref<!tpu.dma_semaphore, #tpu.memory_space<semaphore_mem>>
      %dma_start3A_83 = tpu.memref_slice %arg4[%multiple_of3A] : memref<320000xi32, #tpu.memory_space<hbm>> -> memref<10000xi32, #tpu.memory_space<hbm>>
      %dma_start3A_84 = tpu.memref_slice %arg4[%multiple_of3A] : memref<320000xi32, #tpu.memory_space<hbm>> -> memref<10000xi32, #tpu.memory_space<hbm>>
      tpu.enqueue_dma source(%dma_start3A_84 : memref<10000xi32, #tpu.memory_space<hbm>>) target(%arg7 : memref<10000xi32, #tpu.memory_space<vmem>>) target_semaphore(%run_scoped3A : memref<!tpu.dma_semaphore, #tpu.memory_space<semaphore_mem>>)
      %dma_wait3A_85 = tpu.memref_slice %arg4[%multiple_of3A] : memref<320000xi32, #tpu.memory_space<hbm>> -> memref<10000xi32, #tpu.memory_space<hbm>>
      %dma_wait3A_86 = tpu.memref_slice %arg4[%multiple_of3A] : memref<320000xi32, #tpu.memory_space<hbm>> -> memref<10000xi32, #tpu.memory_space<hbm>>
      tpu.wait_dma2 semaphore(%run_scoped3A : memref<!tpu.dma_semaphore, #tpu.memory_space<semaphore_mem>>) src(%dma_wait3A_86 : memref<10000xi32, #tpu.memory_space<hbm>>) dst(%arg7 : memref<10000xi32, #tpu.memory_space<vmem>>)
      tpu.yield
    }) : () -> ()
    %barrier3A = arith.constant 0 : index
    tpu.barrier barrier_id(%barrier3A)
    %dma_start3A = arith.constant 0 : i32
    %dma_start3A_62 = tpu.memref_slice %arg6[%dma_start3A] : memref<10000xi32, #tpu.memory_space<vmem>> -> memref<80xi32, #tpu.memory_space<vmem>>
    %dma_start3A_63 = arith.constant 0 : i32
    %dma_start3A_64 = arith.constant 0 : i32
    %dma_start3A_65 = tpu.memref_slice %arg2[%dma_start3A_63, %dma_start3A_64] : memref<10000x128xf32, #tpu.memory_space<hbm>> -> memref<10000x128xf32, #tpu.memory_space<hbm>>
    tpu.enqueue_indirect_dma source(%dma_start3A_65 : memref<10000x128xf32, #tpu.memory_space<hbm>>) target(%arg8 : memref<80x128xf32, #tpu.memory_space<vmem>>) offsets(%dma_start3A_62 : memref<80xi32, #tpu.memory_space<vmem>>) semaphore(%arg12 : memref<!tpu.dma_semaphore, #tpu.memory_space<semaphore_mem>>)
    %dma_start3A_66 = arith.constant 80 : i32
    %dma_start3A_67 = tpu.memref_slice %arg6[%dma_start3A_66] : memref<10000xi32, #tpu.memory_space<vmem>> -> memref<80xi32, #tpu.memory_space<vmem>>
    %dma_start3A_68 = arith.constant 0 : i32
    %dma_start3A_69 = arith.constant 0 : i32
    %dma_start3A_70 = tpu.memref_slice %arg2[%dma_start3A_68, %dma_start3A_69] : memref<10000x128xf32, #tpu.memory_space<hbm>> -> memref<10000x128xf32, #tpu.memory_space<hbm>>
    tpu.enqueue_indirect_dma source(%dma_start3A_70 : memref<10000x128xf32, #tpu.memory_space<hbm>>) target(%arg9 : memref<80x128xf32, #tpu.memory_space<vmem>>) offsets(%dma_start3A_67 : memref<80xi32, #tpu.memory_space<vmem>>) semaphore(%arg13 : memref<!tpu.dma_semaphore, #tpu.memory_space<semaphore_mem>>)
    %scan3A_71 = arith.constant 0 : i32
    %scan3A_72 = arith.constant 0 : i32
    %scan3A_73 = arith.constant 62 : i32
    %scan3A_74 = arith.addi %scan3A_72, %scan3A_73 : i32
    %scan3A_75 = arith.constant 1 : i32
    %scan3A_76 = scf.for %scan3A_83 = %scan3A_72 to %scan3A_74 step %scan3A_75 iter_args(%scan3A_84 = %scan3A_71) -> (i32)  : i32 {
      %mul3A_85 = arith.constant 2 : i32
      %mul3A_86 = arith.muli %scan3A_83, %mul3A_85 : i32
      %add3A_87 = arith.constant 0 : i32
      %add3A_88 = arith.addi %mul3A_86, %add3A_87 : i32
      %dma_wait3A_89 = arith.constant 0 : i32
      %dma_wait3A_90 = tpu.memref_slice %arg6[%dma_wait3A_89] : memref<10000xi32, #tpu.memory_space<vmem>> -> memref<80xi32, #tpu.memory_space<vmem>>
      %dma_wait3A_91 = arith.constant 0 : i32
      %dma_wait3A_92 = arith.constant 0 : i32
      %dma_wait3A_93 = tpu.memref_slice %arg2[%dma_wait3A_91, %dma_wait3A_92] : memref<10000x128xf32, #tpu.memory_space<hbm>> -> memref<10000x128xf32, #tpu.memory_space<hbm>>
      tpu.wait_indirect_dma semaphore(%arg12 : memref<!tpu.dma_semaphore, #tpu.memory_space<semaphore_mem>>) src(%dma_wait3A_93 : memref<10000x128xf32, #tpu.memory_space<hbm>>) dst(%arg8 : memref<80x128xf32, #tpu.memory_space<vmem>>)
      %mul3A_94 = arith.constant 80 : i32
      %mul3A_95 = arith.muli %add3A_88, %mul3A_94 : i32
      %dma_start3A_96 = tpu.memref_slice %arg7[%mul3A_95] : memref<10000xi32, #tpu.memory_space<vmem>> -> memref<80xi32, #tpu.memory_space<vmem>>
      %dma_start3A_97 = arith.constant 0 : i32
      %dma_start3A_98 = arith.constant 0 : i32
      %dma_start3A_99 = tpu.memref_slice %arg11[%dma_start3A_97, %dma_start3A_98] : memref<10000x128xf32, #tpu.memory_space<vmem_shared>> -> memref<10000x128xf32, #tpu.memory_space<vmem_shared>>
      tpu.enqueue_indirect_dma source(%arg8 : memref<80x128xf32, #tpu.memory_space<vmem>>) target(%dma_start3A_99 : memref<10000x128xf32, #tpu.memory_space<vmem_shared>>) offsets(%dma_start3A_96 : memref<80xi32, #tpu.memory_space<vmem>>) semaphore(%arg14 : memref<!tpu.dma_semaphore, #tpu.memory_space<semaphore_mem>>) {add = true}
      %mul3A_100 = arith.constant 2 : i32
      %mul3A_101 = arith.muli %scan3A_83, %mul3A_100 : i32
      %add3A_102 = arith.constant 1 : i32
      %add3A_103 = arith.addi %mul3A_101, %add3A_102 : i32
      %dma_wait3A_104 = arith.constant 0 : i32
      %dma_wait3A_105 = tpu.memref_slice %arg6[%dma_wait3A_104] : memref<10000xi32, #tpu.memory_space<vmem>> -> memref<80xi32, #tpu.memory_space<vmem>>
      %dma_wait3A_106 = arith.constant 0 : i32
      %dma_wait3A_107 = arith.constant 0 : i32
      %dma_wait3A_108 = tpu.memref_slice %arg2[%dma_wait3A_106, %dma_wait3A_107] : memref<10000x128xf32, #tpu.memory_space<hbm>> -> memref<10000x128xf32, #tpu.memory_space<hbm>>
      tpu.wait_indirect_dma semaphore(%arg13 : memref<!tpu.dma_semaphore, #tpu.memory_space<semaphore_mem>>) src(%dma_wait3A_108 : memref<10000x128xf32, #tpu.memory_space<hbm>>) dst(%arg9 : memref<80x128xf32, #tpu.memory_space<vmem>>)
      %mul3A_109 = arith.constant 80 : i32
      %mul3A_110 = arith.muli %add3A_103, %mul3A_109 : i32
      %dma_start3A_111 = tpu.memref_slice %arg7[%mul3A_110] : memref<10000xi32, #tpu.memory_space<vmem>> -> memref<80xi32, #tpu.memory_space<vmem>>
      %dma_start3A_112 = arith.constant 0 : i32
      %dma_start3A_113 = arith.constant 0 : i32
      %dma_start3A_114 = tpu.memref_slice %arg11[%dma_start3A_112, %dma_start3A_113] : memref<10000x128xf32, #tpu.memory_space<vmem_shared>> -> memref<10000x128xf32, #tpu.memory_space<vmem_shared>>
      tpu.enqueue_indirect_dma source(%arg9 : memref<80x128xf32, #tpu.memory_space<vmem>>) target(%dma_start3A_114 : memref<10000x128xf32, #tpu.memory_space<vmem_shared>>) offsets(%dma_start3A_111 : memref<80xi32, #tpu.memory_space<vmem>>) semaphore(%arg15 : memref<!tpu.dma_semaphore, #tpu.memory_space<semaphore_mem>>) {add = true}
      %mul3A_115 = arith.constant 2 : i32
      %mul3A_116 = arith.muli %scan3A_83, %mul3A_115 : i32
      %add3A_117 = arith.constant 0 : i32
      %add3A_118 = arith.addi %mul3A_116, %add3A_117 : i32
      %add3A_119 = arith.constant 2 : i32
      %add3A_120 = arith.addi %add3A_118, %add3A_119 : i32
      %dma_wait3A_121 = arith.constant 0 : i32
      %dma_wait3A_122 = tpu.memref_slice %arg7[%dma_wait3A_121] : memref<10000xi32, #tpu.memory_space<vmem>> -> memref<80xi32, #tpu.memory_space<vmem>>
      %dma_wait3A_123 = arith.constant 0 : i32
      %dma_wait3A_124 = arith.constant 0 : i32
      %dma_wait3A_125 = tpu.memref_slice %arg11[%dma_wait3A_123, %dma_wait3A_124] : memref<10000x128xf32, #tpu.memory_space<vmem_shared>> -> memref<10000x128xf32, #tpu.memory_space<vmem_shared>>
      tpu.wait_indirect_dma semaphore(%arg14 : memref<!tpu.dma_semaphore, #tpu.memory_space<semaphore_mem>>) src(%arg8 : memref<80x128xf32, #tpu.memory_space<vmem>>) dst(%dma_wait3A_125 : memref<10000x128xf32, #tpu.memory_space<vmem_shared>>)
      %lt3A = arith.constant 125 : i32
      %lt3A_126 = arith.cmpi slt, %add3A_120, %lt3A : i32
      %convert_element_type3A = arith.extui %lt3A_126 : i1 to i32
      %cond3A = arith.constant 0 : i32
      %cond3A_127 = arith.cmpi ne, %convert_element_type3A, %cond3A : i32
      scf.if %cond3A_127 {
        %mul3A_145 = arith.constant 80 : i32
        %mul3A_146 = arith.muli %add3A_120, %mul3A_145 : i32
        %dma_start3A_147 = tpu.memref_slice %arg6[%mul3A_146] : memref<10000xi32, #tpu.memory_space<vmem>> -> memref<80xi32, #tpu.memory_space<vmem>>
        %dma_start3A_148 = arith.constant 0 : i32
        %dma_start3A_149 = arith.constant 0 : i32
        %dma_start3A_150 = tpu.memref_slice %arg2[%dma_start3A_148, %dma_start3A_149] : memref<10000x128xf32, #tpu.memory_space<hbm>> -> memref<10000x128xf32, #tpu.memory_space<hbm>>
        tpu.enqueue_indirect_dma source(%dma_start3A_150 : memref<10000x128xf32, #tpu.memory_space<hbm>>) target(%arg8 : memref<80x128xf32, #tpu.memory_space<vmem>>) offsets(%dma_start3A_147 : memref<80xi32, #tpu.memory_space<vmem>>) semaphore(%arg12 : memref<!tpu.dma_semaphore, #tpu.memory_space<semaphore_mem>>)
      } else {
      }
      %mul3A_128 = arith.constant 2 : i32
      %mul3A_129 = arith.muli %scan3A_83, %mul3A_128 : i32
      %add3A_130 = arith.constant 1 : i32
      %add3A_131 = arith.addi %mul3A_129, %add3A_130 : i32
      %add3A_132 = arith.constant 2 : i32
      %add3A_133 = arith.addi %add3A_131, %add3A_132 : i32
      %dma_wait3A_134 = arith.constant 0 : i32
      %dma_wait3A_135 = tpu.memref_slice %arg7[%dma_wait3A_134] : memref<10000xi32, #tpu.memory_space<vmem>> -> memref<80xi32, #tpu.memory_space<vmem>>
      %dma_wait3A_136 = arith.constant 0 : i32
      %dma_wait3A_137 = arith.constant 0 : i32
      %dma_wait3A_138 = tpu.memref_slice %arg11[%dma_wait3A_136, %dma_wait3A_137] : memref<10000x128xf32, #tpu.memory_space<vmem_shared>> -> memref<10000x128xf32, #tpu.memory_space<vmem_shared>>
      tpu.wait_indirect_dma semaphore(%arg15 : memref<!tpu.dma_semaphore, #tpu.memory_space<semaphore_mem>>) src(%arg9 : memref<80x128xf32, #tpu.memory_space<vmem>>) dst(%dma_wait3A_138 : memref<10000x128xf32, #tpu.memory_space<vmem_shared>>)
      %lt3A_139 = arith.constant 125 : i32
      %lt3A_140 = arith.cmpi slt, %add3A_133, %lt3A_139 : i32
      %convert_element_type3A_141 = arith.extui %lt3A_140 : i1 to i32
      %cond3A_142 = arith.constant 0 : i32
      %cond3A_143 = arith.cmpi ne, %convert_element_type3A_141, %cond3A_142 : i32
      scf.if %cond3A_143 {
        %mul3A_145 = arith.constant 80 : i32
        %mul3A_146 = arith.muli %add3A_133, %mul3A_145 : i32
        %dma_start3A_147 = tpu.memref_slice %arg6[%mul3A_146] : memref<10000xi32, #tpu.memory_space<vmem>> -> memref<80xi32, #tpu.memory_space<vmem>>
        %dma_start3A_148 = arith.constant 0 : i32
        %dma_start3A_149 = arith.constant 0 : i32
        %dma_start3A_150 = tpu.memref_slice %arg2[%dma_start3A_148, %dma_start3A_149] : memref<10000x128xf32, #tpu.memory_space<hbm>> -> memref<10000x128xf32, #tpu.memory_space<hbm>>
        tpu.enqueue_indirect_dma source(%dma_start3A_150 : memref<10000x128xf32, #tpu.memory_space<hbm>>) target(%arg9 : memref<80x128xf32, #tpu.memory_space<vmem>>) offsets(%dma_start3A_147 : memref<80xi32, #tpu.memory_space<vmem>>) semaphore(%arg13 : memref<!tpu.dma_semaphore, #tpu.memory_space<semaphore_mem>>)
      } else {
      }
      %scan3A_144 = arith.constant 0 : i32
      scf.yield %scan3A_144 : i32
    }
    %scan3A_77 = arith.constant 62 : i32
    %dma_wait3A = arith.constant 0 : i32
    %dma_wait3A_78 = tpu.memref_slice %arg6[%dma_wait3A] : memref<10000xi32, #tpu.memory_space<vmem>> -> memref<80xi32, #tpu.memory_space<vmem>>
    %dma_wait3A_79 = arith.constant 0 : i32
    %dma_wait3A_80 = arith.constant 0 : i32
    %dma_wait3A_81 = tpu.memref_slice %arg2[%dma_wait3A_79, %dma_wait3A_80] : memref<10000x128xf32, #tpu.memory_space<hbm>> -> memref<10000x128xf32, #tpu.memory_space<hbm>>
    tpu.wait_indirect_dma semaphore(%arg12 : memref<!tpu.dma_semaphore, #tpu.memory_space<semaphore_mem>>) src(%dma_wait3A_81 : memref<10000x128xf32, #tpu.memory_space<hbm>>) dst(%arg8 : memref<80x128xf32, #tpu.memory_space<vmem>>)
    "tpu.region"() ({
      %run_scoped3A = tpu.sem_alloc : memref<!tpu.dma_semaphore, #tpu.memory_space<semaphore_mem>>
      %dma_start3A_83 = arith.constant 9920 : i32
      %dma_start3A_84 = tpu.memref_slice %arg7[%dma_start3A_83] : memref<10000xi32, #tpu.memory_space<vmem>> -> memref<80xi32, #tpu.memory_space<vmem>>
      %dma_start3A_85 = arith.constant 0 : i32
      %dma_start3A_86 = arith.constant 0 : i32
      %dma_start3A_87 = tpu.memref_slice %arg11[%dma_start3A_85, %dma_start3A_86] : memref<10000x128xf32, #tpu.memory_space<vmem_shared>> -> memref<10000x128xf32, #tpu.memory_space<vmem_shared>>
      tpu.enqueue_indirect_dma source(%arg8 : memref<80x128xf32, #tpu.memory_space<vmem>>) target(%dma_start3A_87 : memref<10000x128xf32, #tpu.memory_space<vmem_shared>>) offsets(%dma_start3A_84 : memref<80xi32, #tpu.memory_space<vmem>>) semaphore(%run_scoped3A : memref<!tpu.dma_semaphore, #tpu.memory_space<semaphore_mem>>) {add = true}
      %dma_wait3A_88 = arith.constant 9920 : i32
      %dma_wait3A_89 = tpu.memref_slice %arg7[%dma_wait3A_88] : memref<10000xi32, #tpu.memory_space<vmem>> -> memref<80xi32, #tpu.memory_space<vmem>>
      %dma_wait3A_90 = arith.constant 0 : i32
      %dma_wait3A_91 = arith.constant 0 : i32
      %dma_wait3A_92 = tpu.memref_slice %arg11[%dma_wait3A_90, %dma_wait3A_91] : memref<10000x128xf32, #tpu.memory_space<vmem_shared>> -> memref<10000x128xf32, #tpu.memory_space<vmem_shared>>
      tpu.wait_indirect_dma semaphore(%run_scoped3A : memref<!tpu.dma_semaphore, #tpu.memory_space<semaphore_mem>>) src(%arg8 : memref<80x128xf32, #tpu.memory_space<vmem>>) dst(%dma_wait3A_92 : memref<10000x128xf32, #tpu.memory_space<vmem_shared>>)
      tpu.yield
    }) : () -> ()
    %barrier3A_82 = arith.constant 0 : index
    tpu.barrier barrier_id(%barrier3A_82)
    "tpu.region"() ({
      %run_scoped3A = tpu.sem_alloc : memref<!tpu.dma_semaphore, #tpu.memory_space<semaphore_mem>>
      %dma_start3A_83 = arith.constant 0 : i32
      %dma_start3A_84 = arith.constant 0 : i32
      %dma_start3A_85 = tpu.memref_slice %arg5[%arg0, %arg1, %dma_start3A_83, %dma_start3A_84] : memref<2x16x625x128xf32, #tpu.memory_space<hbm>> -> memref<1x1x625x128xf32, #tpu.memory_space<hbm>>
      %dma_start3A_86 = tpu.memref_squeeze %dma_start3A_85 : memref<1x1x625x128xf32, #tpu.memory_space<hbm>> -> memref<625x128xf32, #tpu.memory_space<hbm>>
      %dma_start3A_87 = arith.constant 0 : i32
      %dma_start3A_88 = tpu.memref_slice %arg11[%mul3A_2, %dma_start3A_87] : memref<10000x128xf32, #tpu.memory_space<vmem_shared>> -> memref<625x128xf32, #tpu.memory_space<vmem_shared>>
      tpu.enqueue_dma source(%dma_start3A_88 : memref<625x128xf32, #tpu.memory_space<vmem_shared>>) target(%dma_start3A_86 : memref<625x128xf32, #tpu.memory_space<hbm>>) target_semaphore(%run_scoped3A : memref<!tpu.dma_semaphore, #tpu.memory_space<semaphore_mem>>)
      %dma_wait3A_89 = arith.constant 0 : i32
      %dma_wait3A_90 = arith.constant 0 : i32
      %dma_wait3A_91 = tpu.memref_slice %arg5[%arg0, %arg1, %dma_wait3A_89, %dma_wait3A_90] : memref<2x16x625x128xf32, #tpu.memory_space<hbm>> -> memref<1x1x625x128xf32, #tpu.memory_space<hbm>>
      %dma_wait3A_92 = tpu.memref_squeeze %dma_wait3A_91 : memref<1x1x625x128xf32, #tpu.memory_space<hbm>> -> memref<625x128xf32, #tpu.memory_space<hbm>>
      %dma_wait3A_93 = arith.constant 0 : i32
      %dma_wait3A_94 = tpu.memref_slice %arg11[%mul3A_2, %dma_wait3A_93] : memref<10000x128xf32, #tpu.memory_space<vmem_shared>> -> memref<625x128xf32, #tpu.memory_space<vmem_shared>>
      tpu.wait_dma2 semaphore(%run_scoped3A : memref<!tpu.dma_semaphore, #tpu.memory_space<semaphore_mem>>) src(%dma_wait3A_94 : memref<625x128xf32, #tpu.memory_space<vmem_shared>>) dst(%dma_wait3A_92 : memref<625x128xf32, #tpu.memory_space<hbm>>)
      tpu.yield
    }) : () -> ()
    return
  }
}

#map = affine_map<(d0, d1) -> (0, 0)>
#map1 = affine_map<(d0, d1) -> (0)>
#map2 = affine_map<(d0, d1) -> (0, 0, 0, 0)>
module attributes {stable_mosaic.version = 14 : i64} {
  func.func @_sc_agg_body(%arg0: i32, %arg1: i32, %arg2: memref<10000x128xf32, #tpu.memory_space<hbm>>, %arg3: memref<320000xi32, #tpu.memory_space<hbm>>, %arg4: memref<320000xi32, #tpu.memory_space<hbm>>, %arg5: memref<2x16x625x128xf32, #tpu.memory_space<hbm>>, %arg6: memref<10000xi32, #tpu.memory_space<vmem>>, %arg7: memref<10000xi32, #tpu.memory_space<vmem>>, %arg8: memref<80x128xf32, #tpu.memory_space<vmem>>, %arg9: memref<80x128xf32, #tpu.memory_space<vmem>>, %arg10: memref<25x128xf32, #tpu.memory_space<vmem>>, %arg11: memref<10000x128xf32, #tpu.memory_space<vmem_shared>>, %arg12: memref<!tpu.dma_semaphore, #tpu.memory_space<semaphore_mem>>, %arg13: memref<!tpu.dma_semaphore, #tpu.memory_space<semaphore_mem>>, %arg14: memref<!tpu.dma_semaphore, #tpu.memory_space<semaphore_mem>>, %arg15: memref<!tpu.dma_semaphore, #tpu.memory_space<semaphore_mem>>) attributes {dimension_semantics = [#tpu.dimension_semantics<core_parallel>, #tpu.dimension_semantics<subcore_parallel>], iteration_bounds = array<i64: 2, 16>, scalar_prefetch = 0 : i64, scratch_operands = 10 : i64, tpu.core_type = #tpu.core_type<sc_vector_subcore>, window_params = [{transform_indices = #map}, {transform_indices = #map1}, {transform_indices = #map1}, {transform_indices = #map2}]} {
    %mul3A = arith.constant 16 : i32
    %mul3A_0 = arith.muli %arg0, %mul3A : i32
    %add3A = arith.addi %mul3A_0, %arg1 : i32
    %mul3A_1 = arith.constant 625 : i32
    %mul3A_2 = arith.muli %arg1, %mul3A_1 : i32
    %broadcast_in_dim3A = arith.constant 0.000000e+00 : f32
    %broadcast_in_dim3A_3 = vector.broadcast %broadcast_in_dim3A : f32 to vector<16xf32>
    %scan3A = arith.constant 0 : i32
    %scan3A_4 = arith.constant 0 : i32
    %scan3A_5 = arith.constant 25 : i32
    %scan3A_6 = arith.addi %scan3A_4, %scan3A_5 : i32
    %scan3A_7 = arith.constant 1 : i32
    %scan3A_8 = scf.for %scan3A_83 = %scan3A_4 to %scan3A_6 step %scan3A_7 iter_args(%scan3A_84 = %scan3A) -> (i32)  : i32 {
      %scan3A_85 = arith.constant 0 : i32
      %scan3A_86 = arith.constant 0 : i32
      %scan3A_87 = arith.constant 8 : i32
      %scan3A_88 = arith.addi %scan3A_86, %scan3A_87 : i32
      %scan3A_89 = arith.constant 1 : i32
      %scan3A_90 = scf.for %scan3A_92 = %scan3A_86 to %scan3A_88 step %scan3A_89 iter_args(%scan3A_93 = %scan3A_85) -> (i32)  : i32 {
        %mul3A_94 = arith.constant 16 : i32
        %mul3A_95 = arith.muli %scan3A_92, %mul3A_94 : i32
        %swap3A = arith.index_cast %scan3A_83 : i32 to index
        %swap3A_96 = arith.index_cast %mul3A_95 : i32 to index
        %swap3A_97 = tpu.vector_load %arg10[%swap3A, %swap3A_96] {strides = array<i32>} : memref<25x128xf32, #tpu.memory_space<vmem>>, vector<1x16xf32>,
        %swap3A_98 = vector.shape_cast %swap3A_97 : vector<1x16xf32> to vector<16xf32>
        %swap3A_99 = vector.shape_cast %broadcast_in_dim3A_3 : vector<16xf32> to vector<1x16xf32>
        tpu.vector_store %arg10[%swap3A, %swap3A_96], %swap3A_99 {strides = array<i32>} : memref<25x128xf32, #tpu.memory_space<vmem>>, vector<1x16xf32>,
        %scan3A_100 = arith.constant 0 : i32
        scf.yield %scan3A_100 : i32
      }
      %scan3A_91 = arith.constant 8 : i32
      scf.yield %scan3A_90 : i32
    }
    %scan3A_9 = arith.constant 25 : i32
    %add3A_10 = arith.constant 0 : i32
    %add3A_11 = arith.addi %mul3A_2, %add3A_10 : i32
    "tpu.region"() ({
      %run_scoped3A = tpu.sem_alloc : memref<!tpu.dma_semaphore, #tpu.memory_space<semaphore_mem>>
      %dma_start3A_83 = arith.constant 0 : i32
      %dma_start3A_84 = tpu.memref_slice %arg11[%add3A_11, %dma_start3A_83] : memref<10000x128xf32, #tpu.memory_space<vmem_shared>> -> memref<25x128xf32, #tpu.memory_space<vmem_shared>>
      %dma_start3A_85 = arith.constant 0 : i32
      %dma_start3A_86 = tpu.memref_slice %arg11[%add3A_11, %dma_start3A_85] : memref<10000x128xf32, #tpu.memory_space<vmem_shared>> -> memref<25x128xf32, #tpu.memory_space<vmem_shared>>
      tpu.enqueue_dma source(%arg10 : memref<25x128xf32, #tpu.memory_space<vmem>>) target(%dma_start3A_86 : memref<25x128xf32, #tpu.memory_space<vmem_shared>>) target_semaphore(%run_scoped3A : memref<!tpu.dma_semaphore, #tpu.memory_space<semaphore_mem>>)
      %dma_wait3A_87 = arith.constant 0 : i32
      %dma_wait3A_88 = tpu.memref_slice %arg11[%add3A_11, %dma_wait3A_87] : memref<10000x128xf32, #tpu.memory_space<vmem_shared>> -> memref<25x128xf32, #tpu.memory_space<vmem_shared>>
      %dma_wait3A_89 = arith.constant 0 : i32
      %dma_wait3A_90 = tpu.memref_slice %arg11[%add3A_11, %dma_wait3A_89] : memref<10000x128xf32, #tpu.memory_space<vmem_shared>> -> memref<25x128xf32, #tpu.memory_space<vmem_shared>>
      tpu.wait_dma2 semaphore(%run_scoped3A : memref<!tpu.dma_semaphore, #tpu.memory_space<semaphore_mem>>) src(%arg10 : memref<25x128xf32, #tpu.memory_space<vmem>>) dst(%dma_wait3A_90 : memref<25x128xf32, #tpu.memory_space<vmem_shared>>)
      tpu.yield
    }) : () -> ()
    %add3A_12 = arith.constant 25 : i32
    %add3A_13 = arith.addi %mul3A_2, %add3A_12 : i32
    "tpu.region"() ({
      %run_scoped3A = tpu.sem_alloc : memref<!tpu.dma_semaphore, #tpu.memory_space<semaphore_mem>>
      %dma_start3A_83 = arith.constant 0 : i32
      %dma_start3A_84 = tpu.memref_slice %arg11[%add3A_13, %dma_start3A_83] : memref<10000x128xf32, #tpu.memory_space<vmem_shared>> -> memref<25x128xf32, #tpu.memory_space<vmem_shared>>
      %dma_start3A_85 = arith.constant 0 : i32
      %dma_start3A_86 = tpu.memref_slice %arg11[%add3A_13, %dma_start3A_85] : memref<10000x128xf32, #tpu.memory_space<vmem_shared>> -> memref<25x128xf32, #tpu.memory_space<vmem_shared>>
      tpu.enqueue_dma source(%arg10 : memref<25x128xf32, #tpu.memory_space<vmem>>) target(%dma_start3A_86 : memref<25x128xf32, #tpu.memory_space<vmem_shared>>) target_semaphore(%run_scoped3A : memref<!tpu.dma_semaphore, #tpu.memory_space<semaphore_mem>>)
      %dma_wait3A_87 = arith.constant 0 : i32
      %dma_wait3A_88 = tpu.memref_slice %arg11[%add3A_13, %dma_wait3A_87] : memref<10000x128xf32, #tpu.memory_space<vmem_shared>> -> memref<25x128xf32, #tpu.memory_space<vmem_shared>>
      %dma_wait3A_89 = arith.constant 0 : i32
      %dma_wait3A_90 = tpu.memref_slice %arg11[%add3A_13, %dma_wait3A_89] : memref<10000x128xf32, #tpu.memory_space<vmem_shared>> -> memref<25x128xf32, #tpu.memory_space<vmem_shared>>
      tpu.wait_dma2 semaphore(%run_scoped3A : memref<!tpu.dma_semaphore, #tpu.memory_space<semaphore_mem>>) src(%arg10 : memref<25x128xf32, #tpu.memory_space<vmem>>) dst(%dma_wait3A_90 : memref<25x128xf32, #tpu.memory_space<vmem_shared>>)
      tpu.yield
    }) : () -> ()
    %add3A_14 = arith.constant 50 : i32
    %add3A_15 = arith.addi %mul3A_2, %add3A_14 : i32
    "tpu.region"() ({
      %run_scoped3A = tpu.sem_alloc : memref<!tpu.dma_semaphore, #tpu.memory_space<semaphore_mem>>
      %dma_start3A_83 = arith.constant 0 : i32
      %dma_start3A_84 = tpu.memref_slice %arg11[%add3A_15, %dma_start3A_83] : memref<10000x128xf32, #tpu.memory_space<vmem_shared>> -> memref<25x128xf32, #tpu.memory_space<vmem_shared>>
      %dma_start3A_85 = arith.constant 0 : i32
      %dma_start3A_86 = tpu.memref_slice %arg11[%add3A_15, %dma_start3A_85] : memref<10000x128xf32, #tpu.memory_space<vmem_shared>> -> memref<25x128xf32, #tpu.memory_space<vmem_shared>>
      tpu.enqueue_dma source(%arg10 : memref<25x128xf32, #tpu.memory_space<vmem>>) target(%dma_start3A_86 : memref<25x128xf32, #tpu.memory_space<vmem_shared>>) target_semaphore(%run_scoped3A : memref<!tpu.dma_semaphore, #tpu.memory_space<semaphore_mem>>)
      %dma_wait3A_87 = arith.constant 0 : i32
      %dma_wait3A_88 = tpu.memref_slice %arg11[%add3A_15, %dma_wait3A_87] : memref<10000x128xf32, #tpu.memory_space<vmem_shared>> -> memref<25x128xf32, #tpu.memory_space<vmem_shared>>
      %dma_wait3A_89 = arith.constant 0 : i32
      %dma_wait3A_90 = tpu.memref_slice %arg11[%add3A_15, %dma_wait3A_89] : memref<10000x128xf32, #tpu.memory_space<vmem_shared>> -> memref<25x128xf32, #tpu.memory_space<vmem_shared>>
      tpu.wait_dma2 semaphore(%run_scoped3A : memref<!tpu.dma_semaphore, #tpu.memory_space<semaphore_mem>>) src(%arg10 : memref<25x128xf32, #tpu.memory_space<vmem>>) dst(%dma_wait3A_90 : memref<25x128xf32, #tpu.memory_space<vmem_shared>>)
      tpu.yield
    }) : () -> ()
    %add3A_16 = arith.constant 75 : i32
    %add3A_17 = arith.addi %mul3A_2, %add3A_16 : i32
    "tpu.region"() ({
      %run_scoped3A = tpu.sem_alloc : memref<!tpu.dma_semaphore, #tpu.memory_space<semaphore_mem>>
      %dma_start3A_83 = arith.constant 0 : i32
      %dma_start3A_84 = tpu.memref_slice %arg11[%add3A_17, %dma_start3A_83] : memref<10000x128xf32, #tpu.memory_space<vmem_shared>> -> memref<25x128xf32, #tpu.memory_space<vmem_shared>>
      %dma_start3A_85 = arith.constant 0 : i32
      %dma_start3A_86 = tpu.memref_slice %arg11[%add3A_17, %dma_start3A_85] : memref<10000x128xf32, #tpu.memory_space<vmem_shared>> -> memref<25x128xf32, #tpu.memory_space<vmem_shared>>
      tpu.enqueue_dma source(%arg10 : memref<25x128xf32, #tpu.memory_space<vmem>>) target(%dma_start3A_86 : memref<25x128xf32, #tpu.memory_space<vmem_shared>>) target_semaphore(%run_scoped3A : memref<!tpu.dma_semaphore, #tpu.memory_space<semaphore_mem>>)
      %dma_wait3A_87 = arith.constant 0 : i32
      %dma_wait3A_88 = tpu.memref_slice %arg11[%add3A_17, %dma_wait3A_87] : memref<10000x128xf32, #tpu.memory_space<vmem_shared>> -> memref<25x128xf32, #tpu.memory_space<vmem_shared>>
      %dma_wait3A_89 = arith.constant 0 : i32
      %dma_wait3A_90 = tpu.memref_slice %arg11[%add3A_17, %dma_wait3A_89] : memref<10000x128xf32, #tpu.memory_space<vmem_shared>> -> memref<25x128xf32, #tpu.memory_space<vmem_shared>>
      tpu.wait_dma2 semaphore(%run_scoped3A : memref<!tpu.dma_semaphore, #tpu.memory_space<semaphore_mem>>) src(%arg10 : memref<25x128xf32, #tpu.memory_space<vmem>>) dst(%dma_wait3A_90 : memref<25x128xf32, #tpu.memory_space<vmem_shared>>)
      tpu.yield
    }) : () -> ()
    %add3A_18 = arith.constant 100 : i32
    %add3A_19 = arith.addi %mul3A_2, %add3A_18 : i32
    "tpu.region"() ({
      %run_scoped3A = tpu.sem_alloc : memref<!tpu.dma_semaphore, #tpu.memory_space<semaphore_mem>>
      %dma_start3A_83 = arith.constant 0 : i32
      %dma_start3A_84 = tpu.memref_slice %arg11[%add3A_19, %dma_start3A_83] : memref<10000x128xf32, #tpu.memory_space<vmem_shared>> -> memref<25x128xf32, #tpu.memory_space<vmem_shared>>
      %dma_start3A_85 = arith.constant 0 : i32
      %dma_start3A_86 = tpu.memref_slice %arg11[%add3A_19, %dma_start3A_85] : memref<10000x128xf32, #tpu.memory_space<vmem_shared>> -> memref<25x128xf32, #tpu.memory_space<vmem_shared>>
      tpu.enqueue_dma source(%arg10 : memref<25x128xf32, #tpu.memory_space<vmem>>) target(%dma_start3A_86 : memref<25x128xf32, #tpu.memory_space<vmem_shared>>) target_semaphore(%run_scoped3A : memref<!tpu.dma_semaphore, #tpu.memory_space<semaphore_mem>>)
      %dma_wait3A_87 = arith.constant 0 : i32
      %dma_wait3A_88 = tpu.memref_slice %arg11[%add3A_19, %dma_wait3A_87] : memref<10000x128xf32, #tpu.memory_space<vmem_shared>> -> memref<25x128xf32, #tpu.memory_space<vmem_shared>>
      %dma_wait3A_89 = arith.constant 0 : i32
      %dma_wait3A_90 = tpu.memref_slice %arg11[%add3A_19, %dma_wait3A_89] : memref<10000x128xf32, #tpu.memory_space<vmem_shared>> -> memref<25x128xf32, #tpu.memory_space<vmem_shared>>
      tpu.wait_dma2 semaphore(%run_scoped3A : memref<!tpu.dma_semaphore, #tpu.memory_space<semaphore_mem>>) src(%arg10 : memref<25x128xf32, #tpu.memory_space<vmem>>) dst(%dma_wait3A_90 : memref<25x128xf32, #tpu.memory_space<vmem_shared>>)
      tpu.yield
    }) : () -> ()
    %add3A_20 = arith.constant 125 : i32
    %add3A_21 = arith.addi %mul3A_2, %add3A_20 : i32
    "tpu.region"() ({
      %run_scoped3A = tpu.sem_alloc : memref<!tpu.dma_semaphore, #tpu.memory_space<semaphore_mem>>
      %dma_start3A_83 = arith.constant 0 : i32
      %dma_start3A_84 = tpu.memref_slice %arg11[%add3A_21, %dma_start3A_83] : memref<10000x128xf32, #tpu.memory_space<vmem_shared>> -> memref<25x128xf32, #tpu.memory_space<vmem_shared>>
      %dma_start3A_85 = arith.constant 0 : i32
      %dma_start3A_86 = tpu.memref_slice %arg11[%add3A_21, %dma_start3A_85] : memref<10000x128xf32, #tpu.memory_space<vmem_shared>> -> memref<25x128xf32, #tpu.memory_space<vmem_shared>>
      tpu.enqueue_dma source(%arg10 : memref<25x128xf32, #tpu.memory_space<vmem>>) target(%dma_start3A_86 : memref<25x128xf32, #tpu.memory_space<vmem_shared>>) target_semaphore(%run_scoped3A : memref<!tpu.dma_semaphore, #tpu.memory_space<semaphore_mem>>)
      %dma_wait3A_87 = arith.constant 0 : i32
      %dma_wait3A_88 = tpu.memref_slice %arg11[%add3A_21, %dma_wait3A_87] : memref<10000x128xf32, #tpu.memory_space<vmem_shared>> -> memref<25x128xf32, #tpu.memory_space<vmem_shared>>
      %dma_wait3A_89 = arith.constant 0 : i32
      %dma_wait3A_90 = tpu.memref_slice %arg11[%add3A_21, %dma_wait3A_89] : memref<10000x128xf32, #tpu.memory_space<vmem_shared>> -> memref<25x128xf32, #tpu.memory_space<vmem_shared>>
      tpu.wait_dma2 semaphore(%run_scoped3A : memref<!tpu.dma_semaphore, #tpu.memory_space<semaphore_mem>>) src(%arg10 : memref<25x128xf32, #tpu.memory_space<vmem>>) dst(%dma_wait3A_90 : memref<25x128xf32, #tpu.memory_space<vmem_shared>>)
      tpu.yield
    }) : () -> ()
    %add3A_22 = arith.constant 150 : i32
    %add3A_23 = arith.addi %mul3A_2, %add3A_22 : i32
    "tpu.region"() ({
      %run_scoped3A = tpu.sem_alloc : memref<!tpu.dma_semaphore, #tpu.memory_space<semaphore_mem>>
      %dma_start3A_83 = arith.constant 0 : i32
      %dma_start3A_84 = tpu.memref_slice %arg11[%add3A_23, %dma_start3A_83] : memref<10000x128xf32, #tpu.memory_space<vmem_shared>> -> memref<25x128xf32, #tpu.memory_space<vmem_shared>>
      %dma_start3A_85 = arith.constant 0 : i32
      %dma_start3A_86 = tpu.memref_slice %arg11[%add3A_23, %dma_start3A_85] : memref<10000x128xf32, #tpu.memory_space<vmem_shared>> -> memref<25x128xf32, #tpu.memory_space<vmem_shared>>
      tpu.enqueue_dma source(%arg10 : memref<25x128xf32, #tpu.memory_space<vmem>>) target(%dma_start3A_86 : memref<25x128xf32, #tpu.memory_space<vmem_shared>>) target_semaphore(%run_scoped3A : memref<!tpu.dma_semaphore, #tpu.memory_space<semaphore_mem>>)
      %dma_wait3A_87 = arith.constant 0 : i32
      %dma_wait3A_88 = tpu.memref_slice %arg11[%add3A_23, %dma_wait3A_87] : memref<10000x128xf32, #tpu.memory_space<vmem_shared>> -> memref<25x128xf32, #tpu.memory_space<vmem_shared>>
      %dma_wait3A_89 = arith.constant 0 : i32
      %dma_wait3A_90 = tpu.memref_slice %arg11[%add3A_23, %dma_wait3A_89] : memref<10000x128xf32, #tpu.memory_space<vmem_shared>> -> memref<25x128xf32, #tpu.memory_space<vmem_shared>>
      tpu.wait_dma2 semaphore(%run_scoped3A : memref<!tpu.dma_semaphore, #tpu.memory_space<semaphore_mem>>) src(%arg10 : memref<25x128xf32, #tpu.memory_space<vmem>>) dst(%dma_wait3A_90 : memref<25x128xf32, #tpu.memory_space<vmem_shared>>)
      tpu.yield
    }) : () -> ()
    %add3A_24 = arith.constant 175 : i32
    %add3A_25 = arith.addi %mul3A_2, %add3A_24 : i32
    "tpu.region"() ({
      %run_scoped3A = tpu.sem_alloc : memref<!tpu.dma_semaphore, #tpu.memory_space<semaphore_mem>>
      %dma_start3A_83 = arith.constant 0 : i32
      %dma_start3A_84 = tpu.memref_slice %arg11[%add3A_25, %dma_start3A_83] : memref<10000x128xf32, #tpu.memory_space<vmem_shared>> -> memref<25x128xf32, #tpu.memory_space<vmem_shared>>
      %dma_start3A_85 = arith.constant 0 : i32
      %dma_start3A_86 = tpu.memref_slice %arg11[%add3A_25, %dma_start3A_85] : memref<10000x128xf32, #tpu.memory_space<vmem_shared>> -> memref<25x128xf32, #tpu.memory_space<vmem_shared>>
      tpu.enqueue_dma source(%arg10 : memref<25x128xf32, #tpu.memory_space<vmem>>) target(%dma_start3A_86 : memref<25x128xf32, #tpu.memory_space<vmem_shared>>) target_semaphore(%run_scoped3A : memref<!tpu.dma_semaphore, #tpu.memory_space<semaphore_mem>>)
      %dma_wait3A_87 = arith.constant 0 : i32
      %dma_wait3A_88 = tpu.memref_slice %arg11[%add3A_25, %dma_wait3A_87] : memref<10000x128xf32, #tpu.memory_space<vmem_shared>> -> memref<25x128xf32, #tpu.memory_space<vmem_shared>>
      %dma_wait3A_89 = arith.constant 0 : i32
      %dma_wait3A_90 = tpu.memref_slice %arg11[%add3A_25, %dma_wait3A_89] : memref<10000x128xf32, #tpu.memory_space<vmem_shared>> -> memref<25x128xf32, #tpu.memory_space<vmem_shared>>
      tpu.wait_dma2 semaphore(%run_scoped3A : memref<!tpu.dma_semaphore, #tpu.memory_space<semaphore_mem>>) src(%arg10 : memref<25x128xf32, #tpu.memory_space<vmem>>) dst(%dma_wait3A_90 : memref<25x128xf32, #tpu.memory_space<vmem_shared>>)
      tpu.yield
    }) : () -> ()
    %add3A_26 = arith.constant 200 : i32
    %add3A_27 = arith.addi %mul3A_2, %add3A_26 : i32
    "tpu.region"() ({
      %run_scoped3A = tpu.sem_alloc : memref<!tpu.dma_semaphore, #tpu.memory_space<semaphore_mem>>
      %dma_start3A_83 = arith.constant 0 : i32
      %dma_start3A_84 = tpu.memref_slice %arg11[%add3A_27, %dma_start3A_83] : memref<10000x128xf32, #tpu.memory_space<vmem_shared>> -> memref<25x128xf32, #tpu.memory_space<vmem_shared>>
      %dma_start3A_85 = arith.constant 0 : i32
      %dma_start3A_86 = tpu.memref_slice %arg11[%add3A_27, %dma_start3A_85] : memref<10000x128xf32, #tpu.memory_space<vmem_shared>> -> memref<25x128xf32, #tpu.memory_space<vmem_shared>>
      tpu.enqueue_dma source(%arg10 : memref<25x128xf32, #tpu.memory_space<vmem>>) target(%dma_start3A_86 : memref<25x128xf32, #tpu.memory_space<vmem_shared>>) target_semaphore(%run_scoped3A : memref<!tpu.dma_semaphore, #tpu.memory_space<semaphore_mem>>)
      %dma_wait3A_87 = arith.constant 0 : i32
      %dma_wait3A_88 = tpu.memref_slice %arg11[%add3A_27, %dma_wait3A_87] : memref<10000x128xf32, #tpu.memory_space<vmem_shared>> -> memref<25x128xf32, #tpu.memory_space<vmem_shared>>
      %dma_wait3A_89 = arith.constant 0 : i32
      %dma_wait3A_90 = tpu.memref_slice %arg11[%add3A_27, %dma_wait3A_89] : memref<10000x128xf32, #tpu.memory_space<vmem_shared>> -> memref<25x128xf32, #tpu.memory_space<vmem_shared>>
      tpu.wait_dma2 semaphore(%run_scoped3A : memref<!tpu.dma_semaphore, #tpu.memory_space<semaphore_mem>>) src(%arg10 : memref<25x128xf32, #tpu.memory_space<vmem>>) dst(%dma_wait3A_90 : memref<25x128xf32, #tpu.memory_space<vmem_shared>>)
      tpu.yield
    }) : () -> ()
    %add3A_28 = arith.constant 225 : i32
    %add3A_29 = arith.addi %mul3A_2, %add3A_28 : i32
    "tpu.region"() ({
      %run_scoped3A = tpu.sem_alloc : memref<!tpu.dma_semaphore, #tpu.memory_space<semaphore_mem>>
      %dma_start3A_83 = arith.constant 0 : i32
      %dma_start3A_84 = tpu.memref_slice %arg11[%add3A_29, %dma_start3A_83] : memref<10000x128xf32, #tpu.memory_space<vmem_shared>> -> memref<25x128xf32, #tpu.memory_space<vmem_shared>>
      %dma_start3A_85 = arith.constant 0 : i32
      %dma_start3A_86 = tpu.memref_slice %arg11[%add3A_29, %dma_start3A_85] : memref<10000x128xf32, #tpu.memory_space<vmem_shared>> -> memref<25x128xf32, #tpu.memory_space<vmem_shared>>
      tpu.enqueue_dma source(%arg10 : memref<25x128xf32, #tpu.memory_space<vmem>>) target(%dma_start3A_86 : memref<25x128xf32, #tpu.memory_space<vmem_shared>>) target_semaphore(%run_scoped3A : memref<!tpu.dma_semaphore, #tpu.memory_space<semaphore_mem>>)
      %dma_wait3A_87 = arith.constant 0 : i32
      %dma_wait3A_88 = tpu.memref_slice %arg11[%add3A_29, %dma_wait3A_87] : memref<10000x128xf32, #tpu.memory_space<vmem_shared>> -> memref<25x128xf32, #tpu.memory_space<vmem_shared>>
      %dma_wait3A_89 = arith.constant 0 : i32
      %dma_wait3A_90 = tpu.memref_slice %arg11[%add3A_29, %dma_wait3A_89] : memref<10000x128xf32, #tpu.memory_space<vmem_shared>> -> memref<25x128xf32, #tpu.memory_space<vmem_shared>>
      tpu.wait_dma2 semaphore(%run_scoped3A : memref<!tpu.dma_semaphore, #tpu.memory_space<semaphore_mem>>) src(%arg10 : memref<25x128xf32, #tpu.memory_space<vmem>>) dst(%dma_wait3A_90 : memref<25x128xf32, #tpu.memory_space<vmem_shared>>)
      tpu.yield
    }) : () -> ()
    %add3A_30 = arith.constant 250 : i32
    %add3A_31 = arith.addi %mul3A_2, %add3A_30 : i32
    "tpu.region"() ({
      %run_scoped3A = tpu.sem_alloc : memref<!tpu.dma_semaphore, #tpu.memory_space<semaphore_mem>>
      %dma_start3A_83 = arith.constant 0 : i32
      %dma_start3A_84 = tpu.memref_slice %arg11[%add3A_31, %dma_start3A_83] : memref<10000x128xf32, #tpu.memory_space<vmem_shared>> -> memref<25x128xf32, #tpu.memory_space<vmem_shared>>
      %dma_start3A_85 = arith.constant 0 : i32
      %dma_start3A_86 = tpu.memref_slice %arg11[%add3A_31, %dma_start3A_85] : memref<10000x128xf32, #tpu.memory_space<vmem_shared>> -> memref<25x128xf32, #tpu.memory_space<vmem_shared>>
      tpu.enqueue_dma source(%arg10 : memref<25x128xf32, #tpu.memory_space<vmem>>) target(%dma_start3A_86 : memref<25x128xf32, #tpu.memory_space<vmem_shared>>) target_semaphore(%run_scoped3A : memref<!tpu.dma_semaphore, #tpu.memory_space<semaphore_mem>>)
      %dma_wait3A_87 = arith.constant 0 : i32
      %dma_wait3A_88 = tpu.memref_slice %arg11[%add3A_31, %dma_wait3A_87] : memref<10000x128xf32, #tpu.memory_space<vmem_shared>> -> memref<25x128xf32, #tpu.memory_space<vmem_shared>>
      %dma_wait3A_89 = arith.constant 0 : i32
      %dma_wait3A_90 = tpu.memref_slice %arg11[%add3A_31, %dma_wait3A_89] : memref<10000x128xf32, #tpu.memory_space<vmem_shared>> -> memref<25x128xf32, #tpu.memory_space<vmem_shared>>
      tpu.wait_dma2 semaphore(%run_scoped3A : memref<!tpu.dma_semaphore, #tpu.memory_space<semaphore_mem>>) src(%arg10 : memref<25x128xf32, #tpu.memory_space<vmem>>) dst(%dma_wait3A_90 : memref<25x128xf32, #tpu.memory_space<vmem_shared>>)
      tpu.yield
    }) : () -> ()
    %add3A_32 = arith.constant 275 : i32
    %add3A_33 = arith.addi %mul3A_2, %add3A_32 : i32
    "tpu.region"() ({
      %run_scoped3A = tpu.sem_alloc : memref<!tpu.dma_semaphore, #tpu.memory_space<semaphore_mem>>
      %dma_start3A_83 = arith.constant 0 : i32
      %dma_start3A_84 = tpu.memref_slice %arg11[%add3A_33, %dma_start3A_83] : memref<10000x128xf32, #tpu.memory_space<vmem_shared>> -> memref<25x128xf32, #tpu.memory_space<vmem_shared>>
      %dma_start3A_85 = arith.constant 0 : i32
      %dma_start3A_86 = tpu.memref_slice %arg11[%add3A_33, %dma_start3A_85] : memref<10000x128xf32, #tpu.memory_space<vmem_shared>> -> memref<25x128xf32, #tpu.memory_space<vmem_shared>>
      tpu.enqueue_dma source(%arg10 : memref<25x128xf32, #tpu.memory_space<vmem>>) target(%dma_start3A_86 : memref<25x128xf32, #tpu.memory_space<vmem_shared>>) target_semaphore(%run_scoped3A : memref<!tpu.dma_semaphore, #tpu.memory_space<semaphore_mem>>)
      %dma_wait3A_87 = arith.constant 0 : i32
      %dma_wait3A_88 = tpu.memref_slice %arg11[%add3A_33, %dma_wait3A_87] : memref<10000x128xf32, #tpu.memory_space<vmem_shared>> -> memref<25x128xf32, #tpu.memory_space<vmem_shared>>
      %dma_wait3A_89 = arith.constant 0 : i32
      %dma_wait3A_90 = tpu.memref_slice %arg11[%add3A_33, %dma_wait3A_89] : memref<10000x128xf32, #tpu.memory_space<vmem_shared>> -> memref<25x128xf32, #tpu.memory_space<vmem_shared>>
      tpu.wait_dma2 semaphore(%run_scoped3A : memref<!tpu.dma_semaphore, #tpu.memory_space<semaphore_mem>>) src(%arg10 : memref<25x128xf32, #tpu.memory_space<vmem>>) dst(%dma_wait3A_90 : memref<25x128xf32, #tpu.memory_space<vmem_shared>>)
      tpu.yield
    }) : () -> ()
    %add3A_34 = arith.constant 300 : i32
    %add3A_35 = arith.addi %mul3A_2, %add3A_34 : i32
    "tpu.region"() ({
      %run_scoped3A = tpu.sem_alloc : memref<!tpu.dma_semaphore, #tpu.memory_space<semaphore_mem>>
      %dma_start3A_83 = arith.constant 0 : i32
      %dma_start3A_84 = tpu.memref_slice %arg11[%add3A_35, %dma_start3A_83] : memref<10000x128xf32, #tpu.memory_space<vmem_shared>> -> memref<25x128xf32, #tpu.memory_space<vmem_shared>>
      %dma_start3A_85 = arith.constant 0 : i32
      %dma_start3A_86 = tpu.memref_slice %arg11[%add3A_35, %dma_start3A_85] : memref<10000x128xf32, #tpu.memory_space<vmem_shared>> -> memref<25x128xf32, #tpu.memory_space<vmem_shared>>
      tpu.enqueue_dma source(%arg10 : memref<25x128xf32, #tpu.memory_space<vmem>>) target(%dma_start3A_86 : memref<25x128xf32, #tpu.memory_space<vmem_shared>>) target_semaphore(%run_scoped3A : memref<!tpu.dma_semaphore, #tpu.memory_space<semaphore_mem>>)
      %dma_wait3A_87 = arith.constant 0 : i32
      %dma_wait3A_88 = tpu.memref_slice %arg11[%add3A_35, %dma_wait3A_87] : memref<10000x128xf32, #tpu.memory_space<vmem_shared>> -> memref<25x128xf32, #tpu.memory_space<vmem_shared>>
      %dma_wait3A_89 = arith.constant 0 : i32
      %dma_wait3A_90 = tpu.memref_slice %arg11[%add3A_35, %dma_wait3A_89] : memref<10000x128xf32, #tpu.memory_space<vmem_shared>> -> memref<25x128xf32, #tpu.memory_space<vmem_shared>>
      tpu.wait_dma2 semaphore(%run_scoped3A : memref<!tpu.dma_semaphore, #tpu.memory_space<semaphore_mem>>) src(%arg10 : memref<25x128xf32, #tpu.memory_space<vmem>>) dst(%dma_wait3A_90 : memref<25x128xf32, #tpu.memory_space<vmem_shared>>)
      tpu.yield
    }) : () -> ()
    %add3A_36 = arith.constant 325 : i32
    %add3A_37 = arith.addi %mul3A_2, %add3A_36 : i32
    "tpu.region"() ({
      %run_scoped3A = tpu.sem_alloc : memref<!tpu.dma_semaphore, #tpu.memory_space<semaphore_mem>>
      %dma_start3A_83 = arith.constant 0 : i32
      %dma_start3A_84 = tpu.memref_slice %arg11[%add3A_37, %dma_start3A_83] : memref<10000x128xf32, #tpu.memory_space<vmem_shared>> -> memref<25x128xf32, #tpu.memory_space<vmem_shared>>
      %dma_start3A_85 = arith.constant 0 : i32
      %dma_start3A_86 = tpu.memref_slice %arg11[%add3A_37, %dma_start3A_85] : memref<10000x128xf32, #tpu.memory_space<vmem_shared>> -> memref<25x128xf32, #tpu.memory_space<vmem_shared>>
      tpu.enqueue_dma source(%arg10 : memref<25x128xf32, #tpu.memory_space<vmem>>) target(%dma_start3A_86 : memref<25x128xf32, #tpu.memory_space<vmem_shared>>) target_semaphore(%run_scoped3A : memref<!tpu.dma_semaphore, #tpu.memory_space<semaphore_mem>>)
      %dma_wait3A_87 = arith.constant 0 : i32
      %dma_wait3A_88 = tpu.memref_slice %arg11[%add3A_37, %dma_wait3A_87] : memref<10000x128xf32, #tpu.memory_space<vmem_shared>> -> memref<25x128xf32, #tpu.memory_space<vmem_shared>>
      %dma_wait3A_89 = arith.constant 0 : i32
      %dma_wait3A_90 = tpu.memref_slice %arg11[%add3A_37, %dma_wait3A_89] : memref<10000x128xf32, #tpu.memory_space<vmem_shared>> -> memref<25x128xf32, #tpu.memory_space<vmem_shared>>
      tpu.wait_dma2 semaphore(%run_scoped3A : memref<!tpu.dma_semaphore, #tpu.memory_space<semaphore_mem>>) src(%arg10 : memref<25x128xf32, #tpu.memory_space<vmem>>) dst(%dma_wait3A_90 : memref<25x128xf32, #tpu.memory_space<vmem_shared>>)
      tpu.yield
    }) : () -> ()
    %add3A_38 = arith.constant 350 : i32
    %add3A_39 = arith.addi %mul3A_2, %add3A_38 : i32
    "tpu.region"() ({
      %run_scoped3A = tpu.sem_alloc : memref<!tpu.dma_semaphore, #tpu.memory_space<semaphore_mem>>
      %dma_start3A_83 = arith.constant 0 : i32
      %dma_start3A_84 = tpu.memref_slice %arg11[%add3A_39, %dma_start3A_83] : memref<10000x128xf32, #tpu.memory_space<vmem_shared>> -> memref<25x128xf32, #tpu.memory_space<vmem_shared>>
      %dma_start3A_85 = arith.constant 0 : i32
      %dma_start3A_86 = tpu.memref_slice %arg11[%add3A_39, %dma_start3A_85] : memref<10000x128xf32, #tpu.memory_space<vmem_shared>> -> memref<25x128xf32, #tpu.memory_space<vmem_shared>>
      tpu.enqueue_dma source(%arg10 : memref<25x128xf32, #tpu.memory_space<vmem>>) target(%dma_start3A_86 : memref<25x128xf32, #tpu.memory_space<vmem_shared>>) target_semaphore(%run_scoped3A : memref<!tpu.dma_semaphore, #tpu.memory_space<semaphore_mem>>)
      %dma_wait3A_87 = arith.constant 0 : i32
      %dma_wait3A_88 = tpu.memref_slice %arg11[%add3A_39, %dma_wait3A_87] : memref<10000x128xf32, #tpu.memory_space<vmem_shared>> -> memref<25x128xf32, #tpu.memory_space<vmem_shared>>
      %dma_wait3A_89 = arith.constant 0 : i32
      %dma_wait3A_90 = tpu.memref_slice %arg11[%add3A_39, %dma_wait3A_89] : memref<10000x128xf32, #tpu.memory_space<vmem_shared>> -> memref<25x128xf32, #tpu.memory_space<vmem_shared>>
      tpu.wait_dma2 semaphore(%run_scoped3A : memref<!tpu.dma_semaphore, #tpu.memory_space<semaphore_mem>>) src(%arg10 : memref<25x128xf32, #tpu.memory_space<vmem>>) dst(%dma_wait3A_90 : memref<25x128xf32, #tpu.memory_space<vmem_shared>>)
      tpu.yield
    }) : () -> ()
    %add3A_40 = arith.constant 375 : i32
    %add3A_41 = arith.addi %mul3A_2, %add3A_40 : i32
    "tpu.region"() ({
      %run_scoped3A = tpu.sem_alloc : memref<!tpu.dma_semaphore, #tpu.memory_space<semaphore_mem>>
      %dma_start3A_83 = arith.constant 0 : i32
      %dma_start3A_84 = tpu.memref_slice %arg11[%add3A_41, %dma_start3A_83] : memref<10000x128xf32, #tpu.memory_space<vmem_shared>> -> memref<25x128xf32, #tpu.memory_space<vmem_shared>>
      %dma_start3A_85 = arith.constant 0 : i32
      %dma_start3A_86 = tpu.memref_slice %arg11[%add3A_41, %dma_start3A_85] : memref<10000x128xf32, #tpu.memory_space<vmem_shared>> -> memref<25x128xf32, #tpu.memory_space<vmem_shared>>
      tpu.enqueue_dma source(%arg10 : memref<25x128xf32, #tpu.memory_space<vmem>>) target(%dma_start3A_86 : memref<25x128xf32, #tpu.memory_space<vmem_shared>>) target_semaphore(%run_scoped3A : memref<!tpu.dma_semaphore, #tpu.memory_space<semaphore_mem>>)
      %dma_wait3A_87 = arith.constant 0 : i32
      %dma_wait3A_88 = tpu.memref_slice %arg11[%add3A_41, %dma_wait3A_87] : memref<10000x128xf32, #tpu.memory_space<vmem_shared>> -> memref<25x128xf32, #tpu.memory_space<vmem_shared>>
      %dma_wait3A_89 = arith.constant 0 : i32
      %dma_wait3A_90 = tpu.memref_slice %arg11[%add3A_41, %dma_wait3A_89] : memref<10000x128xf32, #tpu.memory_space<vmem_shared>> -> memref<25x128xf32, #tpu.memory_space<vmem_shared>>
      tpu.wait_dma2 semaphore(%run_scoped3A : memref<!tpu.dma_semaphore, #tpu.memory_space<semaphore_mem>>) src(%arg10 : memref<25x128xf32, #tpu.memory_space<vmem>>) dst(%dma_wait3A_90 : memref<25x128xf32, #tpu.memory_space<vmem_shared>>)
      tpu.yield
    }) : () -> ()
    %add3A_42 = arith.constant 400 : i32
    %add3A_43 = arith.addi %mul3A_2, %add3A_42 : i32
    "tpu.region"() ({
      %run_scoped3A = tpu.sem_alloc : memref<!tpu.dma_semaphore, #tpu.memory_space<semaphore_mem>>
      %dma_start3A_83 = arith.constant 0 : i32
      %dma_start3A_84 = tpu.memref_slice %arg11[%add3A_43, %dma_start3A_83] : memref<10000x128xf32, #tpu.memory_space<vmem_shared>> -> memref<25x128xf32, #tpu.memory_space<vmem_shared>>
      %dma_start3A_85 = arith.constant 0 : i32
      %dma_start3A_86 = tpu.memref_slice %arg11[%add3A_43, %dma_start3A_85] : memref<10000x128xf32, #tpu.memory_space<vmem_shared>> -> memref<25x128xf32, #tpu.memory_space<vmem_shared>>
      tpu.enqueue_dma source(%arg10 : memref<25x128xf32, #tpu.memory_space<vmem>>) target(%dma_start3A_86 : memref<25x128xf32, #tpu.memory_space<vmem_shared>>) target_semaphore(%run_scoped3A : memref<!tpu.dma_semaphore, #tpu.memory_space<semaphore_mem>>)
      %dma_wait3A_87 = arith.constant 0 : i32
      %dma_wait3A_88 = tpu.memref_slice %arg11[%add3A_43, %dma_wait3A_87] : memref<10000x128xf32, #tpu.memory_space<vmem_shared>> -> memref<25x128xf32, #tpu.memory_space<vmem_shared>>
      %dma_wait3A_89 = arith.constant 0 : i32
      %dma_wait3A_90 = tpu.memref_slice %arg11[%add3A_43, %dma_wait3A_89] : memref<10000x128xf32, #tpu.memory_space<vmem_shared>> -> memref<25x128xf32, #tpu.memory_space<vmem_shared>>
      tpu.wait_dma2 semaphore(%run_scoped3A : memref<!tpu.dma_semaphore, #tpu.memory_space<semaphore_mem>>) src(%arg10 : memref<25x128xf32, #tpu.memory_space<vmem>>) dst(%dma_wait3A_90 : memref<25x128xf32, #tpu.memory_space<vmem_shared>>)
      tpu.yield
    }) : () -> ()
    %add3A_44 = arith.constant 425 : i32
    %add3A_45 = arith.addi %mul3A_2, %add3A_44 : i32
    "tpu.region"() ({
      %run_scoped3A = tpu.sem_alloc : memref<!tpu.dma_semaphore, #tpu.memory_space<semaphore_mem>>
      %dma_start3A_83 = arith.constant 0 : i32
      %dma_start3A_84 = tpu.memref_slice %arg11[%add3A_45, %dma_start3A_83] : memref<10000x128xf32, #tpu.memory_space<vmem_shared>> -> memref<25x128xf32, #tpu.memory_space<vmem_shared>>
      %dma_start3A_85 = arith.constant 0 : i32
      %dma_start3A_86 = tpu.memref_slice %arg11[%add3A_45, %dma_start3A_85] : memref<10000x128xf32, #tpu.memory_space<vmem_shared>> -> memref<25x128xf32, #tpu.memory_space<vmem_shared>>
      tpu.enqueue_dma source(%arg10 : memref<25x128xf32, #tpu.memory_space<vmem>>) target(%dma_start3A_86 : memref<25x128xf32, #tpu.memory_space<vmem_shared>>) target_semaphore(%run_scoped3A : memref<!tpu.dma_semaphore, #tpu.memory_space<semaphore_mem>>)
      %dma_wait3A_87 = arith.constant 0 : i32
      %dma_wait3A_88 = tpu.memref_slice %arg11[%add3A_45, %dma_wait3A_87] : memref<10000x128xf32, #tpu.memory_space<vmem_shared>> -> memref<25x128xf32, #tpu.memory_space<vmem_shared>>
      %dma_wait3A_89 = arith.constant 0 : i32
      %dma_wait3A_90 = tpu.memref_slice %arg11[%add3A_45, %dma_wait3A_89] : memref<10000x128xf32, #tpu.memory_space<vmem_shared>> -> memref<25x128xf32, #tpu.memory_space<vmem_shared>>
      tpu.wait_dma2 semaphore(%run_scoped3A : memref<!tpu.dma_semaphore, #tpu.memory_space<semaphore_mem>>) src(%arg10 : memref<25x128xf32, #tpu.memory_space<vmem>>) dst(%dma_wait3A_90 : memref<25x128xf32, #tpu.memory_space<vmem_shared>>)
      tpu.yield
    }) : () -> ()
    %add3A_46 = arith.constant 450 : i32
    %add3A_47 = arith.addi %mul3A_2, %add3A_46 : i32
    "tpu.region"() ({
      %run_scoped3A = tpu.sem_alloc : memref<!tpu.dma_semaphore, #tpu.memory_space<semaphore_mem>>
      %dma_start3A_83 = arith.constant 0 : i32
      %dma_start3A_84 = tpu.memref_slice %arg11[%add3A_47, %dma_start3A_83] : memref<10000x128xf32, #tpu.memory_space<vmem_shared>> -> memref<25x128xf32, #tpu.memory_space<vmem_shared>>
      %dma_start3A_85 = arith.constant 0 : i32
      %dma_start3A_86 = tpu.memref_slice %arg11[%add3A_47, %dma_start3A_85] : memref<10000x128xf32, #tpu.memory_space<vmem_shared>> -> memref<25x128xf32, #tpu.memory_space<vmem_shared>>
      tpu.enqueue_dma source(%arg10 : memref<25x128xf32, #tpu.memory_space<vmem>>) target(%dma_start3A_86 : memref<25x128xf32, #tpu.memory_space<vmem_shared>>) target_semaphore(%run_scoped3A : memref<!tpu.dma_semaphore, #tpu.memory_space<semaphore_mem>>)
      %dma_wait3A_87 = arith.constant 0 : i32
      %dma_wait3A_88 = tpu.memref_slice %arg11[%add3A_47, %dma_wait3A_87] : memref<10000x128xf32, #tpu.memory_space<vmem_shared>> -> memref<25x128xf32, #tpu.memory_space<vmem_shared>>
      %dma_wait3A_89 = arith.constant 0 : i32
      %dma_wait3A_90 = tpu.memref_slice %arg11[%add3A_47, %dma_wait3A_89] : memref<10000x128xf32, #tpu.memory_space<vmem_shared>> -> memref<25x128xf32, #tpu.memory_space<vmem_shared>>
      tpu.wait_dma2 semaphore(%run_scoped3A : memref<!tpu.dma_semaphore, #tpu.memory_space<semaphore_mem>>) src(%arg10 : memref<25x128xf32, #tpu.memory_space<vmem>>) dst(%dma_wait3A_90 : memref<25x128xf32, #tpu.memory_space<vmem_shared>>)
      tpu.yield
    }) : () -> ()
    %add3A_48 = arith.constant 475 : i32
    %add3A_49 = arith.addi %mul3A_2, %add3A_48 : i32
    "tpu.region"() ({
      %run_scoped3A = tpu.sem_alloc : memref<!tpu.dma_semaphore, #tpu.memory_space<semaphore_mem>>
      %dma_start3A_83 = arith.constant 0 : i32
      %dma_start3A_84 = tpu.memref_slice %arg11[%add3A_49, %dma_start3A_83] : memref<10000x128xf32, #tpu.memory_space<vmem_shared>> -> memref<25x128xf32, #tpu.memory_space<vmem_shared>>
      %dma_start3A_85 = arith.constant 0 : i32
      %dma_start3A_86 = tpu.memref_slice %arg11[%add3A_49, %dma_start3A_85] : memref<10000x128xf32, #tpu.memory_space<vmem_shared>> -> memref<25x128xf32, #tpu.memory_space<vmem_shared>>
      tpu.enqueue_dma source(%arg10 : memref<25x128xf32, #tpu.memory_space<vmem>>) target(%dma_start3A_86 : memref<25x128xf32, #tpu.memory_space<vmem_shared>>) target_semaphore(%run_scoped3A : memref<!tpu.dma_semaphore, #tpu.memory_space<semaphore_mem>>)
      %dma_wait3A_87 = arith.constant 0 : i32
      %dma_wait3A_88 = tpu.memref_slice %arg11[%add3A_49, %dma_wait3A_87] : memref<10000x128xf32, #tpu.memory_space<vmem_shared>> -> memref<25x128xf32, #tpu.memory_space<vmem_shared>>
      %dma_wait3A_89 = arith.constant 0 : i32
      %dma_wait3A_90 = tpu.memref_slice %arg11[%add3A_49, %dma_wait3A_89] : memref<10000x128xf32, #tpu.memory_space<vmem_shared>> -> memref<25x128xf32, #tpu.memory_space<vmem_shared>>
      tpu.wait_dma2 semaphore(%run_scoped3A : memref<!tpu.dma_semaphore, #tpu.memory_space<semaphore_mem>>) src(%arg10 : memref<25x128xf32, #tpu.memory_space<vmem>>) dst(%dma_wait3A_90 : memref<25x128xf32, #tpu.memory_space<vmem_shared>>)
      tpu.yield
    }) : () -> ()
    %add3A_50 = arith.constant 500 : i32
    %add3A_51 = arith.addi %mul3A_2, %add3A_50 : i32
    "tpu.region"() ({
      %run_scoped3A = tpu.sem_alloc : memref<!tpu.dma_semaphore, #tpu.memory_space<semaphore_mem>>
      %dma_start3A_83 = arith.constant 0 : i32
      %dma_start3A_84 = tpu.memref_slice %arg11[%add3A_51, %dma_start3A_83] : memref<10000x128xf32, #tpu.memory_space<vmem_shared>> -> memref<25x128xf32, #tpu.memory_space<vmem_shared>>
      %dma_start3A_85 = arith.constant 0 : i32
      %dma_start3A_86 = tpu.memref_slice %arg11[%add3A_51, %dma_start3A_85] : memref<10000x128xf32, #tpu.memory_space<vmem_shared>> -> memref<25x128xf32, #tpu.memory_space<vmem_shared>>
      tpu.enqueue_dma source(%arg10 : memref<25x128xf32, #tpu.memory_space<vmem>>) target(%dma_start3A_86 : memref<25x128xf32, #tpu.memory_space<vmem_shared>>) target_semaphore(%run_scoped3A : memref<!tpu.dma_semaphore, #tpu.memory_space<semaphore_mem>>)
      %dma_wait3A_87 = arith.constant 0 : i32
      %dma_wait3A_88 = tpu.memref_slice %arg11[%add3A_51, %dma_wait3A_87] : memref<10000x128xf32, #tpu.memory_space<vmem_shared>> -> memref<25x128xf32, #tpu.memory_space<vmem_shared>>
      %dma_wait3A_89 = arith.constant 0 : i32
      %dma_wait3A_90 = tpu.memref_slice %arg11[%add3A_51, %dma_wait3A_89] : memref<10000x128xf32, #tpu.memory_space<vmem_shared>> -> memref<25x128xf32, #tpu.memory_space<vmem_shared>>
      tpu.wait_dma2 semaphore(%run_scoped3A : memref<!tpu.dma_semaphore, #tpu.memory_space<semaphore_mem>>) src(%arg10 : memref<25x128xf32, #tpu.memory_space<vmem>>) dst(%dma_wait3A_90 : memref<25x128xf32, #tpu.memory_space<vmem_shared>>)
      tpu.yield
    }) : () -> ()
    %add3A_52 = arith.constant 525 : i32
    %add3A_53 = arith.addi %mul3A_2, %add3A_52 : i32
    "tpu.region"() ({
      %run_scoped3A = tpu.sem_alloc : memref<!tpu.dma_semaphore, #tpu.memory_space<semaphore_mem>>
      %dma_start3A_83 = arith.constant 0 : i32
      %dma_start3A_84 = tpu.memref_slice %arg11[%add3A_53, %dma_start3A_83] : memref<10000x128xf32, #tpu.memory_space<vmem_shared>> -> memref<25x128xf32, #tpu.memory_space<vmem_shared>>
      %dma_start3A_85 = arith.constant 0 : i32
      %dma_start3A_86 = tpu.memref_slice %arg11[%add3A_53, %dma_start3A_85] : memref<10000x128xf32, #tpu.memory_space<vmem_shared>> -> memref<25x128xf32, #tpu.memory_space<vmem_shared>>
      tpu.enqueue_dma source(%arg10 : memref<25x128xf32, #tpu.memory_space<vmem>>) target(%dma_start3A_86 : memref<25x128xf32, #tpu.memory_space<vmem_shared>>) target_semaphore(%run_scoped3A : memref<!tpu.dma_semaphore, #tpu.memory_space<semaphore_mem>>)
      %dma_wait3A_87 = arith.constant 0 : i32
      %dma_wait3A_88 = tpu.memref_slice %arg11[%add3A_53, %dma_wait3A_87] : memref<10000x128xf32, #tpu.memory_space<vmem_shared>> -> memref<25x128xf32, #tpu.memory_space<vmem_shared>>
      %dma_wait3A_89 = arith.constant 0 : i32
      %dma_wait3A_90 = tpu.memref_slice %arg11[%add3A_53, %dma_wait3A_89] : memref<10000x128xf32, #tpu.memory_space<vmem_shared>> -> memref<25x128xf32, #tpu.memory_space<vmem_shared>>
      tpu.wait_dma2 semaphore(%run_scoped3A : memref<!tpu.dma_semaphore, #tpu.memory_space<semaphore_mem>>) src(%arg10 : memref<25x128xf32, #tpu.memory_space<vmem>>) dst(%dma_wait3A_90 : memref<25x128xf32, #tpu.memory_space<vmem_shared>>)
      tpu.yield
    }) : () -> ()
    %add3A_54 = arith.constant 550 : i32
    %add3A_55 = arith.addi %mul3A_2, %add3A_54 : i32
    "tpu.region"() ({
      %run_scoped3A = tpu.sem_alloc : memref<!tpu.dma_semaphore, #tpu.memory_space<semaphore_mem>>
      %dma_start3A_83 = arith.constant 0 : i32
      %dma_start3A_84 = tpu.memref_slice %arg11[%add3A_55, %dma_start3A_83] : memref<10000x128xf32, #tpu.memory_space<vmem_shared>> -> memref<25x128xf32, #tpu.memory_space<vmem_shared>>
      %dma_start3A_85 = arith.constant 0 : i32
      %dma_start3A_86 = tpu.memref_slice %arg11[%add3A_55, %dma_start3A_85] : memref<10000x128xf32, #tpu.memory_space<vmem_shared>> -> memref<25x128xf32, #tpu.memory_space<vmem_shared>>
      tpu.enqueue_dma source(%arg10 : memref<25x128xf32, #tpu.memory_space<vmem>>) target(%dma_start3A_86 : memref<25x128xf32, #tpu.memory_space<vmem_shared>>) target_semaphore(%run_scoped3A : memref<!tpu.dma_semaphore, #tpu.memory_space<semaphore_mem>>)
      %dma_wait3A_87 = arith.constant 0 : i32
      %dma_wait3A_88 = tpu.memref_slice %arg11[%add3A_55, %dma_wait3A_87] : memref<10000x128xf32, #tpu.memory_space<vmem_shared>> -> memref<25x128xf32, #tpu.memory_space<vmem_shared>>
      %dma_wait3A_89 = arith.constant 0 : i32
      %dma_wait3A_90 = tpu.memref_slice %arg11[%add3A_55, %dma_wait3A_89] : memref<10000x128xf32, #tpu.memory_space<vmem_shared>> -> memref<25x128xf32, #tpu.memory_space<vmem_shared>>
      tpu.wait_dma2 semaphore(%run_scoped3A : memref<!tpu.dma_semaphore, #tpu.memory_space<semaphore_mem>>) src(%arg10 : memref<25x128xf32, #tpu.memory_space<vmem>>) dst(%dma_wait3A_90 : memref<25x128xf32, #tpu.memory_space<vmem_shared>>)
      tpu.yield
    }) : () -> ()
    %add3A_56 = arith.constant 575 : i32
    %add3A_57 = arith.addi %mul3A_2, %add3A_56 : i32
    "tpu.region"() ({
      %run_scoped3A = tpu.sem_alloc : memref<!tpu.dma_semaphore, #tpu.memory_space<semaphore_mem>>
      %dma_start3A_83 = arith.constant 0 : i32
      %dma_start3A_84 = tpu.memref_slice %arg11[%add3A_57, %dma_start3A_83] : memref<10000x128xf32, #tpu.memory_space<vmem_shared>> -> memref<25x128xf32, #tpu.memory_space<vmem_shared>>
      %dma_start3A_85 = arith.constant 0 : i32
      %dma_start3A_86 = tpu.memref_slice %arg11[%add3A_57, %dma_start3A_85] : memref<10000x128xf32, #tpu.memory_space<vmem_shared>> -> memref<25x128xf32, #tpu.memory_space<vmem_shared>>
      tpu.enqueue_dma source(%arg10 : memref<25x128xf32, #tpu.memory_space<vmem>>) target(%dma_start3A_86 : memref<25x128xf32, #tpu.memory_space<vmem_shared>>) target_semaphore(%run_scoped3A : memref<!tpu.dma_semaphore, #tpu.memory_space<semaphore_mem>>)
      %dma_wait3A_87 = arith.constant 0 : i32
      %dma_wait3A_88 = tpu.memref_slice %arg11[%add3A_57, %dma_wait3A_87] : memref<10000x128xf32, #tpu.memory_space<vmem_shared>> -> memref<25x128xf32, #tpu.memory_space<vmem_shared>>
      %dma_wait3A_89 = arith.constant 0 : i32
      %dma_wait3A_90 = tpu.memref_slice %arg11[%add3A_57, %dma_wait3A_89] : memref<10000x128xf32, #tpu.memory_space<vmem_shared>> -> memref<25x128xf32, #tpu.memory_space<vmem_shared>>
      tpu.wait_dma2 semaphore(%run_scoped3A : memref<!tpu.dma_semaphore, #tpu.memory_space<semaphore_mem>>) src(%arg10 : memref<25x128xf32, #tpu.memory_space<vmem>>) dst(%dma_wait3A_90 : memref<25x128xf32, #tpu.memory_space<vmem_shared>>)
      tpu.yield
    }) : () -> ()
    %add3A_58 = arith.constant 600 : i32
    %add3A_59 = arith.addi %mul3A_2, %add3A_58 : i32
    "tpu.region"() ({
      %run_scoped3A = tpu.sem_alloc : memref<!tpu.dma_semaphore, #tpu.memory_space<semaphore_mem>>
      %dma_start3A_83 = arith.constant 0 : i32
      %dma_start3A_84 = tpu.memref_slice %arg11[%add3A_59, %dma_start3A_83] : memref<10000x128xf32, #tpu.memory_space<vmem_shared>> -> memref<25x128xf32, #tpu.memory_space<vmem_shared>>
      %dma_start3A_85 = arith.constant 0 : i32
      %dma_start3A_86 = tpu.memref_slice %arg11[%add3A_59, %dma_start3A_85] : memref<10000x128xf32, #tpu.memory_space<vmem_shared>> -> memref<25x128xf32, #tpu.memory_space<vmem_shared>>
      tpu.enqueue_dma source(%arg10 : memref<25x128xf32, #tpu.memory_space<vmem>>) target(%dma_start3A_86 : memref<25x128xf32, #tpu.memory_space<vmem_shared>>) target_semaphore(%run_scoped3A : memref<!tpu.dma_semaphore, #tpu.memory_space<semaphore_mem>>)
      %dma_wait3A_87 = arith.constant 0 : i32
      %dma_wait3A_88 = tpu.memref_slice %arg11[%add3A_59, %dma_wait3A_87] : memref<10000x128xf32, #tpu.memory_space<vmem_shared>> -> memref<25x128xf32, #tpu.memory_space<vmem_shared>>
      %dma_wait3A_89 = arith.constant 0 : i32
      %dma_wait3A_90 = tpu.memref_slice %arg11[%add3A_59, %dma_wait3A_89] : memref<10000x128xf32, #tpu.memory_space<vmem_shared>> -> memref<25x128xf32, #tpu.memory_space<vmem_shared>>
      tpu.wait_dma2 semaphore(%run_scoped3A : memref<!tpu.dma_semaphore, #tpu.memory_space<semaphore_mem>>) src(%arg10 : memref<25x128xf32, #tpu.memory_space<vmem>>) dst(%dma_wait3A_90 : memref<25x128xf32, #tpu.memory_space<vmem_shared>>)
      tpu.yield
    }) : () -> ()
    %mul3A_60 = arith.constant 10000 : i32
    %mul3A_61 = arith.muli %add3A, %mul3A_60 : i32
    %multiple_of3A = tpu.assume_multiple %mul3A_61, 8 : i32
    "tpu.region"() ({
      %run_scoped3A = tpu.sem_alloc : memref<!tpu.dma_semaphore, #tpu.memory_space<semaphore_mem>>
      %dma_start3A_83 = tpu.memref_slice %arg3[%multiple_of3A] : memref<320000xi32, #tpu.memory_space<hbm>> -> memref<10000xi32, #tpu.memory_space<hbm>>
      %dma_start3A_84 = tpu.memref_slice %arg3[%multiple_of3A] : memref<320000xi32, #tpu.memory_space<hbm>> -> memref<10000xi32, #tpu.memory_space<hbm>>
      tpu.enqueue_dma source(%dma_start3A_84 : memref<10000xi32, #tpu.memory_space<hbm>>) target(%arg6 : memref<10000xi32, #tpu.memory_space<vmem>>) target_semaphore(%run_scoped3A : memref<!tpu.dma_semaphore, #tpu.memory_space<semaphore_mem>>)
      %dma_wait3A_85 = tpu.memref_slice %arg3[%multiple_of3A] : memref<320000xi32, #tpu.memory_space<hbm>> -> memref<10000xi32, #tpu.memory_space<hbm>>
      %dma_wait3A_86 = tpu.memref_slice %arg3[%multiple_of3A] : memref<320000xi32, #tpu.memory_space<hbm>> -> memref<10000xi32, #tpu.memory_space<hbm>>
      tpu.wait_dma2 semaphore(%run_scoped3A : memref<!tpu.dma_semaphore, #tpu.memory_space<semaphore_mem>>) src(%dma_wait3A_86 : memref<10000xi32, #tpu.memory_space<hbm>>) dst(%arg6 : memref<10000xi32, #tpu.memory_space<vmem>>)
      tpu.yield
    }) : () -> ()
    "tpu.region"() ({
      %run_scoped3A = tpu.sem_alloc : memref<!tpu.dma_semaphore, #tpu.memory_space<semaphore_mem>>
      %dma_start3A_83 = tpu.memref_slice %arg4[%multiple_of3A] : memref<320000xi32, #tpu.memory_space<hbm>> -> memref<10000xi32, #tpu.memory_space<hbm>>
      %dma_start3A_84 = tpu.memref_slice %arg4[%multiple_of3A] : memref<320000xi32, #tpu.memory_space<hbm>> -> memref<10000xi32, #tpu.memory_space<hbm>>
      tpu.enqueue_dma source(%dma_start3A_84 : memref<10000xi32, #tpu.memory_space<hbm>>) target(%arg7 : memref<10000xi32, #tpu.memory_space<vmem>>) target_semaphore(%run_scoped3A : memref<!tpu.dma_semaphore, #tpu.memory_space<semaphore_mem>>)
      %dma_wait3A_85 = tpu.memref_slice %arg4[%multiple_of3A] : memref<320000xi32, #tpu.memory_space<hbm>> -> memref<10000xi32, #tpu.memory_space<hbm>>
      %dma_wait3A_86 = tpu.memref_slice %arg4[%multiple_of3A] : memref<320000xi32, #tpu.memory_space<hbm>> -> memref<10000xi32, #tpu.memory_space<hbm>>
      tpu.wait_dma2 semaphore(%run_scoped3A : memref<!tpu.dma_semaphore, #tpu.memory_space<semaphore_mem>>) src(%dma_wait3A_86 : memref<10000xi32, #tpu.memory_space<hbm>>) dst(%arg7 : memref<10000xi32, #tpu.memory_space<vmem>>)
      tpu.yield
    }) : () -> ()
    %barrier3A = arith.constant 0 : index
    tpu.barrier barrier_id(%barrier3A)
    %dma_start3A = arith.constant 0 : i32
    %dma_start3A_62 = tpu.memref_slice %arg6[%dma_start3A] : memref<10000xi32, #tpu.memory_space<vmem>> -> memref<80xi32, #tpu.memory_space<vmem>>
    %dma_start3A_63 = arith.constant 0 : i32
    %dma_start3A_64 = arith.constant 0 : i32
    %dma_start3A_65 = tpu.memref_slice %arg2[%dma_start3A_63, %dma_start3A_64] : memref<10000x128xf32, #tpu.memory_space<hbm>> -> memref<10000x128xf32, #tpu.memory_space<hbm>>
    tpu.enqueue_indirect_dma source(%dma_start3A_65 : memref<10000x128xf32, #tpu.memory_space<hbm>>) target(%arg8 : memref<80x128xf32, #tpu.memory_space<vmem>>) offsets(%dma_start3A_62 : memref<80xi32, #tpu.memory_space<vmem>>) semaphore(%arg12 : memref<!tpu.dma_semaphore, #tpu.memory_space<semaphore_mem>>)
    %dma_start3A_66 = arith.constant 80 : i32
    %dma_start3A_67 = tpu.memref_slice %arg6[%dma_start3A_66] : memref<10000xi32, #tpu.memory_space<vmem>> -> memref<80xi32, #tpu.memory_space<vmem>>
    %dma_start3A_68 = arith.constant 0 : i32
    %dma_start3A_69 = arith.constant 0 : i32
    %dma_start3A_70 = tpu.memref_slice %arg2[%dma_start3A_68, %dma_start3A_69] : memref<10000x128xf32, #tpu.memory_space<hbm>> -> memref<10000x128xf32, #tpu.memory_space<hbm>>
    tpu.enqueue_indirect_dma source(%dma_start3A_70 : memref<10000x128xf32, #tpu.memory_space<hbm>>) target(%arg9 : memref<80x128xf32, #tpu.memory_space<vmem>>) offsets(%dma_start3A_67 : memref<80xi32, #tpu.memory_space<vmem>>) semaphore(%arg13 : memref<!tpu.dma_semaphore, #tpu.memory_space<semaphore_mem>>)
    %scan3A_71 = arith.constant 0 : i32
    %scan3A_72 = arith.constant 0 : i32
    %scan3A_73 = arith.constant 62 : i32
    %scan3A_74 = arith.addi %scan3A_72, %scan3A_73 : i32
    %scan3A_75 = arith.constant 1 : i32
    %scan3A_76 = scf.for %scan3A_83 = %scan3A_72 to %scan3A_74 step %scan3A_75 iter_args(%scan3A_84 = %scan3A_71) -> (i32)  : i32 {
      %mul3A_85 = arith.constant 2 : i32
      %mul3A_86 = arith.muli %scan3A_83, %mul3A_85 : i32
      %add3A_87 = arith.constant 0 : i32
      %add3A_88 = arith.addi %mul3A_86, %add3A_87 : i32
      %dma_wait3A_89 = arith.constant 0 : i32
      %dma_wait3A_90 = tpu.memref_slice %arg6[%dma_wait3A_89] : memref<10000xi32, #tpu.memory_space<vmem>> -> memref<80xi32, #tpu.memory_space<vmem>>
      %dma_wait3A_91 = arith.constant 0 : i32
      %dma_wait3A_92 = arith.constant 0 : i32
      %dma_wait3A_93 = tpu.memref_slice %arg2[%dma_wait3A_91, %dma_wait3A_92] : memref<10000x128xf32, #tpu.memory_space<hbm>> -> memref<10000x128xf32, #tpu.memory_space<hbm>>
      tpu.wait_indirect_dma semaphore(%arg12 : memref<!tpu.dma_semaphore, #tpu.memory_space<semaphore_mem>>) src(%dma_wait3A_93 : memref<10000x128xf32, #tpu.memory_space<hbm>>) dst(%arg8 : memref<80x128xf32, #tpu.memory_space<vmem>>)
      %mul3A_94 = arith.constant 80 : i32
      %mul3A_95 = arith.muli %add3A_88, %mul3A_94 : i32
      %dma_start3A_96 = tpu.memref_slice %arg7[%mul3A_95] : memref<10000xi32, #tpu.memory_space<vmem>> -> memref<80xi32, #tpu.memory_space<vmem>>
      %dma_start3A_97 = arith.constant 0 : i32
      %dma_start3A_98 = arith.constant 0 : i32
      %dma_start3A_99 = tpu.memref_slice %arg11[%dma_start3A_97, %dma_start3A_98] : memref<10000x128xf32, #tpu.memory_space<vmem_shared>> -> memref<10000x128xf32, #tpu.memory_space<vmem_shared>>
      tpu.enqueue_indirect_dma source(%arg8 : memref<80x128xf32, #tpu.memory_space<vmem>>) target(%dma_start3A_99 : memref<10000x128xf32, #tpu.memory_space<vmem_shared>>) offsets(%dma_start3A_96 : memref<80xi32, #tpu.memory_space<vmem>>) semaphore(%arg14 : memref<!tpu.dma_semaphore, #tpu.memory_space<semaphore_mem>>) {add = true}
      %mul3A_100 = arith.constant 2 : i32
      %mul3A_101 = arith.muli %scan3A_83, %mul3A_100 : i32
      %add3A_102 = arith.constant 1 : i32
      %add3A_103 = arith.addi %mul3A_101, %add3A_102 : i32
      %dma_wait3A_104 = arith.constant 0 : i32
      %dma_wait3A_105 = tpu.memref_slice %arg6[%dma_wait3A_104] : memref<10000xi32, #tpu.memory_space<vmem>> -> memref<80xi32, #tpu.memory_space<vmem>>
      %dma_wait3A_106 = arith.constant 0 : i32
      %dma_wait3A_107 = arith.constant 0 : i32
      %dma_wait3A_108 = tpu.memref_slice %arg2[%dma_wait3A_106, %dma_wait3A_107] : memref<10000x128xf32, #tpu.memory_space<hbm>> -> memref<10000x128xf32, #tpu.memory_space<hbm>>
      tpu.wait_indirect_dma semaphore(%arg13 : memref<!tpu.dma_semaphore, #tpu.memory_space<semaphore_mem>>) src(%dma_wait3A_108 : memref<10000x128xf32, #tpu.memory_space<hbm>>) dst(%arg9 : memref<80x128xf32, #tpu.memory_space<vmem>>)
      %mul3A_109 = arith.constant 80 : i32
      %mul3A_110 = arith.muli %add3A_103, %mul3A_109 : i32
      %dma_start3A_111 = tpu.memref_slice %arg7[%mul3A_110] : memref<10000xi32, #tpu.memory_space<vmem>> -> memref<80xi32, #tpu.memory_space<vmem>>
      %dma_start3A_112 = arith.constant 0 : i32
      %dma_start3A_113 = arith.constant 0 : i32
      %dma_start3A_114 = tpu.memref_slice %arg11[%dma_start3A_112, %dma_start3A_113] : memref<10000x128xf32, #tpu.memory_space<vmem_shared>> -> memref<10000x128xf32, #tpu.memory_space<vmem_shared>>
      tpu.enqueue_indirect_dma source(%arg9 : memref<80x128xf32, #tpu.memory_space<vmem>>) target(%dma_start3A_114 : memref<10000x128xf32, #tpu.memory_space<vmem_shared>>) offsets(%dma_start3A_111 : memref<80xi32, #tpu.memory_space<vmem>>) semaphore(%arg15 : memref<!tpu.dma_semaphore, #tpu.memory_space<semaphore_mem>>) {add = true}
      %mul3A_115 = arith.constant 2 : i32
      %mul3A_116 = arith.muli %scan3A_83, %mul3A_115 : i32
      %add3A_117 = arith.constant 0 : i32
      %add3A_118 = arith.addi %mul3A_116, %add3A_117 : i32
      %add3A_119 = arith.constant 2 : i32
      %add3A_120 = arith.addi %add3A_118, %add3A_119 : i32
      %dma_wait3A_121 = arith.constant 0 : i32
      %dma_wait3A_122 = tpu.memref_slice %arg7[%dma_wait3A_121] : memref<10000xi32, #tpu.memory_space<vmem>> -> memref<80xi32, #tpu.memory_space<vmem>>
      %dma_wait3A_123 = arith.constant 0 : i32
      %dma_wait3A_124 = arith.constant 0 : i32
      %dma_wait3A_125 = tpu.memref_slice %arg11[%dma_wait3A_123, %dma_wait3A_124] : memref<10000x128xf32, #tpu.memory_space<vmem_shared>> -> memref<10000x128xf32, #tpu.memory_space<vmem_shared>>
      tpu.wait_indirect_dma semaphore(%arg14 : memref<!tpu.dma_semaphore, #tpu.memory_space<semaphore_mem>>) src(%arg8 : memref<80x128xf32, #tpu.memory_space<vmem>>) dst(%dma_wait3A_125 : memref<10000x128xf32, #tpu.memory_space<vmem_shared>>)
      %lt3A = arith.constant 125 : i32
      %lt3A_126 = arith.cmpi slt, %add3A_120, %lt3A : i32
      %convert_element_type3A = arith.extui %lt3A_126 : i1 to i32
      %cond3A = arith.constant 0 : i32
      %cond3A_127 = arith.cmpi ne, %convert_element_type3A, %cond3A : i32
      scf.if %cond3A_127 {
        %mul3A_145 = arith.constant 80 : i32
        %mul3A_146 = arith.muli %add3A_120, %mul3A_145 : i32
        %dma_start3A_147 = tpu.memref_slice %arg6[%mul3A_146] : memref<10000xi32, #tpu.memory_space<vmem>> -> memref<80xi32, #tpu.memory_space<vmem>>
        %dma_start3A_148 = arith.constant 0 : i32
        %dma_start3A_149 = arith.constant 0 : i32
        %dma_start3A_150 = tpu.memref_slice %arg2[%dma_start3A_148, %dma_start3A_149] : memref<10000x128xf32, #tpu.memory_space<hbm>> -> memref<10000x128xf32, #tpu.memory_space<hbm>>
        tpu.enqueue_indirect_dma source(%dma_start3A_150 : memref<10000x128xf32, #tpu.memory_space<hbm>>) target(%arg8 : memref<80x128xf32, #tpu.memory_space<vmem>>) offsets(%dma_start3A_147 : memref<80xi32, #tpu.memory_space<vmem>>) semaphore(%arg12 : memref<!tpu.dma_semaphore, #tpu.memory_space<semaphore_mem>>)
      } else {
      }
      %mul3A_128 = arith.constant 2 : i32
      %mul3A_129 = arith.muli %scan3A_83, %mul3A_128 : i32
      %add3A_130 = arith.constant 1 : i32
      %add3A_131 = arith.addi %mul3A_129, %add3A_130 : i32
      %add3A_132 = arith.constant 2 : i32
      %add3A_133 = arith.addi %add3A_131, %add3A_132 : i32
      %dma_wait3A_134 = arith.constant 0 : i32
      %dma_wait3A_135 = tpu.memref_slice %arg7[%dma_wait3A_134] : memref<10000xi32, #tpu.memory_space<vmem>> -> memref<80xi32, #tpu.memory_space<vmem>>
      %dma_wait3A_136 = arith.constant 0 : i32
      %dma_wait3A_137 = arith.constant 0 : i32
      %dma_wait3A_138 = tpu.memref_slice %arg11[%dma_wait3A_136, %dma_wait3A_137] : memref<10000x128xf32, #tpu.memory_space<vmem_shared>> -> memref<10000x128xf32, #tpu.memory_space<vmem_shared>>
      tpu.wait_indirect_dma semaphore(%arg15 : memref<!tpu.dma_semaphore, #tpu.memory_space<semaphore_mem>>) src(%arg9 : memref<80x128xf32, #tpu.memory_space<vmem>>) dst(%dma_wait3A_138 : memref<10000x128xf32, #tpu.memory_space<vmem_shared>>)
      %lt3A_139 = arith.constant 125 : i32
      %lt3A_140 = arith.cmpi slt, %add3A_133, %lt3A_139 : i32
      %convert_element_type3A_141 = arith.extui %lt3A_140 : i1 to i32
      %cond3A_142 = arith.constant 0 : i32
      %cond3A_143 = arith.cmpi ne, %convert_element_type3A_141, %cond3A_142 : i32
      scf.if %cond3A_143 {
        %mul3A_145 = arith.constant 80 : i32
        %mul3A_146 = arith.muli %add3A_133, %mul3A_145 : i32
        %dma_start3A_147 = tpu.memref_slice %arg6[%mul3A_146] : memref<10000xi32, #tpu.memory_space<vmem>> -> memref<80xi32, #tpu.memory_space<vmem>>
        %dma_start3A_148 = arith.constant 0 : i32
        %dma_start3A_149 = arith.constant 0 : i32
        %dma_start3A_150 = tpu.memref_slice %arg2[%dma_start3A_148, %dma_start3A_149] : memref<10000x128xf32, #tpu.memory_space<hbm>> -> memref<10000x128xf32, #tpu.memory_space<hbm>>
        tpu.enqueue_indirect_dma source(%dma_start3A_150 : memref<10000x128xf32, #tpu.memory_space<hbm>>) target(%arg9 : memref<80x128xf32, #tpu.memory_space<vmem>>) offsets(%dma_start3A_147 : memref<80xi32, #tpu.memory_space<vmem>>) semaphore(%arg13 : memref<!tpu.dma_semaphore, #tpu.memory_space<semaphore_mem>>)
      } else {
      }
      %scan3A_144 = arith.constant 0 : i32
      scf.yield %scan3A_144 : i32
    }
    %scan3A_77 = arith.constant 62 : i32
    %dma_wait3A = arith.constant 0 : i32
    %dma_wait3A_78 = tpu.memref_slice %arg6[%dma_wait3A] : memref<10000xi32, #tpu.memory_space<vmem>> -> memref<80xi32, #tpu.memory_space<vmem>>
    %dma_wait3A_79 = arith.constant 0 : i32
    %dma_wait3A_80 = arith.constant 0 : i32
    %dma_wait3A_81 = tpu.memref_slice %arg2[%dma_wait3A_79, %dma_wait3A_80] : memref<10000x128xf32, #tpu.memory_space<hbm>> -> memref<10000x128xf32, #tpu.memory_space<hbm>>
    tpu.wait_indirect_dma semaphore(%arg12 : memref<!tpu.dma_semaphore, #tpu.memory_space<semaphore_mem>>) src(%dma_wait3A_81 : memref<10000x128xf32, #tpu.memory_space<hbm>>) dst(%arg8 : memref<80x128xf32, #tpu.memory_space<vmem>>)
    "tpu.region"() ({
      %run_scoped3A = tpu.sem_alloc : memref<!tpu.dma_semaphore, #tpu.memory_space<semaphore_mem>>
      %dma_start3A_83 = arith.constant 9920 : i32
      %dma_start3A_84 = tpu.memref_slice %arg7[%dma_start3A_83] : memref<10000xi32, #tpu.memory_space<vmem>> -> memref<80xi32, #tpu.memory_space<vmem>>
      %dma_start3A_85 = arith.constant 0 : i32
      %dma_start3A_86 = arith.constant 0 : i32
      %dma_start3A_87 = tpu.memref_slice %arg11[%dma_start3A_85, %dma_start3A_86] : memref<10000x128xf32, #tpu.memory_space<vmem_shared>> -> memref<10000x128xf32, #tpu.memory_space<vmem_shared>>
      tpu.enqueue_indirect_dma source(%arg8 : memref<80x128xf32, #tpu.memory_space<vmem>>) target(%dma_start3A_87 : memref<10000x128xf32, #tpu.memory_space<vmem_shared>>) offsets(%dma_start3A_84 : memref<80xi32, #tpu.memory_space<vmem>>) semaphore(%run_scoped3A : memref<!tpu.dma_semaphore, #tpu.memory_space<semaphore_mem>>) {add = true}
      %dma_wait3A_88 = arith.constant 9920 : i32
      %dma_wait3A_89 = tpu.memref_slice %arg7[%dma_wait3A_88] : memref<10000xi32, #tpu.memory_space<vmem>> -> memref<80xi32, #tpu.memory_space<vmem>>
      %dma_wait3A_90 = arith.constant 0 : i32
      %dma_wait3A_91 = arith.constant 0 : i32
      %dma_wait3A_92 = tpu.memref_slice %arg11[%dma_wait3A_90, %dma_wait3A_91] : memref<10000x128xf32, #tpu.memory_space<vmem_shared>> -> memref<10000x128xf32, #tpu.memory_space<vmem_shared>>
      tpu.wait_indirect_dma semaphore(%run_scoped3A : memref<!tpu.dma_semaphore, #tpu.memory_space<semaphore_mem>>) src(%arg8 : memref<80x128xf32, #tpu.memory_space<vmem>>) dst(%dma_wait3A_92 : memref<10000x128xf32, #tpu.memory_space<vmem_shared>>)
      tpu.yield
    }) : () -> ()
    %barrier3A_82 = arith.constant 0 : index
    tpu.barrier barrier_id(%barrier3A_82)
    "tpu.region"() ({
      %run_scoped3A = tpu.sem_alloc : memref<!tpu.dma_semaphore, #tpu.memory_space<semaphore_mem>>
      %dma_start3A_83 = arith.constant 0 : i32
      %dma_start3A_84 = arith.constant 0 : i32
      %dma_start3A_85 = tpu.memref_slice %arg5[%arg0, %arg1, %dma_start3A_83, %dma_start3A_84] : memref<2x16x625x128xf32, #tpu.memory_space<hbm>> -> memref<1x1x625x128xf32, #tpu.memory_space<hbm>>
      %dma_start3A_86 = tpu.memref_squeeze %dma_start3A_85 : memref<1x1x625x128xf32, #tpu.memory_space<hbm>> -> memref<625x128xf32, #tpu.memory_space<hbm>>
      %dma_start3A_87 = arith.constant 0 : i32
      %dma_start3A_88 = tpu.memref_slice %arg11[%mul3A_2, %dma_start3A_87] : memref<10000x128xf32, #tpu.memory_space<vmem_shared>> -> memref<625x128xf32, #tpu.memory_space<vmem_shared>>
      tpu.enqueue_dma source(%dma_start3A_88 : memref<625x128xf32, #tpu.memory_space<vmem_shared>>) target(%dma_start3A_86 : memref<625x128xf32, #tpu.memory_space<hbm>>) target_semaphore(%run_scoped3A : memref<!tpu.dma_semaphore, #tpu.memory_space<semaphore_mem>>)
      %dma_wait3A_89 = arith.constant 0 : i32
      %dma_wait3A_90 = arith.constant 0 : i32
      %dma_wait3A_91 = tpu.memref_slice %arg5[%arg0, %arg1, %dma_wait3A_89, %dma_wait3A_90] : memref<2x16x625x128xf32, #tpu.memory_space<hbm>> -> memref<1x1x625x128xf32, #tpu.memory_space<hbm>>
      %dma_wait3A_92 = tpu.memref_squeeze %dma_wait3A_91 : memref<1x1x625x128xf32, #tpu.memory_space<hbm>> -> memref<625x128xf32, #tpu.memory_space<hbm>>
      %dma_wait3A_93 = arith.constant 0 : i32
      %dma_wait3A_94 = tpu.memref_slice %arg11[%mul3A_2, %dma_wait3A_93] : memref<10000x128xf32, #tpu.memory_space<vmem_shared>> -> memref<625x128xf32, #tpu.memory_space<vmem_shared>>
      tpu.wait_dma2 semaphore(%run_scoped3A : memref<!tpu.dma_semaphore, #tpu.memory_space<semaphore_mem>>) src(%dma_wait3A_94 : memref<625x128xf32, #tpu.memory_space<vmem_shared>>) dst(%dma_wait3A_92 : memref<625x128xf32, #tpu.memory_space<hbm>>)
      tpu.yield
    }) : () -> ()
    return
  }
}

#map = affine_map<(d0, d1) -> (0, 0)>
#map1 = affine_map<(d0, d1) -> (0)>
#map2 = affine_map<(d0, d1) -> (0, 0, 0, 0)>
module attributes {stable_mosaic.version = 14 : i64} {
  func.func @_sc_agg_body(%arg0: i32, %arg1: i32, %arg2: memref<10000x128xf32, #tpu.memory_space<hbm>>, %arg3: memref<320000xi32, #tpu.memory_space<hbm>>, %arg4: memref<320000xi32, #tpu.memory_space<hbm>>, %arg5: memref<2x16x625x128xf32, #tpu.memory_space<hbm>>, %arg6: memref<10000xi32, #tpu.memory_space<vmem>>, %arg7: memref<10000xi32, #tpu.memory_space<vmem>>, %arg8: memref<80x128xf32, #tpu.memory_space<vmem>>, %arg9: memref<80x128xf32, #tpu.memory_space<vmem>>, %arg10: memref<25x128xf32, #tpu.memory_space<vmem>>, %arg11: memref<10000x128xf32, #tpu.memory_space<vmem_shared>>, %arg12: memref<!tpu.dma_semaphore, #tpu.memory_space<semaphore_mem>>, %arg13: memref<!tpu.dma_semaphore, #tpu.memory_space<semaphore_mem>>, %arg14: memref<!tpu.dma_semaphore, #tpu.memory_space<semaphore_mem>>, %arg15: memref<!tpu.dma_semaphore, #tpu.memory_space<semaphore_mem>>) attributes {dimension_semantics = [#tpu.dimension_semantics<core_parallel>, #tpu.dimension_semantics<subcore_parallel>], iteration_bounds = array<i64: 2, 16>, scalar_prefetch = 0 : i64, scratch_operands = 10 : i64, tpu.core_type = #tpu.core_type<sc_vector_subcore>, window_params = [{transform_indices = #map}, {transform_indices = #map1}, {transform_indices = #map1}, {transform_indices = #map2}]} {
    %mul3A = arith.constant 16 : i32
    %mul3A_0 = arith.muli %arg0, %mul3A : i32
    %add3A = arith.addi %mul3A_0, %arg1 : i32
    %mul3A_1 = arith.constant 625 : i32
    %mul3A_2 = arith.muli %arg1, %mul3A_1 : i32
    %broadcast_in_dim3A = arith.constant 0.000000e+00 : f32
    %broadcast_in_dim3A_3 = vector.broadcast %broadcast_in_dim3A : f32 to vector<16xf32>
    %scan3A = arith.constant 0 : i32
    %scan3A_4 = arith.constant 0 : i32
    %scan3A_5 = arith.constant 25 : i32
    %scan3A_6 = arith.addi %scan3A_4, %scan3A_5 : i32
    %scan3A_7 = arith.constant 1 : i32
    %scan3A_8 = scf.for %scan3A_83 = %scan3A_4 to %scan3A_6 step %scan3A_7 iter_args(%scan3A_84 = %scan3A) -> (i32)  : i32 {
      %scan3A_85 = arith.constant 0 : i32
      %scan3A_86 = arith.constant 0 : i32
      %scan3A_87 = arith.constant 8 : i32
      %scan3A_88 = arith.addi %scan3A_86, %scan3A_87 : i32
      %scan3A_89 = arith.constant 1 : i32
      %scan3A_90 = scf.for %scan3A_92 = %scan3A_86 to %scan3A_88 step %scan3A_89 iter_args(%scan3A_93 = %scan3A_85) -> (i32)  : i32 {
        %mul3A_94 = arith.constant 16 : i32
        %mul3A_95 = arith.muli %scan3A_92, %mul3A_94 : i32
        %swap3A = arith.index_cast %scan3A_83 : i32 to index
        %swap3A_96 = arith.index_cast %mul3A_95 : i32 to index
        %swap3A_97 = tpu.vector_load %arg10[%swap3A, %swap3A_96] {strides = array<i32>} : memref<25x128xf32, #tpu.memory_space<vmem>>, vector<1x16xf32>,
        %swap3A_98 = vector.shape_cast %swap3A_97 : vector<1x16xf32> to vector<16xf32>
        %swap3A_99 = vector.shape_cast %broadcast_in_dim3A_3 : vector<16xf32> to vector<1x16xf32>
        tpu.vector_store %arg10[%swap3A, %swap3A_96], %swap3A_99 {strides = array<i32>} : memref<25x128xf32, #tpu.memory_space<vmem>>, vector<1x16xf32>,
        %scan3A_100 = arith.constant 0 : i32
        scf.yield %scan3A_100 : i32
      }
      %scan3A_91 = arith.constant 8 : i32
      scf.yield %scan3A_90 : i32
    }
    %scan3A_9 = arith.constant 25 : i32
    %add3A_10 = arith.constant 0 : i32
    %add3A_11 = arith.addi %mul3A_2, %add3A_10 : i32
    "tpu.region"() ({
      %run_scoped3A = tpu.sem_alloc : memref<!tpu.dma_semaphore, #tpu.memory_space<semaphore_mem>>
      %dma_start3A_83 = arith.constant 0 : i32
      %dma_start3A_84 = tpu.memref_slice %arg11[%add3A_11, %dma_start3A_83] : memref<10000x128xf32, #tpu.memory_space<vmem_shared>> -> memref<25x128xf32, #tpu.memory_space<vmem_shared>>
      %dma_start3A_85 = arith.constant 0 : i32
      %dma_start3A_86 = tpu.memref_slice %arg11[%add3A_11, %dma_start3A_85] : memref<10000x128xf32, #tpu.memory_space<vmem_shared>> -> memref<25x128xf32, #tpu.memory_space<vmem_shared>>
      tpu.enqueue_dma source(%arg10 : memref<25x128xf32, #tpu.memory_space<vmem>>) target(%dma_start3A_86 : memref<25x128xf32, #tpu.memory_space<vmem_shared>>) target_semaphore(%run_scoped3A : memref<!tpu.dma_semaphore, #tpu.memory_space<semaphore_mem>>)
      %dma_wait3A_87 = arith.constant 0 : i32
      %dma_wait3A_88 = tpu.memref_slice %arg11[%add3A_11, %dma_wait3A_87] : memref<10000x128xf32, #tpu.memory_space<vmem_shared>> -> memref<25x128xf32, #tpu.memory_space<vmem_shared>>
      %dma_wait3A_89 = arith.constant 0 : i32
      %dma_wait3A_90 = tpu.memref_slice %arg11[%add3A_11, %dma_wait3A_89] : memref<10000x128xf32, #tpu.memory_space<vmem_shared>> -> memref<25x128xf32, #tpu.memory_space<vmem_shared>>
      tpu.wait_dma2 semaphore(%run_scoped3A : memref<!tpu.dma_semaphore, #tpu.memory_space<semaphore_mem>>) src(%arg10 : memref<25x128xf32, #tpu.memory_space<vmem>>) dst(%dma_wait3A_90 : memref<25x128xf32, #tpu.memory_space<vmem_shared>>)
      tpu.yield
    }) : () -> ()
    %add3A_12 = arith.constant 25 : i32
    %add3A_13 = arith.addi %mul3A_2, %add3A_12 : i32
    "tpu.region"() ({
      %run_scoped3A = tpu.sem_alloc : memref<!tpu.dma_semaphore, #tpu.memory_space<semaphore_mem>>
      %dma_start3A_83 = arith.constant 0 : i32
      %dma_start3A_84 = tpu.memref_slice %arg11[%add3A_13, %dma_start3A_83] : memref<10000x128xf32, #tpu.memory_space<vmem_shared>> -> memref<25x128xf32, #tpu.memory_space<vmem_shared>>
      %dma_start3A_85 = arith.constant 0 : i32
      %dma_start3A_86 = tpu.memref_slice %arg11[%add3A_13, %dma_start3A_85] : memref<10000x128xf32, #tpu.memory_space<vmem_shared>> -> memref<25x128xf32, #tpu.memory_space<vmem_shared>>
      tpu.enqueue_dma source(%arg10 : memref<25x128xf32, #tpu.memory_space<vmem>>) target(%dma_start3A_86 : memref<25x128xf32, #tpu.memory_space<vmem_shared>>) target_semaphore(%run_scoped3A : memref<!tpu.dma_semaphore, #tpu.memory_space<semaphore_mem>>)
      %dma_wait3A_87 = arith.constant 0 : i32
      %dma_wait3A_88 = tpu.memref_slice %arg11[%add3A_13, %dma_wait3A_87] : memref<10000x128xf32, #tpu.memory_space<vmem_shared>> -> memref<25x128xf32, #tpu.memory_space<vmem_shared>>
      %dma_wait3A_89 = arith.constant 0 : i32
      %dma_wait3A_90 = tpu.memref_slice %arg11[%add3A_13, %dma_wait3A_89] : memref<10000x128xf32, #tpu.memory_space<vmem_shared>> -> memref<25x128xf32, #tpu.memory_space<vmem_shared>>
      tpu.wait_dma2 semaphore(%run_scoped3A : memref<!tpu.dma_semaphore, #tpu.memory_space<semaphore_mem>>) src(%arg10 : memref<25x128xf32, #tpu.memory_space<vmem>>) dst(%dma_wait3A_90 : memref<25x128xf32, #tpu.memory_space<vmem_shared>>)
      tpu.yield
    }) : () -> ()
    %add3A_14 = arith.constant 50 : i32
    %add3A_15 = arith.addi %mul3A_2, %add3A_14 : i32
    "tpu.region"() ({
      %run_scoped3A = tpu.sem_alloc : memref<!tpu.dma_semaphore, #tpu.memory_space<semaphore_mem>>
      %dma_start3A_83 = arith.constant 0 : i32
      %dma_start3A_84 = tpu.memref_slice %arg11[%add3A_15, %dma_start3A_83] : memref<10000x128xf32, #tpu.memory_space<vmem_shared>> -> memref<25x128xf32, #tpu.memory_space<vmem_shared>>
      %dma_start3A_85 = arith.constant 0 : i32
      %dma_start3A_86 = tpu.memref_slice %arg11[%add3A_15, %dma_start3A_85] : memref<10000x128xf32, #tpu.memory_space<vmem_shared>> -> memref<25x128xf32, #tpu.memory_space<vmem_shared>>
      tpu.enqueue_dma source(%arg10 : memref<25x128xf32, #tpu.memory_space<vmem>>) target(%dma_start3A_86 : memref<25x128xf32, #tpu.memory_space<vmem_shared>>) target_semaphore(%run_scoped3A : memref<!tpu.dma_semaphore, #tpu.memory_space<semaphore_mem>>)
      %dma_wait3A_87 = arith.constant 0 : i32
      %dma_wait3A_88 = tpu.memref_slice %arg11[%add3A_15, %dma_wait3A_87] : memref<10000x128xf32, #tpu.memory_space<vmem_shared>> -> memref<25x128xf32, #tpu.memory_space<vmem_shared>>
      %dma_wait3A_89 = arith.constant 0 : i32
      %dma_wait3A_90 = tpu.memref_slice %arg11[%add3A_15, %dma_wait3A_89] : memref<10000x128xf32, #tpu.memory_space<vmem_shared>> -> memref<25x128xf32, #tpu.memory_space<vmem_shared>>
      tpu.wait_dma2 semaphore(%run_scoped3A : memref<!tpu.dma_semaphore, #tpu.memory_space<semaphore_mem>>) src(%arg10 : memref<25x128xf32, #tpu.memory_space<vmem>>) dst(%dma_wait3A_90 : memref<25x128xf32, #tpu.memory_space<vmem_shared>>)
      tpu.yield
    }) : () -> ()
    %add3A_16 = arith.constant 75 : i32
    %add3A_17 = arith.addi %mul3A_2, %add3A_16 : i32
    "tpu.region"() ({
      %run_scoped3A = tpu.sem_alloc : memref<!tpu.dma_semaphore, #tpu.memory_space<semaphore_mem>>
      %dma_start3A_83 = arith.constant 0 : i32
      %dma_start3A_84 = tpu.memref_slice %arg11[%add3A_17, %dma_start3A_83] : memref<10000x128xf32, #tpu.memory_space<vmem_shared>> -> memref<25x128xf32, #tpu.memory_space<vmem_shared>>
      %dma_start3A_85 = arith.constant 0 : i32
      %dma_start3A_86 = tpu.memref_slice %arg11[%add3A_17, %dma_start3A_85] : memref<10000x128xf32, #tpu.memory_space<vmem_shared>> -> memref<25x128xf32, #tpu.memory_space<vmem_shared>>
      tpu.enqueue_dma source(%arg10 : memref<25x128xf32, #tpu.memory_space<vmem>>) target(%dma_start3A_86 : memref<25x128xf32, #tpu.memory_space<vmem_shared>>) target_semaphore(%run_scoped3A : memref<!tpu.dma_semaphore, #tpu.memory_space<semaphore_mem>>)
      %dma_wait3A_87 = arith.constant 0 : i32
      %dma_wait3A_88 = tpu.memref_slice %arg11[%add3A_17, %dma_wait3A_87] : memref<10000x128xf32, #tpu.memory_space<vmem_shared>> -> memref<25x128xf32, #tpu.memory_space<vmem_shared>>
      %dma_wait3A_89 = arith.constant 0 : i32
      %dma_wait3A_90 = tpu.memref_slice %arg11[%add3A_17, %dma_wait3A_89] : memref<10000x128xf32, #tpu.memory_space<vmem_shared>> -> memref<25x128xf32, #tpu.memory_space<vmem_shared>>
      tpu.wait_dma2 semaphore(%run_scoped3A : memref<!tpu.dma_semaphore, #tpu.memory_space<semaphore_mem>>) src(%arg10 : memref<25x128xf32, #tpu.memory_space<vmem>>) dst(%dma_wait3A_90 : memref<25x128xf32, #tpu.memory_space<vmem_shared>>)
      tpu.yield
    }) : () -> ()
    %add3A_18 = arith.constant 100 : i32
    %add3A_19 = arith.addi %mul3A_2, %add3A_18 : i32
    "tpu.region"() ({
      %run_scoped3A = tpu.sem_alloc : memref<!tpu.dma_semaphore, #tpu.memory_space<semaphore_mem>>
      %dma_start3A_83 = arith.constant 0 : i32
      %dma_start3A_84 = tpu.memref_slice %arg11[%add3A_19, %dma_start3A_83] : memref<10000x128xf32, #tpu.memory_space<vmem_shared>> -> memref<25x128xf32, #tpu.memory_space<vmem_shared>>
      %dma_start3A_85 = arith.constant 0 : i32
      %dma_start3A_86 = tpu.memref_slice %arg11[%add3A_19, %dma_start3A_85] : memref<10000x128xf32, #tpu.memory_space<vmem_shared>> -> memref<25x128xf32, #tpu.memory_space<vmem_shared>>
      tpu.enqueue_dma source(%arg10 : memref<25x128xf32, #tpu.memory_space<vmem>>) target(%dma_start3A_86 : memref<25x128xf32, #tpu.memory_space<vmem_shared>>) target_semaphore(%run_scoped3A : memref<!tpu.dma_semaphore, #tpu.memory_space<semaphore_mem>>)
      %dma_wait3A_87 = arith.constant 0 : i32
      %dma_wait3A_88 = tpu.memref_slice %arg11[%add3A_19, %dma_wait3A_87] : memref<10000x128xf32, #tpu.memory_space<vmem_shared>> -> memref<25x128xf32, #tpu.memory_space<vmem_shared>>
      %dma_wait3A_89 = arith.constant 0 : i32
      %dma_wait3A_90 = tpu.memref_slice %arg11[%add3A_19, %dma_wait3A_89] : memref<10000x128xf32, #tpu.memory_space<vmem_shared>> -> memref<25x128xf32, #tpu.memory_space<vmem_shared>>
      tpu.wait_dma2 semaphore(%run_scoped3A : memref<!tpu.dma_semaphore, #tpu.memory_space<semaphore_mem>>) src(%arg10 : memref<25x128xf32, #tpu.memory_space<vmem>>) dst(%dma_wait3A_90 : memref<25x128xf32, #tpu.memory_space<vmem_shared>>)
      tpu.yield
    }) : () -> ()
    %add3A_20 = arith.constant 125 : i32
    %add3A_21 = arith.addi %mul3A_2, %add3A_20 : i32
    "tpu.region"() ({
      %run_scoped3A = tpu.sem_alloc : memref<!tpu.dma_semaphore, #tpu.memory_space<semaphore_mem>>
      %dma_start3A_83 = arith.constant 0 : i32
      %dma_start3A_84 = tpu.memref_slice %arg11[%add3A_21, %dma_start3A_83] : memref<10000x128xf32, #tpu.memory_space<vmem_shared>> -> memref<25x128xf32, #tpu.memory_space<vmem_shared>>
      %dma_start3A_85 = arith.constant 0 : i32
      %dma_start3A_86 = tpu.memref_slice %arg11[%add3A_21, %dma_start3A_85] : memref<10000x128xf32, #tpu.memory_space<vmem_shared>> -> memref<25x128xf32, #tpu.memory_space<vmem_shared>>
      tpu.enqueue_dma source(%arg10 : memref<25x128xf32, #tpu.memory_space<vmem>>) target(%dma_start3A_86 : memref<25x128xf32, #tpu.memory_space<vmem_shared>>) target_semaphore(%run_scoped3A : memref<!tpu.dma_semaphore, #tpu.memory_space<semaphore_mem>>)
      %dma_wait3A_87 = arith.constant 0 : i32
      %dma_wait3A_88 = tpu.memref_slice %arg11[%add3A_21, %dma_wait3A_87] : memref<10000x128xf32, #tpu.memory_space<vmem_shared>> -> memref<25x128xf32, #tpu.memory_space<vmem_shared>>
      %dma_wait3A_89 = arith.constant 0 : i32
      %dma_wait3A_90 = tpu.memref_slice %arg11[%add3A_21, %dma_wait3A_89] : memref<10000x128xf32, #tpu.memory_space<vmem_shared>> -> memref<25x128xf32, #tpu.memory_space<vmem_shared>>
      tpu.wait_dma2 semaphore(%run_scoped3A : memref<!tpu.dma_semaphore, #tpu.memory_space<semaphore_mem>>) src(%arg10 : memref<25x128xf32, #tpu.memory_space<vmem>>) dst(%dma_wait3A_90 : memref<25x128xf32, #tpu.memory_space<vmem_shared>>)
      tpu.yield
    }) : () -> ()
    %add3A_22 = arith.constant 150 : i32
    %add3A_23 = arith.addi %mul3A_2, %add3A_22 : i32
    "tpu.region"() ({
      %run_scoped3A = tpu.sem_alloc : memref<!tpu.dma_semaphore, #tpu.memory_space<semaphore_mem>>
      %dma_start3A_83 = arith.constant 0 : i32
      %dma_start3A_84 = tpu.memref_slice %arg11[%add3A_23, %dma_start3A_83] : memref<10000x128xf32, #tpu.memory_space<vmem_shared>> -> memref<25x128xf32, #tpu.memory_space<vmem_shared>>
      %dma_start3A_85 = arith.constant 0 : i32
      %dma_start3A_86 = tpu.memref_slice %arg11[%add3A_23, %dma_start3A_85] : memref<10000x128xf32, #tpu.memory_space<vmem_shared>> -> memref<25x128xf32, #tpu.memory_space<vmem_shared>>
      tpu.enqueue_dma source(%arg10 : memref<25x128xf32, #tpu.memory_space<vmem>>) target(%dma_start3A_86 : memref<25x128xf32, #tpu.memory_space<vmem_shared>>) target_semaphore(%run_scoped3A : memref<!tpu.dma_semaphore, #tpu.memory_space<semaphore_mem>>)
      %dma_wait3A_87 = arith.constant 0 : i32
      %dma_wait3A_88 = tpu.memref_slice %arg11[%add3A_23, %dma_wait3A_87] : memref<10000x128xf32, #tpu.memory_space<vmem_shared>> -> memref<25x128xf32, #tpu.memory_space<vmem_shared>>
      %dma_wait3A_89 = arith.constant 0 : i32
      %dma_wait3A_90 = tpu.memref_slice %arg11[%add3A_23, %dma_wait3A_89] : memref<10000x128xf32, #tpu.memory_space<vmem_shared>> -> memref<25x128xf32, #tpu.memory_space<vmem_shared>>
      tpu.wait_dma2 semaphore(%run_scoped3A : memref<!tpu.dma_semaphore, #tpu.memory_space<semaphore_mem>>) src(%arg10 : memref<25x128xf32, #tpu.memory_space<vmem>>) dst(%dma_wait3A_90 : memref<25x128xf32, #tpu.memory_space<vmem_shared>>)
      tpu.yield
    }) : () -> ()
    %add3A_24 = arith.constant 175 : i32
    %add3A_25 = arith.addi %mul3A_2, %add3A_24 : i32
    "tpu.region"() ({
      %run_scoped3A = tpu.sem_alloc : memref<!tpu.dma_semaphore, #tpu.memory_space<semaphore_mem>>
      %dma_start3A_83 = arith.constant 0 : i32
      %dma_start3A_84 = tpu.memref_slice %arg11[%add3A_25, %dma_start3A_83] : memref<10000x128xf32, #tpu.memory_space<vmem_shared>> -> memref<25x128xf32, #tpu.memory_space<vmem_shared>>
      %dma_start3A_85 = arith.constant 0 : i32
      %dma_start3A_86 = tpu.memref_slice %arg11[%add3A_25, %dma_start3A_85] : memref<10000x128xf32, #tpu.memory_space<vmem_shared>> -> memref<25x128xf32, #tpu.memory_space<vmem_shared>>
      tpu.enqueue_dma source(%arg10 : memref<25x128xf32, #tpu.memory_space<vmem>>) target(%dma_start3A_86 : memref<25x128xf32, #tpu.memory_space<vmem_shared>>) target_semaphore(%run_scoped3A : memref<!tpu.dma_semaphore, #tpu.memory_space<semaphore_mem>>)
      %dma_wait3A_87 = arith.constant 0 : i32
      %dma_wait3A_88 = tpu.memref_slice %arg11[%add3A_25, %dma_wait3A_87] : memref<10000x128xf32, #tpu.memory_space<vmem_shared>> -> memref<25x128xf32, #tpu.memory_space<vmem_shared>>
      %dma_wait3A_89 = arith.constant 0 : i32
      %dma_wait3A_90 = tpu.memref_slice %arg11[%add3A_25, %dma_wait3A_89] : memref<10000x128xf32, #tpu.memory_space<vmem_shared>> -> memref<25x128xf32, #tpu.memory_space<vmem_shared>>
      tpu.wait_dma2 semaphore(%run_scoped3A : memref<!tpu.dma_semaphore, #tpu.memory_space<semaphore_mem>>) src(%arg10 : memref<25x128xf32, #tpu.memory_space<vmem>>) dst(%dma_wait3A_90 : memref<25x128xf32, #tpu.memory_space<vmem_shared>>)
      tpu.yield
    }) : () -> ()
    %add3A_26 = arith.constant 200 : i32
    %add3A_27 = arith.addi %mul3A_2, %add3A_26 : i32
    "tpu.region"() ({
      %run_scoped3A = tpu.sem_alloc : memref<!tpu.dma_semaphore, #tpu.memory_space<semaphore_mem>>
      %dma_start3A_83 = arith.constant 0 : i32
      %dma_start3A_84 = tpu.memref_slice %arg11[%add3A_27, %dma_start3A_83] : memref<10000x128xf32, #tpu.memory_space<vmem_shared>> -> memref<25x128xf32, #tpu.memory_space<vmem_shared>>
      %dma_start3A_85 = arith.constant 0 : i32
      %dma_start3A_86 = tpu.memref_slice %arg11[%add3A_27, %dma_start3A_85] : memref<10000x128xf32, #tpu.memory_space<vmem_shared>> -> memref<25x128xf32, #tpu.memory_space<vmem_shared>>
      tpu.enqueue_dma source(%arg10 : memref<25x128xf32, #tpu.memory_space<vmem>>) target(%dma_start3A_86 : memref<25x128xf32, #tpu.memory_space<vmem_shared>>) target_semaphore(%run_scoped3A : memref<!tpu.dma_semaphore, #tpu.memory_space<semaphore_mem>>)
      %dma_wait3A_87 = arith.constant 0 : i32
      %dma_wait3A_88 = tpu.memref_slice %arg11[%add3A_27, %dma_wait3A_87] : memref<10000x128xf32, #tpu.memory_space<vmem_shared>> -> memref<25x128xf32, #tpu.memory_space<vmem_shared>>
      %dma_wait3A_89 = arith.constant 0 : i32
      %dma_wait3A_90 = tpu.memref_slice %arg11[%add3A_27, %dma_wait3A_89] : memref<10000x128xf32, #tpu.memory_space<vmem_shared>> -> memref<25x128xf32, #tpu.memory_space<vmem_shared>>
      tpu.wait_dma2 semaphore(%run_scoped3A : memref<!tpu.dma_semaphore, #tpu.memory_space<semaphore_mem>>) src(%arg10 : memref<25x128xf32, #tpu.memory_space<vmem>>) dst(%dma_wait3A_90 : memref<25x128xf32, #tpu.memory_space<vmem_shared>>)
      tpu.yield
    }) : () -> ()
    %add3A_28 = arith.constant 225 : i32
    %add3A_29 = arith.addi %mul3A_2, %add3A_28 : i32
    "tpu.region"() ({
      %run_scoped3A = tpu.sem_alloc : memref<!tpu.dma_semaphore, #tpu.memory_space<semaphore_mem>>
      %dma_start3A_83 = arith.constant 0 : i32
      %dma_start3A_84 = tpu.memref_slice %arg11[%add3A_29, %dma_start3A_83] : memref<10000x128xf32, #tpu.memory_space<vmem_shared>> -> memref<25x128xf32, #tpu.memory_space<vmem_shared>>
      %dma_start3A_85 = arith.constant 0 : i32
      %dma_start3A_86 = tpu.memref_slice %arg11[%add3A_29, %dma_start3A_85] : memref<10000x128xf32, #tpu.memory_space<vmem_shared>> -> memref<25x128xf32, #tpu.memory_space<vmem_shared>>
      tpu.enqueue_dma source(%arg10 : memref<25x128xf32, #tpu.memory_space<vmem>>) target(%dma_start3A_86 : memref<25x128xf32, #tpu.memory_space<vmem_shared>>) target_semaphore(%run_scoped3A : memref<!tpu.dma_semaphore, #tpu.memory_space<semaphore_mem>>)
      %dma_wait3A_87 = arith.constant 0 : i32
      %dma_wait3A_88 = tpu.memref_slice %arg11[%add3A_29, %dma_wait3A_87] : memref<10000x128xf32, #tpu.memory_space<vmem_shared>> -> memref<25x128xf32, #tpu.memory_space<vmem_shared>>
      %dma_wait3A_89 = arith.constant 0 : i32
      %dma_wait3A_90 = tpu.memref_slice %arg11[%add3A_29, %dma_wait3A_89] : memref<10000x128xf32, #tpu.memory_space<vmem_shared>> -> memref<25x128xf32, #tpu.memory_space<vmem_shared>>
      tpu.wait_dma2 semaphore(%run_scoped3A : memref<!tpu.dma_semaphore, #tpu.memory_space<semaphore_mem>>) src(%arg10 : memref<25x128xf32, #tpu.memory_space<vmem>>) dst(%dma_wait3A_90 : memref<25x128xf32, #tpu.memory_space<vmem_shared>>)
      tpu.yield
    }) : () -> ()
    %add3A_30 = arith.constant 250 : i32
    %add3A_31 = arith.addi %mul3A_2, %add3A_30 : i32
    "tpu.region"() ({
      %run_scoped3A = tpu.sem_alloc : memref<!tpu.dma_semaphore, #tpu.memory_space<semaphore_mem>>
      %dma_start3A_83 = arith.constant 0 : i32
      %dma_start3A_84 = tpu.memref_slice %arg11[%add3A_31, %dma_start3A_83] : memref<10000x128xf32, #tpu.memory_space<vmem_shared>> -> memref<25x128xf32, #tpu.memory_space<vmem_shared>>
      %dma_start3A_85 = arith.constant 0 : i32
      %dma_start3A_86 = tpu.memref_slice %arg11[%add3A_31, %dma_start3A_85] : memref<10000x128xf32, #tpu.memory_space<vmem_shared>> -> memref<25x128xf32, #tpu.memory_space<vmem_shared>>
      tpu.enqueue_dma source(%arg10 : memref<25x128xf32, #tpu.memory_space<vmem>>) target(%dma_start3A_86 : memref<25x128xf32, #tpu.memory_space<vmem_shared>>) target_semaphore(%run_scoped3A : memref<!tpu.dma_semaphore, #tpu.memory_space<semaphore_mem>>)
      %dma_wait3A_87 = arith.constant 0 : i32
      %dma_wait3A_88 = tpu.memref_slice %arg11[%add3A_31, %dma_wait3A_87] : memref<10000x128xf32, #tpu.memory_space<vmem_shared>> -> memref<25x128xf32, #tpu.memory_space<vmem_shared>>
      %dma_wait3A_89 = arith.constant 0 : i32
      %dma_wait3A_90 = tpu.memref_slice %arg11[%add3A_31, %dma_wait3A_89] : memref<10000x128xf32, #tpu.memory_space<vmem_shared>> -> memref<25x128xf32, #tpu.memory_space<vmem_shared>>
      tpu.wait_dma2 semaphore(%run_scoped3A : memref<!tpu.dma_semaphore, #tpu.memory_space<semaphore_mem>>) src(%arg10 : memref<25x128xf32, #tpu.memory_space<vmem>>) dst(%dma_wait3A_90 : memref<25x128xf32, #tpu.memory_space<vmem_shared>>)
      tpu.yield
    }) : () -> ()
    %add3A_32 = arith.constant 275 : i32
    %add3A_33 = arith.addi %mul3A_2, %add3A_32 : i32
    "tpu.region"() ({
      %run_scoped3A = tpu.sem_alloc : memref<!tpu.dma_semaphore, #tpu.memory_space<semaphore_mem>>
      %dma_start3A_83 = arith.constant 0 : i32
      %dma_start3A_84 = tpu.memref_slice %arg11[%add3A_33, %dma_start3A_83] : memref<10000x128xf32, #tpu.memory_space<vmem_shared>> -> memref<25x128xf32, #tpu.memory_space<vmem_shared>>
      %dma_start3A_85 = arith.constant 0 : i32
      %dma_start3A_86 = tpu.memref_slice %arg11[%add3A_33, %dma_start3A_85] : memref<10000x128xf32, #tpu.memory_space<vmem_shared>> -> memref<25x128xf32, #tpu.memory_space<vmem_shared>>
      tpu.enqueue_dma source(%arg10 : memref<25x128xf32, #tpu.memory_space<vmem>>) target(%dma_start3A_86 : memref<25x128xf32, #tpu.memory_space<vmem_shared>>) target_semaphore(%run_scoped3A : memref<!tpu.dma_semaphore, #tpu.memory_space<semaphore_mem>>)
      %dma_wait3A_87 = arith.constant 0 : i32
      %dma_wait3A_88 = tpu.memref_slice %arg11[%add3A_33, %dma_wait3A_87] : memref<10000x128xf32, #tpu.memory_space<vmem_shared>> -> memref<25x128xf32, #tpu.memory_space<vmem_shared>>
      %dma_wait3A_89 = arith.constant 0 : i32
      %dma_wait3A_90 = tpu.memref_slice %arg11[%add3A_33, %dma_wait3A_89] : memref<10000x128xf32, #tpu.memory_space<vmem_shared>> -> memref<25x128xf32, #tpu.memory_space<vmem_shared>>
      tpu.wait_dma2 semaphore(%run_scoped3A : memref<!tpu.dma_semaphore, #tpu.memory_space<semaphore_mem>>) src(%arg10 : memref<25x128xf32, #tpu.memory_space<vmem>>) dst(%dma_wait3A_90 : memref<25x128xf32, #tpu.memory_space<vmem_shared>>)
      tpu.yield
    }) : () -> ()
    %add3A_34 = arith.constant 300 : i32
    %add3A_35 = arith.addi %mul3A_2, %add3A_34 : i32
    "tpu.region"() ({
      %run_scoped3A = tpu.sem_alloc : memref<!tpu.dma_semaphore, #tpu.memory_space<semaphore_mem>>
      %dma_start3A_83 = arith.constant 0 : i32
      %dma_start3A_84 = tpu.memref_slice %arg11[%add3A_35, %dma_start3A_83] : memref<10000x128xf32, #tpu.memory_space<vmem_shared>> -> memref<25x128xf32, #tpu.memory_space<vmem_shared>>
      %dma_start3A_85 = arith.constant 0 : i32
      %dma_start3A_86 = tpu.memref_slice %arg11[%add3A_35, %dma_start3A_85] : memref<10000x128xf32, #tpu.memory_space<vmem_shared>> -> memref<25x128xf32, #tpu.memory_space<vmem_shared>>
      tpu.enqueue_dma source(%arg10 : memref<25x128xf32, #tpu.memory_space<vmem>>) target(%dma_start3A_86 : memref<25x128xf32, #tpu.memory_space<vmem_shared>>) target_semaphore(%run_scoped3A : memref<!tpu.dma_semaphore, #tpu.memory_space<semaphore_mem>>)
      %dma_wait3A_87 = arith.constant 0 : i32
      %dma_wait3A_88 = tpu.memref_slice %arg11[%add3A_35, %dma_wait3A_87] : memref<10000x128xf32, #tpu.memory_space<vmem_shared>> -> memref<25x128xf32, #tpu.memory_space<vmem_shared>>
      %dma_wait3A_89 = arith.constant 0 : i32
      %dma_wait3A_90 = tpu.memref_slice %arg11[%add3A_35, %dma_wait3A_89] : memref<10000x128xf32, #tpu.memory_space<vmem_shared>> -> memref<25x128xf32, #tpu.memory_space<vmem_shared>>
      tpu.wait_dma2 semaphore(%run_scoped3A : memref<!tpu.dma_semaphore, #tpu.memory_space<semaphore_mem>>) src(%arg10 : memref<25x128xf32, #tpu.memory_space<vmem>>) dst(%dma_wait3A_90 : memref<25x128xf32, #tpu.memory_space<vmem_shared>>)
      tpu.yield
    }) : () -> ()
    %add3A_36 = arith.constant 325 : i32
    %add3A_37 = arith.addi %mul3A_2, %add3A_36 : i32
    "tpu.region"() ({
      %run_scoped3A = tpu.sem_alloc : memref<!tpu.dma_semaphore, #tpu.memory_space<semaphore_mem>>
      %dma_start3A_83 = arith.constant 0 : i32
      %dma_start3A_84 = tpu.memref_slice %arg11[%add3A_37, %dma_start3A_83] : memref<10000x128xf32, #tpu.memory_space<vmem_shared>> -> memref<25x128xf32, #tpu.memory_space<vmem_shared>>
      %dma_start3A_85 = arith.constant 0 : i32
      %dma_start3A_86 = tpu.memref_slice %arg11[%add3A_37, %dma_start3A_85] : memref<10000x128xf32, #tpu.memory_space<vmem_shared>> -> memref<25x128xf32, #tpu.memory_space<vmem_shared>>
      tpu.enqueue_dma source(%arg10 : memref<25x128xf32, #tpu.memory_space<vmem>>) target(%dma_start3A_86 : memref<25x128xf32, #tpu.memory_space<vmem_shared>>) target_semaphore(%run_scoped3A : memref<!tpu.dma_semaphore, #tpu.memory_space<semaphore_mem>>)
      %dma_wait3A_87 = arith.constant 0 : i32
      %dma_wait3A_88 = tpu.memref_slice %arg11[%add3A_37, %dma_wait3A_87] : memref<10000x128xf32, #tpu.memory_space<vmem_shared>> -> memref<25x128xf32, #tpu.memory_space<vmem_shared>>
      %dma_wait3A_89 = arith.constant 0 : i32
      %dma_wait3A_90 = tpu.memref_slice %arg11[%add3A_37, %dma_wait3A_89] : memref<10000x128xf32, #tpu.memory_space<vmem_shared>> -> memref<25x128xf32, #tpu.memory_space<vmem_shared>>
      tpu.wait_dma2 semaphore(%run_scoped3A : memref<!tpu.dma_semaphore, #tpu.memory_space<semaphore_mem>>) src(%arg10 : memref<25x128xf32, #tpu.memory_space<vmem>>) dst(%dma_wait3A_90 : memref<25x128xf32, #tpu.memory_space<vmem_shared>>)
      tpu.yield
    }) : () -> ()
    %add3A_38 = arith.constant 350 : i32
    %add3A_39 = arith.addi %mul3A_2, %add3A_38 : i32
    "tpu.region"() ({
      %run_scoped3A = tpu.sem_alloc : memref<!tpu.dma_semaphore, #tpu.memory_space<semaphore_mem>>
      %dma_start3A_83 = arith.constant 0 : i32
      %dma_start3A_84 = tpu.memref_slice %arg11[%add3A_39, %dma_start3A_83] : memref<10000x128xf32, #tpu.memory_space<vmem_shared>> -> memref<25x128xf32, #tpu.memory_space<vmem_shared>>
      %dma_start3A_85 = arith.constant 0 : i32
      %dma_start3A_86 = tpu.memref_slice %arg11[%add3A_39, %dma_start3A_85] : memref<10000x128xf32, #tpu.memory_space<vmem_shared>> -> memref<25x128xf32, #tpu.memory_space<vmem_shared>>
      tpu.enqueue_dma source(%arg10 : memref<25x128xf32, #tpu.memory_space<vmem>>) target(%dma_start3A_86 : memref<25x128xf32, #tpu.memory_space<vmem_shared>>) target_semaphore(%run_scoped3A : memref<!tpu.dma_semaphore, #tpu.memory_space<semaphore_mem>>)
      %dma_wait3A_87 = arith.constant 0 : i32
      %dma_wait3A_88 = tpu.memref_slice %arg11[%add3A_39, %dma_wait3A_87] : memref<10000x128xf32, #tpu.memory_space<vmem_shared>> -> memref<25x128xf32, #tpu.memory_space<vmem_shared>>
      %dma_wait3A_89 = arith.constant 0 : i32
      %dma_wait3A_90 = tpu.memref_slice %arg11[%add3A_39, %dma_wait3A_89] : memref<10000x128xf32, #tpu.memory_space<vmem_shared>> -> memref<25x128xf32, #tpu.memory_space<vmem_shared>>
      tpu.wait_dma2 semaphore(%run_scoped3A : memref<!tpu.dma_semaphore, #tpu.memory_space<semaphore_mem>>) src(%arg10 : memref<25x128xf32, #tpu.memory_space<vmem>>) dst(%dma_wait3A_90 : memref<25x128xf32, #tpu.memory_space<vmem_shared>>)
      tpu.yield
    }) : () -> ()
    %add3A_40 = arith.constant 375 : i32
    %add3A_41 = arith.addi %mul3A_2, %add3A_40 : i32
    "tpu.region"() ({
      %run_scoped3A = tpu.sem_alloc : memref<!tpu.dma_semaphore, #tpu.memory_space<semaphore_mem>>
      %dma_start3A_83 = arith.constant 0 : i32
      %dma_start3A_84 = tpu.memref_slice %arg11[%add3A_41, %dma_start3A_83] : memref<10000x128xf32, #tpu.memory_space<vmem_shared>> -> memref<25x128xf32, #tpu.memory_space<vmem_shared>>
      %dma_start3A_85 = arith.constant 0 : i32
      %dma_start3A_86 = tpu.memref_slice %arg11[%add3A_41, %dma_start3A_85] : memref<10000x128xf32, #tpu.memory_space<vmem_shared>> -> memref<25x128xf32, #tpu.memory_space<vmem_shared>>
      tpu.enqueue_dma source(%arg10 : memref<25x128xf32, #tpu.memory_space<vmem>>) target(%dma_start3A_86 : memref<25x128xf32, #tpu.memory_space<vmem_shared>>) target_semaphore(%run_scoped3A : memref<!tpu.dma_semaphore, #tpu.memory_space<semaphore_mem>>)
      %dma_wait3A_87 = arith.constant 0 : i32
      %dma_wait3A_88 = tpu.memref_slice %arg11[%add3A_41, %dma_wait3A_87] : memref<10000x128xf32, #tpu.memory_space<vmem_shared>> -> memref<25x128xf32, #tpu.memory_space<vmem_shared>>
      %dma_wait3A_89 = arith.constant 0 : i32
      %dma_wait3A_90 = tpu.memref_slice %arg11[%add3A_41, %dma_wait3A_89] : memref<10000x128xf32, #tpu.memory_space<vmem_shared>> -> memref<25x128xf32, #tpu.memory_space<vmem_shared>>
      tpu.wait_dma2 semaphore(%run_scoped3A : memref<!tpu.dma_semaphore, #tpu.memory_space<semaphore_mem>>) src(%arg10 : memref<25x128xf32, #tpu.memory_space<vmem>>) dst(%dma_wait3A_90 : memref<25x128xf32, #tpu.memory_space<vmem_shared>>)
      tpu.yield
    }) : () -> ()
    %add3A_42 = arith.constant 400 : i32
    %add3A_43 = arith.addi %mul3A_2, %add3A_42 : i32
    "tpu.region"() ({
      %run_scoped3A = tpu.sem_alloc : memref<!tpu.dma_semaphore, #tpu.memory_space<semaphore_mem>>
      %dma_start3A_83 = arith.constant 0 : i32
      %dma_start3A_84 = tpu.memref_slice %arg11[%add3A_43, %dma_start3A_83] : memref<10000x128xf32, #tpu.memory_space<vmem_shared>> -> memref<25x128xf32, #tpu.memory_space<vmem_shared>>
      %dma_start3A_85 = arith.constant 0 : i32
      %dma_start3A_86 = tpu.memref_slice %arg11[%add3A_43, %dma_start3A_85] : memref<10000x128xf32, #tpu.memory_space<vmem_shared>> -> memref<25x128xf32, #tpu.memory_space<vmem_shared>>
      tpu.enqueue_dma source(%arg10 : memref<25x128xf32, #tpu.memory_space<vmem>>) target(%dma_start3A_86 : memref<25x128xf32, #tpu.memory_space<vmem_shared>>) target_semaphore(%run_scoped3A : memref<!tpu.dma_semaphore, #tpu.memory_space<semaphore_mem>>)
      %dma_wait3A_87 = arith.constant 0 : i32
      %dma_wait3A_88 = tpu.memref_slice %arg11[%add3A_43, %dma_wait3A_87] : memref<10000x128xf32, #tpu.memory_space<vmem_shared>> -> memref<25x128xf32, #tpu.memory_space<vmem_shared>>
      %dma_wait3A_89 = arith.constant 0 : i32
      %dma_wait3A_90 = tpu.memref_slice %arg11[%add3A_43, %dma_wait3A_89] : memref<10000x128xf32, #tpu.memory_space<vmem_shared>> -> memref<25x128xf32, #tpu.memory_space<vmem_shared>>
      tpu.wait_dma2 semaphore(%run_scoped3A : memref<!tpu.dma_semaphore, #tpu.memory_space<semaphore_mem>>) src(%arg10 : memref<25x128xf32, #tpu.memory_space<vmem>>) dst(%dma_wait3A_90 : memref<25x128xf32, #tpu.memory_space<vmem_shared>>)
      tpu.yield
    }) : () -> ()
    %add3A_44 = arith.constant 425 : i32
    %add3A_45 = arith.addi %mul3A_2, %add3A_44 : i32
    "tpu.region"() ({
      %run_scoped3A = tpu.sem_alloc : memref<!tpu.dma_semaphore, #tpu.memory_space<semaphore_mem>>
      %dma_start3A_83 = arith.constant 0 : i32
      %dma_start3A_84 = tpu.memref_slice %arg11[%add3A_45, %dma_start3A_83] : memref<10000x128xf32, #tpu.memory_space<vmem_shared>> -> memref<25x128xf32, #tpu.memory_space<vmem_shared>>
      %dma_start3A_85 = arith.constant 0 : i32
      %dma_start3A_86 = tpu.memref_slice %arg11[%add3A_45, %dma_start3A_85] : memref<10000x128xf32, #tpu.memory_space<vmem_shared>> -> memref<25x128xf32, #tpu.memory_space<vmem_shared>>
      tpu.enqueue_dma source(%arg10 : memref<25x128xf32, #tpu.memory_space<vmem>>) target(%dma_start3A_86 : memref<25x128xf32, #tpu.memory_space<vmem_shared>>) target_semaphore(%run_scoped3A : memref<!tpu.dma_semaphore, #tpu.memory_space<semaphore_mem>>)
      %dma_wait3A_87 = arith.constant 0 : i32
      %dma_wait3A_88 = tpu.memref_slice %arg11[%add3A_45, %dma_wait3A_87] : memref<10000x128xf32, #tpu.memory_space<vmem_shared>> -> memref<25x128xf32, #tpu.memory_space<vmem_shared>>
      %dma_wait3A_89 = arith.constant 0 : i32
      %dma_wait3A_90 = tpu.memref_slice %arg11[%add3A_45, %dma_wait3A_89] : memref<10000x128xf32, #tpu.memory_space<vmem_shared>> -> memref<25x128xf32, #tpu.memory_space<vmem_shared>>
      tpu.wait_dma2 semaphore(%run_scoped3A : memref<!tpu.dma_semaphore, #tpu.memory_space<semaphore_mem>>) src(%arg10 : memref<25x128xf32, #tpu.memory_space<vmem>>) dst(%dma_wait3A_90 : memref<25x128xf32, #tpu.memory_space<vmem_shared>>)
      tpu.yield
    }) : () -> ()
    %add3A_46 = arith.constant 450 : i32
    %add3A_47 = arith.addi %mul3A_2, %add3A_46 : i32
    "tpu.region"() ({
      %run_scoped3A = tpu.sem_alloc : memref<!tpu.dma_semaphore, #tpu.memory_space<semaphore_mem>>
      %dma_start3A_83 = arith.constant 0 : i32
      %dma_start3A_84 = tpu.memref_slice %arg11[%add3A_47, %dma_start3A_83] : memref<10000x128xf32, #tpu.memory_space<vmem_shared>> -> memref<25x128xf32, #tpu.memory_space<vmem_shared>>
      %dma_start3A_85 = arith.constant 0 : i32
      %dma_start3A_86 = tpu.memref_slice %arg11[%add3A_47, %dma_start3A_85] : memref<10000x128xf32, #tpu.memory_space<vmem_shared>> -> memref<25x128xf32, #tpu.memory_space<vmem_shared>>
      tpu.enqueue_dma source(%arg10 : memref<25x128xf32, #tpu.memory_space<vmem>>) target(%dma_start3A_86 : memref<25x128xf32, #tpu.memory_space<vmem_shared>>) target_semaphore(%run_scoped3A : memref<!tpu.dma_semaphore, #tpu.memory_space<semaphore_mem>>)
      %dma_wait3A_87 = arith.constant 0 : i32
      %dma_wait3A_88 = tpu.memref_slice %arg11[%add3A_47, %dma_wait3A_87] : memref<10000x128xf32, #tpu.memory_space<vmem_shared>> -> memref<25x128xf32, #tpu.memory_space<vmem_shared>>
      %dma_wait3A_89 = arith.constant 0 : i32
      %dma_wait3A_90 = tpu.memref_slice %arg11[%add3A_47, %dma_wait3A_89] : memref<10000x128xf32, #tpu.memory_space<vmem_shared>> -> memref<25x128xf32, #tpu.memory_space<vmem_shared>>
      tpu.wait_dma2 semaphore(%run_scoped3A : memref<!tpu.dma_semaphore, #tpu.memory_space<semaphore_mem>>) src(%arg10 : memref<25x128xf32, #tpu.memory_space<vmem>>) dst(%dma_wait3A_90 : memref<25x128xf32, #tpu.memory_space<vmem_shared>>)
      tpu.yield
    }) : () -> ()
    %add3A_48 = arith.constant 475 : i32
    %add3A_49 = arith.addi %mul3A_2, %add3A_48 : i32
    "tpu.region"() ({
      %run_scoped3A = tpu.sem_alloc : memref<!tpu.dma_semaphore, #tpu.memory_space<semaphore_mem>>
      %dma_start3A_83 = arith.constant 0 : i32
      %dma_start3A_84 = tpu.memref_slice %arg11[%add3A_49, %dma_start3A_83] : memref<10000x128xf32, #tpu.memory_space<vmem_shared>> -> memref<25x128xf32, #tpu.memory_space<vmem_shared>>
      %dma_start3A_85 = arith.constant 0 : i32
      %dma_start3A_86 = tpu.memref_slice %arg11[%add3A_49, %dma_start3A_85] : memref<10000x128xf32, #tpu.memory_space<vmem_shared>> -> memref<25x128xf32, #tpu.memory_space<vmem_shared>>
      tpu.enqueue_dma source(%arg10 : memref<25x128xf32, #tpu.memory_space<vmem>>) target(%dma_start3A_86 : memref<25x128xf32, #tpu.memory_space<vmem_shared>>) target_semaphore(%run_scoped3A : memref<!tpu.dma_semaphore, #tpu.memory_space<semaphore_mem>>)
      %dma_wait3A_87 = arith.constant 0 : i32
      %dma_wait3A_88 = tpu.memref_slice %arg11[%add3A_49, %dma_wait3A_87] : memref<10000x128xf32, #tpu.memory_space<vmem_shared>> -> memref<25x128xf32, #tpu.memory_space<vmem_shared>>
      %dma_wait3A_89 = arith.constant 0 : i32
      %dma_wait3A_90 = tpu.memref_slice %arg11[%add3A_49, %dma_wait3A_89] : memref<10000x128xf32, #tpu.memory_space<vmem_shared>> -> memref<25x128xf32, #tpu.memory_space<vmem_shared>>
      tpu.wait_dma2 semaphore(%run_scoped3A : memref<!tpu.dma_semaphore, #tpu.memory_space<semaphore_mem>>) src(%arg10 : memref<25x128xf32, #tpu.memory_space<vmem>>) dst(%dma_wait3A_90 : memref<25x128xf32, #tpu.memory_space<vmem_shared>>)
      tpu.yield
    }) : () -> ()
    %add3A_50 = arith.constant 500 : i32
    %add3A_51 = arith.addi %mul3A_2, %add3A_50 : i32
    "tpu.region"() ({
      %run_scoped3A = tpu.sem_alloc : memref<!tpu.dma_semaphore, #tpu.memory_space<semaphore_mem>>
      %dma_start3A_83 = arith.constant 0 : i32
      %dma_start3A_84 = tpu.memref_slice %arg11[%add3A_51, %dma_start3A_83] : memref<10000x128xf32, #tpu.memory_space<vmem_shared>> -> memref<25x128xf32, #tpu.memory_space<vmem_shared>>
      %dma_start3A_85 = arith.constant 0 : i32
      %dma_start3A_86 = tpu.memref_slice %arg11[%add3A_51, %dma_start3A_85] : memref<10000x128xf32, #tpu.memory_space<vmem_shared>> -> memref<25x128xf32, #tpu.memory_space<vmem_shared>>
      tpu.enqueue_dma source(%arg10 : memref<25x128xf32, #tpu.memory_space<vmem>>) target(%dma_start3A_86 : memref<25x128xf32, #tpu.memory_space<vmem_shared>>) target_semaphore(%run_scoped3A : memref<!tpu.dma_semaphore, #tpu.memory_space<semaphore_mem>>)
      %dma_wait3A_87 = arith.constant 0 : i32
      %dma_wait3A_88 = tpu.memref_slice %arg11[%add3A_51, %dma_wait3A_87] : memref<10000x128xf32, #tpu.memory_space<vmem_shared>> -> memref<25x128xf32, #tpu.memory_space<vmem_shared>>
      %dma_wait3A_89 = arith.constant 0 : i32
      %dma_wait3A_90 = tpu.memref_slice %arg11[%add3A_51, %dma_wait3A_89] : memref<10000x128xf32, #tpu.memory_space<vmem_shared>> -> memref<25x128xf32, #tpu.memory_space<vmem_shared>>
      tpu.wait_dma2 semaphore(%run_scoped3A : memref<!tpu.dma_semaphore, #tpu.memory_space<semaphore_mem>>) src(%arg10 : memref<25x128xf32, #tpu.memory_space<vmem>>) dst(%dma_wait3A_90 : memref<25x128xf32, #tpu.memory_space<vmem_shared>>)
      tpu.yield
    }) : () -> ()
    %add3A_52 = arith.constant 525 : i32
    %add3A_53 = arith.addi %mul3A_2, %add3A_52 : i32
    "tpu.region"() ({
      %run_scoped3A = tpu.sem_alloc : memref<!tpu.dma_semaphore, #tpu.memory_space<semaphore_mem>>
      %dma_start3A_83 = arith.constant 0 : i32
      %dma_start3A_84 = tpu.memref_slice %arg11[%add3A_53, %dma_start3A_83] : memref<10000x128xf32, #tpu.memory_space<vmem_shared>> -> memref<25x128xf32, #tpu.memory_space<vmem_shared>>
      %dma_start3A_85 = arith.constant 0 : i32
      %dma_start3A_86 = tpu.memref_slice %arg11[%add3A_53, %dma_start3A_85] : memref<10000x128xf32, #tpu.memory_space<vmem_shared>> -> memref<25x128xf32, #tpu.memory_space<vmem_shared>>
      tpu.enqueue_dma source(%arg10 : memref<25x128xf32, #tpu.memory_space<vmem>>) target(%dma_start3A_86 : memref<25x128xf32, #tpu.memory_space<vmem_shared>>) target_semaphore(%run_scoped3A : memref<!tpu.dma_semaphore, #tpu.memory_space<semaphore_mem>>)
      %dma_wait3A_87 = arith.constant 0 : i32
      %dma_wait3A_88 = tpu.memref_slice %arg11[%add3A_53, %dma_wait3A_87] : memref<10000x128xf32, #tpu.memory_space<vmem_shared>> -> memref<25x128xf32, #tpu.memory_space<vmem_shared>>
      %dma_wait3A_89 = arith.constant 0 : i32
      %dma_wait3A_90 = tpu.memref_slice %arg11[%add3A_53, %dma_wait3A_89] : memref<10000x128xf32, #tpu.memory_space<vmem_shared>> -> memref<25x128xf32, #tpu.memory_space<vmem_shared>>
      tpu.wait_dma2 semaphore(%run_scoped3A : memref<!tpu.dma_semaphore, #tpu.memory_space<semaphore_mem>>) src(%arg10 : memref<25x128xf32, #tpu.memory_space<vmem>>) dst(%dma_wait3A_90 : memref<25x128xf32, #tpu.memory_space<vmem_shared>>)
      tpu.yield
    }) : () -> ()
    %add3A_54 = arith.constant 550 : i32
    %add3A_55 = arith.addi %mul3A_2, %add3A_54 : i32
    "tpu.region"() ({
      %run_scoped3A = tpu.sem_alloc : memref<!tpu.dma_semaphore, #tpu.memory_space<semaphore_mem>>
      %dma_start3A_83 = arith.constant 0 : i32
      %dma_start3A_84 = tpu.memref_slice %arg11[%add3A_55, %dma_start3A_83] : memref<10000x128xf32, #tpu.memory_space<vmem_shared>> -> memref<25x128xf32, #tpu.memory_space<vmem_shared>>
      %dma_start3A_85 = arith.constant 0 : i32
      %dma_start3A_86 = tpu.memref_slice %arg11[%add3A_55, %dma_start3A_85] : memref<10000x128xf32, #tpu.memory_space<vmem_shared>> -> memref<25x128xf32, #tpu.memory_space<vmem_shared>>
      tpu.enqueue_dma source(%arg10 : memref<25x128xf32, #tpu.memory_space<vmem>>) target(%dma_start3A_86 : memref<25x128xf32, #tpu.memory_space<vmem_shared>>) target_semaphore(%run_scoped3A : memref<!tpu.dma_semaphore, #tpu.memory_space<semaphore_mem>>)
      %dma_wait3A_87 = arith.constant 0 : i32
      %dma_wait3A_88 = tpu.memref_slice %arg11[%add3A_55, %dma_wait3A_87] : memref<10000x128xf32, #tpu.memory_space<vmem_shared>> -> memref<25x128xf32, #tpu.memory_space<vmem_shared>>
      %dma_wait3A_89 = arith.constant 0 : i32
      %dma_wait3A_90 = tpu.memref_slice %arg11[%add3A_55, %dma_wait3A_89] : memref<10000x128xf32, #tpu.memory_space<vmem_shared>> -> memref<25x128xf32, #tpu.memory_space<vmem_shared>>
      tpu.wait_dma2 semaphore(%run_scoped3A : memref<!tpu.dma_semaphore, #tpu.memory_space<semaphore_mem>>) src(%arg10 : memref<25x128xf32, #tpu.memory_space<vmem>>) dst(%dma_wait3A_90 : memref<25x128xf32, #tpu.memory_space<vmem_shared>>)
      tpu.yield
    }) : () -> ()
    %add3A_56 = arith.constant 575 : i32
    %add3A_57 = arith.addi %mul3A_2, %add3A_56 : i32
    "tpu.region"() ({
      %run_scoped3A = tpu.sem_alloc : memref<!tpu.dma_semaphore, #tpu.memory_space<semaphore_mem>>
      %dma_start3A_83 = arith.constant 0 : i32
      %dma_start3A_84 = tpu.memref_slice %arg11[%add3A_57, %dma_start3A_83] : memref<10000x128xf32, #tpu.memory_space<vmem_shared>> -> memref<25x128xf32, #tpu.memory_space<vmem_shared>>
      %dma_start3A_85 = arith.constant 0 : i32
      %dma_start3A_86 = tpu.memref_slice %arg11[%add3A_57, %dma_start3A_85] : memref<10000x128xf32, #tpu.memory_space<vmem_shared>> -> memref<25x128xf32, #tpu.memory_space<vmem_shared>>
      tpu.enqueue_dma source(%arg10 : memref<25x128xf32, #tpu.memory_space<vmem>>) target(%dma_start3A_86 : memref<25x128xf32, #tpu.memory_space<vmem_shared>>) target_semaphore(%run_scoped3A : memref<!tpu.dma_semaphore, #tpu.memory_space<semaphore_mem>>)
      %dma_wait3A_87 = arith.constant 0 : i32
      %dma_wait3A_88 = tpu.memref_slice %arg11[%add3A_57, %dma_wait3A_87] : memref<10000x128xf32, #tpu.memory_space<vmem_shared>> -> memref<25x128xf32, #tpu.memory_space<vmem_shared>>
      %dma_wait3A_89 = arith.constant 0 : i32
      %dma_wait3A_90 = tpu.memref_slice %arg11[%add3A_57, %dma_wait3A_89] : memref<10000x128xf32, #tpu.memory_space<vmem_shared>> -> memref<25x128xf32, #tpu.memory_space<vmem_shared>>
      tpu.wait_dma2 semaphore(%run_scoped3A : memref<!tpu.dma_semaphore, #tpu.memory_space<semaphore_mem>>) src(%arg10 : memref<25x128xf32, #tpu.memory_space<vmem>>) dst(%dma_wait3A_90 : memref<25x128xf32, #tpu.memory_space<vmem_shared>>)
      tpu.yield
    }) : () -> ()
    %add3A_58 = arith.constant 600 : i32
    %add3A_59 = arith.addi %mul3A_2, %add3A_58 : i32
    "tpu.region"() ({
      %run_scoped3A = tpu.sem_alloc : memref<!tpu.dma_semaphore, #tpu.memory_space<semaphore_mem>>
      %dma_start3A_83 = arith.constant 0 : i32
      %dma_start3A_84 = tpu.memref_slice %arg11[%add3A_59, %dma_start3A_83] : memref<10000x128xf32, #tpu.memory_space<vmem_shared>> -> memref<25x128xf32, #tpu.memory_space<vmem_shared>>
      %dma_start3A_85 = arith.constant 0 : i32
      %dma_start3A_86 = tpu.memref_slice %arg11[%add3A_59, %dma_start3A_85] : memref<10000x128xf32, #tpu.memory_space<vmem_shared>> -> memref<25x128xf32, #tpu.memory_space<vmem_shared>>
      tpu.enqueue_dma source(%arg10 : memref<25x128xf32, #tpu.memory_space<vmem>>) target(%dma_start3A_86 : memref<25x128xf32, #tpu.memory_space<vmem_shared>>) target_semaphore(%run_scoped3A : memref<!tpu.dma_semaphore, #tpu.memory_space<semaphore_mem>>)
      %dma_wait3A_87 = arith.constant 0 : i32
      %dma_wait3A_88 = tpu.memref_slice %arg11[%add3A_59, %dma_wait3A_87] : memref<10000x128xf32, #tpu.memory_space<vmem_shared>> -> memref<25x128xf32, #tpu.memory_space<vmem_shared>>
      %dma_wait3A_89 = arith.constant 0 : i32
      %dma_wait3A_90 = tpu.memref_slice %arg11[%add3A_59, %dma_wait3A_89] : memref<10000x128xf32, #tpu.memory_space<vmem_shared>> -> memref<25x128xf32, #tpu.memory_space<vmem_shared>>
      tpu.wait_dma2 semaphore(%run_scoped3A : memref<!tpu.dma_semaphore, #tpu.memory_space<semaphore_mem>>) src(%arg10 : memref<25x128xf32, #tpu.memory_space<vmem>>) dst(%dma_wait3A_90 : memref<25x128xf32, #tpu.memory_space<vmem_shared>>)
      tpu.yield
    }) : () -> ()
    %mul3A_60 = arith.constant 10000 : i32
    %mul3A_61 = arith.muli %add3A, %mul3A_60 : i32
    %multiple_of3A = tpu.assume_multiple %mul3A_61, 8 : i32
    "tpu.region"() ({
      %run_scoped3A = tpu.sem_alloc : memref<!tpu.dma_semaphore, #tpu.memory_space<semaphore_mem>>
      %dma_start3A_83 = tpu.memref_slice %arg3[%multiple_of3A] : memref<320000xi32, #tpu.memory_space<hbm>> -> memref<10000xi32, #tpu.memory_space<hbm>>
      %dma_start3A_84 = tpu.memref_slice %arg3[%multiple_of3A] : memref<320000xi32, #tpu.memory_space<hbm>> -> memref<10000xi32, #tpu.memory_space<hbm>>
      tpu.enqueue_dma source(%dma_start3A_84 : memref<10000xi32, #tpu.memory_space<hbm>>) target(%arg6 : memref<10000xi32, #tpu.memory_space<vmem>>) target_semaphore(%run_scoped3A : memref<!tpu.dma_semaphore, #tpu.memory_space<semaphore_mem>>)
      %dma_wait3A_85 = tpu.memref_slice %arg3[%multiple_of3A] : memref<320000xi32, #tpu.memory_space<hbm>> -> memref<10000xi32, #tpu.memory_space<hbm>>
      %dma_wait3A_86 = tpu.memref_slice %arg3[%multiple_of3A] : memref<320000xi32, #tpu.memory_space<hbm>> -> memref<10000xi32, #tpu.memory_space<hbm>>
      tpu.wait_dma2 semaphore(%run_scoped3A : memref<!tpu.dma_semaphore, #tpu.memory_space<semaphore_mem>>) src(%dma_wait3A_86 : memref<10000xi32, #tpu.memory_space<hbm>>) dst(%arg6 : memref<10000xi32, #tpu.memory_space<vmem>>)
      tpu.yield
    }) : () -> ()
    "tpu.region"() ({
      %run_scoped3A = tpu.sem_alloc : memref<!tpu.dma_semaphore, #tpu.memory_space<semaphore_mem>>
      %dma_start3A_83 = tpu.memref_slice %arg4[%multiple_of3A] : memref<320000xi32, #tpu.memory_space<hbm>> -> memref<10000xi32, #tpu.memory_space<hbm>>
      %dma_start3A_84 = tpu.memref_slice %arg4[%multiple_of3A] : memref<320000xi32, #tpu.memory_space<hbm>> -> memref<10000xi32, #tpu.memory_space<hbm>>
      tpu.enqueue_dma source(%dma_start3A_84 : memref<10000xi32, #tpu.memory_space<hbm>>) target(%arg7 : memref<10000xi32, #tpu.memory_space<vmem>>) target_semaphore(%run_scoped3A : memref<!tpu.dma_semaphore, #tpu.memory_space<semaphore_mem>>)
      %dma_wait3A_85 = tpu.memref_slice %arg4[%multiple_of3A] : memref<320000xi32, #tpu.memory_space<hbm>> -> memref<10000xi32, #tpu.memory_space<hbm>>
      %dma_wait3A_86 = tpu.memref_slice %arg4[%multiple_of3A] : memref<320000xi32, #tpu.memory_space<hbm>> -> memref<10000xi32, #tpu.memory_space<hbm>>
      tpu.wait_dma2 semaphore(%run_scoped3A : memref<!tpu.dma_semaphore, #tpu.memory_space<semaphore_mem>>) src(%dma_wait3A_86 : memref<10000xi32, #tpu.memory_space<hbm>>) dst(%arg7 : memref<10000xi32, #tpu.memory_space<vmem>>)
      tpu.yield
    }) : () -> ()
    %barrier3A = arith.constant 0 : index
    tpu.barrier barrier_id(%barrier3A)
    %dma_start3A = arith.constant 0 : i32
    %dma_start3A_62 = tpu.memref_slice %arg6[%dma_start3A] : memref<10000xi32, #tpu.memory_space<vmem>> -> memref<80xi32, #tpu.memory_space<vmem>>
    %dma_start3A_63 = arith.constant 0 : i32
    %dma_start3A_64 = arith.constant 0 : i32
    %dma_start3A_65 = tpu.memref_slice %arg2[%dma_start3A_63, %dma_start3A_64] : memref<10000x128xf32, #tpu.memory_space<hbm>> -> memref<10000x128xf32, #tpu.memory_space<hbm>>
    tpu.enqueue_indirect_dma source(%dma_start3A_65 : memref<10000x128xf32, #tpu.memory_space<hbm>>) target(%arg8 : memref<80x128xf32, #tpu.memory_space<vmem>>) offsets(%dma_start3A_62 : memref<80xi32, #tpu.memory_space<vmem>>) semaphore(%arg12 : memref<!tpu.dma_semaphore, #tpu.memory_space<semaphore_mem>>)
    %dma_start3A_66 = arith.constant 80 : i32
    %dma_start3A_67 = tpu.memref_slice %arg6[%dma_start3A_66] : memref<10000xi32, #tpu.memory_space<vmem>> -> memref<80xi32, #tpu.memory_space<vmem>>
    %dma_start3A_68 = arith.constant 0 : i32
    %dma_start3A_69 = arith.constant 0 : i32
    %dma_start3A_70 = tpu.memref_slice %arg2[%dma_start3A_68, %dma_start3A_69] : memref<10000x128xf32, #tpu.memory_space<hbm>> -> memref<10000x128xf32, #tpu.memory_space<hbm>>
    tpu.enqueue_indirect_dma source(%dma_start3A_70 : memref<10000x128xf32, #tpu.memory_space<hbm>>) target(%arg9 : memref<80x128xf32, #tpu.memory_space<vmem>>) offsets(%dma_start3A_67 : memref<80xi32, #tpu.memory_space<vmem>>) semaphore(%arg13 : memref<!tpu.dma_semaphore, #tpu.memory_space<semaphore_mem>>)
    %scan3A_71 = arith.constant 0 : i32
    %scan3A_72 = arith.constant 0 : i32
    %scan3A_73 = arith.constant 62 : i32
    %scan3A_74 = arith.addi %scan3A_72, %scan3A_73 : i32
    %scan3A_75 = arith.constant 1 : i32
    %scan3A_76 = scf.for %scan3A_83 = %scan3A_72 to %scan3A_74 step %scan3A_75 iter_args(%scan3A_84 = %scan3A_71) -> (i32)  : i32 {
      %mul3A_85 = arith.constant 2 : i32
      %mul3A_86 = arith.muli %scan3A_83, %mul3A_85 : i32
      %add3A_87 = arith.constant 0 : i32
      %add3A_88 = arith.addi %mul3A_86, %add3A_87 : i32
      %dma_wait3A_89 = arith.constant 0 : i32
      %dma_wait3A_90 = tpu.memref_slice %arg6[%dma_wait3A_89] : memref<10000xi32, #tpu.memory_space<vmem>> -> memref<80xi32, #tpu.memory_space<vmem>>
      %dma_wait3A_91 = arith.constant 0 : i32
      %dma_wait3A_92 = arith.constant 0 : i32
      %dma_wait3A_93 = tpu.memref_slice %arg2[%dma_wait3A_91, %dma_wait3A_92] : memref<10000x128xf32, #tpu.memory_space<hbm>> -> memref<10000x128xf32, #tpu.memory_space<hbm>>
      tpu.wait_indirect_dma semaphore(%arg12 : memref<!tpu.dma_semaphore, #tpu.memory_space<semaphore_mem>>) src(%dma_wait3A_93 : memref<10000x128xf32, #tpu.memory_space<hbm>>) dst(%arg8 : memref<80x128xf32, #tpu.memory_space<vmem>>)
      %mul3A_94 = arith.constant 80 : i32
      %mul3A_95 = arith.muli %add3A_88, %mul3A_94 : i32
      %dma_start3A_96 = tpu.memref_slice %arg7[%mul3A_95] : memref<10000xi32, #tpu.memory_space<vmem>> -> memref<80xi32, #tpu.memory_space<vmem>>
      %dma_start3A_97 = arith.constant 0 : i32
      %dma_start3A_98 = arith.constant 0 : i32
      %dma_start3A_99 = tpu.memref_slice %arg11[%dma_start3A_97, %dma_start3A_98] : memref<10000x128xf32, #tpu.memory_space<vmem_shared>> -> memref<10000x128xf32, #tpu.memory_space<vmem_shared>>
      tpu.enqueue_indirect_dma source(%arg8 : memref<80x128xf32, #tpu.memory_space<vmem>>) target(%dma_start3A_99 : memref<10000x128xf32, #tpu.memory_space<vmem_shared>>) offsets(%dma_start3A_96 : memref<80xi32, #tpu.memory_space<vmem>>) semaphore(%arg14 : memref<!tpu.dma_semaphore, #tpu.memory_space<semaphore_mem>>) {add = true}
      %mul3A_100 = arith.constant 2 : i32
      %mul3A_101 = arith.muli %scan3A_83, %mul3A_100 : i32
      %add3A_102 = arith.constant 1 : i32
      %add3A_103 = arith.addi %mul3A_101, %add3A_102 : i32
      %dma_wait3A_104 = arith.constant 0 : i32
      %dma_wait3A_105 = tpu.memref_slice %arg6[%dma_wait3A_104] : memref<10000xi32, #tpu.memory_space<vmem>> -> memref<80xi32, #tpu.memory_space<vmem>>
      %dma_wait3A_106 = arith.constant 0 : i32
      %dma_wait3A_107 = arith.constant 0 : i32
      %dma_wait3A_108 = tpu.memref_slice %arg2[%dma_wait3A_106, %dma_wait3A_107] : memref<10000x128xf32, #tpu.memory_space<hbm>> -> memref<10000x128xf32, #tpu.memory_space<hbm>>
      tpu.wait_indirect_dma semaphore(%arg13 : memref<!tpu.dma_semaphore, #tpu.memory_space<semaphore_mem>>) src(%dma_wait3A_108 : memref<10000x128xf32, #tpu.memory_space<hbm>>) dst(%arg9 : memref<80x128xf32, #tpu.memory_space<vmem>>)
      %mul3A_109 = arith.constant 80 : i32
      %mul3A_110 = arith.muli %add3A_103, %mul3A_109 : i32
      %dma_start3A_111 = tpu.memref_slice %arg7[%mul3A_110] : memref<10000xi32, #tpu.memory_space<vmem>> -> memref<80xi32, #tpu.memory_space<vmem>>
      %dma_start3A_112 = arith.constant 0 : i32
      %dma_start3A_113 = arith.constant 0 : i32
      %dma_start3A_114 = tpu.memref_slice %arg11[%dma_start3A_112, %dma_start3A_113] : memref<10000x128xf32, #tpu.memory_space<vmem_shared>> -> memref<10000x128xf32, #tpu.memory_space<vmem_shared>>
      tpu.enqueue_indirect_dma source(%arg9 : memref<80x128xf32, #tpu.memory_space<vmem>>) target(%dma_start3A_114 : memref<10000x128xf32, #tpu.memory_space<vmem_shared>>) offsets(%dma_start3A_111 : memref<80xi32, #tpu.memory_space<vmem>>) semaphore(%arg15 : memref<!tpu.dma_semaphore, #tpu.memory_space<semaphore_mem>>) {add = true}
      %mul3A_115 = arith.constant 2 : i32
      %mul3A_116 = arith.muli %scan3A_83, %mul3A_115 : i32
      %add3A_117 = arith.constant 0 : i32
      %add3A_118 = arith.addi %mul3A_116, %add3A_117 : i32
      %add3A_119 = arith.constant 2 : i32
      %add3A_120 = arith.addi %add3A_118, %add3A_119 : i32
      %dma_wait3A_121 = arith.constant 0 : i32
      %dma_wait3A_122 = tpu.memref_slice %arg7[%dma_wait3A_121] : memref<10000xi32, #tpu.memory_space<vmem>> -> memref<80xi32, #tpu.memory_space<vmem>>
      %dma_wait3A_123 = arith.constant 0 : i32
      %dma_wait3A_124 = arith.constant 0 : i32
      %dma_wait3A_125 = tpu.memref_slice %arg11[%dma_wait3A_123, %dma_wait3A_124] : memref<10000x128xf32, #tpu.memory_space<vmem_shared>> -> memref<10000x128xf32, #tpu.memory_space<vmem_shared>>
      tpu.wait_indirect_dma semaphore(%arg14 : memref<!tpu.dma_semaphore, #tpu.memory_space<semaphore_mem>>) src(%arg8 : memref<80x128xf32, #tpu.memory_space<vmem>>) dst(%dma_wait3A_125 : memref<10000x128xf32, #tpu.memory_space<vmem_shared>>)
      %lt3A = arith.constant 125 : i32
      %lt3A_126 = arith.cmpi slt, %add3A_120, %lt3A : i32
      %convert_element_type3A = arith.extui %lt3A_126 : i1 to i32
      %cond3A = arith.constant 0 : i32
      %cond3A_127 = arith.cmpi ne, %convert_element_type3A, %cond3A : i32
      scf.if %cond3A_127 {
        %mul3A_145 = arith.constant 80 : i32
        %mul3A_146 = arith.muli %add3A_120, %mul3A_145 : i32
        %dma_start3A_147 = tpu.memref_slice %arg6[%mul3A_146] : memref<10000xi32, #tpu.memory_space<vmem>> -> memref<80xi32, #tpu.memory_space<vmem>>
        %dma_start3A_148 = arith.constant 0 : i32
        %dma_start3A_149 = arith.constant 0 : i32
        %dma_start3A_150 = tpu.memref_slice %arg2[%dma_start3A_148, %dma_start3A_149] : memref<10000x128xf32, #tpu.memory_space<hbm>> -> memref<10000x128xf32, #tpu.memory_space<hbm>>
        tpu.enqueue_indirect_dma source(%dma_start3A_150 : memref<10000x128xf32, #tpu.memory_space<hbm>>) target(%arg8 : memref<80x128xf32, #tpu.memory_space<vmem>>) offsets(%dma_start3A_147 : memref<80xi32, #tpu.memory_space<vmem>>) semaphore(%arg12 : memref<!tpu.dma_semaphore, #tpu.memory_space<semaphore_mem>>)
      } else {
      }
      %mul3A_128 = arith.constant 2 : i32
      %mul3A_129 = arith.muli %scan3A_83, %mul3A_128 : i32
      %add3A_130 = arith.constant 1 : i32
      %add3A_131 = arith.addi %mul3A_129, %add3A_130 : i32
      %add3A_132 = arith.constant 2 : i32
      %add3A_133 = arith.addi %add3A_131, %add3A_132 : i32
      %dma_wait3A_134 = arith.constant 0 : i32
      %dma_wait3A_135 = tpu.memref_slice %arg7[%dma_wait3A_134] : memref<10000xi32, #tpu.memory_space<vmem>> -> memref<80xi32, #tpu.memory_space<vmem>>
      %dma_wait3A_136 = arith.constant 0 : i32
      %dma_wait3A_137 = arith.constant 0 : i32
      %dma_wait3A_138 = tpu.memref_slice %arg11[%dma_wait3A_136, %dma_wait3A_137] : memref<10000x128xf32, #tpu.memory_space<vmem_shared>> -> memref<10000x128xf32, #tpu.memory_space<vmem_shared>>
      tpu.wait_indirect_dma semaphore(%arg15 : memref<!tpu.dma_semaphore, #tpu.memory_space<semaphore_mem>>) src(%arg9 : memref<80x128xf32, #tpu.memory_space<vmem>>) dst(%dma_wait3A_138 : memref<10000x128xf32, #tpu.memory_space<vmem_shared>>)
      %lt3A_139 = arith.constant 125 : i32
      %lt3A_140 = arith.cmpi slt, %add3A_133, %lt3A_139 : i32
      %convert_element_type3A_141 = arith.extui %lt3A_140 : i1 to i32
      %cond3A_142 = arith.constant 0 : i32
      %cond3A_143 = arith.cmpi ne, %convert_element_type3A_141, %cond3A_142 : i32
      scf.if %cond3A_143 {
        %mul3A_145 = arith.constant 80 : i32
        %mul3A_146 = arith.muli %add3A_133, %mul3A_145 : i32
        %dma_start3A_147 = tpu.memref_slice %arg6[%mul3A_146] : memref<10000xi32, #tpu.memory_space<vmem>> -> memref<80xi32, #tpu.memory_space<vmem>>
        %dma_start3A_148 = arith.constant 0 : i32
        %dma_start3A_149 = arith.constant 0 : i32
        %dma_start3A_150 = tpu.memref_slice %arg2[%dma_start3A_148, %dma_start3A_149] : memref<10000x128xf32, #tpu.memory_space<hbm>> -> memref<10000x128xf32, #tpu.memory_space<hbm>>
        tpu.enqueue_indirect_dma source(%dma_start3A_150 : memref<10000x128xf32, #tpu.memory_space<hbm>>) target(%arg9 : memref<80x128xf32, #tpu.memory_space<vmem>>) offsets(%dma_start3A_147 : memref<80xi32, #tpu.memory_space<vmem>>) semaphore(%arg13 : memref<!tpu.dma_semaphore, #tpu.memory_space<semaphore_mem>>)
      } else {
      }
      %scan3A_144 = arith.constant 0 : i32
      scf.yield %scan3A_144 : i32
    }
    %scan3A_77 = arith.constant 62 : i32
    %dma_wait3A = arith.constant 0 : i32
    %dma_wait3A_78 = tpu.memref_slice %arg6[%dma_wait3A] : memref<10000xi32, #tpu.memory_space<vmem>> -> memref<80xi32, #tpu.memory_space<vmem>>
    %dma_wait3A_79 = arith.constant 0 : i32
    %dma_wait3A_80 = arith.constant 0 : i32
    %dma_wait3A_81 = tpu.memref_slice %arg2[%dma_wait3A_79, %dma_wait3A_80] : memref<10000x128xf32, #tpu.memory_space<hbm>> -> memref<10000x128xf32, #tpu.memory_space<hbm>>
    tpu.wait_indirect_dma semaphore(%arg12 : memref<!tpu.dma_semaphore, #tpu.memory_space<semaphore_mem>>) src(%dma_wait3A_81 : memref<10000x128xf32, #tpu.memory_space<hbm>>) dst(%arg8 : memref<80x128xf32, #tpu.memory_space<vmem>>)
    "tpu.region"() ({
      %run_scoped3A = tpu.sem_alloc : memref<!tpu.dma_semaphore, #tpu.memory_space<semaphore_mem>>
      %dma_start3A_83 = arith.constant 9920 : i32
      %dma_start3A_84 = tpu.memref_slice %arg7[%dma_start3A_83] : memref<10000xi32, #tpu.memory_space<vmem>> -> memref<80xi32, #tpu.memory_space<vmem>>
      %dma_start3A_85 = arith.constant 0 : i32
      %dma_start3A_86 = arith.constant 0 : i32
      %dma_start3A_87 = tpu.memref_slice %arg11[%dma_start3A_85, %dma_start3A_86] : memref<10000x128xf32, #tpu.memory_space<vmem_shared>> -> memref<10000x128xf32, #tpu.memory_space<vmem_shared>>
      tpu.enqueue_indirect_dma source(%arg8 : memref<80x128xf32, #tpu.memory_space<vmem>>) target(%dma_start3A_87 : memref<10000x128xf32, #tpu.memory_space<vmem_shared>>) offsets(%dma_start3A_84 : memref<80xi32, #tpu.memory_space<vmem>>) semaphore(%run_scoped3A : memref<!tpu.dma_semaphore, #tpu.memory_space<semaphore_mem>>) {add = true}
      %dma_wait3A_88 = arith.constant 9920 : i32
      %dma_wait3A_89 = tpu.memref_slice %arg7[%dma_wait3A_88] : memref<10000xi32, #tpu.memory_space<vmem>> -> memref<80xi32, #tpu.memory_space<vmem>>
      %dma_wait3A_90 = arith.constant 0 : i32
      %dma_wait3A_91 = arith.constant 0 : i32
      %dma_wait3A_92 = tpu.memref_slice %arg11[%dma_wait3A_90, %dma_wait3A_91] : memref<10000x128xf32, #tpu.memory_space<vmem_shared>> -> memref<10000x128xf32, #tpu.memory_space<vmem_shared>>
      tpu.wait_indirect_dma semaphore(%run_scoped3A : memref<!tpu.dma_semaphore, #tpu.memory_space<semaphore_mem>>) src(%arg8 : memref<80x128xf32, #tpu.memory_space<vmem>>) dst(%dma_wait3A_92 : memref<10000x128xf32, #tpu.memory_space<vmem_shared>>)
      tpu.yield
    }) : () -> ()
    %barrier3A_82 = arith.constant 0 : index
    tpu.barrier barrier_id(%barrier3A_82)
    "tpu.region"() ({
      %run_scoped3A = tpu.sem_alloc : memref<!tpu.dma_semaphore, #tpu.memory_space<semaphore_mem>>
      %dma_start3A_83 = arith.constant 0 : i32
      %dma_start3A_84 = arith.constant 0 : i32
      %dma_start3A_85 = tpu.memref_slice %arg5[%arg0, %arg1, %dma_start3A_83, %dma_start3A_84] : memref<2x16x625x128xf32, #tpu.memory_space<hbm>> -> memref<1x1x625x128xf32, #tpu.memory_space<hbm>>
      %dma_start3A_86 = tpu.memref_squeeze %dma_start3A_85 : memref<1x1x625x128xf32, #tpu.memory_space<hbm>> -> memref<625x128xf32, #tpu.memory_space<hbm>>
      %dma_start3A_87 = arith.constant 0 : i32
      %dma_start3A_88 = tpu.memref_slice %arg11[%mul3A_2, %dma_start3A_87] : memref<10000x128xf32, #tpu.memory_space<vmem_shared>> -> memref<625x128xf32, #tpu.memory_space<vmem_shared>>
      tpu.enqueue_dma source(%dma_start3A_88 : memref<625x128xf32, #tpu.memory_space<vmem_shared>>) target(%dma_start3A_86 : memref<625x128xf32, #tpu.memory_space<hbm>>) target_semaphore(%run_scoped3A : memref<!tpu.dma_semaphore, #tpu.memory_space<semaphore_mem>>)
      %dma_wait3A_89 = arith.constant 0 : i32
      %dma_wait3A_90 = arith.constant 0 : i32
      %dma_wait3A_91 = tpu.memref_slice %arg5[%arg0, %arg1, %dma_wait3A_89, %dma_wait3A_90] : memref<2x16x625x128xf32, #tpu.memory_space<hbm>> -> memref<1x1x625x128xf32, #tpu.memory_space<hbm>>
      %dma_wait3A_92 = tpu.memref_squeeze %dma_wait3A_91 : memref<1x1x625x128xf32, #tpu.memory_space<hbm>> -> memref<625x128xf32, #tpu.memory_space<hbm>>
      %dma_wait3A_93 = arith.constant 0 : i32
      %dma_wait3A_94 = tpu.memref_slice %arg11[%mul3A_2, %dma_wait3A_93] : memref<10000x128xf32, #tpu.memory_space<vmem_shared>> -> memref<625x128xf32, #tpu.memory_space<vmem_shared>>
      tpu.wait_dma2 semaphore(%run_scoped3A : memref<!tpu.dma_semaphore, #tpu.memory_space<semaphore_mem>>) src(%dma_wait3A_94 : memref<625x128xf32, #tpu.memory_space<vmem_shared>>) dst(%dma_wait3A_92 : memref<625x128xf32, #tpu.memory_space<hbm>>)
      tpu.yield
    }) : () -> ()
    return
  }
}

module attributes {stable_mosaic.version = 14 : i64} {
  func.func @_tc_inv_body(%arg0: memref<32x10000xf32, #tpu.memory_space<vmem>>, %arg1: memref<10000x8xf32, #tpu.memory_space<vmem>>) attributes {dimension_semantics = [], scalar_prefetch = 0 : i64, scratch_operands = 0 : i64, tpu.core_type = #tpu.core_type<tc>} {
    %get3A = arith.constant 0 : index
    %get3A_0 = arith.constant 0 : index
    %get3A_1 = vector.load %arg0[%get3A, %get3A_0] : memref<32x10000xf32, #tpu.memory_space<vmem>>, vector<32x10000xf32>
    %broadcast_in_dim3A = arith.constant 1.000000e+00 : f32
    %broadcast_in_dim3A_2 = vector.broadcast %broadcast_in_dim3A : f32 to vector<32x1xf32>
    %dot_general3A = arith.constant dense<0.000000e+00> : vector<10000x1xf32>
    %dot_general3A_3 = tpu.matmul %get3A_1, %broadcast_in_dim3A_2, %dot_general3A {dimension_numbers = #tpu.dot_dimension_numbers<[0], [0], [1], [1], [0, 1, 1, 1], [], []>, transpose_lhs_hint = false} : vector<32x10000xf32>, vector<32x1xf32>, vector<10000x1xf32> -> vector<10000x1xf32>
    %max3A = arith.constant 1.000000e+00 : f32
    %max3A_4 = vector.broadcast %max3A : f32 to vector<10000x1xf32>
    %max3A_5 = arith.maximumf %dot_general3A_3, %max3A_4 : vector<10000x1xf32>
    %div3A = arith.constant 1.000000e+00 : f32
    %div3A_6 = vector.broadcast %div3A : f32 to vector<10000x1xf32>
    %div3A_7 = arith.divf %div3A_6, %max3A_5 : vector<10000x1xf32>
    %broadcast_in_dim3A_8 = vector.shape_cast %div3A_7 : vector<10000x1xf32> to vector<10000x1xf32>
    %broadcast_in_dim3A_9 = vector.broadcast %broadcast_in_dim3A_8 : vector<10000x1xf32> to vector<10000x8xf32>
    %swap3A = arith.constant 0 : index
    %swap3A_10 = arith.constant 0 : index
    %swap3A_11 = vector.load %arg1[%swap3A, %swap3A_10] : memref<10000x8xf32, #tpu.memory_space<vmem>>, vector<10000x8xf32>
    tpu.vector_store %arg1[%swap3A, %swap3A_10], %broadcast_in_dim3A_9 {strides = array<i32>} : memref<10000x8xf32, #tpu.memory_space<vmem>>, vector<10000x8xf32>,
    return
  }
}

module attributes {stable_mosaic.version = 14 : i64} {
  func.func @_tc_in_body(%arg0: i32, %arg1: memref<1000x128xf32, #tpu.memory_space<vmem>>, %arg2: memref<128x128xf32, #tpu.memory_space<vmem>>, %arg3: memref<128x128xf32, #tpu.memory_space<vmem>>, %arg4: memref<1x128xf32, #tpu.memory_space<vmem>>, %arg5: memref<1000x128xf32, #tpu.memory_space<vmem>>, %arg6: memref<1000x128xf32, #tpu.memory_space<vmem>>) attributes {dimension_semantics = [#tpu.dimension_semantics<arbitrary>], iteration_bounds = array<i64: 10>, scalar_prefetch = 0 : i64, scratch_operands = 0 : i64, tpu.core_type = #tpu.core_type<tc>, window_params = [{transform_indices = @transform_0, window_bounds = array<i64: 1000, 128>}, {pipeline_mode = #tpu.pipeline_mode<synchronous>, transform_indices = @transform_1, window_bounds = array<i64: 128, 128>}, {pipeline_mode = #tpu.pipeline_mode<synchronous>, transform_indices = @transform_2, window_bounds = array<i64: 128, 128>}, {pipeline_mode = #tpu.pipeline_mode<synchronous>, transform_indices = @transform_3, window_bounds = array<i64: 1, 128>}, {transform_indices = @transform_4, window_bounds = array<i64: 1000, 128>}, {transform_indices = @transform_5, window_bounds = array<i64: 1000, 128>}]} {
    %get3A = arith.constant 0 : index
    %get3A_0 = arith.constant 0 : index
    %get3A_1 = vector.load %arg1[%get3A, %get3A_0] : memref<1000x128xf32, #tpu.memory_space<vmem>>, vector<1000x128xf32>
    %get3A_2 = arith.constant 0 : index
    %get3A_3 = arith.constant 0 : index
    %get3A_4 = vector.load %arg2[%get3A_2, %get3A_3] : memref<128x128xf32, #tpu.memory_space<vmem>>, vector<128x128xf32>
    %dot_general3A = arith.constant dense<0.000000e+00> : vector<1000x128xf32>
    %dot_general3A_5 = tpu.matmul %get3A_1, %get3A_4, %dot_general3A {dimension_numbers = #tpu.dot_dimension_numbers<[1], [1], [0], [0], [0, 0, 1, 0], [], []>, transpose_lhs_hint = false} : vector<1000x128xf32>, vector<128x128xf32>, vector<1000x128xf32> -> vector<1000x128xf32>
    %swap3A = arith.constant 0 : index
    %swap3A_6 = arith.constant 0 : index
    %swap3A_7 = vector.load %arg5[%swap3A, %swap3A_6] : memref<1000x128xf32, #tpu.memory_space<vmem>>, vector<1000x128xf32>
    tpu.vector_store %arg5[%swap3A, %swap3A_6], %dot_general3A_5 {strides = array<i32>} : memref<1000x128xf32, #tpu.memory_space<vmem>>, vector<1000x128xf32>,
    %get3A_8 = arith.constant 0 : index
    %get3A_9 = arith.constant 0 : index
    %get3A_10 = vector.load %arg3[%get3A_8, %get3A_9] : memref<128x128xf32, #tpu.memory_space<vmem>>, vector<128x128xf32>
    %dot_general3A_11 = arith.constant dense<0.000000e+00> : vector<1000x128xf32>
    %dot_general3A_12 = tpu.matmul %get3A_1, %get3A_10, %dot_general3A_11 {dimension_numbers = #tpu.dot_dimension_numbers<[1], [1], [0], [0], [0, 0, 1, 0], [], []>, transpose_lhs_hint = false} : vector<1000x128xf32>, vector<128x128xf32>, vector<1000x128xf32> -> vector<1000x128xf32>
    %get3A_13 = arith.constant 0 : index
    %get3A_14 = arith.constant 0 : index
    %get3A_15 = vector.load %arg4[%get3A_13, %get3A_14] : memref<1x128xf32, #tpu.memory_space<vmem>>, vector<1x128xf32>
    %add3A = vector.broadcast %get3A_15 : vector<1x128xf32> to vector<1000x128xf32>
    %add3A_16 = arith.addf %dot_general3A_12, %add3A : vector<1000x128xf32>
    %swap3A_17 = arith.constant 0 : index
    %swap3A_18 = arith.constant 0 : index
    %swap3A_19 = vector.load %arg6[%swap3A_17, %swap3A_18] : memref<1000x128xf32, #tpu.memory_space<vmem>>, vector<1000x128xf32>
    tpu.vector_store %arg6[%swap3A_17, %swap3A_18], %add3A_16 {strides = array<i32>} : memref<1000x128xf32, #tpu.memory_space<vmem>>, vector<1000x128xf32>,
    return
  }
  func.func @transform_0(%arg0: i32) -> (i32, i32) {
    %c0_i32 = arith.constant 0 : i32
    %c0_i32_0 = arith.constant 0 : i32
    return %arg0, %c0_i32 : i32, i32
  }
  func.func @transform_1(%arg0: i32) -> (i32, i32) {
    %c0_i32 = arith.constant 0 : i32
    %c0_i32_0 = arith.constant 0 : i32
    %c0_i32_1 = arith.constant 0 : i32
    return %c0_i32, %c0_i32_0 : i32, i32
  }
  func.func @transform_2(%arg0: i32) -> (i32, i32) {
    %c0_i32 = arith.constant 0 : i32
    %c0_i32_0 = arith.constant 0 : i32
    %c0_i32_1 = arith.constant 0 : i32
    return %c0_i32, %c0_i32_0 : i32, i32
  }
  func.func @transform_3(%arg0: i32) -> (i32, i32) {
    %c0_i32 = arith.constant 0 : i32
    %c0_i32_0 = arith.constant 0 : i32
    %c0_i32_1 = arith.constant 0 : i32
    return %c0_i32, %c0_i32_0 : i32, i32
  }
  func.func @transform_4(%arg0: i32) -> (i32, i32) {
    %c0_i32 = arith.constant 0 : i32
    %c0_i32_0 = arith.constant 0 : i32
    return %arg0, %c0_i32 : i32, i32
  }
  func.func @transform_5(%arg0: i32) -> (i32, i32) {
    %c0_i32 = arith.constant 0 : i32
    %c0_i32_0 = arith.constant 0 : i32
    return %arg0, %c0_i32 : i32, i32
  }
}

module attributes {stable_mosaic.version = 14 : i64} {
  func.func @_tc_mid_body(%arg0: i32, %arg1: memref<2x1000x128xf32, #tpu.memory_space<vmem>>, %arg2: memref<1000x8xf32, #tpu.memory_space<vmem>>, %arg3: memref<1000x128xf32, #tpu.memory_space<vmem>>, %arg4: memref<1x128xf32, #tpu.memory_space<vmem>>, %arg5: memref<1x128xf32, #tpu.memory_space<vmem>>, %arg6: memref<128x128xf32, #tpu.memory_space<vmem>>, %arg7: memref<128x128xf32, #tpu.memory_space<vmem>>, %arg8: memref<1x128xf32, #tpu.memory_space<vmem>>, %arg9: memref<1000x128xf32, #tpu.memory_space<vmem>>, %arg10: memref<1000x128xf32, #tpu.memory_space<vmem>>) attributes {dimension_semantics = [#tpu.dimension_semantics<arbitrary>], iteration_bounds = array<i64: 10>, scalar_prefetch = 0 : i64, scratch_operands = 0 : i64, tpu.core_type = #tpu.core_type<tc>, window_params = [{transform_indices = @transform_0, window_bounds = array<i64: 2, 1000, 128>}, {transform_indices = @transform_1, window_bounds = array<i64: 1000, 8>}, {transform_indices = @transform_2, window_bounds = array<i64: 1000, 128>}, {pipeline_mode = #tpu.pipeline_mode<synchronous>, transform_indices = @transform_3, window_bounds = array<i64: 1, 128>}, {pipeline_mode = #tpu.pipeline_mode<synchronous>, transform_indices = @transform_4, window_bounds = array<i64: 1, 128>}, {pipeline_mode = #tpu.pipeline_mode<synchronous>, transform_indices = @transform_5, window_bounds = array<i64: 128, 128>}, {pipeline_mode = #tpu.pipeline_mode<synchronous>, transform_indices = @transform_6, window_bounds = array<i64: 128, 128>}, {pipeline_mode = #tpu.pipeline_mode<synchronous>, transform_indices = @transform_7, window_bounds = array<i64: 1, 128>}, {transform_indices = @transform_8, window_bounds = array<i64: 1000, 128>}, {transform_indices = @transform_9, window_bounds = array<i64: 1000, 128>}]} {
    %get3A = arith.constant 0 : index
    %get3A_0 = arith.constant 0 : index
    %get3A_1 = arith.constant 0 : index
    %get3A_2 = vector.load %arg1[%get3A, %get3A_0, %get3A_1] : memref<2x1000x128xf32, #tpu.memory_space<vmem>>, vector<1x1000x128xf32>
    %get3A_3 = vector.shape_cast %get3A_2 : vector<1x1000x128xf32> to vector<1000x128xf32>
    %get3A_4 = arith.constant 1 : index
    %get3A_5 = arith.constant 0 : index
    %get3A_6 = arith.constant 0 : index
    %get3A_7 = vector.load %arg1[%get3A_4, %get3A_5, %get3A_6] : memref<2x1000x128xf32, #tpu.memory_space<vmem>>, vector<1x1000x128xf32>
    %get3A_8 = vector.shape_cast %get3A_7 : vector<1x1000x128xf32> to vector<1000x128xf32>
    %add3A = arith.addf %get3A_3, %get3A_8 : vector<1000x128xf32>
    %get3A_9 = arith.constant 0 : index
    %get3A_10 = arith.constant 0 : index
    %get3A_11 = vector.load %arg2[%get3A_9, %get3A_10] : memref<1000x8xf32, #tpu.memory_space<vmem>>, vector<1000x1xf32>
    %mul3A = vector.broadcast %get3A_11 : vector<1000x1xf32> to vector<1000x128xf32>
    %mul3A_12 = arith.mulf %add3A, %mul3A : vector<1000x128xf32>
    %get3A_13 = arith.constant 0 : index
    %get3A_14 = arith.constant 0 : index
    %get3A_15 = vector.load %arg3[%get3A_13, %get3A_14] : memref<1000x128xf32, #tpu.memory_space<vmem>>, vector<1000x128xf32>
    %add3A_16 = arith.addf %mul3A_12, %get3A_15 : vector<1000x128xf32>
    %reduce_sum3A = arith.constant dense<0.000000e+00> : vector<1000xf32>
    %reduce_sum3A_17 = vector.multi_reduction <add>, %add3A_16, %reduce_sum3A [1] : vector<1000x128xf32> to vector<1000xf32>
    %broadcast_in_dim3A = vector.shape_cast %reduce_sum3A_17 : vector<1000xf32> to vector<1000x1xf32>
    %div3A = arith.constant 1.280000e+02 : f32
    %div3A_18 = vector.broadcast %div3A : f32 to vector<1000x1xf32>
    %div3A_19 = arith.divf %broadcast_in_dim3A, %div3A_18 : vector<1000x1xf32>
    %sub3A = vector.broadcast %div3A_19 : vector<1000x1xf32> to vector<1000x128xf32>
    %sub3A_20 = arith.subf %add3A_16, %sub3A : vector<1000x128xf32>
    %sub3A_21 = vector.broadcast %div3A_19 : vector<1000x1xf32> to vector<1000x128xf32>
    %sub3A_22 = arith.subf %add3A_16, %sub3A_21 : vector<1000x128xf32>
    %mul3A_23 = arith.mulf %sub3A_20, %sub3A_22 : vector<1000x128xf32>
    %reduce_sum3A_24 = arith.constant dense<0.000000e+00> : vector<1000xf32>
    %reduce_sum3A_25 = vector.multi_reduction <add>, %mul3A_23, %reduce_sum3A_24 [1] : vector<1000x128xf32> to vector<1000xf32>
    %broadcast_in_dim3A_26 = vector.shape_cast %reduce_sum3A_25 : vector<1000xf32> to vector<1000x1xf32>
    %div3A_27 = arith.constant 1.280000e+02 : f32
    %div3A_28 = vector.broadcast %div3A_27 : f32 to vector<1000x1xf32>
    %div3A_29 = arith.divf %broadcast_in_dim3A_26, %div3A_28 : vector<1000x1xf32>
    %sub3A_30 = vector.broadcast %div3A_19 : vector<1000x1xf32> to vector<1000x128xf32>
    %sub3A_31 = arith.subf %add3A_16, %sub3A_30 : vector<1000x128xf32>
    %add3A_32 = arith.constant 9.99999974E-6 : f32
    %add3A_33 = vector.broadcast %add3A_32 : f32 to vector<1000x1xf32>
    %add3A_34 = arith.addf %div3A_29, %add3A_33 : vector<1000x1xf32>
    %rsqrt3A = math.rsqrt %add3A_34 : vector<1000x1xf32>
    %mul3A_35 = vector.broadcast %rsqrt3A : vector<1000x1xf32> to vector<1000x128xf32>
    %mul3A_36 = arith.mulf %sub3A_31, %mul3A_35 : vector<1000x128xf32>
    %get3A_37 = arith.constant 0 : index
    %get3A_38 = arith.constant 0 : index
    %get3A_39 = vector.load %arg4[%get3A_37, %get3A_38] : memref<1x128xf32, #tpu.memory_space<vmem>>, vector<1x128xf32>
    %mul3A_40 = vector.broadcast %get3A_39 : vector<1x128xf32> to vector<1000x128xf32>
    %mul3A_41 = arith.mulf %mul3A_36, %mul3A_40 : vector<1000x128xf32>
    %get3A_42 = arith.constant 0 : index
    %get3A_43 = arith.constant 0 : index
    %get3A_44 = vector.load %arg5[%get3A_42, %get3A_43] : memref<1x128xf32, #tpu.memory_space<vmem>>, vector<1x128xf32>
    %add3A_45 = vector.broadcast %get3A_44 : vector<1x128xf32> to vector<1000x128xf32>
    %add3A_46 = arith.addf %mul3A_41, %add3A_45 : vector<1000x128xf32>
    %max3A = arith.constant 0.000000e+00 : f32
    %max3A_47 = vector.broadcast %max3A : f32 to vector<1000x128xf32>
    %max3A_48 = arith.maximumf %add3A_46, %max3A_47 : vector<1000x128xf32>
    %get3A_49 = arith.constant 0 : index
    %get3A_50 = arith.constant 0 : index
    %get3A_51 = vector.load %arg6[%get3A_49, %get3A_50] : memref<128x128xf32, #tpu.memory_space<vmem>>, vector<128x128xf32>
    %dot_general3A = arith.constant dense<0.000000e+00> : vector<1000x128xf32>
    %dot_general3A_52 = tpu.matmul %max3A_48, %get3A_51, %dot_general3A {dimension_numbers = #tpu.dot_dimension_numbers<[1], [1], [0], [0], [0, 0, 1, 0], [], []>, transpose_lhs_hint = false} : vector<1000x128xf32>, vector<128x128xf32>, vector<1000x128xf32> -> vector<1000x128xf32>
    %swap3A = arith.constant 0 : index
    %swap3A_53 = arith.constant 0 : index
    %swap3A_54 = vector.load %arg9[%swap3A, %swap3A_53] : memref<1000x128xf32, #tpu.memory_space<vmem>>, vector<1000x128xf32>
    tpu.vector_store %arg9[%swap3A, %swap3A_53], %dot_general3A_52 {strides = array<i32>} : memref<1000x128xf32, #tpu.memory_space<vmem>>, vector<1000x128xf32>,
    %get3A_55 = arith.constant 0 : index
    %get3A_56 = arith.constant 0 : index
    %get3A_57 = vector.load %arg7[%get3A_55, %get3A_56] : memref<128x128xf32, #tpu.memory_space<vmem>>, vector<128x128xf32>
    %dot_general3A_58 = arith.constant dense<0.000000e+00> : vector<1000x128xf32>
    %dot_general3A_59 = tpu.matmul %max3A_48, %get3A_57, %dot_general3A_58 {dimension_numbers = #tpu.dot_dimension_numbers<[1], [1], [0], [0], [0, 0, 1, 0], [], []>, transpose_lhs_hint = false} : vector<1000x128xf32>, vector<128x128xf32>, vector<1000x128xf32> -> vector<1000x128xf32>
    %get3A_60 = arith.constant 0 : index
    %get3A_61 = arith.constant 0 : index
    %get3A_62 = vector.load %arg8[%get3A_60, %get3A_61] : memref<1x128xf32, #tpu.memory_space<vmem>>, vector<1x128xf32>
    %add3A_63 = vector.broadcast %get3A_62 : vector<1x128xf32> to vector<1000x128xf32>
    %add3A_64 = arith.addf %dot_general3A_59, %add3A_63 : vector<1000x128xf32>
    %swap3A_65 = arith.constant 0 : index
    %swap3A_66 = arith.constant 0 : index
    %swap3A_67 = vector.load %arg10[%swap3A_65, %swap3A_66] : memref<1000x128xf32, #tpu.memory_space<vmem>>, vector<1000x128xf32>
    tpu.vector_store %arg10[%swap3A_65, %swap3A_66], %add3A_64 {strides = array<i32>} : memref<1000x128xf32, #tpu.memory_space<vmem>>, vector<1000x128xf32>,
    return
  }
  func.func @transform_0(%arg0: i32) -> (i32, i32, i32) {
    %c0_i32 = arith.constant 0 : i32
    %c0_i32_0 = arith.constant 0 : i32
    %c0_i32_1 = arith.constant 0 : i32
    return %c0_i32, %arg0, %c0_i32_0 : i32, i32, i32
  }
  func.func @transform_1(%arg0: i32) -> (i32, i32) {
    %c0_i32 = arith.constant 0 : i32
    %c0_i32_0 = arith.constant 0 : i32
    return %arg0, %c0_i32 : i32, i32
  }
  func.func @transform_2(%arg0: i32) -> (i32, i32) {
    %c0_i32 = arith.constant 0 : i32
    %c0_i32_0 = arith.constant 0 : i32
    return %arg0, %c0_i32 : i32, i32
  }
  func.func @transform_3(%arg0: i32) -> (i32, i32) {
    %c0_i32 = arith.constant 0 : i32
    %c0_i32_0 = arith.constant 0 : i32
    %c0_i32_1 = arith.constant 0 : i32
    return %c0_i32, %c0_i32_0 : i32, i32
  }
  func.func @transform_4(%arg0: i32) -> (i32, i32) {
    %c0_i32 = arith.constant 0 : i32
    %c0_i32_0 = arith.constant 0 : i32
    %c0_i32_1 = arith.constant 0 : i32
    return %c0_i32, %c0_i32_0 : i32, i32
  }
  func.func @transform_5(%arg0: i32) -> (i32, i32) {
    %c0_i32 = arith.constant 0 : i32
    %c0_i32_0 = arith.constant 0 : i32
    %c0_i32_1 = arith.constant 0 : i32
    return %c0_i32, %c0_i32_0 : i32, i32
  }
  func.func @transform_6(%arg0: i32) -> (i32, i32) {
    %c0_i32 = arith.constant 0 : i32
    %c0_i32_0 = arith.constant 0 : i32
    %c0_i32_1 = arith.constant 0 : i32
    return %c0_i32, %c0_i32_0 : i32, i32
  }
  func.func @transform_7(%arg0: i32) -> (i32, i32) {
    %c0_i32 = arith.constant 0 : i32
    %c0_i32_0 = arith.constant 0 : i32
    %c0_i32_1 = arith.constant 0 : i32
    return %c0_i32, %c0_i32_0 : i32, i32
  }
  func.func @transform_8(%arg0: i32) -> (i32, i32) {
    %c0_i32 = arith.constant 0 : i32
    %c0_i32_0 = arith.constant 0 : i32
    return %arg0, %c0_i32 : i32, i32
  }
  func.func @transform_9(%arg0: i32) -> (i32, i32) {
    %c0_i32 = arith.constant 0 : i32
    %c0_i32_0 = arith.constant 0 : i32
    return %arg0, %c0_i32 : i32, i32
  }
}

module attributes {stable_mosaic.version = 14 : i64} {
  func.func @_tc_fin_body(%arg0: i32, %arg1: memref<2x1000x128xf32, #tpu.memory_space<vmem>>, %arg2: memref<1000x8xf32, #tpu.memory_space<vmem>>, %arg3: memref<1000x128xf32, #tpu.memory_space<vmem>>, %arg4: memref<1000x128xf32, #tpu.memory_space<vmem>>) attributes {dimension_semantics = [#tpu.dimension_semantics<arbitrary>], iteration_bounds = array<i64: 10>, scalar_prefetch = 0 : i64, scratch_operands = 0 : i64, tpu.core_type = #tpu.core_type<tc>, window_params = [{transform_indices = @transform_0, window_bounds = array<i64: 2, 1000, 128>}, {transform_indices = @transform_1, window_bounds = array<i64: 1000, 8>}, {transform_indices = @transform_2, window_bounds = array<i64: 1000, 128>}, {transform_indices = @transform_3, window_bounds = array<i64: 1000, 128>}]} {
    %get3A = arith.constant 0 : index
    %get3A_0 = arith.constant 0 : index
    %get3A_1 = arith.constant 0 : index
    %get3A_2 = vector.load %arg1[%get3A, %get3A_0, %get3A_1] : memref<2x1000x128xf32, #tpu.memory_space<vmem>>, vector<1x1000x128xf32>
    %get3A_3 = vector.shape_cast %get3A_2 : vector<1x1000x128xf32> to vector<1000x128xf32>
    %get3A_4 = arith.constant 1 : index
    %get3A_5 = arith.constant 0 : index
    %get3A_6 = arith.constant 0 : index
    %get3A_7 = vector.load %arg1[%get3A_4, %get3A_5, %get3A_6] : memref<2x1000x128xf32, #tpu.memory_space<vmem>>, vector<1x1000x128xf32>
    %get3A_8 = vector.shape_cast %get3A_7 : vector<1x1000x128xf32> to vector<1000x128xf32>
    %add3A = arith.addf %get3A_3, %get3A_8 : vector<1000x128xf32>
    %get3A_9 = arith.constant 0 : index
    %get3A_10 = arith.constant 0 : index
    %get3A_11 = vector.load %arg2[%get3A_9, %get3A_10] : memref<1000x8xf32, #tpu.memory_space<vmem>>, vector<1000x1xf32>
    %mul3A = vector.broadcast %get3A_11 : vector<1000x1xf32> to vector<1000x128xf32>
    %mul3A_12 = arith.mulf %add3A, %mul3A : vector<1000x128xf32>
    %get3A_13 = arith.constant 0 : index
    %get3A_14 = arith.constant 0 : index
    %get3A_15 = vector.load %arg3[%get3A_13, %get3A_14] : memref<1000x128xf32, #tpu.memory_space<vmem>>, vector<1000x128xf32>
    %add3A_16 = arith.addf %mul3A_12, %get3A_15 : vector<1000x128xf32>
    %mul3A_17 = arith.mulf %add3A_16, %add3A_16 : vector<1000x128xf32>
    %reduce_sum3A = arith.constant dense<0.000000e+00> : vector<1000xf32>
    %reduce_sum3A_18 = vector.multi_reduction <add>, %mul3A_17, %reduce_sum3A [1] : vector<1000x128xf32> to vector<1000xf32>
    %broadcast_in_dim3A = vector.shape_cast %reduce_sum3A_18 : vector<1000xf32> to vector<1000x1xf32>
    %sqrt3A = math.sqrt %broadcast_in_dim3A : vector<1000x1xf32>
    %max3A = arith.constant 9.99999996E-13 : f32
    %max3A_19 = vector.broadcast %max3A : f32 to vector<1000x1xf32>
    %max3A_20 = arith.maximumf %sqrt3A, %max3A_19 : vector<1000x1xf32>
    %div3A = vector.broadcast %max3A_20 : vector<1000x1xf32> to vector<1000x128xf32>
    %div3A_21 = arith.divf %add3A_16, %div3A : vector<1000x128xf32>
    %swap3A = arith.constant 0 : index
    %swap3A_22 = arith.constant 0 : index
    %swap3A_23 = vector.load %arg4[%swap3A, %swap3A_22] : memref<1000x128xf32, #tpu.memory_space<vmem>>, vector<1000x128xf32>
    tpu.vector_store %arg4[%swap3A, %swap3A_22], %div3A_21 {strides = array<i32>} : memref<1000x128xf32, #tpu.memory_space<vmem>>, vector<1000x128xf32>,
    return
  }
  func.func @transform_0(%arg0: i32) -> (i32, i32, i32) {
    %c0_i32 = arith.constant 0 : i32
    %c0_i32_0 = arith.constant 0 : i32
    %c0_i32_1 = arith.constant 0 : i32
    return %c0_i32, %arg0, %c0_i32_0 : i32, i32, i32
  }
  func.func @transform_1(%arg0: i32) -> (i32, i32) {
    %c0_i32 = arith.constant 0 : i32
    %c0_i32_0 = arith.constant 0 : i32
    return %arg0, %c0_i32 : i32, i32
  }
  func.func @transform_2(%arg0: i32) -> (i32, i32) {
    %c0_i32 = arith.constant 0 : i32
    %c0_i32_0 = arith.constant 0 : i32
    return %arg0, %c0_i32 : i32, i32
  }
  func.func @transform_3(%arg0: i32) -> (i32, i32) {
    %c0_i32 = arith.constant 0 : i32
    %c0_i32_0 = arith.constant 0 : i32
    return %arg0, %c0_i32 : i32, i32
  }
}

</mosaic_0001>

<sc_bundles>
// kernel: kernel.11.cloned.1.call-start
scs
__scs_entry_jumppad:
0x0: {  	(pc) =	sbr.rel $0x88, $3  }
0x1: {  	(tag) =	ssettag $0x0;
	lr =	simm.s32 $0x1  }
0x2: {  	[smem:$0x3F92] =	sst lr;
	_ =	strace $0xD0000000  }
0x3: {  	_ = 	snop  }
0x4: {  	_ = 	snop  }
0x5: {  	_ = 	snop  }
0x6: {  	_ = 	snop  }
0x7: {  	_ = 	snop  }
__scs_overlays_trampoline_lowered:
0x8: {  	[smem:$0x3FA1] =	sst s0  }
0x9: {  	[smem:$0x3FA2] =	sst s1  }
0xa: {  	[smem:$0x3FA3] =	sst s2  }
0xb: {  	[smem:$0x3FA4] =	sst s3  }
0xc: {  	[smem:$0x3FA5] =	sst s4  }
0xd: {  	[smem:$0x3FA6] =	sst s5  }
0xe: {  	[smem:$0x3FA7] =	sst s6  }
0xf: {  	[smem:$0x3FA8] =	sst s7  }
0x10: {  	[smem:$0x3FA9] =	sst s8  }
0x11: {  	[smem:$0x3FAA] =	sst s9;
	s0 =	simm.s32 @!p0 $0x0  }
0x12: {  	s1 =	sld [smem:$0x3F90];
	s0 =	simm.s32 @p0 $0x1  }
0x13: {  	[smem:$0x3FAB] =	sst s0;
	s0 =	simm.s32 @!p1 $0x0  }
0x14: {  	s2 =	sld [smem:$0x3F8F];
	s0 =	simm.s32 @p1 $0x1  }
0x15: {  	[smem:$0x3FAC] =	sst s0;
	s0 =	simm.s32 @!p2 $0x0  }
0x16: {  	s3 =	sld [smem:$0x3FDB];
	s0 =	simm.s32 @p2 $0x1  }
0x17: {  	s4 =	simm.s32 $0x1BF5;
	[smem:$0x3FAE] =	sst s0  }
0x18: {  	s0 =	sld [smem:$0x3F91];
	_ =	swait.ge [sflag:s4], $0x0  }
0x19: {  	s7 =	sld [smem:$0x3F92]  }
0x1a: {  	s8 =	sadd.s32 $0xFFFFE003, lr  }
0x1b: {  	s9 =	sadd.s32 $0xFFFFFEF7, lr;
	s5 =	simm.s32 $0xFFFFFFFF;
	p2 =	slt.u32 s8, $0xFFFFF086  }
0x1c: {  	p1 =	slt.u32 s9, $0xF7A;
	s5 =	simm.s32 @!p2 $0x0  }
0x1d: {  	s5 =	simm.s32 @p1 $0x1;
	p0 =	seq.s32 s7, s2  }
0x1e: {  	s7 =	smul.u32 @!p0 $0xF7A, s2;
	p2 =	seq.s32 @!p0 s5, $0x0  }
0x1f: {  	s9 =	smul.u32 $0xF7A, s1;
	s8 =	simm.s32 @!p0 $0x1BF5;
	p2 =	por !p2, p0  }
0x20: {  	[sflag:s8] =	ssyncset.s32 @!p0 $0xFFFFF086;
	s6 =	sadd.s32 @!p0 s3, s7;
	s7 =	simm.s32 @!p0 $0x108  }
0x21: {  	s3 =	sadd.s32 s3, s9;
	s6 =	sadd.s32 @!p0 $0x88, s6;
	s7 =	simm.s32 @p2 $0x1082  }
0x22: {  	[simem:s7], [sflag:s8] =	dma.local @!p0 [hbm:s6], $0xF7A  }
0x23: {  	s9 =	sor.u32 $0xD0000000, s2;
	s6 =	simm.s32 $0x108;
	_ =	swait.ge @!p0 [sflag:s8], $0x0  }
0x24: {  	s3 =	sadd.s32 $0x88, s3;
	s6 =	simm.s32 @!p1 $0x1082;
	[sflag:s4] =	ssyncset.s32 $0xFFFFF086  }
0x25: {  	[simem:s6], [sflag:s4] =	dma.local [hbm:s3], $0xF7A  }
0x26: {  	[smem:$0x3F92] =	sst s1;
	(tag) =	ssettag s2;
	_ =	strace s9  }
0x27: {  	s1 =	sld [smem:$0x3FA2]  }
0x28: {  	s2 =	sld [smem:$0x3FA3]  }
0x29: {  	s4 =	sld [smem:$0x3FA5]  }
0x2a: {  	p0 =	seq.s32 s5, $0x0;
	s5 =	sld [smem:$0x3FA6]  }
0x2b: {  	s6 =	sld [smem:$0x3FA7]  }
0x2c: {  	s7 =	sld [smem:$0x3FA8]  }
0x2d: {  	s3 =	simm.s32 $0x108;
	s8 =	sld [smem:$0x3FA9]  }
0x2e: {  	s3 =	simm.s32 @!p0 $0x1082;
	s9 =	sld [smem:$0x3FAA]  }
0x2f: {  	lr =	sadd.s32 s0, s3;
	s0 =	sld [smem:$0x3FA1]  }
0x30: {  	s3 =	sld [smem:$0x3FA4]  }
0x31: {  	[smem:$0x3FAD] =	sst s10  }
0x32: {  	s10 =	sld [smem:$0x3FAB];
	_ =	sdelay $0x3  }
0x33: {  	p0 =	seq.s32 s10, $0x1;
	s10 =	sld [smem:$0x3FAD];
	_ =	sdelay $0x3  }
0x34: {  	[smem:$0x3FAD] =	sst s10  }
0x35: {  	s10 =	sld [smem:$0x3FAC];
	_ =	sdelay $0x3  }
0x36: {  	p1 =	seq.s32 s10, $0x1;
	s10 =	sld [smem:$0x3FAD];
	_ =	sdelay $0x3  }
0x37: {  	[smem:$0x3FAD] =	sst s10  }
0x38: {  	s10 =	sld [smem:$0x3FAE]  }
0x39: {  	_ = 	snop;
	(pc) =	sbr.ind lr, $3  }
0x3a: {  	_ = 	snop  }
0x3b: {  	_ = 	snop  }
0x3c: {  	p2 =	seq.s32 s10, $0x1;
	s10 =	sld [smem:$0x3FAD]  }
0x3d: {  	_ =	shalt  }
0x3e: {  	_ =	shalt  }
0x3f: {  	_ =	shalt  }
0x40: {  	_ =	shalt  }
0x41: {  	_ =	shalt  }
0x42: {  	_ =	shalt  }
0x43: {  	_ =	shalt  }
0x44: {  	_ =	shalt  }
0x45: {  	_ =	shalt  }
0x46: {  	_ =	shalt  }
0x47: {  	_ =	shalt  }
0x48: {  	_ =	shalt  }
0x49: {  	_ =	shalt  }
0x4a: {  	_ =	shalt  }
0x4b: {  	_ =	shalt  }
0x4c: {  	_ =	shalt  }
0x4d: {  	_ =	shalt  }
0x4e: {  	_ =	shalt  }
0x4f: {  	_ =	shalt  }
0x50: {  	_ =	shalt  }
0x51: {  	_ =	shalt  }
0x52: {  	_ =	shalt  }
0x53: {  	_ =	shalt  }
0x54: {  	_ =	shalt  }
0x55: {  	_ =	shalt  }
0x56: {  	_ =	shalt  }
0x57: {  	_ =	shalt  }
0x58: {  	_ =	shalt  }
0x59: {  	_ =	shalt  }
0x5a: {  	_ =	shalt  }
0x5b: {  	_ =	shalt  }
0x5c: {  	_ =	shalt  }
0x5d: {  	_ =	shalt  }
0x5e: {  	_ =	shalt  }
0x5f: {  	_ =	shalt  }
0x60: {  	_ =	shalt  }
0x61: {  	_ =	shalt  }
0x62: {  	_ =	shalt  }
0x63: {  	_ =	shalt  }
0x64: {  	_ =	shalt  }
0x65: {  	_ =	shalt  }
0x66: {  	_ =	shalt  }
0x67: {  	_ =	shalt  }
0x68: {  	_ =	shalt  }
0x69: {  	_ =	shalt  }
0x6a: {  	_ =	shalt  }
0x6b: {  	_ =	shalt  }
0x6c: {  	_ =	shalt  }
0x6d: {  	_ =	shalt  }
0x6e: {  	_ =	shalt  }
0x6f: {  	_ =	shalt  }
0x70: {  	_ =	shalt  }
0x71: {  	_ =	shalt  }
0x72: {  	_ =	shalt  }
0x73: {  	_ =	shalt  }
0x74: {  	_ =	shalt  }
0x75: {  	_ =	shalt  }
0x76: {  	_ =	shalt  }
0x77: {  	_ =	shalt  }
0x78: {  	_ =	shalt  }
0x79: {  	_ =	shalt  }
0x7a: {  	_ =	shalt  }
0x7b: {  	_ =	shalt  }
0x7c: {  	_ =	shalt  }
0x7d: {  	_ =	shalt  }
0x7e: {  	_ =	shalt  }
0x7f: {  	_ =	shalt  }
0x80: {  	_ =	shalt  }
0x81: {  	_ =	shalt  }
0x82: {  	_ =	shalt  }
0x83: {  	_ =	shalt  }
0x84: {  	_ =	shalt  }
0x85: {  	_ =	shalt  }
0x86: {  	_ =	shalt  }
0x87: {  	_ =	shalt  }
.Lfunc_end0:
.L_simem_size_0:
called_computation_lowered:
.L_overlay_start_0:
0x88: {  	s2 =	sld [smem:$0x3FD9]  }
0x89: {  	s3 =	sld [smem:$0x3FFE];
	_ =	sdelay $0x1  }
0x8a: {  	s1 =	srdreg.scid  }
0x8b: {  	s0 =	sand.u32 $0x1, s1  }
0x8c: {  	s16 =	sshll.u32 s0, $0xA;
	s2 =	sadd.s32 s3, s2  }
0x8d: {  	s2 =	sadd.s32 s2, s16  }
0x8e: {  	[smem:$0x3FB9] =	sst s2  }
0x8f: {  	_ = 	snop  }
0x90: {  	(tm) =	ssettm $0x1  }
0x91: {  	s17 =	sld [smem:$0x3FFB];
	_ =	sdelay $0x3  }
0x92: {  	_ =	strace s17  }
0x93: {  	s2 =	sld [smem:$0x3FFC];
	_ =	sdelay $0x3  }
0x94: {  	_ =	strace s2  }
0x95: {  	s2 =	sld [smem:$0x3FFD];
	_ =	sdelay $0x3  }
0x96: {  	_ =	strace s2  }
0x97: {  	_ =	strace $0x8FFFFFFF  }
0x98: {  	s18 =	sld [smem:$0x3FDB];
	_ =	sdelay $0x1  }
0x99: {  	s19 =	simm.s32 $_scs_section_size  }
0x9a: {  	s4 =	simm.s32 $_size__tile_overlayer_lowered;
	s5 =	simm.s32 $_tile_overlayer_lowered  }
0x9b: {  	s22 =	simm.s32 $0x1BFF;
	s21 =	sshll.u32 s5, $0x1;
	s2 =	sadd.s32 s19, s18  }
0x9c: {  	s6 =	simm.s32 $0x0;
	s20 =	sshll.u32 s4, $0x1;
	s4 =	sadd.s32 s21, s2  }
0x9d: {  	[timem:s6], [sflag:s22] =	dma.local [hbm:s4], s20  }
0x9e: {  	_ =	swait.ge [sflag:s22], s20  }
0x9f: {  	s3 =	ssub.s32 $0x0, s20;
	[sflag:s22] =	ssyncset.done $0x0  }
0xa0: {  	[sflag:s22] =	ssyncadd.s32 s3;
	_ =	sdelay $0x1  }
0xa1: {  	s23 =	simm.s32 $0x1B8B  }
0xa2: {  	_ =	swait.ge [sflag:s23], $0x1  }
0xa3: {  	[sflag:s23] =	ssyncset.done $0x0  }
0xa4: {  	s25 =	simm.s32 $0x1B8E;
	s24 =	sld [smem:$0x3FFE];
	[sflag:s23] =	ssyncadd.s32 $0xFFFFFFFF  }
0xa5: {  	s26 =	simm.s32 $execute0_lowered;
	[smem:$0x3FD2] =	sst s25  }
0xa6: {  	s4 =	sshll.u32 s26, $0x1;
	_ =	strace $0x80000046;
	[dreg:$0x1] =	wrdreg $0xFFFFFFFF  }
0xa7: {  	s28 =	simm.s32 $_size_execute0_lowered;
	s2 =	sadd.s32 s2, s4;
	[dreg:$0x0] =	wrdreg $0x0  }
0xa8: {  	s4 =	sshll.u32 s28, $0x1;
	[dreg:$0x2] =	wrdreg s2  }
0xa9: {  	[dreg:$0x3] =	wrdreg s4  }
0xaa: {  	[dreg:$0x4] =	wrdreg $0xC0  }
0xab: {  	_ =	task [dreg:s6], $0x5FFFF  }
0xac: {  	[dreg:$0x1] =	wrdreg $0xFFFFFFFF  }
0xad: {  	[dreg:$0x0] =	wrdreg $0x60  }
0xae: {  	[dreg:$0x2] =	wrdreg s24  }
0xaf: {  	[dreg:$0x3] =	wrdreg $0x9  }
0xb0: {  	_ =	task.clear_ibuf [dreg:s6], $0x4FFFF;
	_ =	strace $0x90000046  }
0xb1: {  	s29 =	simm.s32 $0x9;
	_ =	strace $0x80000048  }
0xb2: {  	_ =	swait.ge [sflag:s29], $0x1  }
0xb3: {  	[sflag:s29] =	ssyncadd.s32 $0xFFFFFFFF  }
0xb4: {  	_ =	strace $0x90000048  }
0xb5: {  	_ =	sfence  }
0xb6: {  	s30 =	sld [smem:$0x0];
	_ =	sdelay $0x2  }
0xb7: {  	s31 =	sshll.u32 s1, $0xD;
	s1 =	sshrl.u32 s1, $0x2  }
0xb8: {  	s3 =	sand.u32 $0x4000, s31;
	s1 =	sadd.s32 s1, s30  }
0xb9: {  	s0 =	sor.u32 s3, s0;
	s1 =	sshll.u32 s1, $0x11  }
0xba: {  	s0 =	sor.u32 s1, s0  }
0xbb: {  	s0 =	sadd.s32 $0x8F2B, s0  }
0xbc: {  	[sflag:s0] =	ssyncadd.remote.s32 $0x1  }
0xbd: {  	_ =	sfence.sel $0xFFFF  }
0xbe: {  	[dreg:$0x0] =	wrdreg $0xFFFFFFFF;
	(pc) =	sbr.abs _section_cstart, $3  }
0xbf: {  	[dreg:$0x1] =	wrdreg $0xFFFFFFFF  }
0xc0: {  	_ =	task.clear_ibuf [dreg:s6], $0x2FFFF;
	_ =	strace $0x9FFFFFFF  }
0xc1: {  	(tm) =	ssettm $0x7FFFFFFF  }
tec
execute0_lowered:
.L_overlay_start_1:
0x0: {  	(tag) =	ssettag $0x1  }
0x1: {  	s0 =	srdreg.scid  }
0x2: {  	s3 =	sand.u32 $0x1, s0  }
0x3: {  	s4 =	rddreg [dreg:$0x0];
	s0 =	stileid.u32;
	s1 =	sshll.u32 s3, $0x4  }
0x4: {  	s2 =	simm.s32 $0x0;
	s8 =	simm.s32 $0x80;
	s5 =	sor.u32 s0, s1  }
0x5: {  	s9 =	simm.s32 $0x400;
	[smem:$0x7FF] =	sst s2;
	s6 =	sshrl.u32 s5, $0x3  }
0x6: {  	s7 =	sshll.u32 s0, $0x7;
	s3 =	ssub.s32 $0x2, s3;
	s6 =	smul.u32 $0x13C00, s6  }
0x7: {  	s1 =	rddreg [dreg:$0x1];
	s7 =	sand.u32 $0x380, s7;
	s5 =	smul.u32 $0x4E2, s5  }
0x8: {  	_ =	strace $0x80000047;
	s30 =	sshrl.u32 s3, $0x1;
	s6 =	sor.u32 s7, s6  }
0x9: {  	s31 =	ssub.s32 s3, s30;
	s5 =	sadd.s32 s5, s4;
	s6 =	sshrl.u32 s6, $0x3  }
0xa: {  	s3 =	sadd.s32 $0x3800, s5;
	s5 =	smax.u32 s31, $0x1;
	s4 =	sadd.s32 s6, s4  }
0xb: {  	v0 =	vimm.f32 $0.0e+00;
	v1 =	vimm.f32 $1.000000000e+00;
	s7 =	simm.s32 $0x2780;
	s6 =	simm.s32 $0x1;
	s4 =	sadd.s32 $0x17400, s4  }
.LBB2_1:
0xc: {  	s10 =	simm.s32 $0x40;
	s11 =	simm.s32 $0x0  }
.LBB2_2:
0xd: {  	p0 =	sne.s32 s10, $0x9C00;
	[tilespmem:s11+$0x2780] =	vst v0;
	s11 =	smov.u32 s10;
	s10 =	sadd.s32 $0x40, s10  }
.Ltmp0:
0xe: {  	(pc) =	sbr.rel @p0 .LBB2_2-.Ltmp0, $2  }
0xf: {  	_ =	sdelay $0x2  }
0x10: {  	s11 =	sshra.s32 s11, $0x2  }
0x11: {  	[tilespmem:s11+$0x2780] =	vst v0;
	s10 =	simm.s32 $0x0  }
0x12: {  	[tilespmem:s10], [sflag:$0x1] =	stream.linear.gather [hbm4b:s3+s10], $0x2710, $0x38;
	[tilespmem:$0x4F00] =	vst v63  }
0x13: {  	_ =	swait.ge [sflag:s6], $0x2710  }
0x14: {  	[sflag:s6] =	ssyncset.done $0x0  }
0x15: {  	s11 =	simm.s32 $0x0;
	s10 =	simm.s32 $0x40;
	[sflag:s6] =	ssyncadd.s32 $0xFFFFD8F0  }
.LBB2_4:
0x16: {  	p0 =	sne.s32 s10, $0x9C00;
	v2 =	vld [tilespmem:s11+$0x0];
	_ =	sdelay $0x3  }
.Ltmp1:
0x17: {  	(pc) =	sbr.rel @p0 .LBB2_4-.Ltmp1, $2  }
0x18: {  	_ =	sdelay $0x2  }
0x19: {  	s11 =	sshra.s32 s10, $0x2;
	s10 =	sadd.s32 $0x40, s10;
	[tilespmem:v2+s7+$0x0] =	vst.idx.add.f32.msk $0xffff, v1  }
0x1a: {  	v2 =	vld [tilespmem:s11+$0x0];
	_ =	sdelay $0x5  }
0x1b: {  	s2 =	sadd.s32 $0x1, s2  }
0x1c: {  	p0 =	sne.s32 s2, s5  }
.Ltmp2:
0x1d: {  	[tilespmem:v2+s7+$0x0] =	vst.idx.add.f32.msk $0xffff, v1;
	(pc) =	sbr.rel @p0 .LBB2_1-.Ltmp2, $4  }
0x1e: {  	[hbm4b:s4+s8] =	stream.strided.scatter [tilespmem:s7], [sflag:$0x1], $0x2780, s9, s8, $0x38;
	[tilespmem:$0x4F00] =	vst v63  }
0x1f: {  	_ =	swait.ge [sflag:s6], $0x2780  }
0x20: {  	[sflag:s6] =	ssyncset.done $0x0  }
0x21: {  	[sflag:s6] =	ssyncadd.s32 $0xFFFFD880  }
0x22: {  	_ =	sfence.sel $0x180000  }
0x23: {  	[bflag:$0x0] =	sbarrier.arrive $0xFFFF  }
0x24: {  	p0 =	sne.s32 s0, $0x0;
	_ =	strace $0x90000047  }
0x25: {  	s0 =	sadd.s32 @!p0 $0x100000, s1;
	[bflag:$0x2] =	sbarrier.arrive $0xFFFF  }
0x26: {  	[sflag:s0] =	ssyncadd.tile.s32 @!p0 $0x1;
	_ =	shalt  }
.Lfunc_end2:
_tile_overlayer_lowered:
.L_overlay_start_2:
0x27: {  	(tag) =	ssettag $0x2  }
0x28: {  	s0 =	rddreg [dreg:$0x0];
	s2 =	stileid.u32  }
0x29: {  	s1 =	rddreg [dreg:$0x1];
	p0 =	sne.s32 s2, $0x0  }
0x2a: {  	s3 =	rddreg [dreg:$0x2];
	[bflag:$0x3] =	sbarrier.arrive $0xFFFF;
	s2 =	simm.s32 @!p0 $0x1C01  }
0x2b: {  	[timem:s3], [sflag:s2] =	dma.local @!p0 [hbm:s0], s1  }
0x2c: {  	s0 =	simm.s32 @!p0 $0x1  }
0x2d: {  	_ =	swait.ge @!p0 [sflag:s0], s1  }
0x2e: {  	s1 =	ssub.s32 @!p0 $0x0, s1;
	[sflag:s0] =	ssyncset.done @!p0 $0x0  }
0x2f: {  	[sflag:s0] =	ssyncadd.s32 @!p0 s1  }
0x30: {  	[bflag:$0x3] =	sbarrier.arrive $0xFFFF  }
0x31: {  	_ =	shalt  }

// kernel: kernel.14.cloned.1.call-start
scs
__scs_entry_jumppad:
0x0: {  	(pc) =	sbr.rel $0x88, $3  }
0x1: {  	(tag) =	ssettag $0x0;
	lr =	simm.s32 $0x1  }
0x2: {  	[smem:$0x3F92] =	sst lr;
	_ =	strace $0xD0000000  }
0x3: {  	_ = 	snop  }
0x4: {  	_ = 	snop  }
0x5: {  	_ = 	snop  }
0x6: {  	_ = 	snop  }
0x7: {  	_ = 	snop  }
__scs_overlays_trampoline_lowered:
0x8: {  	[smem:$0x3FA1] =	sst s0  }
0x9: {  	[smem:$0x3FA2] =	sst s1  }
0xa: {  	[smem:$0x3FA3] =	sst s2  }
0xb: {  	[smem:$0x3FA4] =	sst s3  }
0xc: {  	[smem:$0x3FA5] =	sst s4  }
0xd: {  	[smem:$0x3FA6] =	sst s5  }
0xe: {  	[smem:$0x3FA7] =	sst s6  }
0xf: {  	[smem:$0x3FA8] =	sst s7  }
0x10: {  	[smem:$0x3FA9] =	sst s8  }
0x11: {  	[smem:$0x3FAA] =	sst s9;
	s0 =	simm.s32 @!p0 $0x0  }
0x12: {  	s1 =	sld [smem:$0x3F90];
	s0 =	simm.s32 @p0 $0x1  }
0x13: {  	[smem:$0x3FAB] =	sst s0;
	s0 =	simm.s32 @!p1 $0x0  }
0x14: {  	s2 =	sld [smem:$0x3F8F];
	s0 =	simm.s32 @p1 $0x1  }
0x15: {  	[smem:$0x3FAC] =	sst s0;
	s0 =	simm.s32 @!p2 $0x0  }
0x16: {  	s3 =	sld [smem:$0x3FDB];
	s0 =	simm.s32 @p2 $0x1  }
0x17: {  	s4 =	simm.s32 $0x1BF5;
	[smem:$0x3FAE] =	sst s0  }
0x18: {  	s0 =	sld [smem:$0x3F91];
	_ =	swait.ge [sflag:s4], $0x0  }
0x19: {  	s7 =	sld [smem:$0x3F92]  }
0x1a: {  	s8 =	sadd.s32 $0xFFFFE003, lr  }
0x1b: {  	s9 =	sadd.s32 $0xFFFFFEF7, lr;
	s5 =	simm.s32 $0xFFFFFFFF;
	p2 =	slt.u32 s8, $0xFFFFF086  }
0x1c: {  	p1 =	slt.u32 s9, $0xF7A;
	s5 =	simm.s32 @!p2 $0x0  }
0x1d: {  	s5 =	simm.s32 @p1 $0x1;
	p0 =	seq.s32 s7, s2  }
0x1e: {  	s7 =	smul.u32 @!p0 $0xF7A, s2;
	p2 =	seq.s32 @!p0 s5, $0x0  }
0x1f: {  	s9 =	smul.u32 $0xF7A, s1;
	s8 =	simm.s32 @!p0 $0x1BF5;
	p2 =	por !p2, p0  }
0x20: {  	[sflag:s8] =	ssyncset.s32 @!p0 $0xFFFFF086;
	s6 =	sadd.s32 @!p0 s3, s7;
	s7 =	simm.s32 @!p0 $0x108  }
0x21: {  	s3 =	sadd.s32 s3, s9;
	s6 =	sadd.s32 @!p0 $0x88, s6;
	s7 =	simm.s32 @p2 $0x1082  }
0x22: {  	[simem:s7], [sflag:s8] =	dma.local @!p0 [hbm:s6], $0xF7A  }
0x23: {  	s9 =	sor.u32 $0xD0000000, s2;
	s6 =	simm.s32 $0x108;
	_ =	swait.ge @!p0 [sflag:s8], $0x0  }
0x24: {  	s3 =	sadd.s32 $0x88, s3;
	s6 =	simm.s32 @!p1 $0x1082;
	[sflag:s4] =	ssyncset.s32 $0xFFFFF086  }
0x25: {  	[simem:s6], [sflag:s4] =	dma.local [hbm:s3], $0xF7A  }
0x26: {  	[smem:$0x3F92] =	sst s1;
	(tag) =	ssettag s2;
	_ =	strace s9  }
0x27: {  	s1 =	sld [smem:$0x3FA2]  }
0x28: {  	s2 =	sld [smem:$0x3FA3]  }
0x29: {  	s4 =	sld [smem:$0x3FA5]  }
0x2a: {  	p0 =	seq.s32 s5, $0x0;
	s5 =	sld [smem:$0x3FA6]  }
0x2b: {  	s6 =	sld [smem:$0x3FA7]  }
0x2c: {  	s7 =	sld [smem:$0x3FA8]  }
0x2d: {  	s3 =	simm.s32 $0x108;
	s8 =	sld [smem:$0x3FA9]  }
0x2e: {  	s3 =	simm.s32 @!p0 $0x1082;
	s9 =	sld [smem:$0x3FAA]  }
0x2f: {  	lr =	sadd.s32 s0, s3;
	s0 =	sld [smem:$0x3FA1]  }
0x30: {  	s3 =	sld [smem:$0x3FA4]  }
0x31: {  	[smem:$0x3FAD] =	sst s10  }
0x32: {  	s10 =	sld [smem:$0x3FAB];
	_ =	sdelay $0x3  }
0x33: {  	p0 =	seq.s32 s10, $0x1;
	s10 =	sld [smem:$0x3FAD];
	_ =	sdelay $0x3  }
0x34: {  	[smem:$0x3FAD] =	sst s10  }
0x35: {  	s10 =	sld [smem:$0x3FAC];
	_ =	sdelay $0x3  }
0x36: {  	p1 =	seq.s32 s10, $0x1;
	s10 =	sld [smem:$0x3FAD];
	_ =	sdelay $0x3  }
0x37: {  	[smem:$0x3FAD] =	sst s10  }
0x38: {  	s10 =	sld [smem:$0x3FAE]  }
0x39: {  	_ = 	snop;
	(pc) =	sbr.ind lr, $3  }
0x3a: {  	_ = 	snop  }
0x3b: {  	_ = 	snop  }
0x3c: {  	p2 =	seq.s32 s10, $0x1;
	s10 =	sld [smem:$0x3FAD]  }
0x3d: {  	_ =	shalt  }
0x3e: {  	_ =	shalt  }
0x3f: {  	_ =	shalt  }
0x40: {  	_ =	shalt  }
0x41: {  	_ =	shalt  }
0x42: {  	_ =	shalt  }
0x43: {  	_ =	shalt  }
0x44: {  	_ =	shalt  }
0x45: {  	_ =	shalt  }
0x46: {  	_ =	shalt  }
0x47: {  	_ =	shalt  }
0x48: {  	_ =	shalt  }
0x49: {  	_ =	shalt  }
0x4a: {  	_ =	shalt  }
0x4b: {  	_ =	shalt  }
0x4c: {  	_ =	shalt  }
0x4d: {  	_ =	shalt  }
0x4e: {  	_ =	shalt  }
0x4f: {  	_ =	shalt  }
0x50: {  	_ =	shalt  }
0x51: {  	_ =	shalt  }
0x52: {  	_ =	shalt  }
0x53: {  	_ =	shalt  }
0x54: {  	_ =	shalt  }
0x55: {  	_ =	shalt  }
0x56: {  	_ =	shalt  }
0x57: {  	_ =	shalt  }
0x58: {  	_ =	shalt  }
0x59: {  	_ =	shalt  }
0x5a: {  	_ =	shalt  }
0x5b: {  	_ =	shalt  }
0x5c: {  	_ =	shalt  }
0x5d: {  	_ =	shalt  }
0x5e: {  	_ =	shalt  }
0x5f: {  	_ =	shalt  }
0x60: {  	_ =	shalt  }
0x61: {  	_ =	shalt  }
0x62: {  	_ =	shalt  }
0x63: {  	_ =	shalt  }
0x64: {  	_ =	shalt  }
0x65: {  	_ =	shalt  }
0x66: {  	_ =	shalt  }
0x67: {  	_ =	shalt  }
0x68: {  	_ =	shalt  }
0x69: {  	_ =	shalt  }
0x6a: {  	_ =	shalt  }
0x6b: {  	_ =	shalt  }
0x6c: {  	_ =	shalt  }
0x6d: {  	_ =	shalt  }
0x6e: {  	_ =	shalt  }
0x6f: {  	_ =	shalt  }
0x70: {  	_ =	shalt  }
0x71: {  	_ =	shalt  }
0x72: {  	_ =	shalt  }
0x73: {  	_ =	shalt  }
0x74: {  	_ =	shalt  }
0x75: {  	_ =	shalt  }
0x76: {  	_ =	shalt  }
0x77: {  	_ =	shalt  }
0x78: {  	_ =	shalt  }
0x79: {  	_ =	shalt  }
0x7a: {  	_ =	shalt  }
0x7b: {  	_ =	shalt  }
0x7c: {  	_ =	shalt  }
0x7d: {  	_ =	shalt  }
0x7e: {  	_ =	shalt  }
0x7f: {  	_ =	shalt  }
0x80: {  	_ =	shalt  }
0x81: {  	_ =	shalt  }
0x82: {  	_ =	shalt  }
0x83: {  	_ =	shalt  }
0x84: {  	_ =	shalt  }
0x85: {  	_ =	shalt  }
0x86: {  	_ =	shalt  }
0x87: {  	_ =	shalt  }
.Lfunc_end0:
.L_simem_size_0:
called_computation.1_lowered:
.L_overlay_start_0:
0x88: {  	s2 =	sld [smem:$0x3FD9]  }
0x89: {  	s3 =	sld [smem:$0x3FFE];
	_ =	sdelay $0x1  }
0x8a: {  	s1 =	srdreg.scid  }
0x8b: {  	s0 =	sand.u32 $0x1, s1  }
0x8c: {  	s17 =	sshll.u32 s0, $0xA;
	s2 =	sadd.s32 s3, s2  }
0x8d: {  	s2 =	sadd.s32 s2, s17  }
0x8e: {  	[smem:$0x3FB9] =	sst s2  }
0x8f: {  	_ = 	snop  }
0x90: {  	s18 =	sld [smem:$0x3FD0];
	(tm) =	ssettm $0x1  }
0x91: {  	s19 =	sld [smem:$0x3FFB];
	_ =	sdelay $0x3  }
0x92: {  	_ =	strace s19  }
0x93: {  	s2 =	sld [smem:$0x3FFC];
	_ =	sdelay $0x3  }
0x94: {  	_ =	strace s2  }
0x95: {  	s2 =	sld [smem:$0x3FFD];
	_ =	sdelay $0x3  }
0x96: {  	_ =	strace s2  }
0x97: {  	_ =	strace $0x8FFFFFFF  }
0x98: {  	s20 =	sld [smem:$0x3FDB];
	_ =	sdelay $0x1  }
0x99: {  	s4 =	simm.s32 $_scs_section_size  }
0x9a: {  	s5 =	simm.s32 $_size__tile_overlayer_lowered;
	s6 =	simm.s32 $_tile_overlayer_lowered  }
0x9b: {  	s7 =	simm.s32 $0x1BFF;
	s21 =	sshll.u32 s6, $0x1;
	s4 =	sadd.s32 s4, s20  }
0x9c: {  	s22 =	simm.s32 $0x0;
	s5 =	sshll.u32 s5, $0x1;
	s6 =	sadd.s32 s21, s4  }
0x9d: {  	[timem:s22], [sflag:s7] =	dma.local [hbm:s6], s5  }
0x9e: {  	_ =	swait.ge [sflag:s7], s5  }
0x9f: {  	s5 =	ssub.s32 $0x0, s5;
	[sflag:s7] =	ssyncset.done $0x0  }
0xa0: {  	[sflag:s7] =	ssyncadd.s32 s5;
	_ =	sdelay $0x1  }
0xa1: {  	s23 =	simm.s32 $0x1B8B  }
0xa2: {  	_ =	swait.ge [sflag:s23], $0x1  }
0xa3: {  	[sflag:s23] =	ssyncset.done $0x0  }
0xa4: {  	[sflag:s23] =	ssyncadd.s32 $0xFFFFFFFF  }
0xa5: {  	s5 =	sld [smem:$0x0]  }
0xa6: {  	s6 =	sand.u32 $0xFFFFFFFE, s1  }
0xa7: {  	p0 =	sne.s32 s1, s6  }
0xa8: {  	s6 =	sshll.u32 @p0 s6, $0xE  }
0xa9: {  	s6 =	sadd.s32 @p0 $0x11B8D, s6;
	s7 =	sshll.u32 @p0 s5, $0x11  }
0xaa: {  	s6 =	sor.u32 @p0 s7, s6  }
0xab: {  	[sflag:s6] =	ssyncadd.remote.s32 @p0 $0x1;
	_ =	sdelay $0x1  }
0xac: {  	s6 =	simm.s32 @p0 $0x1B8D  }
0xad: {  	_ =	swait.eq @p0 [sflag:s6], $0x1  }
0xae: {  	[sflag:s6] =	ssyncadd.s32 @p0 $0xFFFFFFFF  }
0xaf: {  	s7 =	sshll.u32 @!p0 s1, $0xE  }
0xb0: {  	s7 =	sor.u32 @!p0 $0x4000, s7;
	s6 =	simm.s32 @!p0 $0x1B8D  }
0xb1: {  	s5 =	sshll.u32 @!p0 s5, $0x11;
	s7 =	sadd.s32 @!p0 $0x11B8D, s7;
	_ =	swait.eq @!p0 [sflag:s6], $0x1  }
0xb2: {  	s5 =	sor.u32 @!p0 s5, s7;
	[sflag:s6] =	ssyncadd.s32 @!p0 $0xFFFFFFFF  }
0xb3: {  	s25 =	simm.s32 $0x1B8E;
	s24 =	sld [smem:$0x3FFE];
	[sflag:s5] =	ssyncadd.remote.s32 @!p0 $0x1  }
0xb4: {  	s26 =	simm.s32 $execute0_lowered;
	[smem:$0x3FD2] =	sst s25  }
0xb5: {  	s6 =	sshll.u32 s26, $0x1;
	_ =	strace $0x80000049;
	[dreg:$0x1] =	wrdreg $0xFFFFFFFF  }
0xb6: {  	s28 =	simm.s32 $_size_execute0_lowered;
	s4 =	sadd.s32 s4, s6;
	[dreg:$0x0] =	wrdreg $0x0  }
0xb7: {  	s6 =	sshll.u32 s28, $0x1;
	[dreg:$0x2] =	wrdreg s4  }
0xb8: {  	[dreg:$0x3] =	wrdreg s6  }
0xb9: {  	[dreg:$0x4] =	wrdreg $0xC0  }
0xba: {  	_ =	task [dreg:s22], $0x5FFFF  }
0xbb: {  	[dreg:$0x1] =	wrdreg $0xFFFFFFFF  }
0xbc: {  	[dreg:$0x0] =	wrdreg $0x60  }
0xbd: {  	[dreg:$0x2] =	wrdreg s18  }
0xbe: {  	[dreg:$0x3] =	wrdreg s24  }
0xbf: {  	[dreg:$0x4] =	wrdreg $0xAF000  }
0xc0: {  	[dreg:$0x5] =	wrdreg $0xA  }
0xc1: {  	_ =	task.clear_ibuf [dreg:s22], $0x6FFFF;
	_ =	strace $0x90000049  }
0xc2: {  	s29 =	simm.s32 $0xA;
	_ =	strace $0x8000004B  }
0xc3: {  	_ =	swait.ge [sflag:s29], $0x1  }
0xc4: {  	[sflag:s29] =	ssyncadd.s32 $0xFFFFFFFF  }
0xc5: {  	_ =	strace $0x9000004B  }
0xc6: {  	_ =	sfence  }
0xc7: {  	s30 =	sld [smem:$0x0];
	_ =	sdelay $0x2  }
0xc8: {  	s31 =	sshll.u32 s1, $0xD;
	s1 =	sshrl.u32 s1, $0x2  }
0xc9: {  	s4 =	sand.u32 $0x4000, s31;
	s1 =	sadd.s32 s1, s30  }
0xca: {  	s0 =	sor.u32 s4, s0;
	s1 =	sshll.u32 s1, $0x11  }
0xcb: {  	s0 =	sor.u32 s1, s0  }
0xcc: {  	s0 =	sadd.s32 $0x8F2B, s0  }
0xcd: {  	[sflag:s0] =	ssyncadd.remote.s32 $0x1  }
0xce: {  	_ =	sfence.sel $0xFFFF  }
0xcf: {  	[dreg:$0x0] =	wrdreg $0xFFFFFFFF;
	(pc) =	sbr.abs _section_cstart, $3  }
0xd0: {  	[dreg:$0x1] =	wrdreg $0xFFFFFFFF  }
0xd1: {  	_ =	task.clear_ibuf [dreg:s22], $0x2FFFF;
	_ =	strace $0x9FFFFFFF  }
0xd2: {  	(tm) =	ssettm $0x7FFFFFFF  }
0xd3: {  	_ =	shalt  }
tec
execute0_lowered:
.L_overlay_start_1:
0x0: {  	(tag) =	ssettag $0x1  }
0x1: {  	s0 =	srdreg.scid;
	s8 =	stileid.u32  }
0x2: {  	s1 =	rddreg [dreg:$0x0];
	s0 =	sand.u32 $0x1, s0;
	s7 =	smul.u32 $0x13C00, s8  }
0x3: {  	s5 =	rddreg [dreg:$0x1];
	s2 =	sshll.u32 s0, $0x4;
	s6 =	smul.u32 $0x13C000, s0  }
0x4: {  	s3 =	rddreg [dreg:$0x2];
	s2 =	sor.u32 s8, s2;
	s8 =	smul.u32 $0x4E200, s8  }
0x5: {  	s4 =	simm.s32 $0x0;
	s2 =	smul.u32 $0x4E2, s2;
	s6 =	sadd.s32 s7, s6  }
0x6: {  	s9 =	simm.s32 $0x50;
	s6 =	sshrl.u32 s6, $0x3;
	s8 =	sshrl.u32 s8, $0x2  }
0x7: {  	s2 =	sadd.s32 s2, s5;
	s6 =	sadd.s32 s6, s5;
	s5 =	sadd.s32 s8, s3  }
0x8: {  	s10 =	simm.s32 $0x4F00;
	[smem:$0x7FF] =	sst s4;
	s14 =	sadd.s32 $0xC80, s5  }
0x9: {  	_ =	strace $0x8000004A;
	s15 =	sadd.s32 $0x1900, s5;
	[dreg:$0x4] =	wrdreg s14  }
0xa: {  	s11 =	simm.s32 $0x7700;
	s16 =	sadd.s32 $0x2580, s5;
	[dreg:$0x5] =	wrdreg s15  }
0xb: {  	s12 =	simm.s32 $0x1;
	s17 =	sadd.s32 $0x3200, s5;
	[dreg:$0x6] =	wrdreg s16  }
0xc: {  	s0 =	ssub.s32 $0x2, s0;
	s18 =	sadd.s32 $0x3E80, s5;
	[dreg:$0x7] =	wrdreg s17  }
0xd: {  	s13 =	sshrl.u32 s0, $0x1;
	s19 =	sadd.s32 $0x4B00, s5;
	[dreg:$0x8] =	wrdreg s18  }
0xe: {  	s0 =	ssub.s32 s0, s13;
	s20 =	sadd.s32 $0x5780, s5;
	[dreg:$0x9] =	wrdreg s19  }
0xf: {  	s7 =	simm.s32 $0x9F00;
	s21 =	sadd.s32 $0x6400, s5;
	[dreg:$0xa] =	wrdreg s20  }
0x10: {  	s13 =	simm.s32 $0x2;
	s22 =	sadd.s32 $0x7080, s5;
	[dreg:$0xb] =	wrdreg s21  }
0x11: {  	s8 =	simm.s32 $0x5;
	s23 =	sadd.s32 $0x7D00, s5;
	[dreg:$0xc] =	wrdreg s22  }
0x12: {  	s24 =	sadd.s32 $0x8980, s5;
	s25 =	sadd.s32 $0x9600, s5;
	[dreg:$0xd] =	wrdreg s23  }
0x13: {  	s26 =	sadd.s32 $0xA280, s5;
	s28 =	sadd.s32 $0xE100, s5;
	[dreg:$0xe] =	wrdreg s24  }
0x14: {  	s29 =	sadd.s32 $0xED80, s5;
	s30 =	sadd.s32 $0xFA00, s5;
	[dreg:$0xf] =	wrdreg s25  }
0x15: {  	s31 =	sadd.s32 $0x10680, s5;
	[dreg:$0x10] =	wrdreg s26;
	s19 =	sadd.s32 $0xAF00, s5  }
0x16: {  	s20 =	sadd.s32 $0xBB80, s5;
	s21 =	sadd.s32 $0xC800, s5;
	s22 =	sadd.s32 $0xD600, s2  }
0x17: {  	s23 =	sadd.s32 $0x3800, s2;
	s24 =	sadd.s32 $0x21200, s6;
	s25 =	smax.u32 s0, $0x1  }
0x18: {  	s26 =	sadd.s32 $0xD480, s5;
	s2 =	sadd.s32 $0x11300, s5;
	s0 =	sadd.s32 $0x11F80, s5  }
0x19: {  	v0 =	vimm.f32 $0.0e+00;
	s6 =	sadd.s32 $0x12C00, s5;
	s14 =	simm.s32 $0x3;
	s15 =	simm.s32 $0x4  }
.LBB2_1:
0x1a: {  	s16 =	simm.s32 $0x70;
	s17 =	simm.s32 $0x3C0  }
.LBB2_2:
0x1b: {  	p0 =	sne.s32 s17, $0x31C0;
	[tilespmem:s16+$0x9F00] =	vst v0  }
0x1c: {  	[tilespmem:s16+$0x9E90] =	vst v0  }
0x1d: {  	[tilespmem:s16+$0x9EA0] =	vst v0  }
.Ltmp0:
0x1e: {  	[tilespmem:s16+$0x9EB0] =	vst v0;
	(pc) =	sbr.rel @p0 .LBB2_2-.Ltmp0, $4  }
0x1f: {  	[tilespmem:s16+$0x9EC0] =	vst v0  }
0x20: {  	[tilespmem:s16+$0x9ED0] =	vst v0  }
0x21: {  	[tilespmem:s16+$0x9EE0] =	vst v0  }
0x22: {  	[tilespmem:s16+$0x9EF0] =	vst v0;
	s16 =	sshra.s32 s17, $0x2;
	s17 =	sadd.s32 $0x200, s17  }
0x23: {  	[tilespmem:s16+$0x9F00] =	vst v0  }
0x24: {  	[tilespmem:s16+$0x9E90] =	vst v0  }
0x25: {  	[tilespmem:s16+$0x9EA0] =	vst v0  }
0x26: {  	[tilespmem:s16+$0x9EB0] =	vst v0  }
0x27: {  	[tilespmem:s16+$0x9EC0] =	vst v0  }
0x28: {  	[tilespmem:s16+$0x9ED0] =	vst v0  }
0x29: {  	[tilespmem:s16+$0x9EE0] =	vst v0  }
0x2a: {  	[tilespmem:s16+$0x9EF0] =	vst v0  }
0x2b: {  	[spmem:s5] =	stream.linear.scatter [tilespmem:s7], [sflag:$0x5], $0xC80, $0x38;
	[tilespmem:$0x1E780] =	vst v63  }
0x2c: {  	_ =	swait.ge [sflag:s8], $0xC80  }
0x2d: {  	[sflag:s8] =	ssyncset.done $0x0  }
0x2e: {  	s17 =	rddreg [dreg:$0x4];
	[sflag:s8] =	ssyncadd.s32 $0xFFFFF380  }
0x2f: {  	[spmem:s17] =	stream.linear.scatter [tilespmem:s7], [sflag:$0x5], $0xC80, $0x38;
	[tilespmem:$0x1E780] =	vst v63  }
0x30: {  	_ =	swait.ge [sflag:s8], $0xC80  }
0x31: {  	[sflag:s8] =	ssyncset.done $0x0  }
0x32: {  	s18 =	rddreg [dreg:$0x5];
	[sflag:s8] =	ssyncadd.s32 $0xFFFFF380  }
0x33: {  	[spmem:s18] =	stream.linear.scatter [tilespmem:s7], [sflag:$0x5], $0xC80, $0x38;
	[tilespmem:$0x1E780] =	vst v63  }
0x34: {  	_ =	swait.ge [sflag:s8], $0xC80  }
0x35: {  	[sflag:s8] =	ssyncset.done $0x0  }
0x36: {  	s17 =	rddreg [dreg:$0x6];
	[sflag:s8] =	ssyncadd.s32 $0xFFFFF380  }
0x37: {  	[spmem:s17] =	stream.linear.scatter [tilespmem:s7], [sflag:$0x5], $0xC80, $0x38;
	[tilespmem:$0x1E780] =	vst v63  }
0x38: {  	_ =	swait.ge [sflag:s8], $0xC80  }
0x39: {  	[sflag:s8] =	ssyncset.done $0x0  }
0x3a: {  	s18 =	rddreg [dreg:$0x7];
	[sflag:s8] =	ssyncadd.s32 $0xFFFFF380  }
0x3b: {  	[spmem:s18] =	stream.linear.scatter [tilespmem:s7], [sflag:$0x5], $0xC80, $0x38;
	[tilespmem:$0x1E780] =	vst v63  }
0x3c: {  	_ =	swait.ge [sflag:s8], $0xC80  }
0x3d: {  	[sflag:s8] =	ssyncset.done $0x0  }
0x3e: {  	s17 =	rddreg [dreg:$0x8];
	[sflag:s8] =	ssyncadd.s32 $0xFFFFF380  }
0x3f: {  	[spmem:s17] =	stream.linear.scatter [tilespmem:s7], [sflag:$0x5], $0xC80, $0x38;
	[tilespmem:$0x1E780] =	vst v63  }
0x40: {  	_ =	swait.ge [sflag:s8], $0xC80  }
0x41: {  	[sflag:s8] =	ssyncset.done $0x0  }
0x42: {  	s18 =	rddreg [dreg:$0x9];
	[sflag:s8] =	ssyncadd.s32 $0xFFFFF380  }
0x43: {  	[spmem:s18] =	stream.linear.scatter [tilespmem:s7], [sflag:$0x5], $0xC80, $0x38;
	[tilespmem:$0x1E780] =	vst v63  }
0x44: {  	_ =	swait.ge [sflag:s8], $0xC80  }
0x45: {  	[sflag:s8] =	ssyncset.done $0x0  }
0x46: {  	s17 =	rddreg [dreg:$0xa];
	[sflag:s8] =	ssyncadd.s32 $0xFFFFF380  }
0x47: {  	[spmem:s17] =	stream.linear.scatter [tilespmem:s7], [sflag:$0x5], $0xC80, $0x38;
	[tilespmem:$0x1E780] =	vst v63  }
0x48: {  	_ =	swait.ge [sflag:s8], $0xC80  }
0x49: {  	[sflag:s8] =	ssyncset.done $0x0  }
0x4a: {  	s18 =	rddreg [dreg:$0xb];
	[sflag:s8] =	ssyncadd.s32 $0xFFFFF380  }
0x4b: {  	[spmem:s18] =	stream.linear.scatter [tilespmem:s7], [sflag:$0x5], $0xC80, $0x38;
	[tilespmem:$0x1E780] =	vst v63  }
0x4c: {  	_ =	swait.ge [sflag:s8], $0xC80  }
0x4d: {  	[sflag:s8] =	ssyncset.done $0x0  }
0x4e: {  	s17 =	rddreg [dreg:$0xc];
	[sflag:s8] =	ssyncadd.s32 $0xFFFFF380  }
0x4f: {  	[spmem:s17] =	stream.linear.scatter [tilespmem:s7], [sflag:$0x5], $0xC80, $0x38;
	[tilespmem:$0x1E780] =	vst v63  }
0x50: {  	_ =	swait.ge [sflag:s8], $0xC80  }
0x51: {  	[sflag:s8] =	ssyncset.done $0x0  }
0x52: {  	s18 =	rddreg [dreg:$0xd];
	[sflag:s8] =	ssyncadd.s32 $0xFFFFF380  }
0x53: {  	[spmem:s18] =	stream.linear.scatter [tilespmem:s7], [sflag:$0x5], $0xC80, $0x38;
	[tilespmem:$0x1E780] =	vst v63  }
0x54: {  	_ =	swait.ge [sflag:s8], $0xC80  }
0x55: {  	[sflag:s8] =	ssyncset.done $0x0  }
0x56: {  	s17 =	rddreg [dreg:$0xe];
	[sflag:s8] =	ssyncadd.s32 $0xFFFFF380  }
0x57: {  	[spmem:s17] =	stream.linear.scatter [tilespmem:s7], [sflag:$0x5], $0xC80, $0x38;
	[tilespmem:$0x1E780] =	vst v63  }
0x58: {  	_ =	swait.ge [sflag:s8], $0xC80  }
0x59: {  	[sflag:s8] =	ssyncset.done $0x0  }
0x5a: {  	s18 =	rddreg [dreg:$0xf];
	[sflag:s8] =	ssyncadd.s32 $0xFFFFF380  }
0x5b: {  	[spmem:s18] =	stream.linear.scatter [tilespmem:s7], [sflag:$0x5], $0xC80, $0x38;
	[tilespmem:$0x1E780] =	vst v63  }
0x5c: {  	_ =	swait.ge [sflag:s8], $0xC80  }
0x5d: {  	[sflag:s8] =	ssyncset.done $0x0  }
0x5e: {  	s17 =	rddreg [dreg:$0x10];
	[sflag:s8] =	ssyncadd.s32 $0xFFFFF380  }
0x5f: {  	[spmem:s17] =	stream.linear.scatter [tilespmem:s7], [sflag:$0x5], $0xC80, $0x38;
	[tilespmem:$0x1E780] =	vst v63  }
0x60: {  	_ =	swait.ge [sflag:s8], $0xC80  }
0x61: {  	[sflag:s8] =	ssyncset.done $0x0  }
0x62: {  	[sflag:s8] =	ssyncadd.s32 $0xFFFFF380  }
0x63: {  	[spmem:s19] =	stream.linear.scatter [tilespmem:s7], [sflag:$0x5], $0xC80, $0x38;
	[tilespmem:$0x1E780] =	vst v63  }
0x64: {  	_ =	swait.ge [sflag:s8], $0xC80  }
0x65: {  	[sflag:s8] =	ssyncset.done $0x0  }
0x66: {  	[sflag:s8] =	ssyncadd.s32 $0xFFFFF380  }
0x67: {  	[spmem:s20] =	stream.linear.scatter [tilespmem:s7], [sflag:$0x5], $0xC80, $0x38;
	[tilespmem:$0x1E780] =	vst v63  }
0x68: {  	_ =	swait.ge [sflag:s8], $0xC80  }
0x69: {  	[sflag:s8] =	ssyncset.done $0x0  }
0x6a: {  	[sflag:s8] =	ssyncadd.s32 $0xFFFFF380  }
0x6b: {  	[spmem:s21] =	stream.linear.scatter [tilespmem:s7], [sflag:$0x5], $0xC80, $0x38;
	[tilespmem:$0x1E780] =	vst v63  }
0x6c: {  	_ =	swait.ge [sflag:s8], $0xC80  }
0x6d: {  	[sflag:s8] =	ssyncset.done $0x0  }
0x6e: {  	[sflag:s8] =	ssyncadd.s32 $0xFFFFF380  }
0x6f: {  	[spmem:s26] =	stream.linear.scatter [tilespmem:s7], [sflag:$0x5], $0xC80, $0x38;
	[tilespmem:$0x1E780] =	vst v63  }
0x70: {  	_ =	swait.ge [sflag:s8], $0xC80  }
0x71: {  	[sflag:s8] =	ssyncset.done $0x0  }
0x72: {  	[sflag:s8] =	ssyncadd.s32 $0xFFFFF380  }
0x73: {  	[spmem:s28] =	stream.linear.scatter [tilespmem:s7], [sflag:$0x5], $0xC80, $0x38;
	[tilespmem:$0x1E780] =	vst v63  }
0x74: {  	_ =	swait.ge [sflag:s8], $0xC80  }
0x75: {  	[sflag:s8] =	ssyncset.done $0x0  }
0x76: {  	[sflag:s8] =	ssyncadd.s32 $0xFFFFF380  }
0x77: {  	[spmem:s29] =	stream.linear.scatter [tilespmem:s7], [sflag:$0x5], $0xC80, $0x38;
	[tilespmem:$0x1E780] =	vst v63  }
0x78: {  	_ =	swait.ge [sflag:s8], $0xC80  }
0x79: {  	[sflag:s8] =	ssyncset.done $0x0  }
0x7a: {  	[sflag:s8] =	ssyncadd.s32 $0xFFFFF380  }
0x7b: {  	[spmem:s30] =	stream.linear.scatter [tilespmem:s7], [sflag:$0x5], $0xC80, $0x38;
	[tilespmem:$0x1E780] =	vst v63  }
0x7c: {  	_ =	swait.ge [sflag:s8], $0xC80  }
0x7d: {  	[sflag:s8] =	ssyncset.done $0x0  }
0x7e: {  	[sflag:s8] =	ssyncadd.s32 $0xFFFFF380  }
0x7f: {  	[spmem:s31] =	stream.linear.scatter [tilespmem:s7], [sflag:$0x5], $0xC80, $0x38;
	[tilespmem:$0x1E780] =	vst v63  }
0x80: {  	_ =	swait.ge [sflag:s8], $0xC80  }
0x81: {  	[sflag:s8] =	ssyncset.done $0x0  }
0x82: {  	[sflag:s8] =	ssyncadd.s32 $0xFFFFF380  }
0x83: {  	[spmem:s2] =	stream.linear.scatter [tilespmem:s7], [sflag:$0x5], $0xC80, $0x38;
	[tilespmem:$0x1E780] =	vst v63  }
0x84: {  	_ =	swait.ge [sflag:s8], $0xC80  }
0x85: {  	[sflag:s8] =	ssyncset.done $0x0  }
0x86: {  	[sflag:s8] =	ssyncadd.s32 $0xFFFFF380  }
0x87: {  	[spmem:s0] =	stream.linear.scatter [tilespmem:s7], [sflag:$0x5], $0xC80, $0x38;
	[tilespmem:$0x1E780] =	vst v63  }
0x88: {  	_ =	swait.ge [sflag:s8], $0xC80  }
0x89: {  	[sflag:s8] =	ssyncset.done $0x0  }
0x8a: {  	[sflag:s8] =	ssyncadd.s32 $0xFFFFF380  }
0x8b: {  	[spmem:s6] =	stream.linear.scatter [tilespmem:s7], [sflag:$0x5], $0xC80, $0x38;
	[tilespmem:$0x1E780] =	vst v63  }
0x8c: {  	_ =	swait.ge [sflag:s8], $0xC80  }
0x8d: {  	[sflag:s8] =	ssyncset.done $0x0  }
0x8e: {  	s18 =	simm.s32 $0x0;
	[sflag:s8] =	ssyncadd.s32 $0xFFFFF380  }
0x8f: {  	[tilespmem:s18], [sflag:$0x5] =	stream.linear.gather [hbm4b:s22+s18], $0x2710, $0x38;
	[tilespmem:$0x1E780] =	vst v63  }
0x90: {  	_ =	swait.ge [sflag:s8], $0x2710  }
0x91: {  	[sflag:s8] =	ssyncset.done $0x0  }
0x92: {  	s17 =	simm.s32 $0x2780;
	[sflag:s8] =	ssyncadd.s32 $0xFFFFD8F0  }
0x93: {  	[tilespmem:s17], [sflag:$0x5] =	stream.linear.gather [hbm4b:s23+s18], $0x2710, $0x38;
	[tilespmem:$0x1E780] =	vst v63  }
0x94: {  	_ =	swait.ge [sflag:s8], $0x2710  }
0x95: {  	[sflag:s8] =	ssyncset.done $0x0  }
0x96: {  	[sflag:s8] =	ssyncadd.s32 $0xFFFFD8F0  }
0x97: {  	[bflag:$0x0] =	sbarrier.arrive $0xFFFF  }
0x98: {  	[tilespmem:s10], [sflag:$0x1] =	stream.indirect.gather [hbm4b:s1+s9], $0x80, s18, s9, $0xb8;
	[tilespmem:$0x1E780] =	vst v63  }
0x99: {  	_ = 	snop  }
0x9a: {  	[tilespmem:s11], [sflag:$0x2] =	stream.indirect.gather [hbm4b:s1+s9], $0x80, s9, s9, $0xb8;
	[tilespmem:$0x1E780] =	vst v63  }
0x9b: {  	_ =	swait.ge [sflag:s12], $0x2800  }
0x9c: {  	[sflag:s12] =	ssyncset.done $0x0  }
0x9d: {  	s18 =	simm.s32 $0x2780;
	[sflag:s12] =	ssyncadd.s32 $0xFFFFD800  }
0x9e: {  	[spmem:s3] =	stream.indirect.scatter.add.f32 [tilespmem:s10], [sflag:$0x3], $0x80, s18, s9, $0xb8;
	[tilespmem:$0x1E780] =	vst v63  }
0x9f: {  	_ =	swait.ge [sflag:s13], $0x2800  }
0xa0: {  	[sflag:s13] =	ssyncset.done $0x0  }
0xa1: {  	s17 =	simm.s32 $0x27D0;
	[sflag:s13] =	ssyncadd.s32 $0xFFFFD800  }
0xa2: {  	[spmem:s3] =	stream.indirect.scatter.add.f32 [tilespmem:s11], [sflag:$0x4], $0x80, s17, s9, $0xb8;
	[tilespmem:$0x1E780] =	vst v63  }
0xa3: {  	_ =	swait.ge [sflag:s14], $0x2800  }
0xa4: {  	[sflag:s14] =	ssyncset.done $0x0  }
0xa5: {  	s18 =	simm.s32 $0xA0;
	[sflag:s14] =	ssyncadd.s32 $0xFFFFD800  }
0xa6: {  	[tilespmem:s10], [sflag:$0x1] =	stream.indirect.gather [hbm4b:s1+s9], $0x80, s18, s9, $0xb8;
	[tilespmem:$0x1E780] =	vst v63  }
0xa7: {  	_ =	swait.ge [sflag:s15], $0x2800  }
0xa8: {  	[sflag:s15] =	ssyncset.done $0x0  }
0xa9: {  	s16 =	simm.s32 $0x280;
	s17 =	simm.s32 $0xF0;
	[sflag:s15] =	ssyncadd.s32 $0xFFFFD800  }
.LBB2_4:
0xaa: {  	[tilespmem:s11], [sflag:$0x2] =	stream.indirect.gather [hbm4b:s1+s9], $0x80, s17, s9, $0xb8;
	[tilespmem:$0x1E780] =	vst v63  }
0xab: {  	s17 =	smov.u32 s16  }
0xac: {  	p0 =	sne.s32 s16, $0x9600;
	s16 =	sadd.s32 $0x280, s16;
	_ =	swait.ge [sflag:s12], $0x2800  }
0xad: {  	s17 =	sshra.s32 s17, $0x2;
	[sflag:s12] =	ssyncset.done $0x0  }
0xae: {  	s18 =	sadd.s32 $0x2780, s17;
	[sflag:s12] =	ssyncadd.s32 $0xFFFFD800  }
0xaf: {  	[spmem:s3] =	stream.indirect.scatter.add.f32 [tilespmem:s10], [sflag:$0x3], $0x80, s18, s9, $0xb8;
	[tilespmem:$0x1E780] =	vst v63  }
0xb0: {  	_ =	swait.ge [sflag:s13], $0x2800  }
0xb1: {  	[sflag:s13] =	ssyncset.done $0x0  }
0xb2: {  	s18 =	sadd.s32 $0x27D0, s17;
	[sflag:s13] =	ssyncadd.s32 $0xFFFFD800  }
0xb3: {  	[spmem:s3] =	stream.indirect.scatter.add.f32 [tilespmem:s11], [sflag:$0x4], $0x80, s18, s9, $0xb8;
	[tilespmem:$0x1E780] =	vst v63  }
0xb4: {  	_ =	swait.ge [sflag:s14], $0x2800  }
0xb5: {  	[sflag:s14] =	ssyncset.done $0x0  }
.Ltmp1:
0xb6: {  	s18 =	sadd.s32 $0xA0, s17;
	[sflag:s14] =	ssyncadd.s32 $0xFFFFD800;
	(pc) =	sbr.rel @p0 .LBB2_4-.Ltmp1, $4  }
0xb7: {  	[tilespmem:s10], [sflag:$0x1] =	stream.indirect.gather [hbm4b:s1+s9], $0x80, s18, s9, $0xb8;
	[tilespmem:$0x1E780] =	vst v63  }
0xb8: {  	_ =	swait.ge [sflag:s15], $0x2800  }
0xb9: {  	[sflag:s15] =	ssyncset.done $0x0  }
0xba: {  	s17 =	sadd.s32 $0xF0, s17;
	[sflag:s15] =	ssyncadd.s32 $0xFFFFD800  }
0xbb: {  	[tilespmem:s11], [sflag:$0x2] =	stream.indirect.gather [hbm4b:s1+s9], $0x80, s17, s9, $0xb8;
	[tilespmem:$0x1E780] =	vst v63  }
0xbc: {  	_ =	swait.ge [sflag:s12], $0x2800  }
0xbd: {  	[sflag:s12] =	ssyncset.done $0x0  }
0xbe: {  	s16 =	simm.s32 $0x4DA0;
	[sflag:s12] =	ssyncadd.s32 $0xFFFFD800  }
0xbf: {  	[spmem:s3] =	stream.indirect.scatter.add.f32 [tilespmem:s10], [sflag:$0x3], $0x80, s16, s9, $0xb8;
	[tilespmem:$0x1E780] =	vst v63  }
0xc0: {  	_ =	swait.ge [sflag:s13], $0x2800  }
0xc1: {  	[sflag:s13] =	ssyncset.done $0x0  }
0xc2: {  	s18 =	simm.s32 $0x4DF0;
	[sflag:s13] =	ssyncadd.s32 $0xFFFFD800  }
0xc3: {  	[spmem:s3] =	stream.indirect.scatter.add.f32 [tilespmem:s11], [sflag:$0x4], $0x80, s18, s9, $0xb8;
	[tilespmem:$0x1E780] =	vst v63  }
0xc4: {  	_ =	swait.ge [sflag:s14], $0x2800  }
0xc5: {  	[sflag:s14] =	ssyncset.done $0x0  }
0xc6: {  	s17 =	simm.s32 $0x26C0;
	[sflag:s14] =	ssyncadd.s32 $0xFFFFD800  }
0xc7: {  	[tilespmem:s10], [sflag:$0x1] =	stream.indirect.gather [hbm4b:s1+s9], $0x80, s17, s9, $0xb8;
	[tilespmem:$0x1E780] =	vst v63  }
0xc8: {  	_ =	swait.ge [sflag:s15], $0x2800  }
0xc9: {  	[sflag:s15] =	ssyncset.done $0x0  }
0xca: {  	[sflag:s15] =	ssyncadd.s32 $0xFFFFD800  }
0xcb: {  	_ =	swait.ge [sflag:s12], $0x2800  }
0xcc: {  	[sflag:s12] =	ssyncset.done $0x0  }
0xcd: {  	s18 =	simm.s32 $0x4E40;
	[sflag:s12] =	ssyncadd.s32 $0xFFFFD800  }
0xce: {  	[spmem:s3] =	stream.indirect.scatter.add.f32 [tilespmem:s10], [sflag:$0x5], $0x80, s18, s9, $0xb8;
	[tilespmem:$0x1E780] =	vst v63  }
0xcf: {  	s17 =	stileid.u32;
	_ =	swait.ge [sflag:s8], $0x2800  }
0xd0: {  	s4 =	sadd.s32 $0x1, s4;
	s16 =	sshll.u32 s17, $0x6;
	[sflag:s8] =	ssyncset.done $0x0  }
0xd1: {  	p0 =	sne.s32 s4, s25;
	s16 =	sor.u32 $0x1C05, s16;
	[sflag:s8] =	ssyncadd.s32 $0xFFFFD800  }
.Ltmp2:
0xd2: {  	s18 =	sshrl.u32 s5, $0x3;
	[bflag:$0x0] =	sbarrier.arrive $0xFFFF;
	(pc) =	sbr.rel @p0 .LBB2_1-.Ltmp2, $4  }
0xd3: {  	[hbm:s24], [sflag:s16] =	dma.local [spmem:s18], $0x2710  }
0xd4: {  	_ =	swait.ge [sflag:s8], $0x2710  }
0xd5: {  	[sflag:s8] =	ssyncset.done $0x0  }
0xd6: {  	[sflag:s8] =	ssyncadd.s32 $0xFFFFD8F0  }
0xd7: {  	_ =	sfence.sel $0x180000  }
0xd8: {  	[bflag:$0x0] =	sbarrier.arrive $0xFFFF  }
0xd9: {  	_ =	strace $0x9000004A  }
0xda: {  	s0 =	stileid.u32;
	[bflag:$0x2] =	sbarrier.arrive $0xFFFF  }
0xdb: {  	p0 =	sne.s32 s0, $0x0;
	s0 =	rddreg [dreg:$0x3]  }
0xdc: {  	s0 =	sadd.s32 @!p0 $0x100000, s0  }
0xdd: {  	[sflag:s0] =	ssyncadd.tile.s32 @!p0 $0x1;
	_ =	shalt  }
.Lfunc_end2:
_tile_overlayer_lowered:
.L_overlay_start_2:
0xde: {  	(tag) =	ssettag $0x2  }
0xdf: {  	s0 =	rddreg [dreg:$0x0];
	s2 =	stileid.u32  }
0xe0: {  	s1 =	rddreg [dreg:$0x1];
	p0 =	sne.s32 s2, $0x0  }
0xe1: {  	s3 =	rddreg [dreg:$0x2];
	[bflag:$0x3] =	sbarrier.arrive $0xFFFF;
	s2 =	simm.s32 @!p0 $0x1C05  }
0xe2: {  	[timem:s3], [sflag:s2] =	dma.local @!p0 [hbm:s0], s1  }
0xe3: {  	s0 =	simm.s32 @!p0 $0x5  }
0xe4: {  	_ =	swait.ge @!p0 [sflag:s0], s1  }
0xe5: {  	s1 =	ssub.s32 @!p0 $0x0, s1;
	[sflag:s0] =	ssyncset.done @!p0 $0x0  }
0xe6: {  	[sflag:s0] =	ssyncadd.s32 @!p0 s1  }
0xe7: {  	[bflag:$0x3] =	sbarrier.arrive $0xFFFF  }
0xe8: {  	_ =	shalt  }

// kernel: kernel.17.cloned.1.call-start
scs
__scs_entry_jumppad:
0x0: {  	(pc) =	sbr.rel $0x88, $3  }
0x1: {  	(tag) =	ssettag $0x0;
	lr =	simm.s32 $0x1  }
0x2: {  	[smem:$0x3F92] =	sst lr;
	_ =	strace $0xD0000000  }
0x3: {  	_ = 	snop  }
0x4: {  	_ = 	snop  }
0x5: {  	_ = 	snop  }
0x6: {  	_ = 	snop  }
0x7: {  	_ = 	snop  }
__scs_overlays_trampoline_lowered:
0x8: {  	[smem:$0x3FA1] =	sst s0  }
0x9: {  	[smem:$0x3FA2] =	sst s1  }
0xa: {  	[smem:$0x3FA3] =	sst s2  }
0xb: {  	[smem:$0x3FA4] =	sst s3  }
0xc: {  	[smem:$0x3FA5] =	sst s4  }
0xd: {  	[smem:$0x3FA6] =	sst s5  }
0xe: {  	[smem:$0x3FA7] =	sst s6  }
0xf: {  	[smem:$0x3FA8] =	sst s7  }
0x10: {  	[smem:$0x3FA9] =	sst s8  }
0x11: {  	[smem:$0x3FAA] =	sst s9;
	s0 =	simm.s32 @!p0 $0x0  }
0x12: {  	s1 =	sld [smem:$0x3F90];
	s0 =	simm.s32 @p0 $0x1  }
0x13: {  	[smem:$0x3FAB] =	sst s0;
	s0 =	simm.s32 @!p1 $0x0  }
0x14: {  	s2 =	sld [smem:$0x3F8F];
	s0 =	simm.s32 @p1 $0x1  }
0x15: {  	[smem:$0x3FAC] =	sst s0;
	s0 =	simm.s32 @!p2 $0x0  }
0x16: {  	s3 =	sld [smem:$0x3FDB];
	s0 =	simm.s32 @p2 $0x1  }
0x17: {  	s4 =	simm.s32 $0x1BF5;
	[smem:$0x3FAE] =	sst s0  }
0x18: {  	s0 =	sld [smem:$0x3F91];
	_ =	swait.ge [sflag:s4], $0x0  }
0x19: {  	s7 =	sld [smem:$0x3F92]  }
0x1a: {  	s8 =	sadd.s32 $0xFFFFE003, lr  }
0x1b: {  	s9 =	sadd.s32 $0xFFFFFEF7, lr;
	s5 =	simm.s32 $0xFFFFFFFF;
	p2 =	slt.u32 s8, $0xFFFFF086  }
0x1c: {  	p1 =	slt.u32 s9, $0xF7A;
	s5 =	simm.s32 @!p2 $0x0  }
0x1d: {  	s5 =	simm.s32 @p1 $0x1;
	p0 =	seq.s32 s7, s2  }
0x1e: {  	s7 =	smul.u32 @!p0 $0xF7A, s2;
	p2 =	seq.s32 @!p0 s5, $0x0  }
0x1f: {  	s9 =	smul.u32 $0xF7A, s1;
	s8 =	simm.s32 @!p0 $0x1BF5;
	p2 =	por !p2, p0  }
0x20: {  	[sflag:s8] =	ssyncset.s32 @!p0 $0xFFFFF086;
	s6 =	sadd.s32 @!p0 s3, s7;
	s7 =	simm.s32 @!p0 $0x108  }
0x21: {  	s3 =	sadd.s32 s3, s9;
	s6 =	sadd.s32 @!p0 $0x88, s6;
	s7 =	simm.s32 @p2 $0x1082  }
0x22: {  	[simem:s7], [sflag:s8] =	dma.local @!p0 [hbm:s6], $0xF7A  }
0x23: {  	s9 =	sor.u32 $0xD0000000, s2;
	s6 =	simm.s32 $0x108;
	_ =	swait.ge @!p0 [sflag:s8], $0x0  }
0x24: {  	s3 =	sadd.s32 $0x88, s3;
	s6 =	simm.s32 @!p1 $0x1082;
	[sflag:s4] =	ssyncset.s32 $0xFFFFF086  }
0x25: {  	[simem:s6], [sflag:s4] =	dma.local [hbm:s3], $0xF7A  }
0x26: {  	[smem:$0x3F92] =	sst s1;
	(tag) =	ssettag s2;
	_ =	strace s9  }
0x27: {  	s1 =	sld [smem:$0x3FA2]  }
0x28: {  	s2 =	sld [smem:$0x3FA3]  }
0x29: {  	s4 =	sld [smem:$0x3FA5]  }
0x2a: {  	p0 =	seq.s32 s5, $0x0;
	s5 =	sld [smem:$0x3FA6]  }
0x2b: {  	s6 =	sld [smem:$0x3FA7]  }
0x2c: {  	s7 =	sld [smem:$0x3FA8]  }
0x2d: {  	s3 =	simm.s32 $0x108;
	s8 =	sld [smem:$0x3FA9]  }
0x2e: {  	s3 =	simm.s32 @!p0 $0x1082;
	s9 =	sld [smem:$0x3FAA]  }
0x2f: {  	lr =	sadd.s32 s0, s3;
	s0 =	sld [smem:$0x3FA1]  }
0x30: {  	s3 =	sld [smem:$0x3FA4]  }
0x31: {  	[smem:$0x3FAD] =	sst s10  }
0x32: {  	s10 =	sld [smem:$0x3FAB];
	_ =	sdelay $0x3  }
0x33: {  	p0 =	seq.s32 s10, $0x1;
	s10 =	sld [smem:$0x3FAD];
	_ =	sdelay $0x3  }
0x34: {  	[smem:$0x3FAD] =	sst s10  }
0x35: {  	s10 =	sld [smem:$0x3FAC];
	_ =	sdelay $0x3  }
0x36: {  	p1 =	seq.s32 s10, $0x1;
	s10 =	sld [smem:$0x3FAD];
	_ =	sdelay $0x3  }
0x37: {  	[smem:$0x3FAD] =	sst s10  }
0x38: {  	s10 =	sld [smem:$0x3FAE]  }
0x39: {  	_ = 	snop;
	(pc) =	sbr.ind lr, $3  }
0x3a: {  	_ = 	snop  }
0x3b: {  	_ = 	snop  }
0x3c: {  	p2 =	seq.s32 s10, $0x1;
	s10 =	sld [smem:$0x3FAD]  }
0x3d: {  	_ =	shalt  }
0x3e: {  	_ =	shalt  }
0x3f: {  	_ =	shalt  }
0x40: {  	_ =	shalt  }
0x41: {  	_ =	shalt  }
0x42: {  	_ =	shalt  }
0x43: {  	_ =	shalt  }
0x44: {  	_ =	shalt  }
0x45: {  	_ =	shalt  }
0x46: {  	_ =	shalt  }
0x47: {  	_ =	shalt  }
0x48: {  	_ =	shalt  }
0x49: {  	_ =	shalt  }
0x4a: {  	_ =	shalt  }
0x4b: {  	_ =	shalt  }
0x4c: {  	_ =	shalt  }
0x4d: {  	_ =	shalt  }
0x4e: {  	_ =	shalt  }
0x4f: {  	_ =	shalt  }
0x50: {  	_ =	shalt  }
0x51: {  	_ =	shalt  }
0x52: {  	_ =	shalt  }
0x53: {  	_ =	shalt  }
0x54: {  	_ =	shalt  }
0x55: {  	_ =	shalt  }
0x56: {  	_ =	shalt  }
0x57: {  	_ =	shalt  }
0x58: {  	_ =	shalt  }
0x59: {  	_ =	shalt  }
0x5a: {  	_ =	shalt  }
0x5b: {  	_ =	shalt  }
0x5c: {  	_ =	shalt  }
0x5d: {  	_ =	shalt  }
0x5e: {  	_ =	shalt  }
0x5f: {  	_ =	shalt  }
0x60: {  	_ =	shalt  }
0x61: {  	_ =	shalt  }
0x62: {  	_ =	shalt  }
0x63: {  	_ =	shalt  }
0x64: {  	_ =	shalt  }
0x65: {  	_ =	shalt  }
0x66: {  	_ =	shalt  }
0x67: {  	_ =	shalt  }
0x68: {  	_ =	shalt  }
0x69: {  	_ =	shalt  }
0x6a: {  	_ =	shalt  }
0x6b: {  	_ =	shalt  }
0x6c: {  	_ =	shalt  }
0x6d: {  	_ =	shalt  }
0x6e: {  	_ =	shalt  }
0x6f: {  	_ =	shalt  }
0x70: {  	_ =	shalt  }
0x71: {  	_ =	shalt  }
0x72: {  	_ =	shalt  }
0x73: {  	_ =	shalt  }
0x74: {  	_ =	shalt  }
0x75: {  	_ =	shalt  }
0x76: {  	_ =	shalt  }
0x77: {  	_ =	shalt  }
0x78: {  	_ =	shalt  }
0x79: {  	_ =	shalt  }
0x7a: {  	_ =	shalt  }
0x7b: {  	_ =	shalt  }
0x7c: {  	_ =	shalt  }
0x7d: {  	_ =	shalt  }
0x7e: {  	_ =	shalt  }
0x7f: {  	_ =	shalt  }
0x80: {  	_ =	shalt  }
0x81: {  	_ =	shalt  }
0x82: {  	_ =	shalt  }
0x83: {  	_ =	shalt  }
0x84: {  	_ =	shalt  }
0x85: {  	_ =	shalt  }
0x86: {  	_ =	shalt  }
0x87: {  	_ =	shalt  }
.Lfunc_end0:
.L_simem_size_0:
called_computation.2_lowered:
.L_overlay_start_0:
0x88: {  	s2 =	sld [smem:$0x3FD9]  }
0x89: {  	s3 =	sld [smem:$0x3FFE];
	_ =	sdelay $0x1  }
0x8a: {  	s1 =	srdreg.scid  }
0x8b: {  	s0 =	sand.u32 $0x1, s1  }
0x8c: {  	s17 =	sshll.u32 s0, $0xA;
	s2 =	sadd.s32 s3, s2  }
0x8d: {  	s2 =	sadd.s32 s2, s17  }
0x8e: {  	[smem:$0x3FB9] =	sst s2  }
0x8f: {  	_ = 	snop  }
0x90: {  	s2 =	sld [smem:$0x3FD0];
	(tm) =	ssettm $0x1  }
0x91: {  	s18 =	sld [smem:$0x3FFB];
	_ =	sdelay $0x3  }
0x92: {  	_ =	strace s18  }
0x93: {  	s3 =	sld [smem:$0x3FFC];
	_ =	sdelay $0x3  }
0x94: {  	_ =	strace s3  }
0x95: {  	s3 =	sld [smem:$0x3FFD];
	_ =	sdelay $0x3  }
0x96: {  	_ =	strace s3  }
0x97: {  	_ =	strace $0x8FFFFFFF  }
0x98: {  	s19 =	sld [smem:$0x3FDB];
	_ =	sdelay $0x1  }
0x99: {  	s4 =	simm.s32 $_scs_section_size  }
0x9a: {  	s5 =	simm.s32 $_size__tile_overlayer_lowered;
	s6 =	simm.s32 $_tile_overlayer_lowered  }
0x9b: {  	s22 =	simm.s32 $0x1BFF;
	s21 =	sshll.u32 s6, $0x1;
	s3 =	sadd.s32 s4, s19  }
0x9c: {  	s7 =	simm.s32 $0x0;
	s20 =	sshll.u32 s5, $0x1;
	s5 =	sadd.s32 s21, s3  }
0x9d: {  	[timem:s7], [sflag:s22] =	dma.local [hbm:s5], s20  }
0x9e: {  	_ =	swait.ge [sflag:s22], s20  }
0x9f: {  	s4 =	ssub.s32 $0x0, s20;
	[sflag:s22] =	ssyncset.done $0x0  }
0xa0: {  	[sflag:s22] =	ssyncadd.s32 s4;
	_ =	sdelay $0x1  }
0xa1: {  	s23 =	simm.s32 $0x1B8B  }
0xa2: {  	_ =	swait.ge [sflag:s23], $0x1  }
0xa3: {  	[sflag:s23] =	ssyncset.done $0x0  }
0xa4: {  	s25 =	simm.s32 $0x1B8E;
	s24 =	sld [smem:$0x3FFE];
	[sflag:s23] =	ssyncadd.s32 $0xFFFFFFFF  }
0xa5: {  	s26 =	simm.s32 $execute0_lowered;
	[smem:$0x3FD2] =	sst s25  }
0xa6: {  	s5 =	sshll.u32 s26, $0x1;
	_ =	strace $0x8000004C;
	[dreg:$0x1] =	wrdreg $0xFFFFFFFF  }
0xa7: {  	s28 =	simm.s32 $_size_execute0_lowered;
	s3 =	sadd.s32 s3, s5;
	[dreg:$0x0] =	wrdreg $0x0  }
0xa8: {  	s5 =	sshll.u32 s28, $0x1;
	[dreg:$0x2] =	wrdreg s3  }
0xa9: {  	[dreg:$0x3] =	wrdreg s5  }
0xaa: {  	[dreg:$0x4] =	wrdreg $0xC0  }
0xab: {  	_ =	task [dreg:s7], $0x5FFFF  }
0xac: {  	[dreg:$0x1] =	wrdreg $0xFFFFFFFF  }
0xad: {  	[dreg:$0x0] =	wrdreg $0x60  }
0xae: {  	[dreg:$0x2] =	wrdreg s2  }
0xaf: {  	[dreg:$0x3] =	wrdreg s24  }
0xb0: {  	[dreg:$0x4] =	wrdreg $0xAF000  }
0xb1: {  	[dreg:$0x5] =	wrdreg $0x9  }
0xb2: {  	_ =	task.clear_ibuf [dreg:s7], $0x6FFFF;
	_ =	strace $0x9000004C  }
0xb3: {  	s29 =	simm.s32 $0x9;
	_ =	strace $0x8000004E  }
0xb4: {  	_ =	swait.ge [sflag:s29], $0x1  }
0xb5: {  	[sflag:s29] =	ssyncadd.s32 $0xFFFFFFFF  }
0xb6: {  	_ =	strace $0x9000004E  }
0xb7: {  	_ =	sfence  }
0xb8: {  	s30 =	sld [smem:$0x0];
	_ =	sdelay $0x2  }
0xb9: {  	s31 =	sshll.u32 s1, $0xD;
	s1 =	sshrl.u32 s1, $0x2  }
0xba: {  	s3 =	sand.u32 $0x4000, s31;
	s1 =	sadd.s32 s1, s30  }
0xbb: {  	s0 =	sor.u32 s3, s0;
	s1 =	sshll.u32 s1, $0x11  }
0xbc: {  	s0 =	sor.u32 s1, s0  }
0xbd: {  	s0 =	sadd.s32 $0x8F2B, s0  }
0xbe: {  	[sflag:s0] =	ssyncadd.remote.s32 $0x1  }
0xbf: {  	_ =	sfence.sel $0xFFFF  }
0xc0: {  	[dreg:$0x0] =	wrdreg $0xFFFFFFFF;
	(pc) =	sbr.abs _section_cstart, $3  }
0xc1: {  	[dreg:$0x1] =	wrdreg $0xFFFFFFFF  }
0xc2: {  	_ =	task.clear_ibuf [dreg:s7], $0x2FFFF;
	_ =	strace $0x9FFFFFFF  }
0xc3: {  	(tm) =	ssettm $0x7FFFFFFF  }
tec
execute0_lowered:
.L_overlay_start_1:
0x0: {  	(tag) =	ssettag $0x1  }
0x1: {  	s0 =	srdreg.scid;
	s8 =	stileid.u32  }
0x2: {  	s1 =	rddreg [dreg:$0x0];
	s0 =	sand.u32 $0x1, s0;
	s7 =	smul.u32 $0x13C00, s8  }
0x3: {  	s5 =	rddreg [dreg:$0x1];
	s2 =	sshll.u32 s0, $0x4;
	s6 =	smul.u32 $0x13C000, s0  }
0x4: {  	s3 =	rddreg [dreg:$0x2];
	s2 =	sor.u32 s8, s2;
	s8 =	smul.u32 $0x4E200, s8  }
0x5: {  	s4 =	simm.s32 $0x0;
	s2 =	smul.u32 $0x4E2, s2;
	s6 =	sadd.s32 s7, s6  }
0x6: {  	s9 =	simm.s32 $0x50;
	s6 =	sshrl.u32 s6, $0x3;
	s8 =	sshrl.u32 s8, $0x2  }
0x7: {  	s2 =	sadd.s32 s2, s5;
	s6 =	sadd.s32 s6, s5;
	s5 =	sadd.s32 s8, s3  }
0x8: {  	s10 =	simm.s32 $0x4F00;
	[smem:$0x7FF] =	sst s4;
	s14 =	sadd.s32 $0xC80, s5  }
0x9: {  	_ =	strace $0x8000004D;
	s15 =	sadd.s32 $0x1900, s5;
	[dreg:$0x4] =	wrdreg s14  }
0xa: {  	s11 =	simm.s32 $0x7700;
	s16 =	sadd.s32 $0x2580, s5;
	[dreg:$0x5] =	wrdreg s15  }
0xb: {  	s12 =	simm.s32 $0x1;
	s17 =	sadd.s32 $0x3200, s5;
	[dreg:$0x6] =	wrdreg s16  }
0xc: {  	s0 =	ssub.s32 $0x2, s0;
	s18 =	sadd.s32 $0x3E80, s5;
	[dreg:$0x7] =	wrdreg s17  }
0xd: {  	s13 =	sshrl.u32 s0, $0x1;
	s19 =	sadd.s32 $0x4B00, s5;
	[dreg:$0x8] =	wrdreg s18  }
0xe: {  	s0 =	ssub.s32 s0, s13;
	s20 =	sadd.s32 $0x5780, s5;
	[dreg:$0x9] =	wrdreg s19  }
0xf: {  	s7 =	simm.s32 $0x9F00;
	s21 =	sadd.s32 $0x6400, s5;
	[dreg:$0xa] =	wrdreg s20  }
0x10: {  	s13 =	simm.s32 $0x2;
	s22 =	sadd.s32 $0x7080, s5;
	[dreg:$0xb] =	wrdreg s21  }
0x11: {  	s8 =	simm.s32 $0x5;
	s23 =	sadd.s32 $0x7D00, s5;
	[dreg:$0xc] =	wrdreg s22  }
0x12: {  	s24 =	sadd.s32 $0x8980, s5;
	s25 =	sadd.s32 $0x9600, s5;
	[dreg:$0xd] =	wrdreg s23  }
0x13: {  	s26 =	sadd.s32 $0xA280, s5;
	s28 =	sadd.s32 $0xE100, s5;
	[dreg:$0xe] =	wrdreg s24  }
0x14: {  	s29 =	sadd.s32 $0xED80, s5;
	s30 =	sadd.s32 $0xFA00, s5;
	[dreg:$0xf] =	wrdreg s25  }
0x15: {  	s31 =	sadd.s32 $0x10680, s5;
	[dreg:$0x10] =	wrdreg s26;
	s19 =	sadd.s32 $0xAF00, s5  }
0x16: {  	s20 =	sadd.s32 $0xBB80, s5;
	s21 =	sadd.s32 $0xC800, s5;
	s22 =	sadd.s32 $0xD600, s2  }
0x17: {  	s23 =	sadd.s32 $0x3800, s2;
	s24 =	sadd.s32 $0x17400, s6;
	s25 =	smax.u32 s0, $0x1  }
0x18: {  	s26 =	sadd.s32 $0xD480, s5;
	s2 =	sadd.s32 $0x11300, s5;
	s0 =	sadd.s32 $0x11F80, s5  }
0x19: {  	v0 =	vimm.f32 $0.0e+00;
	s6 =	sadd.s32 $0x12C00, s5;
	s14 =	simm.s32 $0x3;
	s15 =	simm.s32 $0x4  }
.LBB2_1:
0x1a: {  	s16 =	simm.s32 $0x70;
	s17 =	simm.s32 $0x3C0  }
.LBB2_2:
0x1b: {  	p0 =	sne.s32 s17, $0x31C0;
	[tilespmem:s16+$0x9F00] =	vst v0  }
0x1c: {  	[tilespmem:s16+$0x9E90] =	vst v0  }
0x1d: {  	[tilespmem:s16+$0x9EA0] =	vst v0  }
.Ltmp0:
0x1e: {  	[tilespmem:s16+$0x9EB0] =	vst v0;
	(pc) =	sbr.rel @p0 .LBB2_2-.Ltmp0, $4  }
0x1f: {  	[tilespmem:s16+$0x9EC0] =	vst v0  }
0x20: {  	[tilespmem:s16+$0x9ED0] =	vst v0  }
0x21: {  	[tilespmem:s16+$0x9EE0] =	vst v0  }
0x22: {  	[tilespmem:s16+$0x9EF0] =	vst v0;
	s16 =	sshra.s32 s17, $0x2;
	s17 =	sadd.s32 $0x200, s17  }
0x23: {  	[tilespmem:s16+$0x9F00] =	vst v0  }
0x24: {  	[tilespmem:s16+$0x9E90] =	vst v0  }
0x25: {  	[tilespmem:s16+$0x9EA0] =	vst v0  }
0x26: {  	[tilespmem:s16+$0x9EB0] =	vst v0  }
0x27: {  	[tilespmem:s16+$0x9EC0] =	vst v0  }
0x28: {  	[tilespmem:s16+$0x9ED0] =	vst v0  }
0x29: {  	[tilespmem:s16+$0x9EE0] =	vst v0  }
0x2a: {  	[tilespmem:s16+$0x9EF0] =	vst v0  }
0x2b: {  	[spmem:s5] =	stream.linear.scatter [tilespmem:s7], [sflag:$0x5], $0xC80, $0x38;
	[tilespmem:$0x1E780] =	vst v63  }
0x2c: {  	_ =	swait.ge [sflag:s8], $0xC80  }
0x2d: {  	[sflag:s8] =	ssyncset.done $0x0  }
0x2e: {  	s17 =	rddreg [dreg:$0x4];
	[sflag:s8] =	ssyncadd.s32 $0xFFFFF380  }
0x2f: {  	[spmem:s17] =	stream.linear.scatter [tilespmem:s7], [sflag:$0x5], $0xC80, $0x38;
	[tilespmem:$0x1E780] =	vst v63  }
0x30: {  	_ =	swait.ge [sflag:s8], $0xC80  }
0x31: {  	[sflag:s8] =	ssyncset.done $0x0  }
0x32: {  	s18 =	rddreg [dreg:$0x5];
	[sflag:s8] =	ssyncadd.s32 $0xFFFFF380  }
0x33: {  	[spmem:s18] =	stream.linear.scatter [tilespmem:s7], [sflag:$0x5], $0xC80, $0x38;
	[tilespmem:$0x1E780] =	vst v63  }
0x34: {  	_ =	swait.ge [sflag:s8], $0xC80  }
0x35: {  	[sflag:s8] =	ssyncset.done $0x0  }
0x36: {  	s17 =	rddreg [dreg:$0x6];
	[sflag:s8] =	ssyncadd.s32 $0xFFFFF380  }
0x37: {  	[spmem:s17] =	stream.linear.scatter [tilespmem:s7], [sflag:$0x5], $0xC80, $0x38;
	[tilespmem:$0x1E780] =	vst v63  }
0x38: {  	_ =	swait.ge [sflag:s8], $0xC80  }
0x39: {  	[sflag:s8] =	ssyncset.done $0x0  }
0x3a: {  	s18 =	rddreg [dreg:$0x7];
	[sflag:s8] =	ssyncadd.s32 $0xFFFFF380  }
0x3b: {  	[spmem:s18] =	stream.linear.scatter [tilespmem:s7], [sflag:$0x5], $0xC80, $0x38;
	[tilespmem:$0x1E780] =	vst v63  }
0x3c: {  	_ =	swait.ge [sflag:s8], $0xC80  }
0x3d: {  	[sflag:s8] =	ssyncset.done $0x0  }
0x3e: {  	s17 =	rddreg [dreg:$0x8];
	[sflag:s8] =	ssyncadd.s32 $0xFFFFF380  }
0x3f: {  	[spmem:s17] =	stream.linear.scatter [tilespmem:s7], [sflag:$0x5], $0xC80, $0x38;
	[tilespmem:$0x1E780] =	vst v63  }
0x40: {  	_ =	swait.ge [sflag:s8], $0xC80  }
0x41: {  	[sflag:s8] =	ssyncset.done $0x0  }
0x42: {  	s18 =	rddreg [dreg:$0x9];
	[sflag:s8] =	ssyncadd.s32 $0xFFFFF380  }
0x43: {  	[spmem:s18] =	stream.linear.scatter [tilespmem:s7], [sflag:$0x5], $0xC80, $0x38;
	[tilespmem:$0x1E780] =	vst v63  }
0x44: {  	_ =	swait.ge [sflag:s8], $0xC80  }
0x45: {  	[sflag:s8] =	ssyncset.done $0x0  }
0x46: {  	s17 =	rddreg [dreg:$0xa];
	[sflag:s8] =	ssyncadd.s32 $0xFFFFF380  }
0x47: {  	[spmem:s17] =	stream.linear.scatter [tilespmem:s7], [sflag:$0x5], $0xC80, $0x38;
	[tilespmem:$0x1E780] =	vst v63  }
0x48: {  	_ =	swait.ge [sflag:s8], $0xC80  }
0x49: {  	[sflag:s8] =	ssyncset.done $0x0  }
0x4a: {  	s18 =	rddreg [dreg:$0xb];
	[sflag:s8] =	ssyncadd.s32 $0xFFFFF380  }
0x4b: {  	[spmem:s18] =	stream.linear.scatter [tilespmem:s7], [sflag:$0x5], $0xC80, $0x38;
	[tilespmem:$0x1E780] =	vst v63  }
0x4c: {  	_ =	swait.ge [sflag:s8], $0xC80  }
0x4d: {  	[sflag:s8] =	ssyncset.done $0x0  }
0x4e: {  	s17 =	rddreg [dreg:$0xc];
	[sflag:s8] =	ssyncadd.s32 $0xFFFFF380  }
0x4f: {  	[spmem:s17] =	stream.linear.scatter [tilespmem:s7], [sflag:$0x5], $0xC80, $0x38;
	[tilespmem:$0x1E780] =	vst v63  }
0x50: {  	_ =	swait.ge [sflag:s8], $0xC80  }
0x51: {  	[sflag:s8] =	ssyncset.done $0x0  }
0x52: {  	s18 =	rddreg [dreg:$0xd];
	[sflag:s8] =	ssyncadd.s32 $0xFFFFF380  }
0x53: {  	[spmem:s18] =	stream.linear.scatter [tilespmem:s7], [sflag:$0x5], $0xC80, $0x38;
	[tilespmem:$0x1E780] =	vst v63  }
0x54: {  	_ =	swait.ge [sflag:s8], $0xC80  }
0x55: {  	[sflag:s8] =	ssyncset.done $0x0  }
0x56: {  	s17 =	rddreg [dreg:$0xe];
	[sflag:s8] =	ssyncadd.s32 $0xFFFFF380  }
0x57: {  	[spmem:s17] =	stream.linear.scatter [tilespmem:s7], [sflag:$0x5], $0xC80, $0x38;
	[tilespmem:$0x1E780] =	vst v63  }
0x58: {  	_ =	swait.ge [sflag:s8], $0xC80  }
0x59: {  	[sflag:s8] =	ssyncset.done $0x0  }
0x5a: {  	s18 =	rddreg [dreg:$0xf];
	[sflag:s8] =	ssyncadd.s32 $0xFFFFF380  }
0x5b: {  	[spmem:s18] =	stream.linear.scatter [tilespmem:s7], [sflag:$0x5], $0xC80, $0x38;
	[tilespmem:$0x1E780] =	vst v63  }
0x5c: {  	_ =	swait.ge [sflag:s8], $0xC80  }
0x5d: {  	[sflag:s8] =	ssyncset.done $0x0  }
0x5e: {  	s17 =	rddreg [dreg:$0x10];
	[sflag:s8] =	ssyncadd.s32 $0xFFFFF380  }
0x5f: {  	[spmem:s17] =	stream.linear.scatter [tilespmem:s7], [sflag:$0x5], $0xC80, $0x38;
	[tilespmem:$0x1E780] =	vst v63  }
0x60: {  	_ =	swait.ge [sflag:s8], $0xC80  }
0x61: {  	[sflag:s8] =	ssyncset.done $0x0  }
0x62: {  	[sflag:s8] =	ssyncadd.s32 $0xFFFFF380  }
0x63: {  	[spmem:s19] =	stream.linear.scatter [tilespmem:s7], [sflag:$0x5], $0xC80, $0x38;
	[tilespmem:$0x1E780] =	vst v63  }
0x64: {  	_ =	swait.ge [sflag:s8], $0xC80  }
0x65: {  	[sflag:s8] =	ssyncset.done $0x0  }
0x66: {  	[sflag:s8] =	ssyncadd.s32 $0xFFFFF380  }
0x67: {  	[spmem:s20] =	stream.linear.scatter [tilespmem:s7], [sflag:$0x5], $0xC80, $0x38;
	[tilespmem:$0x1E780] =	vst v63  }
0x68: {  	_ =	swait.ge [sflag:s8], $0xC80  }
0x69: {  	[sflag:s8] =	ssyncset.done $0x0  }
0x6a: {  	[sflag:s8] =	ssyncadd.s32 $0xFFFFF380  }
0x6b: {  	[spmem:s21] =	stream.linear.scatter [tilespmem:s7], [sflag:$0x5], $0xC80, $0x38;
	[tilespmem:$0x1E780] =	vst v63  }
0x6c: {  	_ =	swait.ge [sflag:s8], $0xC80  }
0x6d: {  	[sflag:s8] =	ssyncset.done $0x0  }
0x6e: {  	[sflag:s8] =	ssyncadd.s32 $0xFFFFF380  }
0x6f: {  	[spmem:s26] =	stream.linear.scatter [tilespmem:s7], [sflag:$0x5], $0xC80, $0x38;
	[tilespmem:$0x1E780] =	vst v63  }
0x70: {  	_ =	swait.ge [sflag:s8], $0xC80  }
0x71: {  	[sflag:s8] =	ssyncset.done $0x0  }
0x72: {  	[sflag:s8] =	ssyncadd.s32 $0xFFFFF380  }
0x73: {  	[spmem:s28] =	stream.linear.scatter [tilespmem:s7], [sflag:$0x5], $0xC80, $0x38;
	[tilespmem:$0x1E780] =	vst v63  }
0x74: {  	_ =	swait.ge [sflag:s8], $0xC80  }
0x75: {  	[sflag:s8] =	ssyncset.done $0x0  }
0x76: {  	[sflag:s8] =	ssyncadd.s32 $0xFFFFF380  }
0x77: {  	[spmem:s29] =	stream.linear.scatter [tilespmem:s7], [sflag:$0x5], $0xC80, $0x38;
	[tilespmem:$0x1E780] =	vst v63  }
0x78: {  	_ =	swait.ge [sflag:s8], $0xC80  }
0x79: {  	[sflag:s8] =	ssyncset.done $0x0  }
0x7a: {  	[sflag:s8] =	ssyncadd.s32 $0xFFFFF380  }
0x7b: {  	[spmem:s30] =	stream.linear.scatter [tilespmem:s7], [sflag:$0x5], $0xC80, $0x38;
	[tilespmem:$0x1E780] =	vst v63  }
0x7c: {  	_ =	swait.ge [sflag:s8], $0xC80  }
0x7d: {  	[sflag:s8] =	ssyncset.done $0x0  }
0x7e: {  	[sflag:s8] =	ssyncadd.s32 $0xFFFFF380  }
0x7f: {  	[spmem:s31] =	stream.linear.scatter [tilespmem:s7], [sflag:$0x5], $0xC80, $0x38;
	[tilespmem:$0x1E780] =	vst v63  }
0x80: {  	_ =	swait.ge [sflag:s8], $0xC80  }
0x81: {  	[sflag:s8] =	ssyncset.done $0x0  }
0x82: {  	[sflag:s8] =	ssyncadd.s32 $0xFFFFF380  }
0x83: {  	[spmem:s2] =	stream.linear.scatter [tilespmem:s7], [sflag:$0x5], $0xC80, $0x38;
	[tilespmem:$0x1E780] =	vst v63  }
0x84: {  	_ =	swait.ge [sflag:s8], $0xC80  }
0x85: {  	[sflag:s8] =	ssyncset.done $0x0  }
0x86: {  	[sflag:s8] =	ssyncadd.s32 $0xFFFFF380  }
0x87: {  	[spmem:s0] =	stream.linear.scatter [tilespmem:s7], [sflag:$0x5], $0xC80, $0x38;
	[tilespmem:$0x1E780] =	vst v63  }
0x88: {  	_ =	swait.ge [sflag:s8], $0xC80  }
0x89: {  	[sflag:s8] =	ssyncset.done $0x0  }
0x8a: {  	[sflag:s8] =	ssyncadd.s32 $0xFFFFF380  }
0x8b: {  	[spmem:s6] =	stream.linear.scatter [tilespmem:s7], [sflag:$0x5], $0xC80, $0x38;
	[tilespmem:$0x1E780] =	vst v63  }
0x8c: {  	_ =	swait.ge [sflag:s8], $0xC80  }
0x8d: {  	[sflag:s8] =	ssyncset.done $0x0  }
0x8e: {  	s18 =	simm.s32 $0x0;
	[sflag:s8] =	ssyncadd.s32 $0xFFFFF380  }
0x8f: {  	[tilespmem:s18], [sflag:$0x5] =	stream.linear.gather [hbm4b:s22+s18], $0x2710, $0x38;
	[tilespmem:$0x1E780] =	vst v63  }
0x90: {  	_ =	swait.ge [sflag:s8], $0x2710  }
0x91: {  	[sflag:s8] =	ssyncset.done $0x0  }
0x92: {  	s17 =	simm.s32 $0x2780;
	[sflag:s8] =	ssyncadd.s32 $0xFFFFD8F0  }
0x93: {  	[tilespmem:s17], [sflag:$0x5] =	stream.linear.gather [hbm4b:s23+s18], $0x2710, $0x38;
	[tilespmem:$0x1E780] =	vst v63  }
0x94: {  	_ =	swait.ge [sflag:s8], $0x2710  }
0x95: {  	[sflag:s8] =	ssyncset.done $0x0  }
0x96: {  	[sflag:s8] =	ssyncadd.s32 $0xFFFFD8F0  }
0x97: {  	[bflag:$0x0] =	sbarrier.arrive $0xFFFF  }
0x98: {  	[tilespmem:s10], [sflag:$0x1] =	stream.indirect.gather [hbm4b:s1+s9], $0x80, s18, s9, $0xb8;
	[tilespmem:$0x1E780] =	vst v63  }
0x99: {  	_ = 	snop  }
0x9a: {  	[tilespmem:s11], [sflag:$0x2] =	stream.indirect.gather [hbm4b:s1+s9], $0x80, s9, s9, $0xb8;
	[tilespmem:$0x1E780] =	vst v63  }
0x9b: {  	_ =	swait.ge [sflag:s12], $0x2800  }
0x9c: {  	[sflag:s12] =	ssyncset.done $0x0  }
0x9d: {  	s18 =	simm.s32 $0x2780;
	[sflag:s12] =	ssyncadd.s32 $0xFFFFD800  }
0x9e: {  	[spmem:s3] =	stream.indirect.scatter.add.f32 [tilespmem:s10], [sflag:$0x3], $0x80, s18, s9, $0xb8;
	[tilespmem:$0x1E780] =	vst v63  }
0x9f: {  	_ =	swait.ge [sflag:s13], $0x2800  }
0xa0: {  	[sflag:s13] =	ssyncset.done $0x0  }
0xa1: {  	s17 =	simm.s32 $0x27D0;
	[sflag:s13] =	ssyncadd.s32 $0xFFFFD800  }
0xa2: {  	[spmem:s3] =	stream.indirect.scatter.add.f32 [tilespmem:s11], [sflag:$0x4], $0x80, s17, s9, $0xb8;
	[tilespmem:$0x1E780] =	vst v63  }
0xa3: {  	_ =	swait.ge [sflag:s14], $0x2800  }
0xa4: {  	[sflag:s14] =	ssyncset.done $0x0  }
0xa5: {  	s18 =	simm.s32 $0xA0;
	[sflag:s14] =	ssyncadd.s32 $0xFFFFD800  }
0xa6: {  	[tilespmem:s10], [sflag:$0x1] =	stream.indirect.gather [hbm4b:s1+s9], $0x80, s18, s9, $0xb8;
	[tilespmem:$0x1E780] =	vst v63  }
0xa7: {  	_ =	swait.ge [sflag:s15], $0x2800  }
0xa8: {  	[sflag:s15] =	ssyncset.done $0x0  }
0xa9: {  	s16 =	simm.s32 $0x280;
	s17 =	simm.s32 $0xF0;
	[sflag:s15] =	ssyncadd.s32 $0xFFFFD800  }
.LBB2_4:
0xaa: {  	[tilespmem:s11], [sflag:$0x2] =	stream.indirect.gather [hbm4b:s1+s9], $0x80, s17, s9, $0xb8;
	[tilespmem:$0x1E780] =	vst v63  }
0xab: {  	s17 =	smov.u32 s16  }
0xac: {  	p0 =	sne.s32 s16, $0x9600;
	s16 =	sadd.s32 $0x280, s16;
	_ =	swait.ge [sflag:s12], $0x2800  }
0xad: {  	s17 =	sshra.s32 s17, $0x2;
	[sflag:s12] =	ssyncset.done $0x0  }
0xae: {  	s18 =	sadd.s32 $0x2780, s17;
	[sflag:s12] =	ssyncadd.s32 $0xFFFFD800  }
0xaf: {  	[spmem:s3] =	stream.indirect.scatter.add.f32 [tilespmem:s10], [sflag:$0x3], $0x80, s18, s9, $0xb8;
	[tilespmem:$0x1E780] =	vst v63  }
0xb0: {  	_ =	swait.ge [sflag:s13], $0x2800  }
0xb1: {  	[sflag:s13] =	ssyncset.done $0x0  }
0xb2: {  	s18 =	sadd.s32 $0x27D0, s17;
	[sflag:s13] =	ssyncadd.s32 $0xFFFFD800  }
0xb3: {  	[spmem:s3] =	stream.indirect.scatter.add.f32 [tilespmem:s11], [sflag:$0x4], $0x80, s18, s9, $0xb8;
	[tilespmem:$0x1E780] =	vst v63  }
0xb4: {  	_ =	swait.ge [sflag:s14], $0x2800  }
0xb5: {  	[sflag:s14] =	ssyncset.done $0x0  }
.Ltmp1:
0xb6: {  	s18 =	sadd.s32 $0xA0, s17;
	[sflag:s14] =	ssyncadd.s32 $0xFFFFD800;
	(pc) =	sbr.rel @p0 .LBB2_4-.Ltmp1, $4  }
0xb7: {  	[tilespmem:s10], [sflag:$0x1] =	stream.indirect.gather [hbm4b:s1+s9], $0x80, s18, s9, $0xb8;
	[tilespmem:$0x1E780] =	vst v63  }
0xb8: {  	_ =	swait.ge [sflag:s15], $0x2800  }
0xb9: {  	[sflag:s15] =	ssyncset.done $0x0  }
0xba: {  	s17 =	sadd.s32 $0xF0, s17;
	[sflag:s15] =	ssyncadd.s32 $0xFFFFD800  }
0xbb: {  	[tilespmem:s11], [sflag:$0x2] =	stream.indirect.gather [hbm4b:s1+s9], $0x80, s17, s9, $0xb8;
	[tilespmem:$0x1E780] =	vst v63  }
0xbc: {  	_ =	swait.ge [sflag:s12], $0x2800  }
0xbd: {  	[sflag:s12] =	ssyncset.done $0x0  }
0xbe: {  	s16 =	simm.s32 $0x4DA0;
	[sflag:s12] =	ssyncadd.s32 $0xFFFFD800  }
0xbf: {  	[spmem:s3] =	stream.indirect.scatter.add.f32 [tilespmem:s10], [sflag:$0x3], $0x80, s16, s9, $0xb8;
	[tilespmem:$0x1E780] =	vst v63  }
0xc0: {  	_ =	swait.ge [sflag:s13], $0x2800  }
0xc1: {  	[sflag:s13] =	ssyncset.done $0x0  }
0xc2: {  	s18 =	simm.s32 $0x4DF0;
	[sflag:s13] =	ssyncadd.s32 $0xFFFFD800  }
0xc3: {  	[spmem:s3] =	stream.indirect.scatter.add.f32 [tilespmem:s11], [sflag:$0x4], $0x80, s18, s9, $0xb8;
	[tilespmem:$0x1E780] =	vst v63  }
0xc4: {  	_ =	swait.ge [sflag:s14], $0x2800  }
0xc5: {  	[sflag:s14] =	ssyncset.done $0x0  }
0xc6: {  	s17 =	simm.s32 $0x26C0;
	[sflag:s14] =	ssyncadd.s32 $0xFFFFD800  }
0xc7: {  	[tilespmem:s10], [sflag:$0x1] =	stream.indirect.gather [hbm4b:s1+s9], $0x80, s17, s9, $0xb8;
	[tilespmem:$0x1E780] =	vst v63  }
0xc8: {  	_ =	swait.ge [sflag:s15], $0x2800  }
0xc9: {  	[sflag:s15] =	ssyncset.done $0x0  }
0xca: {  	[sflag:s15] =	ssyncadd.s32 $0xFFFFD800  }
0xcb: {  	_ =	swait.ge [sflag:s12], $0x2800  }
0xcc: {  	[sflag:s12] =	ssyncset.done $0x0  }
0xcd: {  	s18 =	simm.s32 $0x4E40;
	[sflag:s12] =	ssyncadd.s32 $0xFFFFD800  }
0xce: {  	[spmem:s3] =	stream.indirect.scatter.add.f32 [tilespmem:s10], [sflag:$0x5], $0x80, s18, s9, $0xb8;
	[tilespmem:$0x1E780] =	vst v63  }
0xcf: {  	s17 =	stileid.u32;
	_ =	swait.ge [sflag:s8], $0x2800  }
0xd0: {  	s4 =	sadd.s32 $0x1, s4;
	s16 =	sshll.u32 s17, $0x6;
	[sflag:s8] =	ssyncset.done $0x0  }
0xd1: {  	p0 =	sne.s32 s4, s25;
	s16 =	sor.u32 $0x1C05, s16;
	[sflag:s8] =	ssyncadd.s32 $0xFFFFD800  }
.Ltmp2:
0xd2: {  	s18 =	sshrl.u32 s5, $0x3;
	[bflag:$0x0] =	sbarrier.arrive $0xFFFF;
	(pc) =	sbr.rel @p0 .LBB2_1-.Ltmp2, $4  }
0xd3: {  	[hbm:s24], [sflag:s16] =	dma.local [spmem:s18], $0x2710  }
0xd4: {  	_ =	swait.ge [sflag:s8], $0x2710  }
0xd5: {  	[sflag:s8] =	ssyncset.done $0x0  }
0xd6: {  	[sflag:s8] =	ssyncadd.s32 $0xFFFFD8F0  }
0xd7: {  	_ =	sfence.sel $0x180000  }
0xd8: {  	[bflag:$0x0] =	sbarrier.arrive $0xFFFF  }
0xd9: {  	_ =	strace $0x9000004D  }
0xda: {  	s0 =	stileid.u32;
	[bflag:$0x2] =	sbarrier.arrive $0xFFFF  }
0xdb: {  	p0 =	sne.s32 s0, $0x0;
	s0 =	rddreg [dreg:$0x3]  }
0xdc: {  	s0 =	sadd.s32 @!p0 $0x100000, s0  }
0xdd: {  	[sflag:s0] =	ssyncadd.tile.s32 @!p0 $0x1;
	_ =	shalt  }
.Lfunc_end2:
_tile_overlayer_lowered:
.L_overlay_start_2:
0xde: {  	(tag) =	ssettag $0x2  }
0xdf: {  	s0 =	rddreg [dreg:$0x0];
	s2 =	stileid.u32  }
0xe0: {  	s1 =	rddreg [dreg:$0x1];
	p0 =	sne.s32 s2, $0x0  }
0xe1: {  	s3 =	rddreg [dreg:$0x2];
	[bflag:$0x3] =	sbarrier.arrive $0xFFFF;
	s2 =	simm.s32 @!p0 $0x1C05  }
0xe2: {  	[timem:s3], [sflag:s2] =	dma.local @!p0 [hbm:s0], s1  }
0xe3: {  	s0 =	simm.s32 @!p0 $0x5  }
0xe4: {  	_ =	swait.ge @!p0 [sflag:s0], s1  }
0xe5: {  	s1 =	ssub.s32 @!p0 $0x0, s1;
	[sflag:s0] =	ssyncset.done @!p0 $0x0  }
0xe6: {  	[sflag:s0] =	ssyncadd.s32 @!p0 s1  }
0xe7: {  	[bflag:$0x3] =	sbarrier.arrive $0xFFFF  }
0xe8: {  	_ =	shalt  }

// kernel: kernel.20.cloned.1.call-start
scs
__scs_entry_jumppad:
0x0: {  	(pc) =	sbr.rel $0x88, $3  }
0x1: {  	(tag) =	ssettag $0x0;
	lr =	simm.s32 $0x1  }
0x2: {  	[smem:$0x3F92] =	sst lr;
	_ =	strace $0xD0000000  }
0x3: {  	_ = 	snop  }
0x4: {  	_ = 	snop  }
0x5: {  	_ = 	snop  }
0x6: {  	_ = 	snop  }
0x7: {  	_ = 	snop  }
__scs_overlays_trampoline_lowered:
0x8: {  	[smem:$0x3FA1] =	sst s0  }
0x9: {  	[smem:$0x3FA2] =	sst s1  }
0xa: {  	[smem:$0x3FA3] =	sst s2  }
0xb: {  	[smem:$0x3FA4] =	sst s3  }
0xc: {  	[smem:$0x3FA5] =	sst s4  }
0xd: {  	[smem:$0x3FA6] =	sst s5  }
0xe: {  	[smem:$0x3FA7] =	sst s6  }
0xf: {  	[smem:$0x3FA8] =	sst s7  }
0x10: {  	[smem:$0x3FA9] =	sst s8  }
0x11: {  	[smem:$0x3FAA] =	sst s9;
	s0 =	simm.s32 @!p0 $0x0  }
0x12: {  	s1 =	sld [smem:$0x3F90];
	s0 =	simm.s32 @p0 $0x1  }
0x13: {  	[smem:$0x3FAB] =	sst s0;
	s0 =	simm.s32 @!p1 $0x0  }
0x14: {  	s2 =	sld [smem:$0x3F8F];
	s0 =	simm.s32 @p1 $0x1  }
0x15: {  	[smem:$0x3FAC] =	sst s0;
	s0 =	simm.s32 @!p2 $0x0  }
0x16: {  	s3 =	sld [smem:$0x3FDB];
	s0 =	simm.s32 @p2 $0x1  }
0x17: {  	s4 =	simm.s32 $0x1BF5;
	[smem:$0x3FAE] =	sst s0  }
0x18: {  	s0 =	sld [smem:$0x3F91];
	_ =	swait.ge [sflag:s4], $0x0  }
0x19: {  	s7 =	sld [smem:$0x3F92]  }
0x1a: {  	s8 =	sadd.s32 $0xFFFFE003, lr  }
0x1b: {  	s9 =	sadd.s32 $0xFFFFFEF7, lr;
	s5 =	simm.s32 $0xFFFFFFFF;
	p2 =	slt.u32 s8, $0xFFFFF086  }
0x1c: {  	p1 =	slt.u32 s9, $0xF7A;
	s5 =	simm.s32 @!p2 $0x0  }
0x1d: {  	s5 =	simm.s32 @p1 $0x1;
	p0 =	seq.s32 s7, s2  }
0x1e: {  	s7 =	smul.u32 @!p0 $0xF7A, s2;
	p2 =	seq.s32 @!p0 s5, $0x0  }
0x1f: {  	s9 =	smul.u32 $0xF7A, s1;
	s8 =	simm.s32 @!p0 $0x1BF5;
	p2 =	por !p2, p0  }
0x20: {  	[sflag:s8] =	ssyncset.s32 @!p0 $0xFFFFF086;
	s6 =	sadd.s32 @!p0 s3, s7;
	s7 =	simm.s32 @!p0 $0x108  }
0x21: {  	s3 =	sadd.s32 s3, s9;
	s6 =	sadd.s32 @!p0 $0x88, s6;
	s7 =	simm.s32 @p2 $0x1082  }
0x22: {  	[simem:s7], [sflag:s8] =	dma.local @!p0 [hbm:s6], $0xF7A  }
0x23: {  	s9 =	sor.u32 $0xD0000000, s2;
	s6 =	simm.s32 $0x108;
	_ =	swait.ge @!p0 [sflag:s8], $0x0  }
0x24: {  	s3 =	sadd.s32 $0x88, s3;
	s6 =	simm.s32 @!p1 $0x1082;
	[sflag:s4] =	ssyncset.s32 $0xFFFFF086  }
0x25: {  	[simem:s6], [sflag:s4] =	dma.local [hbm:s3], $0xF7A  }
0x26: {  	[smem:$0x3F92] =	sst s1;
	(tag) =	ssettag s2;
	_ =	strace s9  }
0x27: {  	s1 =	sld [smem:$0x3FA2]  }
0x28: {  	s2 =	sld [smem:$0x3FA3]  }
0x29: {  	s4 =	sld [smem:$0x3FA5]  }
0x2a: {  	p0 =	seq.s32 s5, $0x0;
	s5 =	sld [smem:$0x3FA6]  }
0x2b: {  	s6 =	sld [smem:$0x3FA7]  }
0x2c: {  	s7 =	sld [smem:$0x3FA8]  }
0x2d: {  	s3 =	simm.s32 $0x108;
	s8 =	sld [smem:$0x3FA9]  }
0x2e: {  	s3 =	simm.s32 @!p0 $0x1082;
	s9 =	sld [smem:$0x3FAA]  }
0x2f: {  	lr =	sadd.s32 s0, s3;
	s0 =	sld [smem:$0x3FA1]  }
0x30: {  	s3 =	sld [smem:$0x3FA4]  }
0x31: {  	[smem:$0x3FAD] =	sst s10  }
0x32: {  	s10 =	sld [smem:$0x3FAB];
	_ =	sdelay $0x3  }
0x33: {  	p0 =	seq.s32 s10, $0x1;
	s10 =	sld [smem:$0x3FAD];
	_ =	sdelay $0x3  }
0x34: {  	[smem:$0x3FAD] =	sst s10  }
0x35: {  	s10 =	sld [smem:$0x3FAC];
	_ =	sdelay $0x3  }
0x36: {  	p1 =	seq.s32 s10, $0x1;
	s10 =	sld [smem:$0x3FAD];
	_ =	sdelay $0x3  }
0x37: {  	[smem:$0x3FAD] =	sst s10  }
0x38: {  	s10 =	sld [smem:$0x3FAE]  }
0x39: {  	_ = 	snop;
	(pc) =	sbr.ind lr, $3  }
0x3a: {  	_ = 	snop  }
0x3b: {  	_ = 	snop  }
0x3c: {  	p2 =	seq.s32 s10, $0x1;
	s10 =	sld [smem:$0x3FAD]  }
0x3d: {  	_ =	shalt  }
0x3e: {  	_ =	shalt  }
0x3f: {  	_ =	shalt  }
0x40: {  	_ =	shalt  }
0x41: {  	_ =	shalt  }
0x42: {  	_ =	shalt  }
0x43: {  	_ =	shalt  }
0x44: {  	_ =	shalt  }
0x45: {  	_ =	shalt  }
0x46: {  	_ =	shalt  }
0x47: {  	_ =	shalt  }
0x48: {  	_ =	shalt  }
0x49: {  	_ =	shalt  }
0x4a: {  	_ =	shalt  }
0x4b: {  	_ =	shalt  }
0x4c: {  	_ =	shalt  }
0x4d: {  	_ =	shalt  }
0x4e: {  	_ =	shalt  }
0x4f: {  	_ =	shalt  }
0x50: {  	_ =	shalt  }
0x51: {  	_ =	shalt  }
0x52: {  	_ =	shalt  }
0x53: {  	_ =	shalt  }
0x54: {  	_ =	shalt  }
0x55: {  	_ =	shalt  }
0x56: {  	_ =	shalt  }
0x57: {  	_ =	shalt  }
0x58: {  	_ =	shalt  }
0x59: {  	_ =	shalt  }
0x5a: {  	_ =	shalt  }
0x5b: {  	_ =	shalt  }
0x5c: {  	_ =	shalt  }
0x5d: {  	_ =	shalt  }
0x5e: {  	_ =	shalt  }
0x5f: {  	_ =	shalt  }
0x60: {  	_ =	shalt  }
0x61: {  	_ =	shalt  }
0x62: {  	_ =	shalt  }
0x63: {  	_ =	shalt  }
0x64: {  	_ =	shalt  }
0x65: {  	_ =	shalt  }
0x66: {  	_ =	shalt  }
0x67: {  	_ =	shalt  }
0x68: {  	_ =	shalt  }
0x69: {  	_ =	shalt  }
0x6a: {  	_ =	shalt  }
0x6b: {  	_ =	shalt  }
0x6c: {  	_ =	shalt  }
0x6d: {  	_ =	shalt  }
0x6e: {  	_ =	shalt  }
0x6f: {  	_ =	shalt  }
0x70: {  	_ =	shalt  }
0x71: {  	_ =	shalt  }
0x72: {  	_ =	shalt  }
0x73: {  	_ =	shalt  }
0x74: {  	_ =	shalt  }
0x75: {  	_ =	shalt  }
0x76: {  	_ =	shalt  }
0x77: {  	_ =	shalt  }
0x78: {  	_ =	shalt  }
0x79: {  	_ =	shalt  }
0x7a: {  	_ =	shalt  }
0x7b: {  	_ =	shalt  }
0x7c: {  	_ =	shalt  }
0x7d: {  	_ =	shalt  }
0x7e: {  	_ =	shalt  }
0x7f: {  	_ =	shalt  }
0x80: {  	_ =	shalt  }
0x81: {  	_ =	shalt  }
0x82: {  	_ =	shalt  }
0x83: {  	_ =	shalt  }
0x84: {  	_ =	shalt  }
0x85: {  	_ =	shalt  }
0x86: {  	_ =	shalt  }
0x87: {  	_ =	shalt  }
.Lfunc_end0:
.L_simem_size_0:
called_computation.3_lowered:
.L_overlay_start_0:
0x88: {  	s2 =	sld [smem:$0x3FD9]  }
0x89: {  	s3 =	sld [smem:$0x3FFE];
	_ =	sdelay $0x1  }
0x8a: {  	s1 =	srdreg.scid  }
0x8b: {  	s0 =	sand.u32 $0x1, s1  }
0x8c: {  	s17 =	sshll.u32 s0, $0xA;
	s2 =	sadd.s32 s3, s2  }
0x8d: {  	s2 =	sadd.s32 s2, s17  }
0x8e: {  	[smem:$0x3FB9] =	sst s2  }
0x8f: {  	_ = 	snop  }
0x90: {  	s2 =	sld [smem:$0x3FD0];
	(tm) =	ssettm $0x1  }
0x91: {  	s18 =	sld [smem:$0x3FFB];
	_ =	sdelay $0x3  }
0x92: {  	_ =	strace s18  }
0x93: {  	s3 =	sld [smem:$0x3FFC];
	_ =	sdelay $0x3  }
0x94: {  	_ =	strace s3  }
0x95: {  	s3 =	sld [smem:$0x3FFD];
	_ =	sdelay $0x3  }
0x96: {  	_ =	strace s3  }
0x97: {  	_ =	strace $0x8FFFFFFF  }
0x98: {  	s19 =	sld [smem:$0x3FDB];
	_ =	sdelay $0x1  }
0x99: {  	s4 =	simm.s32 $_scs_section_size  }
0x9a: {  	s5 =	simm.s32 $_size__tile_overlayer_lowered;
	s6 =	simm.s32 $_tile_overlayer_lowered  }
0x9b: {  	s22 =	simm.s32 $0x1BFF;
	s21 =	sshll.u32 s6, $0x1;
	s3 =	sadd.s32 s4, s19  }
0x9c: {  	s7 =	simm.s32 $0x0;
	s20 =	sshll.u32 s5, $0x1;
	s5 =	sadd.s32 s21, s3  }
0x9d: {  	[timem:s7], [sflag:s22] =	dma.local [hbm:s5], s20  }
0x9e: {  	_ =	swait.ge [sflag:s22], s20  }
0x9f: {  	s4 =	ssub.s32 $0x0, s20;
	[sflag:s22] =	ssyncset.done $0x0  }
0xa0: {  	[sflag:s22] =	ssyncadd.s32 s4;
	_ =	sdelay $0x1  }
0xa1: {  	s23 =	simm.s32 $0x1B8B  }
0xa2: {  	_ =	swait.ge [sflag:s23], $0x1  }
0xa3: {  	[sflag:s23] =	ssyncset.done $0x0  }
0xa4: {  	s25 =	simm.s32 $0x1B8E;
	s24 =	sld [smem:$0x3FFE];
	[sflag:s23] =	ssyncadd.s32 $0xFFFFFFFF  }
0xa5: {  	s26 =	simm.s32 $execute0_lowered;
	[smem:$0x3FD2] =	sst s25  }
0xa6: {  	s5 =	sshll.u32 s26, $0x1;
	_ =	strace $0x8000004F;
	[dreg:$0x1] =	wrdreg $0xFFFFFFFF  }
0xa7: {  	s28 =	simm.s32 $_size_execute0_lowered;
	s3 =	sadd.s32 s3, s5;
	[dreg:$0x0] =	wrdreg $0x0  }
0xa8: {  	s5 =	sshll.u32 s28, $0x1;
	[dreg:$0x2] =	wrdreg s3  }
0xa9: {  	[dreg:$0x3] =	wrdreg s5  }
0xaa: {  	[dreg:$0x4] =	wrdreg $0xC0  }
0xab: {  	_ =	task [dreg:s7], $0x5FFFF  }
0xac: {  	[dreg:$0x1] =	wrdreg $0xFFFFFFFF  }
0xad: {  	[dreg:$0x0] =	wrdreg $0x60  }
0xae: {  	[dreg:$0x2] =	wrdreg s2  }
0xaf: {  	[dreg:$0x3] =	wrdreg s24  }
0xb0: {  	[dreg:$0x4] =	wrdreg $0xAF000  }
0xb1: {  	[dreg:$0x5] =	wrdreg $0x9  }
0xb2: {  	_ =	task.clear_ibuf [dreg:s7], $0x6FFFF;
	_ =	strace $0x9000004F  }
0xb3: {  	s29 =	simm.s32 $0x9;
	_ =	strace $0x80000051  }
0xb4: {  	_ =	swait.ge [sflag:s29], $0x1  }
0xb5: {  	[sflag:s29] =	ssyncadd.s32 $0xFFFFFFFF  }
0xb6: {  	_ =	strace $0x90000051  }
0xb7: {  	_ =	sfence  }
0xb8: {  	s30 =	sld [smem:$0x0];
	_ =	sdelay $0x2  }
0xb9: {  	s31 =	sshll.u32 s1, $0xD;
	s1 =	sshrl.u32 s1, $0x2  }
0xba: {  	s3 =	sand.u32 $0x4000, s31;
	s1 =	sadd.s32 s1, s30  }
0xbb: {  	s0 =	sor.u32 s3, s0;
	s1 =	sshll.u32 s1, $0x11  }
0xbc: {  	s0 =	sor.u32 s1, s0  }
0xbd: {  	s0 =	sadd.s32 $0x8F2B, s0  }
0xbe: {  	[sflag:s0] =	ssyncadd.remote.s32 $0x1  }
0xbf: {  	_ =	sfence.sel $0xFFFF  }
0xc0: {  	[dreg:$0x0] =	wrdreg $0xFFFFFFFF;
	(pc) =	sbr.abs _section_cstart, $3  }
0xc1: {  	[dreg:$0x1] =	wrdreg $0xFFFFFFFF  }
0xc2: {  	_ =	task.clear_ibuf [dreg:s7], $0x2FFFF;
	_ =	strace $0x9FFFFFFF  }
0xc3: {  	(tm) =	ssettm $0x7FFFFFFF  }
tec
execute0_lowered:
.L_overlay_start_1:
0x0: {  	(tag) =	ssettag $0x1  }
0x1: {  	s0 =	srdreg.scid;
	s8 =	stileid.u32  }
0x2: {  	s1 =	rddreg [dreg:$0x0];
	s0 =	sand.u32 $0x1, s0;
	s7 =	smul.u32 $0x13C00, s8  }
0x3: {  	s5 =	rddreg [dreg:$0x1];
	s2 =	sshll.u32 s0, $0x4;
	s6 =	smul.u32 $0x13C000, s0  }
0x4: {  	s3 =	rddreg [dreg:$0x2];
	s2 =	sor.u32 s8, s2;
	s8 =	smul.u32 $0x4E200, s8  }
0x5: {  	s4 =	simm.s32 $0x0;
	s2 =	smul.u32 $0x4E2, s2;
	s6 =	sadd.s32 s7, s6  }
0x6: {  	s9 =	simm.s32 $0x50;
	s6 =	sshrl.u32 s6, $0x3;
	s8 =	sshrl.u32 s8, $0x2  }
0x7: {  	s2 =	sadd.s32 s2, s5;
	s6 =	sadd.s32 s6, s5;
	s5 =	sadd.s32 s8, s3  }
0x8: {  	s10 =	simm.s32 $0x4F00;
	[smem:$0x7FF] =	sst s4;
	s14 =	sadd.s32 $0xC80, s5  }
0x9: {  	_ =	strace $0x80000050;
	s15 =	sadd.s32 $0x1900, s5;
	[dreg:$0x4] =	wrdreg s14  }
0xa: {  	s11 =	simm.s32 $0x7700;
	s16 =	sadd.s32 $0x2580, s5;
	[dreg:$0x5] =	wrdreg s15  }
0xb: {  	s12 =	simm.s32 $0x1;
	s17 =	sadd.s32 $0x3200, s5;
	[dreg:$0x6] =	wrdreg s16  }
0xc: {  	s0 =	ssub.s32 $0x2, s0;
	s18 =	sadd.s32 $0x3E80, s5;
	[dreg:$0x7] =	wrdreg s17  }
0xd: {  	s13 =	sshrl.u32 s0, $0x1;
	s19 =	sadd.s32 $0x4B00, s5;
	[dreg:$0x8] =	wrdreg s18  }
0xe: {  	s0 =	ssub.s32 s0, s13;
	s20 =	sadd.s32 $0x5780, s5;
	[dreg:$0x9] =	wrdreg s19  }
0xf: {  	s7 =	simm.s32 $0x9F00;
	s21 =	sadd.s32 $0x6400, s5;
	[dreg:$0xa] =	wrdreg s20  }
0x10: {  	s13 =	simm.s32 $0x2;
	s22 =	sadd.s32 $0x7080, s5;
	[dreg:$0xb] =	wrdreg s21  }
0x11: {  	s8 =	simm.s32 $0x5;
	s23 =	sadd.s32 $0x7D00, s5;
	[dreg:$0xc] =	wrdreg s22  }
0x12: {  	s24 =	sadd.s32 $0x8980, s5;
	s25 =	sadd.s32 $0x9600, s5;
	[dreg:$0xd] =	wrdreg s23  }
0x13: {  	s26 =	sadd.s32 $0xA280, s5;
	s28 =	sadd.s32 $0xE100, s5;
	[dreg:$0xe] =	wrdreg s24  }
0x14: {  	s29 =	sadd.s32 $0xED80, s5;
	s30 =	sadd.s32 $0xFA00, s5;
	[dreg:$0xf] =	wrdreg s25  }
0x15: {  	s31 =	sadd.s32 $0x10680, s5;
	[dreg:$0x10] =	wrdreg s26;
	s19 =	sadd.s32 $0xAF00, s5  }
0x16: {  	s20 =	sadd.s32 $0xBB80, s5;
	s21 =	sadd.s32 $0xC800, s5;
	s22 =	sadd.s32 $0xD600, s2  }
0x17: {  	s23 =	sadd.s32 $0x3800, s2;
	s24 =	sadd.s32 $0x17400, s6;
	s25 =	smax.u32 s0, $0x1  }
0x18: {  	s26 =	sadd.s32 $0xD480, s5;
	s2 =	sadd.s32 $0x11300, s5;
	s0 =	sadd.s32 $0x11F80, s5  }
0x19: {  	v0 =	vimm.f32 $0.0e+00;
	s6 =	sadd.s32 $0x12C00, s5;
	s14 =	simm.s32 $0x3;
	s15 =	simm.s32 $0x4  }
.LBB2_1:
0x1a: {  	s16 =	simm.s32 $0x70;
	s17 =	simm.s32 $0x3C0  }
.LBB2_2:
0x1b: {  	p0 =	sne.s32 s17, $0x31C0;
	[tilespmem:s16+$0x9F00] =	vst v0  }
0x1c: {  	[tilespmem:s16+$0x9E90] =	vst v0  }
0x1d: {  	[tilespmem:s16+$0x9EA0] =	vst v0  }
.Ltmp0:
0x1e: {  	[tilespmem:s16+$0x9EB0] =	vst v0;
	(pc) =	sbr.rel @p0 .LBB2_2-.Ltmp0, $4  }
0x1f: {  	[tilespmem:s16+$0x9EC0] =	vst v0  }
0x20: {  	[tilespmem:s16+$0x9ED0] =	vst v0  }
0x21: {  	[tilespmem:s16+$0x9EE0] =	vst v0  }
0x22: {  	[tilespmem:s16+$0x9EF0] =	vst v0;
	s16 =	sshra.s32 s17, $0x2;
	s17 =	sadd.s32 $0x200, s17  }
0x23: {  	[tilespmem:s16+$0x9F00] =	vst v0  }
0x24: {  	[tilespmem:s16+$0x9E90] =	vst v0  }
0x25: {  	[tilespmem:s16+$0x9EA0] =	vst v0  }
0x26: {  	[tilespmem:s16+$0x9EB0] =	vst v0  }
0x27: {  	[tilespmem:s16+$0x9EC0] =	vst v0  }
0x28: {  	[tilespmem:s16+$0x9ED0] =	vst v0  }
0x29: {  	[tilespmem:s16+$0x9EE0] =	vst v0  }
0x2a: {  	[tilespmem:s16+$0x9EF0] =	vst v0  }
0x2b: {  	[spmem:s5] =	stream.linear.scatter [tilespmem:s7], [sflag:$0x5], $0xC80, $0x38;
	[tilespmem:$0x1E780] =	vst v63  }
0x2c: {  	_ =	swait.ge [sflag:s8], $0xC80  }
0x2d: {  	[sflag:s8] =	ssyncset.done $0x0  }
0x2e: {  	s17 =	rddreg [dreg:$0x4];
	[sflag:s8] =	ssyncadd.s32 $0xFFFFF380  }
0x2f: {  	[spmem:s17] =	stream.linear.scatter [tilespmem:s7], [sflag:$0x5], $0xC80, $0x38;
	[tilespmem:$0x1E780] =	vst v63  }
0x30: {  	_ =	swait.ge [sflag:s8], $0xC80  }
0x31: {  	[sflag:s8] =	ssyncset.done $0x0  }
0x32: {  	s18 =	rddreg [dreg:$0x5];
	[sflag:s8] =	ssyncadd.s32 $0xFFFFF380  }
0x33: {  	[spmem:s18] =	stream.linear.scatter [tilespmem:s7], [sflag:$0x5], $0xC80, $0x38;
	[tilespmem:$0x1E780] =	vst v63  }
0x34: {  	_ =	swait.ge [sflag:s8], $0xC80  }
0x35: {  	[sflag:s8] =	ssyncset.done $0x0  }
0x36: {  	s17 =	rddreg [dreg:$0x6];
	[sflag:s8] =	ssyncadd.s32 $0xFFFFF380  }
0x37: {  	[spmem:s17] =	stream.linear.scatter [tilespmem:s7], [sflag:$0x5], $0xC80, $0x38;
	[tilespmem:$0x1E780] =	vst v63  }
0x38: {  	_ =	swait.ge [sflag:s8], $0xC80  }
0x39: {  	[sflag:s8] =	ssyncset.done $0x0  }
0x3a: {  	s18 =	rddreg [dreg:$0x7];
	[sflag:s8] =	ssyncadd.s32 $0xFFFFF380  }
0x3b: {  	[spmem:s18] =	stream.linear.scatter [tilespmem:s7], [sflag:$0x5], $0xC80, $0x38;
	[tilespmem:$0x1E780] =	vst v63  }
0x3c: {  	_ =	swait.ge [sflag:s8], $0xC80  }
0x3d: {  	[sflag:s8] =	ssyncset.done $0x0  }
0x3e: {  	s17 =	rddreg [dreg:$0x8];
	[sflag:s8] =	ssyncadd.s32 $0xFFFFF380  }
0x3f: {  	[spmem:s17] =	stream.linear.scatter [tilespmem:s7], [sflag:$0x5], $0xC80, $0x38;
	[tilespmem:$0x1E780] =	vst v63  }
0x40: {  	_ =	swait.ge [sflag:s8], $0xC80  }
0x41: {  	[sflag:s8] =	ssyncset.done $0x0  }
0x42: {  	s18 =	rddreg [dreg:$0x9];
	[sflag:s8] =	ssyncadd.s32 $0xFFFFF380  }
0x43: {  	[spmem:s18] =	stream.linear.scatter [tilespmem:s7], [sflag:$0x5], $0xC80, $0x38;
	[tilespmem:$0x1E780] =	vst v63  }
0x44: {  	_ =	swait.ge [sflag:s8], $0xC80  }
0x45: {  	[sflag:s8] =	ssyncset.done $0x0  }
0x46: {  	s17 =	rddreg [dreg:$0xa];
	[sflag:s8] =	ssyncadd.s32 $0xFFFFF380  }
0x47: {  	[spmem:s17] =	stream.linear.scatter [tilespmem:s7], [sflag:$0x5], $0xC80, $0x38;
	[tilespmem:$0x1E780] =	vst v63  }
0x48: {  	_ =	swait.ge [sflag:s8], $0xC80  }
0x49: {  	[sflag:s8] =	ssyncset.done $0x0  }
0x4a: {  	s18 =	rddreg [dreg:$0xb];
	[sflag:s8] =	ssyncadd.s32 $0xFFFFF380  }
0x4b: {  	[spmem:s18] =	stream.linear.scatter [tilespmem:s7], [sflag:$0x5], $0xC80, $0x38;
	[tilespmem:$0x1E780] =	vst v63  }
0x4c: {  	_ =	swait.ge [sflag:s8], $0xC80  }
0x4d: {  	[sflag:s8] =	ssyncset.done $0x0  }
0x4e: {  	s17 =	rddreg [dreg:$0xc];
	[sflag:s8] =	ssyncadd.s32 $0xFFFFF380  }
0x4f: {  	[spmem:s17] =	stream.linear.scatter [tilespmem:s7], [sflag:$0x5], $0xC80, $0x38;
	[tilespmem:$0x1E780] =	vst v63  }
0x50: {  	_ =	swait.ge [sflag:s8], $0xC80  }
0x51: {  	[sflag:s8] =	ssyncset.done $0x0  }
0x52: {  	s18 =	rddreg [dreg:$0xd];
	[sflag:s8] =	ssyncadd.s32 $0xFFFFF380  }
0x53: {  	[spmem:s18] =	stream.linear.scatter [tilespmem:s7], [sflag:$0x5], $0xC80, $0x38;
	[tilespmem:$0x1E780] =	vst v63  }
0x54: {  	_ =	swait.ge [sflag:s8], $0xC80  }
0x55: {  	[sflag:s8] =	ssyncset.done $0x0  }
0x56: {  	s17 =	rddreg [dreg:$0xe];
	[sflag:s8] =	ssyncadd.s32 $0xFFFFF380  }
0x57: {  	[spmem:s17] =	stream.linear.scatter [tilespmem:s7], [sflag:$0x5], $0xC80, $0x38;
	[tilespmem:$0x1E780] =	vst v63  }
0x58: {  	_ =	swait.ge [sflag:s8], $0xC80  }
0x59: {  	[sflag:s8] =	ssyncset.done $0x0  }
0x5a: {  	s18 =	rddreg [dreg:$0xf];
	[sflag:s8] =	ssyncadd.s32 $0xFFFFF380  }
0x5b: {  	[spmem:s18] =	stream.linear.scatter [tilespmem:s7], [sflag:$0x5], $0xC80, $0x38;
	[tilespmem:$0x1E780] =	vst v63  }
0x5c: {  	_ =	swait.ge [sflag:s8], $0xC80  }
0x5d: {  	[sflag:s8] =	ssyncset.done $0x0  }
0x5e: {  	s17 =	rddreg [dreg:$0x10];
	[sflag:s8] =	ssyncadd.s32 $0xFFFFF380  }
0x5f: {  	[spmem:s17] =	stream.linear.scatter [tilespmem:s7], [sflag:$0x5], $0xC80, $0x38;
	[tilespmem:$0x1E780] =	vst v63  }
0x60: {  	_ =	swait.ge [sflag:s8], $0xC80  }
0x61: {  	[sflag:s8] =	ssyncset.done $0x0  }
0x62: {  	[sflag:s8] =	ssyncadd.s32 $0xFFFFF380  }
0x63: {  	[spmem:s19] =	stream.linear.scatter [tilespmem:s7], [sflag:$0x5], $0xC80, $0x38;
	[tilespmem:$0x1E780] =	vst v63  }
0x64: {  	_ =	swait.ge [sflag:s8], $0xC80  }
0x65: {  	[sflag:s8] =	ssyncset.done $0x0  }
0x66: {  	[sflag:s8] =	ssyncadd.s32 $0xFFFFF380  }
0x67: {  	[spmem:s20] =	stream.linear.scatter [tilespmem:s7], [sflag:$0x5], $0xC80, $0x38;
	[tilespmem:$0x1E780] =	vst v63  }
0x68: {  	_ =	swait.ge [sflag:s8], $0xC80  }
0x69: {  	[sflag:s8] =	ssyncset.done $0x0  }
0x6a: {  	[sflag:s8] =	ssyncadd.s32 $0xFFFFF380  }
0x6b: {  	[spmem:s21] =	stream.linear.scatter [tilespmem:s7], [sflag:$0x5], $0xC80, $0x38;
	[tilespmem:$0x1E780] =	vst v63  }
0x6c: {  	_ =	swait.ge [sflag:s8], $0xC80  }
0x6d: {  	[sflag:s8] =	ssyncset.done $0x0  }
0x6e: {  	[sflag:s8] =	ssyncadd.s32 $0xFFFFF380  }
0x6f: {  	[spmem:s26] =	stream.linear.scatter [tilespmem:s7], [sflag:$0x5], $0xC80, $0x38;
	[tilespmem:$0x1E780] =	vst v63  }
0x70: {  	_ =	swait.ge [sflag:s8], $0xC80  }
0x71: {  	[sflag:s8] =	ssyncset.done $0x0  }
0x72: {  	[sflag:s8] =	ssyncadd.s32 $0xFFFFF380  }
0x73: {  	[spmem:s28] =	stream.linear.scatter [tilespmem:s7], [sflag:$0x5], $0xC80, $0x38;
	[tilespmem:$0x1E780] =	vst v63  }
0x74: {  	_ =	swait.ge [sflag:s8], $0xC80  }
0x75: {  	[sflag:s8] =	ssyncset.done $0x0  }
0x76: {  	[sflag:s8] =	ssyncadd.s32 $0xFFFFF380  }
0x77: {  	[spmem:s29] =	stream.linear.scatter [tilespmem:s7], [sflag:$0x5], $0xC80, $0x38;
	[tilespmem:$0x1E780] =	vst v63  }
0x78: {  	_ =	swait.ge [sflag:s8], $0xC80  }
0x79: {  	[sflag:s8] =	ssyncset.done $0x0  }
0x7a: {  	[sflag:s8] =	ssyncadd.s32 $0xFFFFF380  }
0x7b: {  	[spmem:s30] =	stream.linear.scatter [tilespmem:s7], [sflag:$0x5], $0xC80, $0x38;
	[tilespmem:$0x1E780] =	vst v63  }
0x7c: {  	_ =	swait.ge [sflag:s8], $0xC80  }
0x7d: {  	[sflag:s8] =	ssyncset.done $0x0  }
0x7e: {  	[sflag:s8] =	ssyncadd.s32 $0xFFFFF380  }
0x7f: {  	[spmem:s31] =	stream.linear.scatter [tilespmem:s7], [sflag:$0x5], $0xC80, $0x38;
	[tilespmem:$0x1E780] =	vst v63  }
0x80: {  	_ =	swait.ge [sflag:s8], $0xC80  }
0x81: {  	[sflag:s8] =	ssyncset.done $0x0  }
0x82: {  	[sflag:s8] =	ssyncadd.s32 $0xFFFFF380  }
0x83: {  	[spmem:s2] =	stream.linear.scatter [tilespmem:s7], [sflag:$0x5], $0xC80, $0x38;
	[tilespmem:$0x1E780] =	vst v63  }
0x84: {  	_ =	swait.ge [sflag:s8], $0xC80  }
0x85: {  	[sflag:s8] =	ssyncset.done $0x0  }
0x86: {  	[sflag:s8] =	ssyncadd.s32 $0xFFFFF380  }
0x87: {  	[spmem:s0] =	stream.linear.scatter [tilespmem:s7], [sflag:$0x5], $0xC80, $0x38;
	[tilespmem:$0x1E780] =	vst v63  }
0x88: {  	_ =	swait.ge [sflag:s8], $0xC80  }
0x89: {  	[sflag:s8] =	ssyncset.done $0x0  }
0x8a: {  	[sflag:s8] =	ssyncadd.s32 $0xFFFFF380  }
0x8b: {  	[spmem:s6] =	stream.linear.scatter [tilespmem:s7], [sflag:$0x5], $0xC80, $0x38;
	[tilespmem:$0x1E780] =	vst v63  }
0x8c: {  	_ =	swait.ge [sflag:s8], $0xC80  }
0x8d: {  	[sflag:s8] =	ssyncset.done $0x0  }
0x8e: {  	s18 =	simm.s32 $0x0;
	[sflag:s8] =	ssyncadd.s32 $0xFFFFF380  }
0x8f: {  	[tilespmem:s18], [sflag:$0x5] =	stream.linear.gather [hbm4b:s22+s18], $0x2710, $0x38;
	[tilespmem:$0x1E780] =	vst v63  }
0x90: {  	_ =	swait.ge [sflag:s8], $0x2710  }
0x91: {  	[sflag:s8] =	ssyncset.done $0x0  }
0x92: {  	s17 =	simm.s32 $0x2780;
	[sflag:s8] =	ssyncadd.s32 $0xFFFFD8F0  }
0x93: {  	[tilespmem:s17], [sflag:$0x5] =	stream.linear.gather [hbm4b:s23+s18], $0x2710, $0x38;
	[tilespmem:$0x1E780] =	vst v63  }
0x94: {  	_ =	swait.ge [sflag:s8], $0x2710  }
0x95: {  	[sflag:s8] =	ssyncset.done $0x0  }
0x96: {  	[sflag:s8] =	ssyncadd.s32 $0xFFFFD8F0  }
0x97: {  	[bflag:$0x0] =	sbarrier.arrive $0xFFFF  }
0x98: {  	[tilespmem:s10], [sflag:$0x1] =	stream.indirect.gather [hbm4b:s1+s9], $0x80, s18, s9, $0xb8;
	[tilespmem:$0x1E780] =	vst v63  }
0x99: {  	_ = 	snop  }
0x9a: {  	[tilespmem:s11], [sflag:$0x2] =	stream.indirect.gather [hbm4b:s1+s9], $0x80, s9, s9, $0xb8;
	[tilespmem:$0x1E780] =	vst v63  }
0x9b: {  	_ =	swait.ge [sflag:s12], $0x2800  }
0x9c: {  	[sflag:s12] =	ssyncset.done $0x0  }
0x9d: {  	s18 =	simm.s32 $0x2780;
	[sflag:s12] =	ssyncadd.s32 $0xFFFFD800  }
0x9e: {  	[spmem:s3] =	stream.indirect.scatter.add.f32 [tilespmem:s10], [sflag:$0x3], $0x80, s18, s9, $0xb8;
	[tilespmem:$0x1E780] =	vst v63  }
0x9f: {  	_ =	swait.ge [sflag:s13], $0x2800  }
0xa0: {  	[sflag:s13] =	ssyncset.done $0x0  }
0xa1: {  	s17 =	simm.s32 $0x27D0;
	[sflag:s13] =	ssyncadd.s32 $0xFFFFD800  }
0xa2: {  	[spmem:s3] =	stream.indirect.scatter.add.f32 [tilespmem:s11], [sflag:$0x4], $0x80, s17, s9, $0xb8;
	[tilespmem:$0x1E780] =	vst v63  }
0xa3: {  	_ =	swait.ge [sflag:s14], $0x2800  }
0xa4: {  	[sflag:s14] =	ssyncset.done $0x0  }
0xa5: {  	s18 =	simm.s32 $0xA0;
	[sflag:s14] =	ssyncadd.s32 $0xFFFFD800  }
0xa6: {  	[tilespmem:s10], [sflag:$0x1] =	stream.indirect.gather [hbm4b:s1+s9], $0x80, s18, s9, $0xb8;
	[tilespmem:$0x1E780] =	vst v63  }
0xa7: {  	_ =	swait.ge [sflag:s15], $0x2800  }
0xa8: {  	[sflag:s15] =	ssyncset.done $0x0  }
0xa9: {  	s16 =	simm.s32 $0x280;
	s17 =	simm.s32 $0xF0;
	[sflag:s15] =	ssyncadd.s32 $0xFFFFD800  }
.LBB2_4:
0xaa: {  	[tilespmem:s11], [sflag:$0x2] =	stream.indirect.gather [hbm4b:s1+s9], $0x80, s17, s9, $0xb8;
	[tilespmem:$0x1E780] =	vst v63  }
0xab: {  	s17 =	smov.u32 s16  }
0xac: {  	p0 =	sne.s32 s16, $0x9600;
	s16 =	sadd.s32 $0x280, s16;
	_ =	swait.ge [sflag:s12], $0x2800  }
0xad: {  	s17 =	sshra.s32 s17, $0x2;
	[sflag:s12] =	ssyncset.done $0x0  }
0xae: {  	s18 =	sadd.s32 $0x2780, s17;
	[sflag:s12] =	ssyncadd.s32 $0xFFFFD800  }
0xaf: {  	[spmem:s3] =	stream.indirect.scatter.add.f32 [tilespmem:s10], [sflag:$0x3], $0x80, s18, s9, $0xb8;
	[tilespmem:$0x1E780] =	vst v63  }
0xb0: {  	_ =	swait.ge [sflag:s13], $0x2800  }
0xb1: {  	[sflag:s13] =	ssyncset.done $0x0  }
0xb2: {  	s18 =	sadd.s32 $0x27D0, s17;
	[sflag:s13] =	ssyncadd.s32 $0xFFFFD800  }
0xb3: {  	[spmem:s3] =	stream.indirect.scatter.add.f32 [tilespmem:s11], [sflag:$0x4], $0x80, s18, s9, $0xb8;
	[tilespmem:$0x1E780] =	vst v63  }
0xb4: {  	_ =	swait.ge [sflag:s14], $0x2800  }
0xb5: {  	[sflag:s14] =	ssyncset.done $0x0  }
.Ltmp1:
0xb6: {  	s18 =	sadd.s32 $0xA0, s17;
	[sflag:s14] =	ssyncadd.s32 $0xFFFFD800;
	(pc) =	sbr.rel @p0 .LBB2_4-.Ltmp1, $4  }
0xb7: {  	[tilespmem:s10], [sflag:$0x1] =	stream.indirect.gather [hbm4b:s1+s9], $0x80, s18, s9, $0xb8;
	[tilespmem:$0x1E780] =	vst v63  }
0xb8: {  	_ =	swait.ge [sflag:s15], $0x2800  }
0xb9: {  	[sflag:s15] =	ssyncset.done $0x0  }
0xba: {  	s17 =	sadd.s32 $0xF0, s17;
	[sflag:s15] =	ssyncadd.s32 $0xFFFFD800  }
0xbb: {  	[tilespmem:s11], [sflag:$0x2] =	stream.indirect.gather [hbm4b:s1+s9], $0x80, s17, s9, $0xb8;
	[tilespmem:$0x1E780] =	vst v63  }
0xbc: {  	_ =	swait.ge [sflag:s12], $0x2800  }
0xbd: {  	[sflag:s12] =	ssyncset.done $0x0  }
0xbe: {  	s16 =	simm.s32 $0x4DA0;
	[sflag:s12] =	ssyncadd.s32 $0xFFFFD800  }
0xbf: {  	[spmem:s3] =	stream.indirect.scatter.add.f32 [tilespmem:s10], [sflag:$0x3], $0x80, s16, s9, $0xb8;
	[tilespmem:$0x1E780] =	vst v63  }
0xc0: {  	_ =	swait.ge [sflag:s13], $0x2800  }
0xc1: {  	[sflag:s13] =	ssyncset.done $0x0  }
0xc2: {  	s18 =	simm.s32 $0x4DF0;
	[sflag:s13] =	ssyncadd.s32 $0xFFFFD800  }
0xc3: {  	[spmem:s3] =	stream.indirect.scatter.add.f32 [tilespmem:s11], [sflag:$0x4], $0x80, s18, s9, $0xb8;
	[tilespmem:$0x1E780] =	vst v63  }
0xc4: {  	_ =	swait.ge [sflag:s14], $0x2800  }
0xc5: {  	[sflag:s14] =	ssyncset.done $0x0  }
0xc6: {  	s17 =	simm.s32 $0x26C0;
	[sflag:s14] =	ssyncadd.s32 $0xFFFFD800  }
0xc7: {  	[tilespmem:s10], [sflag:$0x1] =	stream.indirect.gather [hbm4b:s1+s9], $0x80, s17, s9, $0xb8;
	[tilespmem:$0x1E780] =	vst v63  }
0xc8: {  	_ =	swait.ge [sflag:s15], $0x2800  }
0xc9: {  	[sflag:s15] =	ssyncset.done $0x0  }
0xca: {  	[sflag:s15] =	ssyncadd.s32 $0xFFFFD800  }
0xcb: {  	_ =	swait.ge [sflag:s12], $0x2800  }
0xcc: {  	[sflag:s12] =	ssyncset.done $0x0  }
0xcd: {  	s18 =	simm.s32 $0x4E40;
	[sflag:s12] =	ssyncadd.s32 $0xFFFFD800  }
0xce: {  	[spmem:s3] =	stream.indirect.scatter.add.f32 [tilespmem:s10], [sflag:$0x5], $0x80, s18, s9, $0xb8;
	[tilespmem:$0x1E780] =	vst v63  }
0xcf: {  	s17 =	stileid.u32;
	_ =	swait.ge [sflag:s8], $0x2800  }
0xd0: {  	s4 =	sadd.s32 $0x1, s4;
	s16 =	sshll.u32 s17, $0x6;
	[sflag:s8] =	ssyncset.done $0x0  }
0xd1: {  	p0 =	sne.s32 s4, s25;
	s16 =	sor.u32 $0x1C05, s16;
	[sflag:s8] =	ssyncadd.s32 $0xFFFFD800  }
.Ltmp2:
0xd2: {  	s18 =	sshrl.u32 s5, $0x3;
	[bflag:$0x0] =	sbarrier.arrive $0xFFFF;
	(pc) =	sbr.rel @p0 .LBB2_1-.Ltmp2, $4  }
0xd3: {  	[hbm:s24], [sflag:s16] =	dma.local [spmem:s18], $0x2710  }
0xd4: {  	_ =	swait.ge [sflag:s8], $0x2710  }
0xd5: {  	[sflag:s8] =	ssyncset.done $0x0  }
0xd6: {  	[sflag:s8] =	ssyncadd.s32 $0xFFFFD8F0  }
0xd7: {  	_ =	sfence.sel $0x180000  }
0xd8: {  	[bflag:$0x0] =	sbarrier.arrive $0xFFFF  }
0xd9: {  	_ =	strace $0x90000050  }
0xda: {  	s0 =	stileid.u32;
	[bflag:$0x2] =	sbarrier.arrive $0xFFFF  }
0xdb: {  	p0 =	sne.s32 s0, $0x0;
	s0 =	rddreg [dreg:$0x3]  }
0xdc: {  	s0 =	sadd.s32 @!p0 $0x100000, s0  }
0xdd: {  	[sflag:s0] =	ssyncadd.tile.s32 @!p0 $0x1;
	_ =	shalt  }
.Lfunc_end2:
_tile_overlayer_lowered:
.L_overlay_start_2:
0xde: {  	(tag) =	ssettag $0x2  }
0xdf: {  	s0 =	rddreg [dreg:$0x0];
	s2 =	stileid.u32  }
0xe0: {  	s1 =	rddreg [dreg:$0x1];
	p0 =	sne.s32 s2, $0x0  }
0xe1: {  	s3 =	rddreg [dreg:$0x2];
	[bflag:$0x3] =	sbarrier.arrive $0xFFFF;
	s2 =	simm.s32 @!p0 $0x1C05  }
0xe2: {  	[timem:s3], [sflag:s2] =	dma.local @!p0 [hbm:s0], s1  }
0xe3: {  	s0 =	simm.s32 @!p0 $0x5  }
0xe4: {  	_ =	swait.ge @!p0 [sflag:s0], s1  }
0xe5: {  	s1 =	ssub.s32 @!p0 $0x0, s1;
	[sflag:s0] =	ssyncset.done @!p0 $0x0  }
0xe6: {  	[sflag:s0] =	ssyncadd.s32 @!p0 s1  }
0xe7: {  	[bflag:$0x3] =	sbarrier.arrive $0xFFFF  }
0xe8: {  	_ =	shalt  }

</sc_bundles>
